<compile_context>
chip_gen: v7x
topology: tpu7x:2x2x1
jax: 0.10.2.dev20260603
libtpu: 0.0.44.dev20260713+nightly
codegen_flags: <defaults>
</compile_context>

<pallas_src>
import jax
import jax.numpy as jnp
from jax import lax
from jax.experimental import pallas as pl
from jax.experimental.pallas import tpu as pltpu
from jax.experimental.pallas import tpu_sc as plsc

N = 50000
E = 800000
IN_DIM = 128
HID = 64
OUT_DIM = 2
G = 64
EPS = 1e-5

NC = 2
NT = 16
NPARTS = 2
HP = HID // NPARTS
NP = N // 2
PW = 2 * HID

ROWS_MAIN = 3136
ROWS_TAIL = N - (NT - 1) * ROWS_MAIN

KE = 2000
EDGES_PER_TILE = E // NT
CONV_CHUNKS = EDGES_PER_TILE // KE

KC = 1000
EDGES_PER_WORKER = E // (NC * NT)
CNT_CHUNKS = EDGES_PER_WORKER // KC
CW = 16

_MESH = dict(core_axis_name="c", subcore_axis_name="s")


def _zero_vmem_rows(ref, nrows, width):
  zv = jnp.zeros((16,), jnp.float32)

  def body(i, _):
    for off in range(0, width, 16):
      ref[i, pl.ds(off, 16)] = zv
    return 0

  lax.fori_loop(0, nrows, body, 0)


def _fill_vmem_rows(ref, nrows, width, value):
  vv = jnp.full((16,), value, jnp.float32)

  def body(i, _):
    for off in range(0, width, 16):
      ref[i, pl.ds(off, 16)] = vv
    return 0

  lax.fori_loop(0, nrows, body, 0)


def _countacc_body(dst_ref, out_ref, idx_v0, idx_v1, ones_v, zrows_v, sem_i0,
                   sem_i1, sem_s0, sem_s1, accum):
  cid = lax.axis_index("c")
  sid = lax.axis_index("s")
  _zero_vmem_rows(zrows_v, ROWS_MAIN, CW)
  _fill_vmem_rows(ones_v, KC, CW, 1.0)
  row0 = sid * ROWS_MAIN
  idx_v = (idx_v0, idx_v1)
  sem_i = (sem_i0, sem_i1)
  sem_s = (sem_s0, sem_s1)

  @pl.when(sid < NT - 1)
  def _():
    pltpu.sync_copy(zrows_v, accum.at[pl.ds(row0, ROWS_MAIN)])

  @pl.when(sid == NT - 1)
  def _():
    pltpu.sync_copy(
        zrows_v.at[pl.ds(0, ROWS_TAIL)], accum.at[pl.ds(row0, ROWS_TAIL)]
    )

  plsc.subcore_barrier()

  wid = cid * NT + sid

  def idx_start(j, b):
    base = wid * EDGES_PER_WORKER + j * KC
    pltpu.make_async_copy(
        dst_ref.at[pl.ds(base, KC)], idx_v[b], sem_i[b]
    ).start()

  def idx_wait(j, b):
    base = wid * EDGES_PER_WORKER + j * KC
    pltpu.make_async_copy(
        dst_ref.at[pl.ds(base, KC)], idx_v[b], sem_i[b]
    ).wait()

  idx_start(0, 0)

  def step(j, _):
    for b in range(2):

      @pl.when(j % 2 == b)
      def _():
        nb = 1 - b
        idx_wait(j, b)

        @pl.when(j >= 1)
        def _():
          pltpu.make_async_copy(
              ones_v, accum.at[idx_v[nb]], sem_s[nb]
          ).wait()

        @pl.when(j < CNT_CHUNKS - 1)
        def _():
          idx_start(j + 1, nb)

        pltpu.make_async_copy(
            ones_v, accum.at[idx_v[b]], sem_s[b]
        ).start(add=True)

    return 0

  lax.fori_loop(0, CNT_CHUNKS, step, 0)
  lastb = (CNT_CHUNKS - 1) % 2
  pltpu.make_async_copy(
      ones_v, accum.at[idx_v[lastb]], sem_s[lastb]
  ).wait()
  plsc.subcore_barrier()

  @pl.when(sid < NT - 1)
  def _():
    pltpu.sync_copy(
        accum.at[pl.ds(row0, ROWS_MAIN)],
        out_ref.at[cid].at[pl.ds(row0, ROWS_MAIN)],
    )

  @pl.when(sid == NT - 1)
  def _():
    pltpu.sync_copy(
        accum.at[pl.ds(row0, ROWS_TAIL)],
        out_ref.at[cid].at[pl.ds(row0, ROWS_TAIL)],
    )


def _countacc_call(dst):
  kern = pl.kernel(
      _countacc_body,
      out_type=jax.ShapeDtypeStruct((NC, N, CW), jnp.float32),
      mesh=plsc.VectorSubcoreMesh(**_MESH),
      compiler_params=pltpu.CompilerParams(use_tc_tiling_on_sc=False),
      scratch_types=[
          pltpu.VMEM((KC,), jnp.int32),
          pltpu.VMEM((KC,), jnp.int32),
          pltpu.VMEM((KC, CW), jnp.float32),
          pltpu.VMEM((ROWS_MAIN, CW), jnp.float32),
          pltpu.SemaphoreType.DMA,
          pltpu.SemaphoreType.DMA,
          pltpu.SemaphoreType.DMA,
          pltpu.SemaphoreType.DMA,
          pltpu.VMEM_SHARED((N, CW), jnp.float32),
      ],
  )
  return kern(dst)


def _cntpair_body(cp_ref, out_ref, z0_v, z1_v, pair_v):
  cid = lax.axis_index("c")
  sid = lax.axis_index("s")
  wid = cid * NT + sid
  zone = 784
  half = 392
  pr0 = wid * zone
  tail_rem = NP - 31 * zone - half

  def emit(local_off, nrows):
    n0 = 2 * (pr0 + local_off)
    pltpu.sync_copy(cp_ref.at[0].at[pl.ds(n0, 2 * nrows)],
                    z0_v.at[pl.ds(0, 2 * nrows)])
    pltpu.sync_copy(cp_ref.at[1].at[pl.ds(n0, 2 * nrows)],
                    z1_v.at[pl.ds(0, 2 * nrows)])

    def fill(i, _):
      v0 = z0_v[2 * i, pl.ds(0, CW)] + z1_v[2 * i, pl.ds(0, CW)] + 1.0
      v1 = (
          z0_v[2 * i + 1, pl.ds(0, CW)] + z1_v[2 * i + 1, pl.ds(0, CW)] + 1.0
      )
      for u in range(4):
        pair_v[i, pl.ds(u * CW, CW)] = v0
      for u in range(4, 8):
        pair_v[i, pl.ds(u * CW, CW)] = v1
      return 0

    lax.fori_loop(0, nrows, fill, 0)
    pltpu.sync_copy(
        pair_v.at[pl.ds(0, nrows)], out_ref.at[pl.ds(pr0 + local_off, nrows)]
    )

  emit(0, half)

  @pl.when(wid < NC * NT - 1)
  def _():
    emit(half, half)

  @pl.when(wid == NC * NT - 1)
  def _():
    emit(half, tail_rem)


def _cntpair_call(cparts):
  kern = pl.kernel(
      _cntpair_body,
      out_type=jax.ShapeDtypeStruct((NP, PW), jnp.float32),
      mesh=plsc.VectorSubcoreMesh(**_MESH),
      compiler_params=pltpu.CompilerParams(use_tc_tiling_on_sc=False),
      scratch_types=[
          pltpu.VMEM((2 * 392, CW), jnp.float32),
          pltpu.VMEM((2 * 392, CW), jnp.float32),
          pltpu.VMEM((392, PW), jnp.float32),
      ],
  )
  return kern(cparts)


def _reformat_body(table_ref, tpart_ref, part_v0, part_v1, sem0, sem1):
  cid = lax.axis_index("c")
  sid = lax.axis_index("s")
  wid = cid * NT + sid
  zone = 1568
  row0 = wid * zone
  tail = N - 31 * zone
  part_v = (part_v0, part_v1)
  sems = (sem0, sem1)

  def emit(q, nrows):
    b = q % 2
    pltpu.make_async_copy(
        table_ref.at[pl.ds(row0, nrows), pl.ds(q * HP, HP)],
        part_v[b].at[pl.ds(0, nrows)],
        sems[b],
    ).start()

  def drain(q, nrows):
    b = q % 2
    pltpu.make_async_copy(
        table_ref.at[pl.ds(row0, nrows), pl.ds(q * HP, HP)],
        part_v[b].at[pl.ds(0, nrows)],
        sems[b],
    ).wait()
    pltpu.sync_copy(
        part_v[b].at[pl.ds(0, nrows)],
        tpart_ref.at[q].at[pl.ds(row0, nrows)],
    )

  def go(nrows):
    emit(0, nrows)
    emit(1, nrows)
    for q in range(NPARTS):
      drain(q, nrows)
      if q + 2 < NPARTS:
        emit(q + 2, nrows)

  @pl.when(wid < NC * NT - 1)
  def _():
    go(zone)

  @pl.when(wid == NC * NT - 1)
  def _():
    go(tail)


def _reformat_call(table):
  kern = pl.kernel(
      _reformat_body,
      out_type=jax.ShapeDtypeStruct((NPARTS, N, HP), jnp.bfloat16),
      mesh=plsc.VectorSubcoreMesh(**_MESH),
      compiler_params=pltpu.CompilerParams(use_tc_tiling_on_sc=False),
      scratch_types=[
          pltpu.VMEM((1568, HP), jnp.bfloat16),
          pltpu.VMEM((1568, HP), jnp.bfloat16),
          pltpu.SemaphoreType.DMA,
          pltpu.SemaphoreType.DMA,
      ],
  )
  return kern(table)


def _conv_body(tpart_ref, src_ref, dst_ref, out_ref, src_v0, src_v1, src_v2,
               dst_v0, dst_v1, dst_v2, rows_v0, rows_v1, sem_i0, sem_i1,
               sem_i2, sem_g0, sem_g1, sem_s0, sem_s1, accum):
  cid = lax.axis_index("c")
  sid = lax.axis_index("s")
  row0 = sid * ROWS_MAIN
  src_v = (src_v0, src_v1, src_v2)
  dst_v = (dst_v0, dst_v1, dst_v2)
  rows_v = (rows_v0, rows_v1)
  sem_i = (sem_i0, sem_i1, sem_i2)
  sem_g = (sem_g0, sem_g1)
  sem_s = (sem_s0, sem_s1)

  def idx_start(j, b3):
    base = sid * EDGES_PER_TILE + j * KE
    pltpu.make_async_copy(
        src_ref.at[pl.ds(base, KE)], src_v[b3], sem_i[b3]
    ).start()
    pltpu.make_async_copy(
        dst_ref.at[pl.ds(base, KE)], dst_v[b3], sem_i[b3]
    ).start()

  def idx_wait(j, b3):
    base = sid * EDGES_PER_TILE + j * KE
    pltpu.make_async_copy(
        src_ref.at[pl.ds(base, KE)], src_v[b3], sem_i[b3]
    ).wait()
    pltpu.make_async_copy(
        dst_ref.at[pl.ds(base, KE)], dst_v[b3], sem_i[b3]
    ).wait()

  part = cid
  col0 = part * HP
  zb = jnp.zeros((32,), jnp.bfloat16)

  def zrow(i, _):
    rows_v0[i, pl.ds(0, HP)] = zb
    return 0

  lax.fori_loop(0, KE, zrow, 0)
  pltpu.sync_copy(rows_v0, accum.at[pl.ds(row0, KE)])

  @pl.when(sid < NT - 1)
  def _():
    pltpu.sync_copy(
        rows_v0.at[pl.ds(0, ROWS_MAIN - KE)],
        accum.at[pl.ds(row0 + KE, ROWS_MAIN - KE)],
    )

  @pl.when(sid == NT - 1)
  def _():
    pltpu.sync_copy(
        rows_v0.at[pl.ds(0, ROWS_TAIL - KE)],
        accum.at[pl.ds(row0 + KE, ROWS_TAIL - KE)],
    )

  plsc.subcore_barrier()

  def gather_start(s3, b):
    pltpu.make_async_copy(
        tpart_ref.at[part].at[src_v[s3]], rows_v[b], sem_g[b]
    ).start()

  def gather_wait(s3, b):
    pltpu.make_async_copy(
        tpart_ref.at[part].at[src_v[s3]], rows_v[b], sem_g[b]
    ).wait()

  def scatter_start(s3, b):
    pltpu.make_async_copy(
        rows_v[b], accum.at[dst_v[s3]], sem_s[b]
    ).start(add=True)

  def scatter_wait(s3, b):
    pltpu.make_async_copy(
        rows_v[b], accum.at[dst_v[s3]], sem_s[b]
    ).wait()

  idx_start(0, 0)
  idx_wait(0, 0)
  gather_start(0, 0)
  idx_start(1, 1)

  def step(j, _):
    for m in range(6):

      @pl.when(j % 6 == m)
      def _():
        b = m % 2
        nb = 1 - b
        s_j = m % 3
        s_j1 = (m + 1) % 3
        s_j2 = (m + 2) % 3
        gather_wait(s_j, b)
        scatter_start(s_j, b)

        @pl.when(j + 1 < CONV_CHUNKS)
        def _():
          idx_wait(j + 1, s_j1)

          @pl.when(j >= 1)
          def _():
            scatter_wait(s_j2, nb)

          gather_start(s_j1, nb)

        @pl.when(j + 2 < CONV_CHUNKS)
        def _():
          idx_start(j + 2, s_j2)

    return 0

  lax.fori_loop(0, CONV_CHUNKS, step, 0)
  scatter_wait((CONV_CHUNKS - 2) % 3, (CONV_CHUNKS - 2) % 2)
  scatter_wait((CONV_CHUNKS - 1) % 3, (CONV_CHUNKS - 1) % 2)
  plsc.subcore_barrier()

  @pl.when(sid < NT - 1)
  def _():
    pltpu.sync_copy(
        accum.at[pl.ds(row0, ROWS_MAIN)],
        out_ref.at[pl.ds(row0, ROWS_MAIN), pl.ds(col0, HP)],
    )

  @pl.when(sid == NT - 1)
  def _():
    pltpu.sync_copy(
        accum.at[pl.ds(row0, ROWS_TAIL)],
        out_ref.at[pl.ds(row0, ROWS_TAIL), pl.ds(col0, HP)],
    )


def _conv_call(table, src, dst):
  tpart = _reformat_call(table)
  kern = pl.kernel(
      _conv_body,
      out_type=jax.ShapeDtypeStruct((N, HID), jnp.bfloat16),
      mesh=plsc.VectorSubcoreMesh(**_MESH),
      compiler_params=pltpu.CompilerParams(use_tc_tiling_on_sc=False),
      scratch_types=[
          pltpu.VMEM((KE,), jnp.int32),
          pltpu.VMEM((KE,), jnp.int32),
          pltpu.VMEM((KE,), jnp.int32),
          pltpu.VMEM((KE,), jnp.int32),
          pltpu.VMEM((KE,), jnp.int32),
          pltpu.VMEM((KE,), jnp.int32),
          pltpu.VMEM((KE, HP), jnp.bfloat16),
          pltpu.VMEM((KE, HP), jnp.bfloat16),
          pltpu.SemaphoreType.DMA,
          pltpu.SemaphoreType.DMA,
          pltpu.SemaphoreType.DMA,
          pltpu.SemaphoreType.DMA,
          pltpu.SemaphoreType.DMA,
          pltpu.SemaphoreType.DMA,
          pltpu.SemaphoreType.DMA,
          pltpu.VMEM_SHARED((N, HP), jnp.bfloat16),
      ],
  )
  return kern(tpart, src, dst)


BP = 1000
NBLK = NP // BP


def _encoder_kernel(x_ref, wenc_ref, benc_ref, a1_ref, c1_ref, out_ref):
  r = jnp.maximum(
      jnp.dot(x_ref[...], wenc_ref[...], preferred_element_type=jnp.float32)
      + benc_ref[...],
      0.0,
  )
  out_ref[...] = (
      jnp.dot(r, a1_ref[...], preferred_element_type=jnp.float32) + c1_ref[...]
  ).astype(jnp.bfloat16)


def _encoder_call(x_pair, wenc2, benc2, a1d, c1d):
  return pl.pallas_call(
      _encoder_kernel,
      grid=(NBLK,),
      in_specs=[
          pl.BlockSpec((BP, 2 * IN_DIM), lambda i: (i, 0)),
          pl.BlockSpec((2 * IN_DIM, PW), lambda i: (0, 0)),
          pl.BlockSpec((1, PW), lambda i: (0, 0)),
          pl.BlockSpec((PW, PW), lambda i: (0, 0)),
          pl.BlockSpec((1, PW), lambda i: (0, 0)),
      ],
      out_specs=pl.BlockSpec((BP, PW), lambda i: (i, 0)),
      out_shape=jax.ShapeDtypeStruct((NP, PW), jnp.bfloat16),
  )(x_pair, wenc2, benc2, a1d, c1d)


def _meanstats_kernel(s_ref, t_ref, cnt_ref, a_ref, stats_ref):
  i = pl.program_id(0)
  m = (
      s_ref[...].astype(jnp.float32) + t_ref[...].astype(jnp.float32)
  ) / cnt_ref[...]
  a_ref[...] = m.astype(jnp.bfloat16)
  part = jnp.concatenate(
      [
          jnp.sum(m, axis=0, keepdims=True),
          jnp.sum(m * m, axis=0, keepdims=True),
      ],
      axis=0,
  )

  @pl.when(i == 0)
  def _():
    stats_ref[...] = part

  @pl.when(i > 0)
  def _():
    stats_ref[...] += part


def _meanstats_call(s_pair, t_pair, cnt_pair):
  return pl.pallas_call(
      _meanstats_kernel,
      grid=(NBLK,),
      in_specs=[
          pl.BlockSpec((BP, PW), lambda i: (i, 0)),
          pl.BlockSpec((BP, PW), lambda i: (i, 0)),
          pl.BlockSpec((BP, PW), lambda i: (i, 0)),
      ],
      out_specs=[
          pl.BlockSpec((BP, PW), lambda i: (i, 0)),
          pl.BlockSpec((2, PW), lambda i: (0, 0)),
      ],
      out_shape=[
          jax.ShapeDtypeStruct((NP, PW), jnp.bfloat16),
          jax.ShapeDtypeStruct((2, PW), jnp.float32),
      ],
  )(s_pair, t_pair, cnt_pair)


def _bnmat_kernel(a_ref, stats_ref, w2_ref, out_ref):
  mean = (stats_ref[0:1, 0:HID] + stats_ref[0:1, HID:PW]) / N
  msq = (stats_ref[1:2, 0:HID] + stats_ref[1:2, HID:PW]) / N
  var = jnp.maximum(msq - mean * mean, 0.0)
  scale = lax.rsqrt(var + EPS)
  mean2 = jnp.concatenate([mean, mean], axis=1)
  scale2 = jnp.concatenate([scale, scale], axis=1)
  h = jnp.maximum((a_ref[...].astype(jnp.float32) - mean2) * scale2, 0.0)
  out_ref[...] = jnp.dot(
      h, w2_ref[...], preferred_element_type=jnp.float32
  ).astype(jnp.bfloat16)


def _bnmat_call(a_pair, stats, w2d):
  return pl.pallas_call(
      _bnmat_kernel,
      grid=(NBLK,),
      in_specs=[
          pl.BlockSpec((BP, PW), lambda i: (i, 0)),
          pl.BlockSpec((2, PW), lambda i: (0, 0)),
          pl.BlockSpec((PW, PW), lambda i: (0, 0)),
      ],
      out_specs=pl.BlockSpec((BP, PW), lambda i: (i, 0)),
      out_shape=jax.ShapeDtypeStruct((NP, PW), jnp.bfloat16),
  )(a_pair, stats, w2d)


def _pool_kernel(s_ref, t_ref, cnt_ref, be_ref, bo_ref, b2_ref, wc1_ref,
                 bc1_ref, wc2_ref, bc2_ref, out_ref, acc_ref):
  i = pl.program_id(0)
  h = (
      s_ref[...].astype(jnp.float32) + t_ref[...].astype(jnp.float32)
  ) / cnt_ref[...]
  be = jnp.reshape(be_ref[0], (1, BP))
  bo = jnp.reshape(bo_ref[0], (1, BP))
  giota = lax.broadcasted_iota(jnp.int32, (G, BP), 0)
  ohe = (giota == be).astype(jnp.float32)
  oho = (giota == bo).astype(jnp.float32)
  ones = jnp.ones((BP, HID), jnp.float32)
  he = jnp.concatenate([h[:, 0:HID], ones], axis=1)
  ho = jnp.concatenate([h[:, HID:PW], ones], axis=1)
  part = (
      jnp.dot(ohe, he, preferred_element_type=jnp.float32)
      + jnp.dot(oho, ho, preferred_element_type=jnp.float32)
  )

  @pl.when(i == 0)
  def _():
    acc_ref[...] = part

  @pl.when(i > 0)
  def _():
    acc_ref[...] += part

  @pl.when(i == NBLK - 1)
  def _():
    sums = acc_ref[:, 0:HID]
    gcnt = acc_ref[:, HID:HID + 1]
    pm = sums / jnp.maximum(gcnt, 1.0)
    pm = pm + jnp.where(gcnt > 0.0, 1.0, 0.0) * b2_ref[...]
    z = jnp.maximum(
        jnp.dot(pm, wc1_ref[...], preferred_element_type=jnp.float32)
        + bc1_ref[...],
        0.0,
    )
    out_ref[...] = (
        jnp.dot(z, wc2_ref[...], preferred_element_type=jnp.float32)
        + bc2_ref[...]
    )


def _pool_call(s_pair, t_pair, cnt_pair, batch_e, batch_o, b2, Wc1T, bc1,
               Wc2T, bc2):
  return pl.pallas_call(
      _pool_kernel,
      grid=(NBLK,),
      in_specs=[
          pl.BlockSpec((BP, PW), lambda i: (i, 0)),
          pl.BlockSpec((BP, PW), lambda i: (i, 0)),
          pl.BlockSpec((BP, PW), lambda i: (i, 0)),
          pl.BlockSpec((1, 1, BP), lambda i: (i, 0, 0)),
          pl.BlockSpec((1, 1, BP), lambda i: (i, 0, 0)),
          pl.BlockSpec((1, HID), lambda i: (0, 0)),
          pl.BlockSpec((HID, HID), lambda i: (0, 0)),
          pl.BlockSpec((1, HID), lambda i: (0, 0)),
          pl.BlockSpec((HID, OUT_DIM), lambda i: (0, 0)),
          pl.BlockSpec((1, OUT_DIM), lambda i: (0, 0)),
      ],
      out_specs=pl.BlockSpec((G, OUT_DIM), lambda i: (0, 0)),
      out_shape=jax.ShapeDtypeStruct((G, OUT_DIM), jnp.float32),
      scratch_shapes=[pltpu.VMEM((G, 2 * HID), jnp.float32)],
  )(s_pair, t_pair, cnt_pair, batch_e, batch_o, b2, Wc1T, bc1, Wc2T, bc2)


def _blockdiag(w):
  z = jnp.zeros_like(w)
  return jnp.concatenate(
      [jnp.concatenate([w, z], axis=1), jnp.concatenate([z, w], axis=1)],
      axis=0,
  )


def kernel(x, edge_index, batch, W_enc, b_enc, bn_gamma, bn_beta,
           W1, b1, W2, b2, Wc1, bc1, Wc2, bc2):
  g = bn_gamma / jnp.sqrt(1.0 + EPS)
  A1 = g[:, None] * W1.T
  c1 = bn_beta @ W1.T
  src = edge_index[0]
  dst = edge_index[1]

  x_pair = x.reshape(NP, 2 * IN_DIM)
  wenc2 = _blockdiag(W_enc.T)
  benc2 = jnp.tile(b_enc, 2)[None, :]
  a1d = _blockdiag(A1)
  c1d = jnp.tile(c1, 2)[None, :]
  w2d = _blockdiag(W2.T)
  batch_e = batch[0::2].reshape(NBLK, 1, BP)
  batch_o = batch[1::2].reshape(NBLK, 1, BP)

  t1_pair = _encoder_call(x_pair, wenc2, benc2, a1d, c1d)
  cnt_pair = _cntpair_call(_countacc_call(dst))
  s1_pair = _conv_call(t1_pair.reshape(N, HID), src, dst).reshape(NP, PW)
  a1_pair, stats = _meanstats_call(s1_pair, t1_pair, cnt_pair)
  t2_pair = _bnmat_call(a1_pair, stats, w2d)
  s2_pair = _conv_call(t2_pair.reshape(N, HID), src, dst).reshape(NP, PW)
  out = _pool_call(s2_pair, t2_pair, cnt_pair, batch_e, batch_o, b2[None, :],
                   Wc1.T, bc1[None, :], Wc2.T, bc2[None, :])
  return out

# --- scband reference (transcript-rebuilt; emitter-appended) ---
"""Pipeline reference for scband-jet-pmlp-79852031968013 (READ-ONLY COPY).

The authoritative reference and input builder live on the scoring server;
editing this copy changes nothing except your own understanding.
"""

import jax, jax.numpy as jnp
import numpy as np

N = 50000
E = 800000
IN_DIM = 128
HID = 64
OUT_DIM = 2
G = 64
EPS = 1e-5


def _conv_mean_selfloop(x, edge_index):
    # torch_geometric SimpleConv(aggr='mean', combine_root='self_loop'):
    # add self loops, then mean-aggregate source features by destination node.
    n = x.shape[0]
    loop = jnp.arange(n, dtype=edge_index.dtype)
    src = jnp.concatenate([edge_index[0], loop])
    dst = jnp.concatenate([edge_index[1], loop])
    s = jax.ops.segment_sum(jnp.take(x, src, axis=0), dst, num_segments=n)
    cnt = jax.ops.segment_sum(jnp.ones(src.shape, x.dtype), dst, num_segments=n)
    return s / cnt[:, None]


def _forward(x, edge_index, batch, W_enc, b_enc, bn_gamma, bn_beta,
             W1, b1, W2, b2, Wc1, bc1, Wc2, bc2):
    # encoder: Linear -> ReLU -> Dropout(eval: identity) -> BatchNorm1d(eval: running_mean=0, running_var=1)
    h = x @ W_enc.T + b_enc
    h = jax.nn.relu(h)
    h = (h - 0.0) / jnp.sqrt(1.0 + EPS) * bn_gamma + bn_beta
    # PMLP (num_layers=2, eval mode => graph propagation active, dropout off)
    # layer 1: x @ W.T -> SimpleConv(mean, self-loop) -> + bias -> BatchNorm(batch stats, affine=False) -> ReLU
    h = h @ W1.T
    h = _conv_mean_selfloop(h, edge_index)
    h = h + b1
    mean = jnp.mean(h, axis=0)
    var = jnp.var(h, axis=0)
    h = (h - mean) / jnp.sqrt(var + EPS)
    h = jax.nn.relu(h)
    # layer 2 (last): x @ W.T -> SimpleConv -> + bias
    h = h @ W2.T
    h = _conv_mean_selfloop(h, edge_index)
    h = h + b2
    # global_mean_pool over graph ids
    s = jax.ops.segment_sum(h, batch, num_segments=G)
    cnt = jax.ops.segment_sum(jnp.ones((h.shape[0],), h.dtype), batch, num_segments=G)
    pooled = s / jnp.maximum(cnt, 1.0)[:, None]
    # classifier: Linear -> ReLU -> Dropout(eval: identity) -> Linear
    o = jax.nn.relu(pooled @ Wc1.T + bc1)
    return o @ Wc2.T + bc2


def setup_inputs(seed: int = 0):
    key = jax.random.key(seed)
    ks = jax.random.split(key, 16)

    def unif(k, shape, fan_in):
        s = 1.0 / np.sqrt(fan_in)
        return jax.random.uniform(k, shape, jnp.float32, -s, s)

    inp = {}
    inp["x"] = jax.random.normal(ks[0], (N, IN_DIM), dtype=jnp.float32)
    inp["edge_index"] = jax.random.randint(ks[1], (2, E), 0, N, dtype=jnp.int32)
    inp["batch"] = jnp.sort(jax.random.randint(ks[2], (N,), 0, G, dtype=jnp.int32))
    inp["W_enc"] = unif(ks[3], (HID, IN_DIM), IN_DIM)
    inp["b_enc"] = unif(ks[4], (HID,), IN_DIM)
    inp["bn_gamma"] = jnp.ones((HID,), jnp.float32)
    inp["bn_beta"] = jnp.zeros((HID,), jnp.float32)
    inp["W1"] = unif(ks[5], (HID, HID), HID)
    inp["b1"] = unif(ks[6], (HID,), HID)
    inp["W2"] = unif(ks[7], (HID, HID), HID)
    inp["b2"] = unif(ks[8], (HID,), HID)
    inp["Wc1"] = unif(ks[9], (HID, HID), HID)
    inp["bc1"] = unif(ks[10], (HID,), HID)
    inp["Wc2"] = unif(ks[11], (OUT_DIM, HID), HID)
    inp["bc2"] = unif(ks[12], (OUT_DIM,), HID)
    return inp


def reference(x, edge_index, batch, W_enc, b_enc, bn_gamma, bn_beta,
              W1, b1, W2, b2, Wc1, bc1, Wc2, bc2):
    return _forward(x, edge_index, batch, W_enc, b_enc, bn_gamma, bn_beta,
                    W1, b1, W2, b2, Wc1, bc1, Wc2, bc2)

if __name__ == "__main__":
    import jax
    _d = setup_inputs()
    print(jax.jit(kernel)(*tuple(_d.values())))

</pallas_src>

<mosaic_0001>
#map = affine_map<(d0, d1) -> (0)>
#map1 = affine_map<(d0, d1) -> (0, 0, 0)>
module attributes {stable_mosaic.version = 14 : i64} {
  func.func @_countacc_body(%arg0: i32, %arg1: i32, %arg2: memref<800000xi32, #tpu.memory_space<hbm>>, %arg3: memref<2x50000x16xf32, #tpu.memory_space<hbm>>, %arg4: memref<1000xi32, #tpu.memory_space<vmem>>, %arg5: memref<1000xi32, #tpu.memory_space<vmem>>, %arg6: memref<1000x16xf32, #tpu.memory_space<vmem>>, %arg7: memref<3136x16xf32, #tpu.memory_space<vmem>>, %arg8: memref<!tpu.dma_semaphore, #tpu.memory_space<semaphore_mem>>, %arg9: memref<!tpu.dma_semaphore, #tpu.memory_space<semaphore_mem>>, %arg10: memref<!tpu.dma_semaphore, #tpu.memory_space<semaphore_mem>>, %arg11: memref<!tpu.dma_semaphore, #tpu.memory_space<semaphore_mem>>, %arg12: memref<50000x16xf32, #tpu.memory_space<vmem_shared>>) attributes {dimension_semantics = [#tpu.dimension_semantics<core_parallel>, #tpu.dimension_semantics<subcore_parallel>], iteration_bounds = array<i64: 2, 16>, scalar_prefetch = 0 : i64, scratch_operands = 9 : i64, tpu.core_type = #tpu.core_type<sc_vector_subcore>, window_params = [{transform_indices = #map}, {transform_indices = #map1}]} {
    %broadcast_in_dim3A = arith.constant 0.000000e+00 : f32
    %broadcast_in_dim3A_0 = vector.broadcast %broadcast_in_dim3A : f32 to vector<16xf32>
    %scan3A = arith.constant 0 : i32
    %scan3A_1 = arith.constant 0 : i32
    %scan3A_2 = arith.constant 3136 : i32
    %scan3A_3 = arith.addi %scan3A_1, %scan3A_2 : i32
    %scan3A_4 = arith.constant 1 : i32
    %scan3A_5 = scf.for %scan3A_50 = %scan3A_1 to %scan3A_3 step %scan3A_4 iter_args(%scan3A_51 = %scan3A) -> (i32)  : i32 {
      %swap3A = arith.index_cast %scan3A_50 : i32 to index
      %swap3A_52 = arith.constant 0 : index
      %swap3A_53 = tpu.vector_load %arg7[%swap3A, %swap3A_52] {strides = array<i32>} : memref<3136x16xf32, #tpu.memory_space<vmem>>, vector<1x16xf32>,
      %swap3A_54 = vector.shape_cast %swap3A_53 : vector<1x16xf32> to vector<16xf32>
      %swap3A_55 = vector.shape_cast %broadcast_in_dim3A_0 : vector<16xf32> to vector<1x16xf32>
      tpu.vector_store %arg7[%swap3A, %swap3A_52], %swap3A_55 {strides = array<i32>} : memref<3136x16xf32, #tpu.memory_space<vmem>>, vector<1x16xf32>,
      %scan3A_56 = arith.constant 0 : i32
      scf.yield %scan3A_56 : i32
    }
    %scan3A_6 = arith.constant 3136 : i32
    %broadcast_in_dim3A_7 = arith.constant 1.000000e+00 : f32
    %broadcast_in_dim3A_8 = vector.broadcast %broadcast_in_dim3A_7 : f32 to vector<16xf32>
    %scan3A_9 = arith.constant 0 : i32
    %scan3A_10 = arith.constant 0 : i32
    %scan3A_11 = arith.constant 1000 : i32
    %scan3A_12 = arith.addi %scan3A_10, %scan3A_11 : i32
    %scan3A_13 = arith.constant 1 : i32
    %scan3A_14 = scf.for %scan3A_50 = %scan3A_10 to %scan3A_12 step %scan3A_13 iter_args(%scan3A_51 = %scan3A_9) -> (i32)  : i32 {
      %swap3A = arith.index_cast %scan3A_50 : i32 to index
      %swap3A_52 = arith.constant 0 : index
      %swap3A_53 = tpu.vector_load %arg6[%swap3A, %swap3A_52] {strides = array<i32>} : memref<1000x16xf32, #tpu.memory_space<vmem>>, vector<1x16xf32>,
      %swap3A_54 = vector.shape_cast %swap3A_53 : vector<1x16xf32> to vector<16xf32>
      %swap3A_55 = vector.shape_cast %broadcast_in_dim3A_8 : vector<16xf32> to vector<1x16xf32>
      tpu.vector_store %arg6[%swap3A, %swap3A_52], %swap3A_55 {strides = array<i32>} : memref<1000x16xf32, #tpu.memory_space<vmem>>, vector<1x16xf32>,
      %scan3A_56 = arith.constant 0 : i32
      scf.yield %scan3A_56 : i32
    }
    %scan3A_15 = arith.constant 1000 : i32
    %mul3A = arith.constant 3136 : i32
    %mul3A_16 = arith.muli %arg1, %mul3A : i32
    %lt3A = arith.constant 15 : i32
    %lt3A_17 = arith.cmpi slt, %arg1, %lt3A : i32
    %convert_element_type3A = arith.extui %lt3A_17 : i1 to i32
    %cond3A = arith.constant 0 : i32
    %cond3A_18 = arith.cmpi ne, %convert_element_type3A, %cond3A : i32
    scf.if %cond3A_18 {
      "tpu.region"() ({
        %run_scoped3A = tpu.sem_alloc : memref<!tpu.dma_semaphore, #tpu.memory_space<semaphore_mem>>
        %dma_start3A_50 = arith.constant 0 : i32
        %dma_start3A_51 = tpu.memref_slice %arg12[%mul3A_16, %dma_start3A_50] : memref<50000x16xf32, #tpu.memory_space<vmem_shared>> -> memref<3136x16xf32, #tpu.memory_space<vmem_shared>>
        %dma_start3A_52 = arith.constant 0 : i32
        %dma_start3A_53 = tpu.memref_slice %arg12[%mul3A_16, %dma_start3A_52] : memref<50000x16xf32, #tpu.memory_space<vmem_shared>> -> memref<3136x16xf32, #tpu.memory_space<vmem_shared>>
        tpu.enqueue_dma source(%arg7 : memref<3136x16xf32, #tpu.memory_space<vmem>>) target(%dma_start3A_53 : memref<3136x16xf32, #tpu.memory_space<vmem_shared>>) target_semaphore(%run_scoped3A : memref<!tpu.dma_semaphore, #tpu.memory_space<semaphore_mem>>)
        %dma_wait3A_54 = arith.constant 0 : i32
        %dma_wait3A_55 = tpu.memref_slice %arg12[%mul3A_16, %dma_wait3A_54] : memref<50000x16xf32, #tpu.memory_space<vmem_shared>> -> memref<3136x16xf32, #tpu.memory_space<vmem_shared>>
        %dma_wait3A_56 = arith.constant 0 : i32
        %dma_wait3A_57 = tpu.memref_slice %arg12[%mul3A_16, %dma_wait3A_56] : memref<50000x16xf32, #tpu.memory_space<vmem_shared>> -> memref<3136x16xf32, #tpu.memory_space<vmem_shared>>
        tpu.wait_dma2 semaphore(%run_scoped3A : memref<!tpu.dma_semaphore, #tpu.memory_space<semaphore_mem>>) src(%arg7 : memref<3136x16xf32, #tpu.memory_space<vmem>>) dst(%dma_wait3A_57 : memref<3136x16xf32, #tpu.memory_space<vmem_shared>>)
        tpu.yield
      }) : () -> ()
    } else {
    }
    %eq3A = arith.constant 15 : i32
    %eq3A_19 = arith.cmpi eq, %arg1, %eq3A : i32
    %convert_element_type3A_20 = arith.extui %eq3A_19 : i1 to i32
    %cond3A_21 = arith.constant 0 : i32
    %cond3A_22 = arith.cmpi ne, %convert_element_type3A_20, %cond3A_21 : i32
    scf.if %cond3A_22 {
      "tpu.region"() ({
        %run_scoped3A = tpu.sem_alloc : memref<!tpu.dma_semaphore, #tpu.memory_space<semaphore_mem>>
        %dma_start3A_50 = arith.constant 0 : i32
        %dma_start3A_51 = arith.constant 0 : i32
        %dma_start3A_52 = tpu.memref_slice %arg7[%dma_start3A_50, %dma_start3A_51] : memref<3136x16xf32, #tpu.memory_space<vmem>> -> memref<2960x16xf32, #tpu.memory_space<vmem>>
        %dma_start3A_53 = arith.constant 0 : i32
        %dma_start3A_54 = tpu.memref_slice %arg12[%mul3A_16, %dma_start3A_53] : memref<50000x16xf32, #tpu.memory_space<vmem_shared>> -> memref<2960x16xf32, #tpu.memory_space<vmem_shared>>
        %dma_start3A_55 = arith.constant 0 : i32
        %dma_start3A_56 = tpu.memref_slice %arg12[%mul3A_16, %dma_start3A_55] : memref<50000x16xf32, #tpu.memory_space<vmem_shared>> -> memref<2960x16xf32, #tpu.memory_space<vmem_shared>>
        %dma_start3A_57 = arith.constant 0 : i32
        %dma_start3A_58 = arith.constant 0 : i32
        %dma_start3A_59 = tpu.memref_slice %arg7[%dma_start3A_57, %dma_start3A_58] : memref<3136x16xf32, #tpu.memory_space<vmem>> -> memref<2960x16xf32, #tpu.memory_space<vmem>>
        tpu.enqueue_dma source(%dma_start3A_59 : memref<2960x16xf32, #tpu.memory_space<vmem>>) target(%dma_start3A_56 : memref<2960x16xf32, #tpu.memory_space<vmem_shared>>) target_semaphore(%run_scoped3A : memref<!tpu.dma_semaphore, #tpu.memory_space<semaphore_mem>>)
        %dma_wait3A_60 = arith.constant 0 : i32
        %dma_wait3A_61 = arith.constant 0 : i32
        %dma_wait3A_62 = tpu.memref_slice %arg7[%dma_wait3A_60, %dma_wait3A_61] : memref<3136x16xf32, #tpu.memory_space<vmem>> -> memref<2960x16xf32, #tpu.memory_space<vmem>>
        %dma_wait3A_63 = arith.constant 0 : i32
        %dma_wait3A_64 = tpu.memref_slice %arg12[%mul3A_16, %dma_wait3A_63] : memref<50000x16xf32, #tpu.memory_space<vmem_shared>> -> memref<2960x16xf32, #tpu.memory_space<vmem_shared>>
        %dma_wait3A_65 = arith.constant 0 : i32
        %dma_wait3A_66 = tpu.memref_slice %arg12[%mul3A_16, %dma_wait3A_65] : memref<50000x16xf32, #tpu.memory_space<vmem_shared>> -> memref<2960x16xf32, #tpu.memory_space<vmem_shared>>
        %dma_wait3A_67 = arith.constant 0 : i32
        %dma_wait3A_68 = arith.constant 0 : i32
        %dma_wait3A_69 = tpu.memref_slice %arg7[%dma_wait3A_67, %dma_wait3A_68] : memref<3136x16xf32, #tpu.memory_space<vmem>> -> memref<2960x16xf32, #tpu.memory_space<vmem>>
        tpu.wait_dma2 semaphore(%run_scoped3A : memref<!tpu.dma_semaphore, #tpu.memory_space<semaphore_mem>>) src(%dma_wait3A_69 : memref<2960x16xf32, #tpu.memory_space<vmem>>) dst(%dma_wait3A_66 : memref<2960x16xf32, #tpu.memory_space<vmem_shared>>)
        tpu.yield
      }) : () -> ()
    } else {
    }
    %barrier3A = arith.constant 0 : index
    tpu.barrier barrier_id(%barrier3A)
    %mul3A_23 = arith.constant 16 : i32
    %mul3A_24 = arith.muli %arg0, %mul3A_23 : i32
    %add3A = arith.addi %mul3A_24, %arg1 : i32
    %mul3A_25 = arith.constant 25000 : i32
    %mul3A_26 = arith.muli %add3A, %mul3A_25 : i32
    %add3A_27 = arith.constant 0 : i32
    %add3A_28 = arith.addi %mul3A_26, %add3A_27 : i32
    %dma_start3A = tpu.memref_slice %arg2[%add3A_28] : memref<800000xi32, #tpu.memory_space<hbm>> -> memref<1000xi32, #tpu.memory_space<hbm>>
    %dma_start3A_29 = tpu.memref_slice %arg2[%add3A_28] : memref<800000xi32, #tpu.memory_space<hbm>> -> memref<1000xi32, #tpu.memory_space<hbm>>
    tpu.enqueue_dma source(%dma_start3A_29 : memref<1000xi32, #tpu.memory_space<hbm>>) target(%arg4 : memref<1000xi32, #tpu.memory_space<vmem>>) target_semaphore(%arg8 : memref<!tpu.dma_semaphore, #tpu.memory_space<semaphore_mem>>)
    %scan3A_30 = arith.constant 0 : i32
    %scan3A_31 = arith.constant 0 : i32
    %scan3A_32 = arith.constant 25 : i32
    %scan3A_33 = arith.addi %scan3A_31, %scan3A_32 : i32
    %scan3A_34 = arith.constant 1 : i32
    %scan3A_35 = scf.for %scan3A_50 = %scan3A_31 to %scan3A_33 step %scan3A_34 iter_args(%scan3A_51 = %scan3A_30) -> (i32)  : i32 {
      %jit3A = arith.constant 2 : i32
      %eq3A_52 = arith.constant 0 : i32
      %eq3A_53 = arith.cmpi eq, %jit3A, %eq3A_52 : i32
      %jit3A_54 = arith.constant 1 : i32
      %select_n3A = arith.select %eq3A_53, %jit3A_54, %jit3A : i32
      %rem3A = arith.remsi %scan3A_50, %select_n3A : i32
      %ne3A = arith.constant 0 : i32
      %ne3A_55 = arith.cmpi ne, %rem3A, %ne3A : i32
      %lt3A_56 = arith.constant 0 : i32
      %lt3A_57 = arith.cmpi slt, %rem3A, %lt3A_56 : i32
      %lt3A_58 = arith.constant 0 : i32
      %lt3A_59 = arith.cmpi slt, %select_n3A, %lt3A_58 : i32
      %ne3A_60 = arith.xori %lt3A_57, %lt3A_59 : i1
      %and3A = arith.andi %ne3A_60, %ne3A_55 : i1
      %add3A_61 = arith.addi %rem3A, %select_n3A : i32
      %select_n3A_62 = arith.select %and3A, %add3A_61, %rem3A : i32
      %eq3A_63 = arith.constant 0 : i32
      %eq3A_64 = arith.cmpi eq, %select_n3A_62, %eq3A_63 : i32
      %convert_element_type3A_65 = arith.extui %eq3A_64 : i1 to i32
      %cond3A_66 = arith.constant 0 : i32
      %cond3A_67 = arith.cmpi ne, %convert_element_type3A_65, %cond3A_66 : i32
      scf.if %cond3A_67 {
        %mul3A_90 = arith.constant 25000 : i32
        %mul3A_91 = arith.muli %add3A, %mul3A_90 : i32
        %mul3A_92 = arith.constant 1000 : i32
        %mul3A_93 = arith.muli %scan3A_50, %mul3A_92 : i32
        %add3A_94 = arith.addi %mul3A_91, %mul3A_93 : i32
        %dma_wait3A_95 = tpu.memref_slice %arg2[%add3A_94] : memref<800000xi32, #tpu.memory_space<hbm>> -> memref<1000xi32, #tpu.memory_space<hbm>>
        %dma_wait3A_96 = tpu.memref_slice %arg2[%add3A_94] : memref<800000xi32, #tpu.memory_space<hbm>> -> memref<1000xi32, #tpu.memory_space<hbm>>
        tpu.wait_dma2 semaphore(%arg8 : memref<!tpu.dma_semaphore, #tpu.memory_space<semaphore_mem>>) src(%dma_wait3A_96 : memref<1000xi32, #tpu.memory_space<hbm>>) dst(%arg4 : memref<1000xi32, #tpu.memory_space<vmem>>)
        %ge3A = arith.constant 1 : i32
        %ge3A_97 = arith.cmpi sge, %scan3A_50, %ge3A : i32
        %convert_element_type3A_98 = arith.extui %ge3A_97 : i1 to i32
        %cond3A_99 = arith.constant 0 : i32
        %cond3A_100 = arith.cmpi ne, %convert_element_type3A_98, %cond3A_99 : i32
        scf.if %cond3A_100 {
          %dma_wait3A_109 = arith.constant 0 : i32
          %dma_wait3A_110 = arith.constant 0 : i32
          %dma_wait3A_111 = tpu.memref_slice %arg12[%dma_wait3A_109, %dma_wait3A_110] : memref<50000x16xf32, #tpu.memory_space<vmem_shared>> -> memref<50000x16xf32, #tpu.memory_space<vmem_shared>>
          tpu.wait_indirect_dma semaphore(%arg11 : memref<!tpu.dma_semaphore, #tpu.memory_space<semaphore_mem>>) src(%arg6 : memref<1000x16xf32, #tpu.memory_space<vmem>>) dst(%dma_wait3A_111 : memref<50000x16xf32, #tpu.memory_space<vmem_shared>>)
        } else {
        }
        %lt3A_101 = arith.constant 24 : i32
        %lt3A_102 = arith.cmpi slt, %scan3A_50, %lt3A_101 : i32
        %convert_element_type3A_103 = arith.extui %lt3A_102 : i1 to i32
        %cond3A_104 = arith.constant 0 : i32
        %cond3A_105 = arith.cmpi ne, %convert_element_type3A_103, %cond3A_104 : i32
        scf.if %cond3A_105 {
          %add3A_109 = arith.constant 1 : i32
          %add3A_110 = arith.addi %scan3A_50, %add3A_109 : i32
          %mul3A_111 = arith.constant 25000 : i32
          %mul3A_112 = arith.muli %add3A, %mul3A_111 : i32
          %mul3A_113 = arith.constant 1000 : i32
          %mul3A_114 = arith.muli %add3A_110, %mul3A_113 : i32
          %add3A_115 = arith.addi %mul3A_112, %mul3A_114 : i32
          %dma_start3A_116 = tpu.memref_slice %arg2[%add3A_115] : memref<800000xi32, #tpu.memory_space<hbm>> -> memref<1000xi32, #tpu.memory_space<hbm>>
          %dma_start3A_117 = tpu.memref_slice %arg2[%add3A_115] : memref<800000xi32, #tpu.memory_space<hbm>> -> memref<1000xi32, #tpu.memory_space<hbm>>
          tpu.enqueue_dma source(%dma_start3A_117 : memref<1000xi32, #tpu.memory_space<hbm>>) target(%arg5 : memref<1000xi32, #tpu.memory_space<vmem>>) target_semaphore(%arg9 : memref<!tpu.dma_semaphore, #tpu.memory_space<semaphore_mem>>)
        } else {
        }
        %dma_start3A_106 = arith.constant 0 : i32
        %dma_start3A_107 = arith.constant 0 : i32
        %dma_start3A_108 = tpu.memref_slice %arg12[%dma_start3A_106, %dma_start3A_107] : memref<50000x16xf32, #tpu.memory_space<vmem_shared>> -> memref<50000x16xf32, #tpu.memory_space<vmem_shared>>
        tpu.enqueue_indirect_dma source(%arg6 : memref<1000x16xf32, #tpu.memory_space<vmem>>) target(%dma_start3A_108 : memref<50000x16xf32, #tpu.memory_space<vmem_shared>>) offsets(%arg4 : memref<1000xi32, #tpu.memory_space<vmem>>) semaphore(%arg10 : memref<!tpu.dma_semaphore, #tpu.memory_space<semaphore_mem>>) {add = true}
      } else {
      }
      %jit3A_68 = arith.constant 2 : i32
      %eq3A_69 = arith.constant 0 : i32
      %eq3A_70 = arith.cmpi eq, %jit3A_68, %eq3A_69 : i32
      %jit3A_71 = arith.constant 1 : i32
      %select_n3A_72 = arith.select %eq3A_70, %jit3A_71, %jit3A_68 : i32
      %rem3A_73 = arith.remsi %scan3A_50, %select_n3A_72 : i32
      %ne3A_74 = arith.constant 0 : i32
      %ne3A_75 = arith.cmpi ne, %rem3A_73, %ne3A_74 : i32
      %lt3A_76 = arith.constant 0 : i32
      %lt3A_77 = arith.cmpi slt, %rem3A_73, %lt3A_76 : i32
      %lt3A_78 = arith.constant 0 : i32
      %lt3A_79 = arith.cmpi slt, %select_n3A_72, %lt3A_78 : i32
      %ne3A_80 = arith.xori %lt3A_77, %lt3A_79 : i1
      %and3A_81 = arith.andi %ne3A_80, %ne3A_75 : i1
      %add3A_82 = arith.addi %rem3A_73, %select_n3A_72 : i32
      %select_n3A_83 = arith.select %and3A_81, %add3A_82, %rem3A_73 : i32
      %eq3A_84 = arith.constant 1 : i32
      %eq3A_85 = arith.cmpi eq, %select_n3A_83, %eq3A_84 : i32
      %convert_element_type3A_86 = arith.extui %eq3A_85 : i1 to i32
      %cond3A_87 = arith.constant 0 : i32
      %cond3A_88 = arith.cmpi ne, %convert_element_type3A_86, %cond3A_87 : i32
      scf.if %cond3A_88 {
        %mul3A_90 = arith.constant 25000 : i32
        %mul3A_91 = arith.muli %add3A, %mul3A_90 : i32
        %mul3A_92 = arith.constant 1000 : i32
        %mul3A_93 = arith.muli %scan3A_50, %mul3A_92 : i32
        %add3A_94 = arith.addi %mul3A_91, %mul3A_93 : i32
        %dma_wait3A_95 = tpu.memref_slice %arg2[%add3A_94] : memref<800000xi32, #tpu.memory_space<hbm>> -> memref<1000xi32, #tpu.memory_space<hbm>>
        %dma_wait3A_96 = tpu.memref_slice %arg2[%add3A_94] : memref<800000xi32, #tpu.memory_space<hbm>> -> memref<1000xi32, #tpu.memory_space<hbm>>
        tpu.wait_dma2 semaphore(%arg9 : memref<!tpu.dma_semaphore, #tpu.memory_space<semaphore_mem>>) src(%dma_wait3A_96 : memref<1000xi32, #tpu.memory_space<hbm>>) dst(%arg5 : memref<1000xi32, #tpu.memory_space<vmem>>)
        %ge3A = arith.constant 1 : i32
        %ge3A_97 = arith.cmpi sge, %scan3A_50, %ge3A : i32
        %convert_element_type3A_98 = arith.extui %ge3A_97 : i1 to i32
        %cond3A_99 = arith.constant 0 : i32
        %cond3A_100 = arith.cmpi ne, %convert_element_type3A_98, %cond3A_99 : i32
        scf.if %cond3A_100 {
          %dma_wait3A_109 = arith.constant 0 : i32
          %dma_wait3A_110 = arith.constant 0 : i32
          %dma_wait3A_111 = tpu.memref_slice %arg12[%dma_wait3A_109, %dma_wait3A_110] : memref<50000x16xf32, #tpu.memory_space<vmem_shared>> -> memref<50000x16xf32, #tpu.memory_space<vmem_shared>>
          tpu.wait_indirect_dma semaphore(%arg10 : memref<!tpu.dma_semaphore, #tpu.memory_space<semaphore_mem>>) src(%arg6 : memref<1000x16xf32, #tpu.memory_space<vmem>>) dst(%dma_wait3A_111 : memref<50000x16xf32, #tpu.memory_space<vmem_shared>>)
        } else {
        }
        %lt3A_101 = arith.constant 24 : i32
        %lt3A_102 = arith.cmpi slt, %scan3A_50, %lt3A_101 : i32
        %convert_element_type3A_103 = arith.extui %lt3A_102 : i1 to i32
        %cond3A_104 = arith.constant 0 : i32
        %cond3A_105 = arith.cmpi ne, %convert_element_type3A_103, %cond3A_104 : i32
        scf.if %cond3A_105 {
          %add3A_109 = arith.constant 1 : i32
          %add3A_110 = arith.addi %scan3A_50, %add3A_109 : i32
          %mul3A_111 = arith.constant 25000 : i32
          %mul3A_112 = arith.muli %add3A, %mul3A_111 : i32
          %mul3A_113 = arith.constant 1000 : i32
          %mul3A_114 = arith.muli %add3A_110, %mul3A_113 : i32
          %add3A_115 = arith.addi %mul3A_112, %mul3A_114 : i32
          %dma_start3A_116 = tpu.memref_slice %arg2[%add3A_115] : memref<800000xi32, #tpu.memory_space<hbm>> -> memref<1000xi32, #tpu.memory_space<hbm>>
          %dma_start3A_117 = tpu.memref_slice %arg2[%add3A_115] : memref<800000xi32, #tpu.memory_space<hbm>> -> memref<1000xi32, #tpu.memory_space<hbm>>
          tpu.enqueue_dma source(%dma_start3A_117 : memref<1000xi32, #tpu.memory_space<hbm>>) target(%arg4 : memref<1000xi32, #tpu.memory_space<vmem>>) target_semaphore(%arg8 : memref<!tpu.dma_semaphore, #tpu.memory_space<semaphore_mem>>)
        } else {
        }
        %dma_start3A_106 = arith.constant 0 : i32
        %dma_start3A_107 = arith.constant 0 : i32
        %dma_start3A_108 = tpu.memref_slice %arg12[%dma_start3A_106, %dma_start3A_107] : memref<50000x16xf32, #tpu.memory_space<vmem_shared>> -> memref<50000x16xf32, #tpu.memory_space<vmem_shared>>
        tpu.enqueue_indirect_dma source(%arg6 : memref<1000x16xf32, #tpu.memory_space<vmem>>) target(%dma_start3A_108 : memref<50000x16xf32, #tpu.memory_space<vmem_shared>>) offsets(%arg5 : memref<1000xi32, #tpu.memory_space<vmem>>) semaphore(%arg11 : memref<!tpu.dma_semaphore, #tpu.memory_space<semaphore_mem>>) {add = true}
      } else {
      }
      %scan3A_89 = arith.constant 0 : i32
      scf.yield %scan3A_89 : i32
    }
    %scan3A_36 = arith.constant 25 : i32
    %dma_wait3A = arith.constant 0 : i32
    %dma_wait3A_37 = arith.constant 0 : i32
    %dma_wait3A_38 = tpu.memref_slice %arg12[%dma_wait3A, %dma_wait3A_37] : memref<50000x16xf32, #tpu.memory_space<vmem_shared>> -> memref<50000x16xf32, #tpu.memory_space<vmem_shared>>
    tpu.wait_indirect_dma semaphore(%arg10 : memref<!tpu.dma_semaphore, #tpu.memory_space<semaphore_mem>>) src(%arg6 : memref<1000x16xf32, #tpu.memory_space<vmem>>) dst(%dma_wait3A_38 : memref<50000x16xf32, #tpu.memory_space<vmem_shared>>)
    %barrier3A_39 = arith.constant 0 : index
    tpu.barrier barrier_id(%barrier3A_39)
    %lt3A_40 = arith.constant 15 : i32
    %lt3A_41 = arith.cmpi slt, %arg1, %lt3A_40 : i32
    %convert_element_type3A_42 = arith.extui %lt3A_41 : i1 to i32
    %cond3A_43 = arith.constant 0 : i32
    %cond3A_44 = arith.cmpi ne, %convert_element_type3A_42, %cond3A_43 : i32
    scf.if %cond3A_44 {
      "tpu.region"() ({
        %run_scoped3A = tpu.sem_alloc : memref<!tpu.dma_semaphore, #tpu.memory_space<semaphore_mem>>
        %dma_start3A_50 = arith.constant 0 : i32
        %dma_start3A_51 = arith.constant 0 : i32
        %dma_start3A_52 = tpu.memref_slice %arg3[%arg0, %dma_start3A_50, %dma_start3A_51] : memref<2x50000x16xf32, #tpu.memory_space<hbm>> -> memref<1x50000x16xf32, #tpu.memory_space<hbm>>
        %dma_start3A_53 = tpu.memref_squeeze %dma_start3A_52 : memref<1x50000x16xf32, #tpu.memory_space<hbm>> -> memref<50000x16xf32, #tpu.memory_space<hbm>>
        %dma_start3A_54 = arith.constant 0 : i32
        %dma_start3A_55 = tpu.memref_slice %dma_start3A_53[%mul3A_16, %dma_start3A_54] : memref<50000x16xf32, #tpu.memory_space<hbm>> -> memref<3136x16xf32, #tpu.memory_space<hbm>>
        %dma_start3A_56 = arith.constant 0 : i32
        %dma_start3A_57 = tpu.memref_slice %arg12[%mul3A_16, %dma_start3A_56] : memref<50000x16xf32, #tpu.memory_space<vmem_shared>> -> memref<3136x16xf32, #tpu.memory_space<vmem_shared>>
        tpu.enqueue_dma source(%dma_start3A_57 : memref<3136x16xf32, #tpu.memory_space<vmem_shared>>) target(%dma_start3A_55 : memref<3136x16xf32, #tpu.memory_space<hbm>>) target_semaphore(%run_scoped3A : memref<!tpu.dma_semaphore, #tpu.memory_space<semaphore_mem>>)
        %dma_wait3A_58 = arith.constant 0 : i32
        %dma_wait3A_59 = arith.constant 0 : i32
        %dma_wait3A_60 = tpu.memref_slice %arg3[%arg0, %dma_wait3A_58, %dma_wait3A_59] : memref<2x50000x16xf32, #tpu.memory_space<hbm>> -> memref<1x50000x16xf32, #tpu.memory_space<hbm>>
        %dma_wait3A_61 = tpu.memref_squeeze %dma_wait3A_60 : memref<1x50000x16xf32, #tpu.memory_space<hbm>> -> memref<50000x16xf32, #tpu.memory_space<hbm>>
        %dma_wait3A_62 = arith.constant 0 : i32
        %dma_wait3A_63 = tpu.memref_slice %dma_wait3A_61[%mul3A_16, %dma_wait3A_62] : memref<50000x16xf32, #tpu.memory_space<hbm>> -> memref<3136x16xf32, #tpu.memory_space<hbm>>
        %dma_wait3A_64 = arith.constant 0 : i32
        %dma_wait3A_65 = tpu.memref_slice %arg12[%mul3A_16, %dma_wait3A_64] : memref<50000x16xf32, #tpu.memory_space<vmem_shared>> -> memref<3136x16xf32, #tpu.memory_space<vmem_shared>>
        tpu.wait_dma2 semaphore(%run_scoped3A : memref<!tpu.dma_semaphore, #tpu.memory_space<semaphore_mem>>) src(%dma_wait3A_65 : memref<3136x16xf32, #tpu.memory_space<vmem_shared>>) dst(%dma_wait3A_63 : memref<3136x16xf32, #tpu.memory_space<hbm>>)
        tpu.yield
      }) : () -> ()
    } else {
    }
    %eq3A_45 = arith.constant 15 : i32
    %eq3A_46 = arith.cmpi eq, %arg1, %eq3A_45 : i32
    %convert_element_type3A_47 = arith.extui %eq3A_46 : i1 to i32
    %cond3A_48 = arith.constant 0 : i32
    %cond3A_49 = arith.cmpi ne, %convert_element_type3A_47, %cond3A_48 : i32
    scf.if %cond3A_49 {
      "tpu.region"() ({
        %run_scoped3A = tpu.sem_alloc : memref<!tpu.dma_semaphore, #tpu.memory_space<semaphore_mem>>
        %dma_start3A_50 = arith.constant 0 : i32
        %dma_start3A_51 = arith.constant 0 : i32
        %dma_start3A_52 = tpu.memref_slice %arg3[%arg0, %dma_start3A_50, %dma_start3A_51] : memref<2x50000x16xf32, #tpu.memory_space<hbm>> -> memref<1x50000x16xf32, #tpu.memory_space<hbm>>
        %dma_start3A_53 = tpu.memref_squeeze %dma_start3A_52 : memref<1x50000x16xf32, #tpu.memory_space<hbm>> -> memref<50000x16xf32, #tpu.memory_space<hbm>>
        %dma_start3A_54 = arith.constant 0 : i32
        %dma_start3A_55 = tpu.memref_slice %dma_start3A_53[%mul3A_16, %dma_start3A_54] : memref<50000x16xf32, #tpu.memory_space<hbm>> -> memref<2960x16xf32, #tpu.memory_space<hbm>>
        %dma_start3A_56 = arith.constant 0 : i32
        %dma_start3A_57 = tpu.memref_slice %arg12[%mul3A_16, %dma_start3A_56] : memref<50000x16xf32, #tpu.memory_space<vmem_shared>> -> memref<2960x16xf32, #tpu.memory_space<vmem_shared>>
        tpu.enqueue_dma source(%dma_start3A_57 : memref<2960x16xf32, #tpu.memory_space<vmem_shared>>) target(%dma_start3A_55 : memref<2960x16xf32, #tpu.memory_space<hbm>>) target_semaphore(%run_scoped3A : memref<!tpu.dma_semaphore, #tpu.memory_space<semaphore_mem>>)
        %dma_wait3A_58 = arith.constant 0 : i32
        %dma_wait3A_59 = arith.constant 0 : i32
        %dma_wait3A_60 = tpu.memref_slice %arg3[%arg0, %dma_wait3A_58, %dma_wait3A_59] : memref<2x50000x16xf32, #tpu.memory_space<hbm>> -> memref<1x50000x16xf32, #tpu.memory_space<hbm>>
        %dma_wait3A_61 = tpu.memref_squeeze %dma_wait3A_60 : memref<1x50000x16xf32, #tpu.memory_space<hbm>> -> memref<50000x16xf32, #tpu.memory_space<hbm>>
        %dma_wait3A_62 = arith.constant 0 : i32
        %dma_wait3A_63 = tpu.memref_slice %dma_wait3A_61[%mul3A_16, %dma_wait3A_62] : memref<50000x16xf32, #tpu.memory_space<hbm>> -> memref<2960x16xf32, #tpu.memory_space<hbm>>
        %dma_wait3A_64 = arith.constant 0 : i32
        %dma_wait3A_65 = tpu.memref_slice %arg12[%mul3A_16, %dma_wait3A_64] : memref<50000x16xf32, #tpu.memory_space<vmem_shared>> -> memref<2960x16xf32, #tpu.memory_space<vmem_shared>>
        tpu.wait_dma2 semaphore(%run_scoped3A : memref<!tpu.dma_semaphore, #tpu.memory_space<semaphore_mem>>) src(%dma_wait3A_65 : memref<2960x16xf32, #tpu.memory_space<vmem_shared>>) dst(%dma_wait3A_63 : memref<2960x16xf32, #tpu.memory_space<hbm>>)
        tpu.yield
      }) : () -> ()
    } else {
    }
    return
  }
}

#map = affine_map<(d0, d1) -> (0, 0)>
#map1 = affine_map<(d0, d1) -> (0, 0, 0)>
module attributes {stable_mosaic.version = 14 : i64} {
  func.func @_reformat_body(%arg0: i32, %arg1: i32, %arg2: memref<50000x64xbf16, #tpu.memory_space<hbm>>, %arg3: memref<2x50000x32xbf16, #tpu.memory_space<hbm>>, %arg4: memref<1568x32xbf16, #tpu.memory_space<vmem>>, %arg5: memref<1568x32xbf16, #tpu.memory_space<vmem>>, %arg6: memref<!tpu.dma_semaphore, #tpu.memory_space<semaphore_mem>>, %arg7: memref<!tpu.dma_semaphore, #tpu.memory_space<semaphore_mem>>) attributes {dimension_semantics = [#tpu.dimension_semantics<core_parallel>, #tpu.dimension_semantics<subcore_parallel>], iteration_bounds = array<i64: 2, 16>, scalar_prefetch = 0 : i64, scratch_operands = 4 : i64, tpu.core_type = #tpu.core_type<sc_vector_subcore>, window_params = [{transform_indices = #map}, {transform_indices = #map1}]} {
    %mul3A = arith.constant 16 : i32
    %mul3A_0 = arith.muli %arg0, %mul3A : i32
    %add3A = arith.addi %mul3A_0, %arg1 : i32
    %mul3A_1 = arith.constant 1568 : i32
    %mul3A_2 = arith.muli %add3A, %mul3A_1 : i32
    %lt3A = arith.constant 31 : i32
    %lt3A_3 = arith.cmpi slt, %add3A, %lt3A : i32
    %convert_element_type3A = arith.extui %lt3A_3 : i1 to i32
    %cond3A = arith.constant 0 : i32
    %cond3A_4 = arith.cmpi ne, %convert_element_type3A, %cond3A : i32
    scf.if %cond3A_4 {
      %dma_start3A = arith.constant 0 : i32
      %dma_start3A_9 = arith.constant 0 : i32
      %dma_start3A_10 = tpu.memref_slice %arg4[%dma_start3A, %dma_start3A_9] : memref<1568x32xbf16, #tpu.memory_space<vmem>> -> memref<1568x32xbf16, #tpu.memory_space<vmem>>
      %dma_start3A_11 = arith.constant 0 : i32
      %dma_start3A_12 = tpu.memref_slice %arg2[%mul3A_2, %dma_start3A_11] : memref<50000x64xbf16, #tpu.memory_space<hbm>> -> memref<1568x32xbf16, #tpu.memory_space<hbm>>
      %dma_start3A_13 = arith.constant 0 : i32
      %dma_start3A_14 = arith.constant 0 : i32
      %dma_start3A_15 = tpu.memref_slice %arg4[%dma_start3A_13, %dma_start3A_14] : memref<1568x32xbf16, #tpu.memory_space<vmem>> -> memref<1568x32xbf16, #tpu.memory_space<vmem>>
      %dma_start3A_16 = arith.constant 0 : i32
      %dma_start3A_17 = tpu.memref_slice %arg2[%mul3A_2, %dma_start3A_16] : memref<50000x64xbf16, #tpu.memory_space<hbm>> -> memref<1568x32xbf16, #tpu.memory_space<hbm>>
      tpu.enqueue_dma source(%dma_start3A_17 : memref<1568x32xbf16, #tpu.memory_space<hbm>>) target(%dma_start3A_15 : memref<1568x32xbf16, #tpu.memory_space<vmem>>) target_semaphore(%arg6 : memref<!tpu.dma_semaphore, #tpu.memory_space<semaphore_mem>>)
      %dma_start3A_18 = arith.constant 0 : i32
      %dma_start3A_19 = arith.constant 0 : i32
      %dma_start3A_20 = tpu.memref_slice %arg5[%dma_start3A_18, %dma_start3A_19] : memref<1568x32xbf16, #tpu.memory_space<vmem>> -> memref<1568x32xbf16, #tpu.memory_space<vmem>>
      %dma_start3A_21 = arith.constant 32 : i32
      %dma_start3A_22 = tpu.memref_slice %arg2[%mul3A_2, %dma_start3A_21] : memref<50000x64xbf16, #tpu.memory_space<hbm>> -> memref<1568x32xbf16, #tpu.memory_space<hbm>>
      %dma_start3A_23 = arith.constant 0 : i32
      %dma_start3A_24 = arith.constant 0 : i32
      %dma_start3A_25 = tpu.memref_slice %arg5[%dma_start3A_23, %dma_start3A_24] : memref<1568x32xbf16, #tpu.memory_space<vmem>> -> memref<1568x32xbf16, #tpu.memory_space<vmem>>
      %dma_start3A_26 = arith.constant 32 : i32
      %dma_start3A_27 = tpu.memref_slice %arg2[%mul3A_2, %dma_start3A_26] : memref<50000x64xbf16, #tpu.memory_space<hbm>> -> memref<1568x32xbf16, #tpu.memory_space<hbm>>
      tpu.enqueue_dma source(%dma_start3A_27 : memref<1568x32xbf16, #tpu.memory_space<hbm>>) target(%dma_start3A_25 : memref<1568x32xbf16, #tpu.memory_space<vmem>>) target_semaphore(%arg7 : memref<!tpu.dma_semaphore, #tpu.memory_space<semaphore_mem>>)
      %dma_wait3A = arith.constant 0 : i32
      %dma_wait3A_28 = arith.constant 0 : i32
      %dma_wait3A_29 = tpu.memref_slice %arg4[%dma_wait3A, %dma_wait3A_28] : memref<1568x32xbf16, #tpu.memory_space<vmem>> -> memref<1568x32xbf16, #tpu.memory_space<vmem>>
      %dma_wait3A_30 = arith.constant 0 : i32
      %dma_wait3A_31 = tpu.memref_slice %arg2[%mul3A_2, %dma_wait3A_30] : memref<50000x64xbf16, #tpu.memory_space<hbm>> -> memref<1568x32xbf16, #tpu.memory_space<hbm>>
      %dma_wait3A_32 = arith.constant 0 : i32
      %dma_wait3A_33 = arith.constant 0 : i32
      %dma_wait3A_34 = tpu.memref_slice %arg4[%dma_wait3A_32, %dma_wait3A_33] : memref<1568x32xbf16, #tpu.memory_space<vmem>> -> memref<1568x32xbf16, #tpu.memory_space<vmem>>
      %dma_wait3A_35 = arith.constant 0 : i32
      %dma_wait3A_36 = tpu.memref_slice %arg2[%mul3A_2, %dma_wait3A_35] : memref<50000x64xbf16, #tpu.memory_space<hbm>> -> memref<1568x32xbf16, #tpu.memory_space<hbm>>
      tpu.wait_dma2 semaphore(%arg6 : memref<!tpu.dma_semaphore, #tpu.memory_space<semaphore_mem>>) src(%dma_wait3A_36 : memref<1568x32xbf16, #tpu.memory_space<hbm>>) dst(%dma_wait3A_34 : memref<1568x32xbf16, #tpu.memory_space<vmem>>)
      %run_scoped3A = arith.constant 0 : i32
      "tpu.region"() ({
        %run_scoped3A_48 = tpu.sem_alloc : memref<!tpu.dma_semaphore, #tpu.memory_space<semaphore_mem>>
        %dma_start3A_49 = arith.constant 0 : i32
        %dma_start3A_50 = arith.constant 0 : i32
        %dma_start3A_51 = tpu.memref_slice %arg4[%dma_start3A_49, %dma_start3A_50] : memref<1568x32xbf16, #tpu.memory_space<vmem>> -> memref<1568x32xbf16, #tpu.memory_space<vmem>>
        %dma_start3A_52 = arith.constant 0 : i32
        %dma_start3A_53 = arith.constant 0 : i32
        %dma_start3A_54 = tpu.memref_slice %arg3[%run_scoped3A, %dma_start3A_52, %dma_start3A_53] : memref<2x50000x32xbf16, #tpu.memory_space<hbm>> -> memref<1x50000x32xbf16, #tpu.memory_space<hbm>>
        %dma_start3A_55 = tpu.memref_squeeze %dma_start3A_54 : memref<1x50000x32xbf16, #tpu.memory_space<hbm>> -> memref<50000x32xbf16, #tpu.memory_space<hbm>>
        %dma_start3A_56 = arith.constant 0 : i32
        %dma_start3A_57 = tpu.memref_slice %dma_start3A_55[%mul3A_2, %dma_start3A_56] : memref<50000x32xbf16, #tpu.memory_space<hbm>> -> memref<1568x32xbf16, #tpu.memory_space<hbm>>
        %dma_start3A_58 = arith.constant 0 : i32
        %dma_start3A_59 = arith.constant 0 : i32
        %dma_start3A_60 = tpu.memref_slice %arg3[%run_scoped3A, %dma_start3A_58, %dma_start3A_59] : memref<2x50000x32xbf16, #tpu.memory_space<hbm>> -> memref<1x50000x32xbf16, #tpu.memory_space<hbm>>
        %dma_start3A_61 = tpu.memref_squeeze %dma_start3A_60 : memref<1x50000x32xbf16, #tpu.memory_space<hbm>> -> memref<50000x32xbf16, #tpu.memory_space<hbm>>
        %dma_start3A_62 = arith.constant 0 : i32
        %dma_start3A_63 = tpu.memref_slice %dma_start3A_61[%mul3A_2, %dma_start3A_62] : memref<50000x32xbf16, #tpu.memory_space<hbm>> -> memref<1568x32xbf16, #tpu.memory_space<hbm>>
        %dma_start3A_64 = arith.constant 0 : i32
        %dma_start3A_65 = arith.constant 0 : i32
        %dma_start3A_66 = tpu.memref_slice %arg4[%dma_start3A_64, %dma_start3A_65] : memref<1568x32xbf16, #tpu.memory_space<vmem>> -> memref<1568x32xbf16, #tpu.memory_space<vmem>>
        tpu.enqueue_dma source(%dma_start3A_66 : memref<1568x32xbf16, #tpu.memory_space<vmem>>) target(%dma_start3A_63 : memref<1568x32xbf16, #tpu.memory_space<hbm>>) target_semaphore(%run_scoped3A_48 : memref<!tpu.dma_semaphore, #tpu.memory_space<semaphore_mem>>)
        %dma_wait3A_67 = arith.constant 0 : i32
        %dma_wait3A_68 = arith.constant 0 : i32
        %dma_wait3A_69 = tpu.memref_slice %arg4[%dma_wait3A_67, %dma_wait3A_68] : memref<1568x32xbf16, #tpu.memory_space<vmem>> -> memref<1568x32xbf16, #tpu.memory_space<vmem>>
        %dma_wait3A_70 = arith.constant 0 : i32
        %dma_wait3A_71 = arith.constant 0 : i32
        %dma_wait3A_72 = tpu.memref_slice %arg3[%run_scoped3A, %dma_wait3A_70, %dma_wait3A_71] : memref<2x50000x32xbf16, #tpu.memory_space<hbm>> -> memref<1x50000x32xbf16, #tpu.memory_space<hbm>>
        %dma_wait3A_73 = tpu.memref_squeeze %dma_wait3A_72 : memref<1x50000x32xbf16, #tpu.memory_space<hbm>> -> memref<50000x32xbf16, #tpu.memory_space<hbm>>
        %dma_wait3A_74 = arith.constant 0 : i32
        %dma_wait3A_75 = tpu.memref_slice %dma_wait3A_73[%mul3A_2, %dma_wait3A_74] : memref<50000x32xbf16, #tpu.memory_space<hbm>> -> memref<1568x32xbf16, #tpu.memory_space<hbm>>
        %dma_wait3A_76 = arith.constant 0 : i32
        %dma_wait3A_77 = arith.constant 0 : i32
        %dma_wait3A_78 = tpu.memref_slice %arg3[%run_scoped3A, %dma_wait3A_76, %dma_wait3A_77] : memref<2x50000x32xbf16, #tpu.memory_space<hbm>> -> memref<1x50000x32xbf16, #tpu.memory_space<hbm>>
        %dma_wait3A_79 = tpu.memref_squeeze %dma_wait3A_78 : memref<1x50000x32xbf16, #tpu.memory_space<hbm>> -> memref<50000x32xbf16, #tpu.memory_space<hbm>>
        %dma_wait3A_80 = arith.constant 0 : i32
        %dma_wait3A_81 = tpu.memref_slice %dma_wait3A_79[%mul3A_2, %dma_wait3A_80] : memref<50000x32xbf16, #tpu.memory_space<hbm>> -> memref<1568x32xbf16, #tpu.memory_space<hbm>>
        %dma_wait3A_82 = arith.constant 0 : i32
        %dma_wait3A_83 = arith.constant 0 : i32
        %dma_wait3A_84 = tpu.memref_slice %arg4[%dma_wait3A_82, %dma_wait3A_83] : memref<1568x32xbf16, #tpu.memory_space<vmem>> -> memref<1568x32xbf16, #tpu.memory_space<vmem>>
        tpu.wait_dma2 semaphore(%run_scoped3A_48 : memref<!tpu.dma_semaphore, #tpu.memory_space<semaphore_mem>>) src(%dma_wait3A_84 : memref<1568x32xbf16, #tpu.memory_space<vmem>>) dst(%dma_wait3A_81 : memref<1568x32xbf16, #tpu.memory_space<hbm>>)
        tpu.yield
      }) : () -> ()
      %dma_wait3A_37 = arith.constant 0 : i32
      %dma_wait3A_38 = arith.constant 0 : i32
      %dma_wait3A_39 = tpu.memref_slice %arg5[%dma_wait3A_37, %dma_wait3A_38] : memref<1568x32xbf16, #tpu.memory_space<vmem>> -> memref<1568x32xbf16, #tpu.memory_space<vmem>>
      %dma_wait3A_40 = arith.constant 32 : i32
      %dma_wait3A_41 = tpu.memref_slice %arg2[%mul3A_2, %dma_wait3A_40] : memref<50000x64xbf16, #tpu.memory_space<hbm>> -> memref<1568x32xbf16, #tpu.memory_space<hbm>>
      %dma_wait3A_42 = arith.constant 0 : i32
      %dma_wait3A_43 = arith.constant 0 : i32
      %dma_wait3A_44 = tpu.memref_slice %arg5[%dma_wait3A_42, %dma_wait3A_43] : memref<1568x32xbf16, #tpu.memory_space<vmem>> -> memref<1568x32xbf16, #tpu.memory_space<vmem>>
      %dma_wait3A_45 = arith.constant 32 : i32
      %dma_wait3A_46 = tpu.memref_slice %arg2[%mul3A_2, %dma_wait3A_45] : memref<50000x64xbf16, #tpu.memory_space<hbm>> -> memref<1568x32xbf16, #tpu.memory_space<hbm>>
      tpu.wait_dma2 semaphore(%arg7 : memref<!tpu.dma_semaphore, #tpu.memory_space<semaphore_mem>>) src(%dma_wait3A_46 : memref<1568x32xbf16, #tpu.memory_space<hbm>>) dst(%dma_wait3A_44 : memref<1568x32xbf16, #tpu.memory_space<vmem>>)
      %run_scoped3A_47 = arith.constant 1 : i32
      "tpu.region"() ({
        %run_scoped3A_48 = tpu.sem_alloc : memref<!tpu.dma_semaphore, #tpu.memory_space<semaphore_mem>>
        %dma_start3A_49 = arith.constant 0 : i32
        %dma_start3A_50 = arith.constant 0 : i32
        %dma_start3A_51 = tpu.memref_slice %arg5[%dma_start3A_49, %dma_start3A_50] : memref<1568x32xbf16, #tpu.memory_space<vmem>> -> memref<1568x32xbf16, #tpu.memory_space<vmem>>
        %dma_start3A_52 = arith.constant 0 : i32
        %dma_start3A_53 = arith.constant 0 : i32
        %dma_start3A_54 = tpu.memref_slice %arg3[%run_scoped3A_47, %dma_start3A_52, %dma_start3A_53] : memref<2x50000x32xbf16, #tpu.memory_space<hbm>> -> memref<1x50000x32xbf16, #tpu.memory_space<hbm>>
        %dma_start3A_55 = tpu.memref_squeeze %dma_start3A_54 : memref<1x50000x32xbf16, #tpu.memory_space<hbm>> -> memref<50000x32xbf16, #tpu.memory_space<hbm>>
        %dma_start3A_56 = arith.constant 0 : i32
        %dma_start3A_57 = tpu.memref_slice %dma_start3A_55[%mul3A_2, %dma_start3A_56] : memref<50000x32xbf16, #tpu.memory_space<hbm>> -> memref<1568x32xbf16, #tpu.memory_space<hbm>>
        %dma_start3A_58 = arith.constant 0 : i32
        %dma_start3A_59 = arith.constant 0 : i32
        %dma_start3A_60 = tpu.memref_slice %arg3[%run_scoped3A_47, %dma_start3A_58, %dma_start3A_59] : memref<2x50000x32xbf16, #tpu.memory_space<hbm>> -> memref<1x50000x32xbf16, #tpu.memory_space<hbm>>
        %dma_start3A_61 = tpu.memref_squeeze %dma_start3A_60 : memref<1x50000x32xbf16, #tpu.memory_space<hbm>> -> memref<50000x32xbf16, #tpu.memory_space<hbm>>
        %dma_start3A_62 = arith.constant 0 : i32
        %dma_start3A_63 = tpu.memref_slice %dma_start3A_61[%mul3A_2, %dma_start3A_62] : memref<50000x32xbf16, #tpu.memory_space<hbm>> -> memref<1568x32xbf16, #tpu.memory_space<hbm>>
        %dma_start3A_64 = arith.constant 0 : i32
        %dma_start3A_65 = arith.constant 0 : i32
        %dma_start3A_66 = tpu.memref_slice %arg5[%dma_start3A_64, %dma_start3A_65] : memref<1568x32xbf16, #tpu.memory_space<vmem>> -> memref<1568x32xbf16, #tpu.memory_space<vmem>>
        tpu.enqueue_dma source(%dma_start3A_66 : memref<1568x32xbf16, #tpu.memory_space<vmem>>) target(%dma_start3A_63 : memref<1568x32xbf16, #tpu.memory_space<hbm>>) target_semaphore(%run_scoped3A_48 : memref<!tpu.dma_semaphore, #tpu.memory_space<semaphore_mem>>)
        %dma_wait3A_67 = arith.constant 0 : i32
        %dma_wait3A_68 = arith.constant 0 : i32
        %dma_wait3A_69 = tpu.memref_slice %arg5[%dma_wait3A_67, %dma_wait3A_68] : memref<1568x32xbf16, #tpu.memory_space<vmem>> -> memref<1568x32xbf16, #tpu.memory_space<vmem>>
        %dma_wait3A_70 = arith.constant 0 : i32
        %dma_wait3A_71 = arith.constant 0 : i32
        %dma_wait3A_72 = tpu.memref_slice %arg3[%run_scoped3A_47, %dma_wait3A_70, %dma_wait3A_71] : memref<2x50000x32xbf16, #tpu.memory_space<hbm>> -> memref<1x50000x32xbf16, #tpu.memory_space<hbm>>
        %dma_wait3A_73 = tpu.memref_squeeze %dma_wait3A_72 : memref<1x50000x32xbf16, #tpu.memory_space<hbm>> -> memref<50000x32xbf16, #tpu.memory_space<hbm>>
        %dma_wait3A_74 = arith.constant 0 : i32
        %dma_wait3A_75 = tpu.memref_slice %dma_wait3A_73[%mul3A_2, %dma_wait3A_74] : memref<50000x32xbf16, #tpu.memory_space<hbm>> -> memref<1568x32xbf16, #tpu.memory_space<hbm>>
        %dma_wait3A_76 = arith.constant 0 : i32
        %dma_wait3A_77 = arith.constant 0 : i32
        %dma_wait3A_78 = tpu.memref_slice %arg3[%run_scoped3A_47, %dma_wait3A_76, %dma_wait3A_77] : memref<2x50000x32xbf16, #tpu.memory_space<hbm>> -> memref<1x50000x32xbf16, #tpu.memory_space<hbm>>
        %dma_wait3A_79 = tpu.memref_squeeze %dma_wait3A_78 : memref<1x50000x32xbf16, #tpu.memory_space<hbm>> -> memref<50000x32xbf16, #tpu.memory_space<hbm>>
        %dma_wait3A_80 = arith.constant 0 : i32
        %dma_wait3A_81 = tpu.memref_slice %dma_wait3A_79[%mul3A_2, %dma_wait3A_80] : memref<50000x32xbf16, #tpu.memory_space<hbm>> -> memref<1568x32xbf16, #tpu.memory_space<hbm>>
        %dma_wait3A_82 = arith.constant 0 : i32
        %dma_wait3A_83 = arith.constant 0 : i32
        %dma_wait3A_84 = tpu.memref_slice %arg5[%dma_wait3A_82, %dma_wait3A_83] : memref<1568x32xbf16, #tpu.memory_space<vmem>> -> memref<1568x32xbf16, #tpu.memory_space<vmem>>
        tpu.wait_dma2 semaphore(%run_scoped3A_48 : memref<!tpu.dma_semaphore, #tpu.memory_space<semaphore_mem>>) src(%dma_wait3A_84 : memref<1568x32xbf16, #tpu.memory_space<vmem>>) dst(%dma_wait3A_81 : memref<1568x32xbf16, #tpu.memory_space<hbm>>)
        tpu.yield
      }) : () -> ()
    } else {
    }
    %eq3A = arith.constant 31 : i32
    %eq3A_5 = arith.cmpi eq, %add3A, %eq3A : i32
    %convert_element_type3A_6 = arith.extui %eq3A_5 : i1 to i32
    %cond3A_7 = arith.constant 0 : i32
    %cond3A_8 = arith.cmpi ne, %convert_element_type3A_6, %cond3A_7 : i32
    scf.if %cond3A_8 {
      %dma_start3A = arith.constant 0 : i32
      %dma_start3A_9 = arith.constant 0 : i32
      %dma_start3A_10 = tpu.memref_slice %arg4[%dma_start3A, %dma_start3A_9] : memref<1568x32xbf16, #tpu.memory_space<vmem>> -> memref<1392x32xbf16, #tpu.memory_space<vmem>>
      %dma_start3A_11 = arith.constant 0 : i32
      %dma_start3A_12 = tpu.memref_slice %arg2[%mul3A_2, %dma_start3A_11] : memref<50000x64xbf16, #tpu.memory_space<hbm>> -> memref<1392x32xbf16, #tpu.memory_space<hbm>>
      %dma_start3A_13 = arith.constant 0 : i32
      %dma_start3A_14 = arith.constant 0 : i32
      %dma_start3A_15 = tpu.memref_slice %arg4[%dma_start3A_13, %dma_start3A_14] : memref<1568x32xbf16, #tpu.memory_space<vmem>> -> memref<1392x32xbf16, #tpu.memory_space<vmem>>
      %dma_start3A_16 = arith.constant 0 : i32
      %dma_start3A_17 = tpu.memref_slice %arg2[%mul3A_2, %dma_start3A_16] : memref<50000x64xbf16, #tpu.memory_space<hbm>> -> memref<1392x32xbf16, #tpu.memory_space<hbm>>
      tpu.enqueue_dma source(%dma_start3A_17 : memref<1392x32xbf16, #tpu.memory_space<hbm>>) target(%dma_start3A_15 : memref<1392x32xbf16, #tpu.memory_space<vmem>>) target_semaphore(%arg6 : memref<!tpu.dma_semaphore, #tpu.memory_space<semaphore_mem>>)
      %dma_start3A_18 = arith.constant 0 : i32
      %dma_start3A_19 = arith.constant 0 : i32
      %dma_start3A_20 = tpu.memref_slice %arg5[%dma_start3A_18, %dma_start3A_19] : memref<1568x32xbf16, #tpu.memory_space<vmem>> -> memref<1392x32xbf16, #tpu.memory_space<vmem>>
      %dma_start3A_21 = arith.constant 32 : i32
      %dma_start3A_22 = tpu.memref_slice %arg2[%mul3A_2, %dma_start3A_21] : memref<50000x64xbf16, #tpu.memory_space<hbm>> -> memref<1392x32xbf16, #tpu.memory_space<hbm>>
      %dma_start3A_23 = arith.constant 0 : i32
      %dma_start3A_24 = arith.constant 0 : i32
      %dma_start3A_25 = tpu.memref_slice %arg5[%dma_start3A_23, %dma_start3A_24] : memref<1568x32xbf16, #tpu.memory_space<vmem>> -> memref<1392x32xbf16, #tpu.memory_space<vmem>>
      %dma_start3A_26 = arith.constant 32 : i32
      %dma_start3A_27 = tpu.memref_slice %arg2[%mul3A_2, %dma_start3A_26] : memref<50000x64xbf16, #tpu.memory_space<hbm>> -> memref<1392x32xbf16, #tpu.memory_space<hbm>>
      tpu.enqueue_dma source(%dma_start3A_27 : memref<1392x32xbf16, #tpu.memory_space<hbm>>) target(%dma_start3A_25 : memref<1392x32xbf16, #tpu.memory_space<vmem>>) target_semaphore(%arg7 : memref<!tpu.dma_semaphore, #tpu.memory_space<semaphore_mem>>)
      %dma_wait3A = arith.constant 0 : i32
      %dma_wait3A_28 = arith.constant 0 : i32
      %dma_wait3A_29 = tpu.memref_slice %arg4[%dma_wait3A, %dma_wait3A_28] : memref<1568x32xbf16, #tpu.memory_space<vmem>> -> memref<1392x32xbf16, #tpu.memory_space<vmem>>
      %dma_wait3A_30 = arith.constant 0 : i32
      %dma_wait3A_31 = tpu.memref_slice %arg2[%mul3A_2, %dma_wait3A_30] : memref<50000x64xbf16, #tpu.memory_space<hbm>> -> memref<1392x32xbf16, #tpu.memory_space<hbm>>
      %dma_wait3A_32 = arith.constant 0 : i32
      %dma_wait3A_33 = arith.constant 0 : i32
      %dma_wait3A_34 = tpu.memref_slice %arg4[%dma_wait3A_32, %dma_wait3A_33] : memref<1568x32xbf16, #tpu.memory_space<vmem>> -> memref<1392x32xbf16, #tpu.memory_space<vmem>>
      %dma_wait3A_35 = arith.constant 0 : i32
      %dma_wait3A_36 = tpu.memref_slice %arg2[%mul3A_2, %dma_wait3A_35] : memref<50000x64xbf16, #tpu.memory_space<hbm>> -> memref<1392x32xbf16, #tpu.memory_space<hbm>>
      tpu.wait_dma2 semaphore(%arg6 : memref<!tpu.dma_semaphore, #tpu.memory_space<semaphore_mem>>) src(%dma_wait3A_36 : memref<1392x32xbf16, #tpu.memory_space<hbm>>) dst(%dma_wait3A_34 : memref<1392x32xbf16, #tpu.memory_space<vmem>>)
      %run_scoped3A = arith.constant 0 : i32
      "tpu.region"() ({
        %run_scoped3A_48 = tpu.sem_alloc : memref<!tpu.dma_semaphore, #tpu.memory_space<semaphore_mem>>
        %dma_start3A_49 = arith.constant 0 : i32
        %dma_start3A_50 = arith.constant 0 : i32
        %dma_start3A_51 = tpu.memref_slice %arg4[%dma_start3A_49, %dma_start3A_50] : memref<1568x32xbf16, #tpu.memory_space<vmem>> -> memref<1392x32xbf16, #tpu.memory_space<vmem>>
        %dma_start3A_52 = arith.constant 0 : i32
        %dma_start3A_53 = arith.constant 0 : i32
        %dma_start3A_54 = tpu.memref_slice %arg3[%run_scoped3A, %dma_start3A_52, %dma_start3A_53] : memref<2x50000x32xbf16, #tpu.memory_space<hbm>> -> memref<1x50000x32xbf16, #tpu.memory_space<hbm>>
        %dma_start3A_55 = tpu.memref_squeeze %dma_start3A_54 : memref<1x50000x32xbf16, #tpu.memory_space<hbm>> -> memref<50000x32xbf16, #tpu.memory_space<hbm>>
        %dma_start3A_56 = arith.constant 0 : i32
        %dma_start3A_57 = tpu.memref_slice %dma_start3A_55[%mul3A_2, %dma_start3A_56] : memref<50000x32xbf16, #tpu.memory_space<hbm>> -> memref<1392x32xbf16, #tpu.memory_space<hbm>>
        %dma_start3A_58 = arith.constant 0 : i32
        %dma_start3A_59 = arith.constant 0 : i32
        %dma_start3A_60 = tpu.memref_slice %arg3[%run_scoped3A, %dma_start3A_58, %dma_start3A_59] : memref<2x50000x32xbf16, #tpu.memory_space<hbm>> -> memref<1x50000x32xbf16, #tpu.memory_space<hbm>>
        %dma_start3A_61 = tpu.memref_squeeze %dma_start3A_60 : memref<1x50000x32xbf16, #tpu.memory_space<hbm>> -> memref<50000x32xbf16, #tpu.memory_space<hbm>>
        %dma_start3A_62 = arith.constant 0 : i32
        %dma_start3A_63 = tpu.memref_slice %dma_start3A_61[%mul3A_2, %dma_start3A_62] : memref<50000x32xbf16, #tpu.memory_space<hbm>> -> memref<1392x32xbf16, #tpu.memory_space<hbm>>
        %dma_start3A_64 = arith.constant 0 : i32
        %dma_start3A_65 = arith.constant 0 : i32
        %dma_start3A_66 = tpu.memref_slice %arg4[%dma_start3A_64, %dma_start3A_65] : memref<1568x32xbf16, #tpu.memory_space<vmem>> -> memref<1392x32xbf16, #tpu.memory_space<vmem>>
        tpu.enqueue_dma source(%dma_start3A_66 : memref<1392x32xbf16, #tpu.memory_space<vmem>>) target(%dma_start3A_63 : memref<1392x32xbf16, #tpu.memory_space<hbm>>) target_semaphore(%run_scoped3A_48 : memref<!tpu.dma_semaphore, #tpu.memory_space<semaphore_mem>>)
        %dma_wait3A_67 = arith.constant 0 : i32
        %dma_wait3A_68 = arith.constant 0 : i32
        %dma_wait3A_69 = tpu.memref_slice %arg4[%dma_wait3A_67, %dma_wait3A_68] : memref<1568x32xbf16, #tpu.memory_space<vmem>> -> memref<1392x32xbf16, #tpu.memory_space<vmem>>
        %dma_wait3A_70 = arith.constant 0 : i32
        %dma_wait3A_71 = arith.constant 0 : i32
        %dma_wait3A_72 = tpu.memref_slice %arg3[%run_scoped3A, %dma_wait3A_70, %dma_wait3A_71] : memref<2x50000x32xbf16, #tpu.memory_space<hbm>> -> memref<1x50000x32xbf16, #tpu.memory_space<hbm>>
        %dma_wait3A_73 = tpu.memref_squeeze %dma_wait3A_72 : memref<1x50000x32xbf16, #tpu.memory_space<hbm>> -> memref<50000x32xbf16, #tpu.memory_space<hbm>>
        %dma_wait3A_74 = arith.constant 0 : i32
        %dma_wait3A_75 = tpu.memref_slice %dma_wait3A_73[%mul3A_2, %dma_wait3A_74] : memref<50000x32xbf16, #tpu.memory_space<hbm>> -> memref<1392x32xbf16, #tpu.memory_space<hbm>>
        %dma_wait3A_76 = arith.constant 0 : i32
        %dma_wait3A_77 = arith.constant 0 : i32
        %dma_wait3A_78 = tpu.memref_slice %arg3[%run_scoped3A, %dma_wait3A_76, %dma_wait3A_77] : memref<2x50000x32xbf16, #tpu.memory_space<hbm>> -> memref<1x50000x32xbf16, #tpu.memory_space<hbm>>
        %dma_wait3A_79 = tpu.memref_squeeze %dma_wait3A_78 : memref<1x50000x32xbf16, #tpu.memory_space<hbm>> -> memref<50000x32xbf16, #tpu.memory_space<hbm>>
        %dma_wait3A_80 = arith.constant 0 : i32
        %dma_wait3A_81 = tpu.memref_slice %dma_wait3A_79[%mul3A_2, %dma_wait3A_80] : memref<50000x32xbf16, #tpu.memory_space<hbm>> -> memref<1392x32xbf16, #tpu.memory_space<hbm>>
        %dma_wait3A_82 = arith.constant 0 : i32
        %dma_wait3A_83 = arith.constant 0 : i32
        %dma_wait3A_84 = tpu.memref_slice %arg4[%dma_wait3A_82, %dma_wait3A_83] : memref<1568x32xbf16, #tpu.memory_space<vmem>> -> memref<1392x32xbf16, #tpu.memory_space<vmem>>
        tpu.wait_dma2 semaphore(%run_scoped3A_48 : memref<!tpu.dma_semaphore, #tpu.memory_space<semaphore_mem>>) src(%dma_wait3A_84 : memref<1392x32xbf16, #tpu.memory_space<vmem>>) dst(%dma_wait3A_81 : memref<1392x32xbf16, #tpu.memory_space<hbm>>)
        tpu.yield
      }) : () -> ()
      %dma_wait3A_37 = arith.constant 0 : i32
      %dma_wait3A_38 = arith.constant 0 : i32
      %dma_wait3A_39 = tpu.memref_slice %arg5[%dma_wait3A_37, %dma_wait3A_38] : memref<1568x32xbf16, #tpu.memory_space<vmem>> -> memref<1392x32xbf16, #tpu.memory_space<vmem>>
      %dma_wait3A_40 = arith.constant 32 : i32
      %dma_wait3A_41 = tpu.memref_slice %arg2[%mul3A_2, %dma_wait3A_40] : memref<50000x64xbf16, #tpu.memory_space<hbm>> -> memref<1392x32xbf16, #tpu.memory_space<hbm>>
      %dma_wait3A_42 = arith.constant 0 : i32
      %dma_wait3A_43 = arith.constant 0 : i32
      %dma_wait3A_44 = tpu.memref_slice %arg5[%dma_wait3A_42, %dma_wait3A_43] : memref<1568x32xbf16, #tpu.memory_space<vmem>> -> memref<1392x32xbf16, #tpu.memory_space<vmem>>
      %dma_wait3A_45 = arith.constant 32 : i32
      %dma_wait3A_46 = tpu.memref_slice %arg2[%mul3A_2, %dma_wait3A_45] : memref<50000x64xbf16, #tpu.memory_space<hbm>> -> memref<1392x32xbf16, #tpu.memory_space<hbm>>
      tpu.wait_dma2 semaphore(%arg7 : memref<!tpu.dma_semaphore, #tpu.memory_space<semaphore_mem>>) src(%dma_wait3A_46 : memref<1392x32xbf16, #tpu.memory_space<hbm>>) dst(%dma_wait3A_44 : memref<1392x32xbf16, #tpu.memory_space<vmem>>)
      %run_scoped3A_47 = arith.constant 1 : i32
      "tpu.region"() ({
        %run_scoped3A_48 = tpu.sem_alloc : memref<!tpu.dma_semaphore, #tpu.memory_space<semaphore_mem>>
        %dma_start3A_49 = arith.constant 0 : i32
        %dma_start3A_50 = arith.constant 0 : i32
        %dma_start3A_51 = tpu.memref_slice %arg5[%dma_start3A_49, %dma_start3A_50] : memref<1568x32xbf16, #tpu.memory_space<vmem>> -> memref<1392x32xbf16, #tpu.memory_space<vmem>>
        %dma_start3A_52 = arith.constant 0 : i32
        %dma_start3A_53 = arith.constant 0 : i32
        %dma_start3A_54 = tpu.memref_slice %arg3[%run_scoped3A_47, %dma_start3A_52, %dma_start3A_53] : memref<2x50000x32xbf16, #tpu.memory_space<hbm>> -> memref<1x50000x32xbf16, #tpu.memory_space<hbm>>
        %dma_start3A_55 = tpu.memref_squeeze %dma_start3A_54 : memref<1x50000x32xbf16, #tpu.memory_space<hbm>> -> memref<50000x32xbf16, #tpu.memory_space<hbm>>
        %dma_start3A_56 = arith.constant 0 : i32
        %dma_start3A_57 = tpu.memref_slice %dma_start3A_55[%mul3A_2, %dma_start3A_56] : memref<50000x32xbf16, #tpu.memory_space<hbm>> -> memref<1392x32xbf16, #tpu.memory_space<hbm>>
        %dma_start3A_58 = arith.constant 0 : i32
        %dma_start3A_59 = arith.constant 0 : i32
        %dma_start3A_60 = tpu.memref_slice %arg3[%run_scoped3A_47, %dma_start3A_58, %dma_start3A_59] : memref<2x50000x32xbf16, #tpu.memory_space<hbm>> -> memref<1x50000x32xbf16, #tpu.memory_space<hbm>>
        %dma_start3A_61 = tpu.memref_squeeze %dma_start3A_60 : memref<1x50000x32xbf16, #tpu.memory_space<hbm>> -> memref<50000x32xbf16, #tpu.memory_space<hbm>>
        %dma_start3A_62 = arith.constant 0 : i32
        %dma_start3A_63 = tpu.memref_slice %dma_start3A_61[%mul3A_2, %dma_start3A_62] : memref<50000x32xbf16, #tpu.memory_space<hbm>> -> memref<1392x32xbf16, #tpu.memory_space<hbm>>
        %dma_start3A_64 = arith.constant 0 : i32
        %dma_start3A_65 = arith.constant 0 : i32
        %dma_start3A_66 = tpu.memref_slice %arg5[%dma_start3A_64, %dma_start3A_65] : memref<1568x32xbf16, #tpu.memory_space<vmem>> -> memref<1392x32xbf16, #tpu.memory_space<vmem>>
        tpu.enqueue_dma source(%dma_start3A_66 : memref<1392x32xbf16, #tpu.memory_space<vmem>>) target(%dma_start3A_63 : memref<1392x32xbf16, #tpu.memory_space<hbm>>) target_semaphore(%run_scoped3A_48 : memref<!tpu.dma_semaphore, #tpu.memory_space<semaphore_mem>>)
        %dma_wait3A_67 = arith.constant 0 : i32
        %dma_wait3A_68 = arith.constant 0 : i32
        %dma_wait3A_69 = tpu.memref_slice %arg5[%dma_wait3A_67, %dma_wait3A_68] : memref<1568x32xbf16, #tpu.memory_space<vmem>> -> memref<1392x32xbf16, #tpu.memory_space<vmem>>
        %dma_wait3A_70 = arith.constant 0 : i32
        %dma_wait3A_71 = arith.constant 0 : i32
        %dma_wait3A_72 = tpu.memref_slice %arg3[%run_scoped3A_47, %dma_wait3A_70, %dma_wait3A_71] : memref<2x50000x32xbf16, #tpu.memory_space<hbm>> -> memref<1x50000x32xbf16, #tpu.memory_space<hbm>>
        %dma_wait3A_73 = tpu.memref_squeeze %dma_wait3A_72 : memref<1x50000x32xbf16, #tpu.memory_space<hbm>> -> memref<50000x32xbf16, #tpu.memory_space<hbm>>
        %dma_wait3A_74 = arith.constant 0 : i32
        %dma_wait3A_75 = tpu.memref_slice %dma_wait3A_73[%mul3A_2, %dma_wait3A_74] : memref<50000x32xbf16, #tpu.memory_space<hbm>> -> memref<1392x32xbf16, #tpu.memory_space<hbm>>
        %dma_wait3A_76 = arith.constant 0 : i32
        %dma_wait3A_77 = arith.constant 0 : i32
        %dma_wait3A_78 = tpu.memref_slice %arg3[%run_scoped3A_47, %dma_wait3A_76, %dma_wait3A_77] : memref<2x50000x32xbf16, #tpu.memory_space<hbm>> -> memref<1x50000x32xbf16, #tpu.memory_space<hbm>>
        %dma_wait3A_79 = tpu.memref_squeeze %dma_wait3A_78 : memref<1x50000x32xbf16, #tpu.memory_space<hbm>> -> memref<50000x32xbf16, #tpu.memory_space<hbm>>
        %dma_wait3A_80 = arith.constant 0 : i32
        %dma_wait3A_81 = tpu.memref_slice %dma_wait3A_79[%mul3A_2, %dma_wait3A_80] : memref<50000x32xbf16, #tpu.memory_space<hbm>> -> memref<1392x32xbf16, #tpu.memory_space<hbm>>
        %dma_wait3A_82 = arith.constant 0 : i32
        %dma_wait3A_83 = arith.constant 0 : i32
        %dma_wait3A_84 = tpu.memref_slice %arg5[%dma_wait3A_82, %dma_wait3A_83] : memref<1568x32xbf16, #tpu.memory_space<vmem>> -> memref<1392x32xbf16, #tpu.memory_space<vmem>>
        tpu.wait_dma2 semaphore(%run_scoped3A_48 : memref<!tpu.dma_semaphore, #tpu.memory_space<semaphore_mem>>) src(%dma_wait3A_84 : memref<1392x32xbf16, #tpu.memory_space<vmem>>) dst(%dma_wait3A_81 : memref<1392x32xbf16, #tpu.memory_space<hbm>>)
        tpu.yield
      }) : () -> ()
    } else {
    }
    return
  }
}

#map = affine_map<(d0, d1) -> (0, 0, 0)>
#map1 = affine_map<(d0, d1) -> (0, 0)>
module attributes {stable_mosaic.version = 14 : i64} {
  func.func @_cntpair_body(%arg0: i32, %arg1: i32, %arg2: memref<2x50000x16xf32, #tpu.memory_space<hbm>>, %arg3: memref<25000x128xf32, #tpu.memory_space<hbm>>, %arg4: memref<784x16xf32, #tpu.memory_space<vmem>>, %arg5: memref<784x16xf32, #tpu.memory_space<vmem>>, %arg6: memref<392x128xf32, #tpu.memory_space<vmem>>) attributes {dimension_semantics = [#tpu.dimension_semantics<core_parallel>, #tpu.dimension_semantics<subcore_parallel>], iteration_bounds = array<i64: 2, 16>, scalar_prefetch = 0 : i64, scratch_operands = 3 : i64, tpu.core_type = #tpu.core_type<sc_vector_subcore>, window_params = [{transform_indices = #map}, {transform_indices = #map1}]} {
    %mul3A = arith.constant 16 : i32
    %mul3A_0 = arith.muli %arg0, %mul3A : i32
    %add3A = arith.addi %mul3A_0, %arg1 : i32
    %mul3A_1 = arith.constant 784 : i32
    %mul3A_2 = arith.muli %add3A, %mul3A_1 : i32
    %add3A_3 = arith.constant 0 : i32
    %add3A_4 = arith.addi %mul3A_2, %add3A_3 : i32
    %mul3A_5 = arith.constant 2 : i32
    %mul3A_6 = arith.muli %mul3A_5, %add3A_4 : i32
    %run_scoped3A = arith.constant 0 : i32
    "tpu.region"() ({
      %run_scoped3A_22 = tpu.sem_alloc : memref<!tpu.dma_semaphore, #tpu.memory_space<semaphore_mem>>
      %dma_start3A = arith.constant 0 : i32
      %dma_start3A_23 = arith.constant 0 : i32
      %dma_start3A_24 = tpu.memref_slice %arg4[%dma_start3A, %dma_start3A_23] : memref<784x16xf32, #tpu.memory_space<vmem>> -> memref<784x16xf32, #tpu.memory_space<vmem>>
      %dma_start3A_25 = arith.constant 0 : i32
      %dma_start3A_26 = arith.constant 0 : i32
      %dma_start3A_27 = tpu.memref_slice %arg2[%run_scoped3A, %dma_start3A_25, %dma_start3A_26] : memref<2x50000x16xf32, #tpu.memory_space<hbm>> -> memref<1x50000x16xf32, #tpu.memory_space<hbm>>
      %dma_start3A_28 = tpu.memref_squeeze %dma_start3A_27 : memref<1x50000x16xf32, #tpu.memory_space<hbm>> -> memref<50000x16xf32, #tpu.memory_space<hbm>>
      %dma_start3A_29 = arith.constant 0 : i32
      %dma_start3A_30 = tpu.memref_slice %dma_start3A_28[%mul3A_6, %dma_start3A_29] : memref<50000x16xf32, #tpu.memory_space<hbm>> -> memref<784x16xf32, #tpu.memory_space<hbm>>
      %dma_start3A_31 = arith.constant 0 : i32
      %dma_start3A_32 = arith.constant 0 : i32
      %dma_start3A_33 = tpu.memref_slice %arg4[%dma_start3A_31, %dma_start3A_32] : memref<784x16xf32, #tpu.memory_space<vmem>> -> memref<784x16xf32, #tpu.memory_space<vmem>>
      %dma_start3A_34 = arith.constant 0 : i32
      %dma_start3A_35 = arith.constant 0 : i32
      %dma_start3A_36 = tpu.memref_slice %arg2[%run_scoped3A, %dma_start3A_34, %dma_start3A_35] : memref<2x50000x16xf32, #tpu.memory_space<hbm>> -> memref<1x50000x16xf32, #tpu.memory_space<hbm>>
      %dma_start3A_37 = tpu.memref_squeeze %dma_start3A_36 : memref<1x50000x16xf32, #tpu.memory_space<hbm>> -> memref<50000x16xf32, #tpu.memory_space<hbm>>
      %dma_start3A_38 = arith.constant 0 : i32
      %dma_start3A_39 = tpu.memref_slice %dma_start3A_37[%mul3A_6, %dma_start3A_38] : memref<50000x16xf32, #tpu.memory_space<hbm>> -> memref<784x16xf32, #tpu.memory_space<hbm>>
      tpu.enqueue_dma source(%dma_start3A_39 : memref<784x16xf32, #tpu.memory_space<hbm>>) target(%dma_start3A_33 : memref<784x16xf32, #tpu.memory_space<vmem>>) target_semaphore(%run_scoped3A_22 : memref<!tpu.dma_semaphore, #tpu.memory_space<semaphore_mem>>)
      %dma_wait3A = arith.constant 0 : i32
      %dma_wait3A_40 = arith.constant 0 : i32
      %dma_wait3A_41 = tpu.memref_slice %arg4[%dma_wait3A, %dma_wait3A_40] : memref<784x16xf32, #tpu.memory_space<vmem>> -> memref<784x16xf32, #tpu.memory_space<vmem>>
      %dma_wait3A_42 = arith.constant 0 : i32
      %dma_wait3A_43 = arith.constant 0 : i32
      %dma_wait3A_44 = tpu.memref_slice %arg2[%run_scoped3A, %dma_wait3A_42, %dma_wait3A_43] : memref<2x50000x16xf32, #tpu.memory_space<hbm>> -> memref<1x50000x16xf32, #tpu.memory_space<hbm>>
      %dma_wait3A_45 = tpu.memref_squeeze %dma_wait3A_44 : memref<1x50000x16xf32, #tpu.memory_space<hbm>> -> memref<50000x16xf32, #tpu.memory_space<hbm>>
      %dma_wait3A_46 = arith.constant 0 : i32
      %dma_wait3A_47 = tpu.memref_slice %dma_wait3A_45[%mul3A_6, %dma_wait3A_46] : memref<50000x16xf32, #tpu.memory_space<hbm>> -> memref<784x16xf32, #tpu.memory_space<hbm>>
      %dma_wait3A_48 = arith.constant 0 : i32
      %dma_wait3A_49 = arith.constant 0 : i32
      %dma_wait3A_50 = tpu.memref_slice %arg4[%dma_wait3A_48, %dma_wait3A_49] : memref<784x16xf32, #tpu.memory_space<vmem>> -> memref<784x16xf32, #tpu.memory_space<vmem>>
      %dma_wait3A_51 = arith.constant 0 : i32
      %dma_wait3A_52 = arith.constant 0 : i32
      %dma_wait3A_53 = tpu.memref_slice %arg2[%run_scoped3A, %dma_wait3A_51, %dma_wait3A_52] : memref<2x50000x16xf32, #tpu.memory_space<hbm>> -> memref<1x50000x16xf32, #tpu.memory_space<hbm>>
      %dma_wait3A_54 = tpu.memref_squeeze %dma_wait3A_53 : memref<1x50000x16xf32, #tpu.memory_space<hbm>> -> memref<50000x16xf32, #tpu.memory_space<hbm>>
      %dma_wait3A_55 = arith.constant 0 : i32
      %dma_wait3A_56 = tpu.memref_slice %dma_wait3A_54[%mul3A_6, %dma_wait3A_55] : memref<50000x16xf32, #tpu.memory_space<hbm>> -> memref<784x16xf32, #tpu.memory_space<hbm>>
      tpu.wait_dma2 semaphore(%run_scoped3A_22 : memref<!tpu.dma_semaphore, #tpu.memory_space<semaphore_mem>>) src(%dma_wait3A_56 : memref<784x16xf32, #tpu.memory_space<hbm>>) dst(%dma_wait3A_50 : memref<784x16xf32, #tpu.memory_space<vmem>>)
      tpu.yield
    }) : () -> ()
    %run_scoped3A_7 = arith.constant 1 : i32
    "tpu.region"() ({
      %run_scoped3A_22 = tpu.sem_alloc : memref<!tpu.dma_semaphore, #tpu.memory_space<semaphore_mem>>
      %dma_start3A = arith.constant 0 : i32
      %dma_start3A_23 = arith.constant 0 : i32
      %dma_start3A_24 = tpu.memref_slice %arg5[%dma_start3A, %dma_start3A_23] : memref<784x16xf32, #tpu.memory_space<vmem>> -> memref<784x16xf32, #tpu.memory_space<vmem>>
      %dma_start3A_25 = arith.constant 0 : i32
      %dma_start3A_26 = arith.constant 0 : i32
      %dma_start3A_27 = tpu.memref_slice %arg2[%run_scoped3A_7, %dma_start3A_25, %dma_start3A_26] : memref<2x50000x16xf32, #tpu.memory_space<hbm>> -> memref<1x50000x16xf32, #tpu.memory_space<hbm>>
      %dma_start3A_28 = tpu.memref_squeeze %dma_start3A_27 : memref<1x50000x16xf32, #tpu.memory_space<hbm>> -> memref<50000x16xf32, #tpu.memory_space<hbm>>
      %dma_start3A_29 = arith.constant 0 : i32
      %dma_start3A_30 = tpu.memref_slice %dma_start3A_28[%mul3A_6, %dma_start3A_29] : memref<50000x16xf32, #tpu.memory_space<hbm>> -> memref<784x16xf32, #tpu.memory_space<hbm>>
      %dma_start3A_31 = arith.constant 0 : i32
      %dma_start3A_32 = arith.constant 0 : i32
      %dma_start3A_33 = tpu.memref_slice %arg5[%dma_start3A_31, %dma_start3A_32] : memref<784x16xf32, #tpu.memory_space<vmem>> -> memref<784x16xf32, #tpu.memory_space<vmem>>
      %dma_start3A_34 = arith.constant 0 : i32
      %dma_start3A_35 = arith.constant 0 : i32
      %dma_start3A_36 = tpu.memref_slice %arg2[%run_scoped3A_7, %dma_start3A_34, %dma_start3A_35] : memref<2x50000x16xf32, #tpu.memory_space<hbm>> -> memref<1x50000x16xf32, #tpu.memory_space<hbm>>
      %dma_start3A_37 = tpu.memref_squeeze %dma_start3A_36 : memref<1x50000x16xf32, #tpu.memory_space<hbm>> -> memref<50000x16xf32, #tpu.memory_space<hbm>>
      %dma_start3A_38 = arith.constant 0 : i32
      %dma_start3A_39 = tpu.memref_slice %dma_start3A_37[%mul3A_6, %dma_start3A_38] : memref<50000x16xf32, #tpu.memory_space<hbm>> -> memref<784x16xf32, #tpu.memory_space<hbm>>
      tpu.enqueue_dma source(%dma_start3A_39 : memref<784x16xf32, #tpu.memory_space<hbm>>) target(%dma_start3A_33 : memref<784x16xf32, #tpu.memory_space<vmem>>) target_semaphore(%run_scoped3A_22 : memref<!tpu.dma_semaphore, #tpu.memory_space<semaphore_mem>>)
      %dma_wait3A = arith.constant 0 : i32
      %dma_wait3A_40 = arith.constant 0 : i32
      %dma_wait3A_41 = tpu.memref_slice %arg5[%dma_wait3A, %dma_wait3A_40] : memref<784x16xf32, #tpu.memory_space<vmem>> -> memref<784x16xf32, #tpu.memory_space<vmem>>
      %dma_wait3A_42 = arith.constant 0 : i32
      %dma_wait3A_43 = arith.constant 0 : i32
      %dma_wait3A_44 = tpu.memref_slice %arg2[%run_scoped3A_7, %dma_wait3A_42, %dma_wait3A_43] : memref<2x50000x16xf32, #tpu.memory_space<hbm>> -> memref<1x50000x16xf32, #tpu.memory_space<hbm>>
      %dma_wait3A_45 = tpu.memref_squeeze %dma_wait3A_44 : memref<1x50000x16xf32, #tpu.memory_space<hbm>> -> memref<50000x16xf32, #tpu.memory_space<hbm>>
      %dma_wait3A_46 = arith.constant 0 : i32
      %dma_wait3A_47 = tpu.memref_slice %dma_wait3A_45[%mul3A_6, %dma_wait3A_46] : memref<50000x16xf32, #tpu.memory_space<hbm>> -> memref<784x16xf32, #tpu.memory_space<hbm>>
      %dma_wait3A_48 = arith.constant 0 : i32
      %dma_wait3A_49 = arith.constant 0 : i32
      %dma_wait3A_50 = tpu.memref_slice %arg5[%dma_wait3A_48, %dma_wait3A_49] : memref<784x16xf32, #tpu.memory_space<vmem>> -> memref<784x16xf32, #tpu.memory_space<vmem>>
      %dma_wait3A_51 = arith.constant 0 : i32
      %dma_wait3A_52 = arith.constant 0 : i32
      %dma_wait3A_53 = tpu.memref_slice %arg2[%run_scoped3A_7, %dma_wait3A_51, %dma_wait3A_52] : memref<2x50000x16xf32, #tpu.memory_space<hbm>> -> memref<1x50000x16xf32, #tpu.memory_space<hbm>>
      %dma_wait3A_54 = tpu.memref_squeeze %dma_wait3A_53 : memref<1x50000x16xf32, #tpu.memory_space<hbm>> -> memref<50000x16xf32, #tpu.memory_space<hbm>>
      %dma_wait3A_55 = arith.constant 0 : i32
      %dma_wait3A_56 = tpu.memref_slice %dma_wait3A_54[%mul3A_6, %dma_wait3A_55] : memref<50000x16xf32, #tpu.memory_space<hbm>> -> memref<784x16xf32, #tpu.memory_space<hbm>>
      tpu.wait_dma2 semaphore(%run_scoped3A_22 : memref<!tpu.dma_semaphore, #tpu.memory_space<semaphore_mem>>) src(%dma_wait3A_56 : memref<784x16xf32, #tpu.memory_space<hbm>>) dst(%dma_wait3A_50 : memref<784x16xf32, #tpu.memory_space<vmem>>)
      tpu.yield
    }) : () -> ()
    %scan3A = arith.constant 0 : i32
    %scan3A_8 = arith.constant 0 : i32
    %scan3A_9 = arith.constant 392 : i32
    %scan3A_10 = arith.addi %scan3A_8, %scan3A_9 : i32
    %scan3A_11 = arith.constant 1 : i32
    %scan3A_12 = scf.for %scan3A_22 = %scan3A_8 to %scan3A_10 step %scan3A_11 iter_args(%scan3A_23 = %scan3A) -> (i32)  : i32 {
      %mul3A_24 = arith.constant 2 : i32
      %mul3A_25 = arith.muli %mul3A_24, %scan3A_22 : i32
      %get3A = arith.index_cast %mul3A_25 : i32 to index
      %get3A_26 = arith.constant 0 : index
      %get3A_27 = tpu.vector_load %arg4[%get3A, %get3A_26] {strides = array<i32>} : memref<784x16xf32, #tpu.memory_space<vmem>>, vector<1x16xf32>,
      %get3A_28 = vector.shape_cast %get3A_27 : vector<1x16xf32> to vector<16xf32>
      %mul3A_29 = arith.constant 2 : i32
      %mul3A_30 = arith.muli %mul3A_29, %scan3A_22 : i32
      %get3A_31 = arith.index_cast %mul3A_30 : i32 to index
      %get3A_32 = arith.constant 0 : index
      %get3A_33 = tpu.vector_load %arg5[%get3A_31, %get3A_32] {strides = array<i32>} : memref<784x16xf32, #tpu.memory_space<vmem>>, vector<1x16xf32>,
      %get3A_34 = vector.shape_cast %get3A_33 : vector<1x16xf32> to vector<16xf32>
      %add3A_35 = arith.addf %get3A_28, %get3A_34 : vector<16xf32>
      %add3A_36 = arith.constant 1.000000e+00 : f32
      %add3A_37 = vector.broadcast %add3A_36 : f32 to vector<16xf32>
      %add3A_38 = arith.addf %add3A_35, %add3A_37 : vector<16xf32>
      %mul3A_39 = arith.constant 2 : i32
      %mul3A_40 = arith.muli %mul3A_39, %scan3A_22 : i32
      %add3A_41 = arith.constant 1 : i32
      %add3A_42 = arith.addi %mul3A_40, %add3A_41 : i32
      %get3A_43 = arith.index_cast %add3A_42 : i32 to index
      %get3A_44 = arith.constant 0 : index
      %get3A_45 = tpu.vector_load %arg4[%get3A_43, %get3A_44] {strides = array<i32>} : memref<784x16xf32, #tpu.memory_space<vmem>>, vector<1x16xf32>,
      %get3A_46 = vector.shape_cast %get3A_45 : vector<1x16xf32> to vector<16xf32>
      %mul3A_47 = arith.constant 2 : i32
      %mul3A_48 = arith.muli %mul3A_47, %scan3A_22 : i32
      %add3A_49 = arith.constant 1 : i32
      %add3A_50 = arith.addi %mul3A_48, %add3A_49 : i32
      %get3A_51 = arith.index_cast %add3A_50 : i32 to index
      %get3A_52 = arith.constant 0 : index
      %get3A_53 = tpu.vector_load %arg5[%get3A_51, %get3A_52] {strides = array<i32>} : memref<784x16xf32, #tpu.memory_space<vmem>>, vector<1x16xf32>,
      %get3A_54 = vector.shape_cast %get3A_53 : vector<1x16xf32> to vector<16xf32>
      %add3A_55 = arith.addf %get3A_46, %get3A_54 : vector<16xf32>
      %add3A_56 = arith.constant 1.000000e+00 : f32
      %add3A_57 = vector.broadcast %add3A_56 : f32 to vector<16xf32>
      %add3A_58 = arith.addf %add3A_55, %add3A_57 : vector<16xf32>
      %swap3A = arith.index_cast %scan3A_22 : i32 to index
      %swap3A_59 = arith.constant 0 : index
      %swap3A_60 = tpu.vector_load %arg6[%swap3A, %swap3A_59] {strides = array<i32>} : memref<392x128xf32, #tpu.memory_space<vmem>>, vector<1x16xf32>,
      %swap3A_61 = vector.shape_cast %swap3A_60 : vector<1x16xf32> to vector<16xf32>
      %swap3A_62 = vector.shape_cast %add3A_38 : vector<16xf32> to vector<1x16xf32>
      tpu.vector_store %arg6[%swap3A, %swap3A_59], %swap3A_62 {strides = array<i32>} : memref<392x128xf32, #tpu.memory_space<vmem>>, vector<1x16xf32>,
      %swap3A_63 = arith.index_cast %scan3A_22 : i32 to index
      %swap3A_64 = arith.constant 16 : index
      %swap3A_65 = tpu.vector_load %arg6[%swap3A_63, %swap3A_64] {strides = array<i32>} : memref<392x128xf32, #tpu.memory_space<vmem>>, vector<1x16xf32>,
      %swap3A_66 = vector.shape_cast %swap3A_65 : vector<1x16xf32> to vector<16xf32>
      %swap3A_67 = vector.shape_cast %add3A_38 : vector<16xf32> to vector<1x16xf32>
      tpu.vector_store %arg6[%swap3A_63, %swap3A_64], %swap3A_67 {strides = array<i32>} : memref<392x128xf32, #tpu.memory_space<vmem>>, vector<1x16xf32>,
      %swap3A_68 = arith.index_cast %scan3A_22 : i32 to index
      %swap3A_69 = arith.constant 32 : index
      %swap3A_70 = tpu.vector_load %arg6[%swap3A_68, %swap3A_69] {strides = array<i32>} : memref<392x128xf32, #tpu.memory_space<vmem>>, vector<1x16xf32>,
      %swap3A_71 = vector.shape_cast %swap3A_70 : vector<1x16xf32> to vector<16xf32>
      %swap3A_72 = vector.shape_cast %add3A_38 : vector<16xf32> to vector<1x16xf32>
      tpu.vector_store %arg6[%swap3A_68, %swap3A_69], %swap3A_72 {strides = array<i32>} : memref<392x128xf32, #tpu.memory_space<vmem>>, vector<1x16xf32>,
      %swap3A_73 = arith.index_cast %scan3A_22 : i32 to index
      %swap3A_74 = arith.constant 48 : index
      %swap3A_75 = tpu.vector_load %arg6[%swap3A_73, %swap3A_74] {strides = array<i32>} : memref<392x128xf32, #tpu.memory_space<vmem>>, vector<1x16xf32>,
      %swap3A_76 = vector.shape_cast %swap3A_75 : vector<1x16xf32> to vector<16xf32>
      %swap3A_77 = vector.shape_cast %add3A_38 : vector<16xf32> to vector<1x16xf32>
      tpu.vector_store %arg6[%swap3A_73, %swap3A_74], %swap3A_77 {strides = array<i32>} : memref<392x128xf32, #tpu.memory_space<vmem>>, vector<1x16xf32>,
      %swap3A_78 = arith.index_cast %scan3A_22 : i32 to index
      %swap3A_79 = arith.constant 64 : index
      %swap3A_80 = tpu.vector_load %arg6[%swap3A_78, %swap3A_79] {strides = array<i32>} : memref<392x128xf32, #tpu.memory_space<vmem>>, vector<1x16xf32>,
      %swap3A_81 = vector.shape_cast %swap3A_80 : vector<1x16xf32> to vector<16xf32>
      %swap3A_82 = vector.shape_cast %add3A_58 : vector<16xf32> to vector<1x16xf32>
      tpu.vector_store %arg6[%swap3A_78, %swap3A_79], %swap3A_82 {strides = array<i32>} : memref<392x128xf32, #tpu.memory_space<vmem>>, vector<1x16xf32>,
      %swap3A_83 = arith.index_cast %scan3A_22 : i32 to index
      %swap3A_84 = arith.constant 80 : index
      %swap3A_85 = tpu.vector_load %arg6[%swap3A_83, %swap3A_84] {strides = array<i32>} : memref<392x128xf32, #tpu.memory_space<vmem>>, vector<1x16xf32>,
      %swap3A_86 = vector.shape_cast %swap3A_85 : vector<1x16xf32> to vector<16xf32>
      %swap3A_87 = vector.shape_cast %add3A_58 : vector<16xf32> to vector<1x16xf32>
      tpu.vector_store %arg6[%swap3A_83, %swap3A_84], %swap3A_87 {strides = array<i32>} : memref<392x128xf32, #tpu.memory_space<vmem>>, vector<1x16xf32>,
      %swap3A_88 = arith.index_cast %scan3A_22 : i32 to index
      %swap3A_89 = arith.constant 96 : index
      %swap3A_90 = tpu.vector_load %arg6[%swap3A_88, %swap3A_89] {strides = array<i32>} : memref<392x128xf32, #tpu.memory_space<vmem>>, vector<1x16xf32>,
      %swap3A_91 = vector.shape_cast %swap3A_90 : vector<1x16xf32> to vector<16xf32>
      %swap3A_92 = vector.shape_cast %add3A_58 : vector<16xf32> to vector<1x16xf32>
      tpu.vector_store %arg6[%swap3A_88, %swap3A_89], %swap3A_92 {strides = array<i32>} : memref<392x128xf32, #tpu.memory_space<vmem>>, vector<1x16xf32>,
      %swap3A_93 = arith.index_cast %scan3A_22 : i32 to index
      %swap3A_94 = arith.constant 112 : index
      %swap3A_95 = tpu.vector_load %arg6[%swap3A_93, %swap3A_94] {strides = array<i32>} : memref<392x128xf32, #tpu.memory_space<vmem>>, vector<1x16xf32>,
      %swap3A_96 = vector.shape_cast %swap3A_95 : vector<1x16xf32> to vector<16xf32>
      %swap3A_97 = vector.shape_cast %add3A_58 : vector<16xf32> to vector<1x16xf32>
      tpu.vector_store %arg6[%swap3A_93, %swap3A_94], %swap3A_97 {strides = array<i32>} : memref<392x128xf32, #tpu.memory_space<vmem>>, vector<1x16xf32>,
      %scan3A_98 = arith.constant 0 : i32
      scf.yield %scan3A_98 : i32
    }
    %scan3A_13 = arith.constant 392 : i32
    %add3A_14 = arith.constant 0 : i32
    %add3A_15 = arith.addi %mul3A_2, %add3A_14 : i32
    "tpu.region"() ({
      %run_scoped3A_22 = tpu.sem_alloc : memref<!tpu.dma_semaphore, #tpu.memory_space<semaphore_mem>>
      %dma_start3A = arith.constant 0 : i32
      %dma_start3A_23 = arith.constant 0 : i32
      %dma_start3A_24 = tpu.memref_slice %arg6[%dma_start3A, %dma_start3A_23] : memref<392x128xf32, #tpu.memory_space<vmem>> -> memref<392x128xf32, #tpu.memory_space<vmem>>
      %dma_start3A_25 = arith.constant 0 : i32
      %dma_start3A_26 = tpu.memref_slice %arg3[%add3A_15, %dma_start3A_25] : memref<25000x128xf32, #tpu.memory_space<hbm>> -> memref<392x128xf32, #tpu.memory_space<hbm>>
      %dma_start3A_27 = arith.constant 0 : i32
      %dma_start3A_28 = tpu.memref_slice %arg3[%add3A_15, %dma_start3A_27] : memref<25000x128xf32, #tpu.memory_space<hbm>> -> memref<392x128xf32, #tpu.memory_space<hbm>>
      %dma_start3A_29 = arith.constant 0 : i32
      %dma_start3A_30 = arith.constant 0 : i32
      %dma_start3A_31 = tpu.memref_slice %arg6[%dma_start3A_29, %dma_start3A_30] : memref<392x128xf32, #tpu.memory_space<vmem>> -> memref<392x128xf32, #tpu.memory_space<vmem>>
      tpu.enqueue_dma source(%dma_start3A_31 : memref<392x128xf32, #tpu.memory_space<vmem>>) target(%dma_start3A_28 : memref<392x128xf32, #tpu.memory_space<hbm>>) target_semaphore(%run_scoped3A_22 : memref<!tpu.dma_semaphore, #tpu.memory_space<semaphore_mem>>)
      %dma_wait3A = arith.constant 0 : i32
      %dma_wait3A_32 = arith.constant 0 : i32
      %dma_wait3A_33 = tpu.memref_slice %arg6[%dma_wait3A, %dma_wait3A_32] : memref<392x128xf32, #tpu.memory_space<vmem>> -> memref<392x128xf32, #tpu.memory_space<vmem>>
      %dma_wait3A_34 = arith.constant 0 : i32
      %dma_wait3A_35 = tpu.memref_slice %arg3[%add3A_15, %dma_wait3A_34] : memref<25000x128xf32, #tpu.memory_space<hbm>> -> memref<392x128xf32, #tpu.memory_space<hbm>>
      %dma_wait3A_36 = arith.constant 0 : i32
      %dma_wait3A_37 = tpu.memref_slice %arg3[%add3A_15, %dma_wait3A_36] : memref<25000x128xf32, #tpu.memory_space<hbm>> -> memref<392x128xf32, #tpu.memory_space<hbm>>
      %dma_wait3A_38 = arith.constant 0 : i32
      %dma_wait3A_39 = arith.constant 0 : i32
      %dma_wait3A_40 = tpu.memref_slice %arg6[%dma_wait3A_38, %dma_wait3A_39] : memref<392x128xf32, #tpu.memory_space<vmem>> -> memref<392x128xf32, #tpu.memory_space<vmem>>
      tpu.wait_dma2 semaphore(%run_scoped3A_22 : memref<!tpu.dma_semaphore, #tpu.memory_space<semaphore_mem>>) src(%dma_wait3A_40 : memref<392x128xf32, #tpu.memory_space<vmem>>) dst(%dma_wait3A_37 : memref<392x128xf32, #tpu.memory_space<hbm>>)
      tpu.yield
    }) : () -> ()
    %lt3A = arith.constant 31 : i32
    %lt3A_16 = arith.cmpi slt, %add3A, %lt3A : i32
    %convert_element_type3A = arith.extui %lt3A_16 : i1 to i32
    %cond3A = arith.constant 0 : i32
    %cond3A_17 = arith.cmpi ne, %convert_element_type3A, %cond3A : i32
    scf.if %cond3A_17 {
      %add3A_22 = arith.constant 392 : i32
      %add3A_23 = arith.addi %mul3A_2, %add3A_22 : i32
      %mul3A_24 = arith.constant 2 : i32
      %mul3A_25 = arith.muli %mul3A_24, %add3A_23 : i32
      %run_scoped3A_26 = arith.constant 0 : i32
      "tpu.region"() ({
        %run_scoped3A_37 = tpu.sem_alloc : memref<!tpu.dma_semaphore, #tpu.memory_space<semaphore_mem>>
        %dma_start3A = arith.constant 0 : i32
        %dma_start3A_38 = arith.constant 0 : i32
        %dma_start3A_39 = tpu.memref_slice %arg4[%dma_start3A, %dma_start3A_38] : memref<784x16xf32, #tpu.memory_space<vmem>> -> memref<784x16xf32, #tpu.memory_space<vmem>>
        %dma_start3A_40 = arith.constant 0 : i32
        %dma_start3A_41 = arith.constant 0 : i32
        %dma_start3A_42 = tpu.memref_slice %arg2[%run_scoped3A_26, %dma_start3A_40, %dma_start3A_41] : memref<2x50000x16xf32, #tpu.memory_space<hbm>> -> memref<1x50000x16xf32, #tpu.memory_space<hbm>>
        %dma_start3A_43 = tpu.memref_squeeze %dma_start3A_42 : memref<1x50000x16xf32, #tpu.memory_space<hbm>> -> memref<50000x16xf32, #tpu.memory_space<hbm>>
        %dma_start3A_44 = arith.constant 0 : i32
        %dma_start3A_45 = tpu.memref_slice %dma_start3A_43[%mul3A_25, %dma_start3A_44] : memref<50000x16xf32, #tpu.memory_space<hbm>> -> memref<784x16xf32, #tpu.memory_space<hbm>>
        %dma_start3A_46 = arith.constant 0 : i32
        %dma_start3A_47 = arith.constant 0 : i32
        %dma_start3A_48 = tpu.memref_slice %arg4[%dma_start3A_46, %dma_start3A_47] : memref<784x16xf32, #tpu.memory_space<vmem>> -> memref<784x16xf32, #tpu.memory_space<vmem>>
        %dma_start3A_49 = arith.constant 0 : i32
        %dma_start3A_50 = arith.constant 0 : i32
        %dma_start3A_51 = tpu.memref_slice %arg2[%run_scoped3A_26, %dma_start3A_49, %dma_start3A_50] : memref<2x50000x16xf32, #tpu.memory_space<hbm>> -> memref<1x50000x16xf32, #tpu.memory_space<hbm>>
        %dma_start3A_52 = tpu.memref_squeeze %dma_start3A_51 : memref<1x50000x16xf32, #tpu.memory_space<hbm>> -> memref<50000x16xf32, #tpu.memory_space<hbm>>
        %dma_start3A_53 = arith.constant 0 : i32
        %dma_start3A_54 = tpu.memref_slice %dma_start3A_52[%mul3A_25, %dma_start3A_53] : memref<50000x16xf32, #tpu.memory_space<hbm>> -> memref<784x16xf32, #tpu.memory_space<hbm>>
        tpu.enqueue_dma source(%dma_start3A_54 : memref<784x16xf32, #tpu.memory_space<hbm>>) target(%dma_start3A_48 : memref<784x16xf32, #tpu.memory_space<vmem>>) target_semaphore(%run_scoped3A_37 : memref<!tpu.dma_semaphore, #tpu.memory_space<semaphore_mem>>)
        %dma_wait3A = arith.constant 0 : i32
        %dma_wait3A_55 = arith.constant 0 : i32
        %dma_wait3A_56 = tpu.memref_slice %arg4[%dma_wait3A, %dma_wait3A_55] : memref<784x16xf32, #tpu.memory_space<vmem>> -> memref<784x16xf32, #tpu.memory_space<vmem>>
        %dma_wait3A_57 = arith.constant 0 : i32
        %dma_wait3A_58 = arith.constant 0 : i32
        %dma_wait3A_59 = tpu.memref_slice %arg2[%run_scoped3A_26, %dma_wait3A_57, %dma_wait3A_58] : memref<2x50000x16xf32, #tpu.memory_space<hbm>> -> memref<1x50000x16xf32, #tpu.memory_space<hbm>>
        %dma_wait3A_60 = tpu.memref_squeeze %dma_wait3A_59 : memref<1x50000x16xf32, #tpu.memory_space<hbm>> -> memref<50000x16xf32, #tpu.memory_space<hbm>>
        %dma_wait3A_61 = arith.constant 0 : i32
        %dma_wait3A_62 = tpu.memref_slice %dma_wait3A_60[%mul3A_25, %dma_wait3A_61] : memref<50000x16xf32, #tpu.memory_space<hbm>> -> memref<784x16xf32, #tpu.memory_space<hbm>>
        %dma_wait3A_63 = arith.constant 0 : i32
        %dma_wait3A_64 = arith.constant 0 : i32
        %dma_wait3A_65 = tpu.memref_slice %arg4[%dma_wait3A_63, %dma_wait3A_64] : memref<784x16xf32, #tpu.memory_space<vmem>> -> memref<784x16xf32, #tpu.memory_space<vmem>>
        %dma_wait3A_66 = arith.constant 0 : i32
        %dma_wait3A_67 = arith.constant 0 : i32
        %dma_wait3A_68 = tpu.memref_slice %arg2[%run_scoped3A_26, %dma_wait3A_66, %dma_wait3A_67] : memref<2x50000x16xf32, #tpu.memory_space<hbm>> -> memref<1x50000x16xf32, #tpu.memory_space<hbm>>
        %dma_wait3A_69 = tpu.memref_squeeze %dma_wait3A_68 : memref<1x50000x16xf32, #tpu.memory_space<hbm>> -> memref<50000x16xf32, #tpu.memory_space<hbm>>
        %dma_wait3A_70 = arith.constant 0 : i32
        %dma_wait3A_71 = tpu.memref_slice %dma_wait3A_69[%mul3A_25, %dma_wait3A_70] : memref<50000x16xf32, #tpu.memory_space<hbm>> -> memref<784x16xf32, #tpu.memory_space<hbm>>
        tpu.wait_dma2 semaphore(%run_scoped3A_37 : memref<!tpu.dma_semaphore, #tpu.memory_space<semaphore_mem>>) src(%dma_wait3A_71 : memref<784x16xf32, #tpu.memory_space<hbm>>) dst(%dma_wait3A_65 : memref<784x16xf32, #tpu.memory_space<vmem>>)
        tpu.yield
      }) : () -> ()
      %run_scoped3A_27 = arith.constant 1 : i32
      "tpu.region"() ({
        %run_scoped3A_37 = tpu.sem_alloc : memref<!tpu.dma_semaphore, #tpu.memory_space<semaphore_mem>>
        %dma_start3A = arith.constant 0 : i32
        %dma_start3A_38 = arith.constant 0 : i32
        %dma_start3A_39 = tpu.memref_slice %arg5[%dma_start3A, %dma_start3A_38] : memref<784x16xf32, #tpu.memory_space<vmem>> -> memref<784x16xf32, #tpu.memory_space<vmem>>
        %dma_start3A_40 = arith.constant 0 : i32
        %dma_start3A_41 = arith.constant 0 : i32
        %dma_start3A_42 = tpu.memref_slice %arg2[%run_scoped3A_27, %dma_start3A_40, %dma_start3A_41] : memref<2x50000x16xf32, #tpu.memory_space<hbm>> -> memref<1x50000x16xf32, #tpu.memory_space<hbm>>
        %dma_start3A_43 = tpu.memref_squeeze %dma_start3A_42 : memref<1x50000x16xf32, #tpu.memory_space<hbm>> -> memref<50000x16xf32, #tpu.memory_space<hbm>>
        %dma_start3A_44 = arith.constant 0 : i32
        %dma_start3A_45 = tpu.memref_slice %dma_start3A_43[%mul3A_25, %dma_start3A_44] : memref<50000x16xf32, #tpu.memory_space<hbm>> -> memref<784x16xf32, #tpu.memory_space<hbm>>
        %dma_start3A_46 = arith.constant 0 : i32
        %dma_start3A_47 = arith.constant 0 : i32
        %dma_start3A_48 = tpu.memref_slice %arg5[%dma_start3A_46, %dma_start3A_47] : memref<784x16xf32, #tpu.memory_space<vmem>> -> memref<784x16xf32, #tpu.memory_space<vmem>>
        %dma_start3A_49 = arith.constant 0 : i32
        %dma_start3A_50 = arith.constant 0 : i32
        %dma_start3A_51 = tpu.memref_slice %arg2[%run_scoped3A_27, %dma_start3A_49, %dma_start3A_50] : memref<2x50000x16xf32, #tpu.memory_space<hbm>> -> memref<1x50000x16xf32, #tpu.memory_space<hbm>>
        %dma_start3A_52 = tpu.memref_squeeze %dma_start3A_51 : memref<1x50000x16xf32, #tpu.memory_space<hbm>> -> memref<50000x16xf32, #tpu.memory_space<hbm>>
        %dma_start3A_53 = arith.constant 0 : i32
        %dma_start3A_54 = tpu.memref_slice %dma_start3A_52[%mul3A_25, %dma_start3A_53] : memref<50000x16xf32, #tpu.memory_space<hbm>> -> memref<784x16xf32, #tpu.memory_space<hbm>>
        tpu.enqueue_dma source(%dma_start3A_54 : memref<784x16xf32, #tpu.memory_space<hbm>>) target(%dma_start3A_48 : memref<784x16xf32, #tpu.memory_space<vmem>>) target_semaphore(%run_scoped3A_37 : memref<!tpu.dma_semaphore, #tpu.memory_space<semaphore_mem>>)
        %dma_wait3A = arith.constant 0 : i32
        %dma_wait3A_55 = arith.constant 0 : i32
        %dma_wait3A_56 = tpu.memref_slice %arg5[%dma_wait3A, %dma_wait3A_55] : memref<784x16xf32, #tpu.memory_space<vmem>> -> memref<784x16xf32, #tpu.memory_space<vmem>>
        %dma_wait3A_57 = arith.constant 0 : i32
        %dma_wait3A_58 = arith.constant 0 : i32
        %dma_wait3A_59 = tpu.memref_slice %arg2[%run_scoped3A_27, %dma_wait3A_57, %dma_wait3A_58] : memref<2x50000x16xf32, #tpu.memory_space<hbm>> -> memref<1x50000x16xf32, #tpu.memory_space<hbm>>
        %dma_wait3A_60 = tpu.memref_squeeze %dma_wait3A_59 : memref<1x50000x16xf32, #tpu.memory_space<hbm>> -> memref<50000x16xf32, #tpu.memory_space<hbm>>
        %dma_wait3A_61 = arith.constant 0 : i32
        %dma_wait3A_62 = tpu.memref_slice %dma_wait3A_60[%mul3A_25, %dma_wait3A_61] : memref<50000x16xf32, #tpu.memory_space<hbm>> -> memref<784x16xf32, #tpu.memory_space<hbm>>
        %dma_wait3A_63 = arith.constant 0 : i32
        %dma_wait3A_64 = arith.constant 0 : i32
        %dma_wait3A_65 = tpu.memref_slice %arg5[%dma_wait3A_63, %dma_wait3A_64] : memref<784x16xf32, #tpu.memory_space<vmem>> -> memref<784x16xf32, #tpu.memory_space<vmem>>
        %dma_wait3A_66 = arith.constant 0 : i32
        %dma_wait3A_67 = arith.constant 0 : i32
        %dma_wait3A_68 = tpu.memref_slice %arg2[%run_scoped3A_27, %dma_wait3A_66, %dma_wait3A_67] : memref<2x50000x16xf32, #tpu.memory_space<hbm>> -> memref<1x50000x16xf32, #tpu.memory_space<hbm>>
        %dma_wait3A_69 = tpu.memref_squeeze %dma_wait3A_68 : memref<1x50000x16xf32, #tpu.memory_space<hbm>> -> memref<50000x16xf32, #tpu.memory_space<hbm>>
        %dma_wait3A_70 = arith.constant 0 : i32
        %dma_wait3A_71 = tpu.memref_slice %dma_wait3A_69[%mul3A_25, %dma_wait3A_70] : memref<50000x16xf32, #tpu.memory_space<hbm>> -> memref<784x16xf32, #tpu.memory_space<hbm>>
        tpu.wait_dma2 semaphore(%run_scoped3A_37 : memref<!tpu.dma_semaphore, #tpu.memory_space<semaphore_mem>>) src(%dma_wait3A_71 : memref<784x16xf32, #tpu.memory_space<hbm>>) dst(%dma_wait3A_65 : memref<784x16xf32, #tpu.memory_space<vmem>>)
        tpu.yield
      }) : () -> ()
      %scan3A_28 = arith.constant 0 : i32
      %scan3A_29 = arith.constant 0 : i32
      %scan3A_30 = arith.constant 392 : i32
      %scan3A_31 = arith.addi %scan3A_29, %scan3A_30 : i32
      %scan3A_32 = arith.constant 1 : i32
      %scan3A_33 = scf.for %scan3A_37 = %scan3A_29 to %scan3A_31 step %scan3A_32 iter_args(%scan3A_38 = %scan3A_28) -> (i32)  : i32 {
        %mul3A_39 = arith.constant 2 : i32
        %mul3A_40 = arith.muli %mul3A_39, %scan3A_37 : i32
        %get3A = arith.index_cast %mul3A_40 : i32 to index
        %get3A_41 = arith.constant 0 : index
        %get3A_42 = tpu.vector_load %arg4[%get3A, %get3A_41] {strides = array<i32>} : memref<784x16xf32, #tpu.memory_space<vmem>>, vector<1x16xf32>,
        %get3A_43 = vector.shape_cast %get3A_42 : vector<1x16xf32> to vector<16xf32>
        %mul3A_44 = arith.constant 2 : i32
        %mul3A_45 = arith.muli %mul3A_44, %scan3A_37 : i32
        %get3A_46 = arith.index_cast %mul3A_45 : i32 to index
        %get3A_47 = arith.constant 0 : index
        %get3A_48 = tpu.vector_load %arg5[%get3A_46, %get3A_47] {strides = array<i32>} : memref<784x16xf32, #tpu.memory_space<vmem>>, vector<1x16xf32>,
        %get3A_49 = vector.shape_cast %get3A_48 : vector<1x16xf32> to vector<16xf32>
        %add3A_50 = arith.addf %get3A_43, %get3A_49 : vector<16xf32>
        %add3A_51 = arith.constant 1.000000e+00 : f32
        %add3A_52 = vector.broadcast %add3A_51 : f32 to vector<16xf32>
        %add3A_53 = arith.addf %add3A_50, %add3A_52 : vector<16xf32>
        %mul3A_54 = arith.constant 2 : i32
        %mul3A_55 = arith.muli %mul3A_54, %scan3A_37 : i32
        %add3A_56 = arith.constant 1 : i32
        %add3A_57 = arith.addi %mul3A_55, %add3A_56 : i32
        %get3A_58 = arith.index_cast %add3A_57 : i32 to index
        %get3A_59 = arith.constant 0 : index
        %get3A_60 = tpu.vector_load %arg4[%get3A_58, %get3A_59] {strides = array<i32>} : memref<784x16xf32, #tpu.memory_space<vmem>>, vector<1x16xf32>,
        %get3A_61 = vector.shape_cast %get3A_60 : vector<1x16xf32> to vector<16xf32>
        %mul3A_62 = arith.constant 2 : i32
        %mul3A_63 = arith.muli %mul3A_62, %scan3A_37 : i32
        %add3A_64 = arith.constant 1 : i32
        %add3A_65 = arith.addi %mul3A_63, %add3A_64 : i32
        %get3A_66 = arith.index_cast %add3A_65 : i32 to index
        %get3A_67 = arith.constant 0 : index
        %get3A_68 = tpu.vector_load %arg5[%get3A_66, %get3A_67] {strides = array<i32>} : memref<784x16xf32, #tpu.memory_space<vmem>>, vector<1x16xf32>,
        %get3A_69 = vector.shape_cast %get3A_68 : vector<1x16xf32> to vector<16xf32>
        %add3A_70 = arith.addf %get3A_61, %get3A_69 : vector<16xf32>
        %add3A_71 = arith.constant 1.000000e+00 : f32
        %add3A_72 = vector.broadcast %add3A_71 : f32 to vector<16xf32>
        %add3A_73 = arith.addf %add3A_70, %add3A_72 : vector<16xf32>
        %swap3A = arith.index_cast %scan3A_37 : i32 to index
        %swap3A_74 = arith.constant 0 : index
        %swap3A_75 = tpu.vector_load %arg6[%swap3A, %swap3A_74] {strides = array<i32>} : memref<392x128xf32, #tpu.memory_space<vmem>>, vector<1x16xf32>,
        %swap3A_76 = vector.shape_cast %swap3A_75 : vector<1x16xf32> to vector<16xf32>
        %swap3A_77 = vector.shape_cast %add3A_53 : vector<16xf32> to vector<1x16xf32>
        tpu.vector_store %arg6[%swap3A, %swap3A_74], %swap3A_77 {strides = array<i32>} : memref<392x128xf32, #tpu.memory_space<vmem>>, vector<1x16xf32>,
        %swap3A_78 = arith.index_cast %scan3A_37 : i32 to index
        %swap3A_79 = arith.constant 16 : index
        %swap3A_80 = tpu.vector_load %arg6[%swap3A_78, %swap3A_79] {strides = array<i32>} : memref<392x128xf32, #tpu.memory_space<vmem>>, vector<1x16xf32>,
        %swap3A_81 = vector.shape_cast %swap3A_80 : vector<1x16xf32> to vector<16xf32>
        %swap3A_82 = vector.shape_cast %add3A_53 : vector<16xf32> to vector<1x16xf32>
        tpu.vector_store %arg6[%swap3A_78, %swap3A_79], %swap3A_82 {strides = array<i32>} : memref<392x128xf32, #tpu.memory_space<vmem>>, vector<1x16xf32>,
        %swap3A_83 = arith.index_cast %scan3A_37 : i32 to index
        %swap3A_84 = arith.constant 32 : index
        %swap3A_85 = tpu.vector_load %arg6[%swap3A_83, %swap3A_84] {strides = array<i32>} : memref<392x128xf32, #tpu.memory_space<vmem>>, vector<1x16xf32>,
        %swap3A_86 = vector.shape_cast %swap3A_85 : vector<1x16xf32> to vector<16xf32>
        %swap3A_87 = vector.shape_cast %add3A_53 : vector<16xf32> to vector<1x16xf32>
        tpu.vector_store %arg6[%swap3A_83, %swap3A_84], %swap3A_87 {strides = array<i32>} : memref<392x128xf32, #tpu.memory_space<vmem>>, vector<1x16xf32>,
        %swap3A_88 = arith.index_cast %scan3A_37 : i32 to index
        %swap3A_89 = arith.constant 48 : index
        %swap3A_90 = tpu.vector_load %arg6[%swap3A_88, %swap3A_89] {strides = array<i32>} : memref<392x128xf32, #tpu.memory_space<vmem>>, vector<1x16xf32>,
        %swap3A_91 = vector.shape_cast %swap3A_90 : vector<1x16xf32> to vector<16xf32>
        %swap3A_92 = vector.shape_cast %add3A_53 : vector<16xf32> to vector<1x16xf32>
        tpu.vector_store %arg6[%swap3A_88, %swap3A_89], %swap3A_92 {strides = array<i32>} : memref<392x128xf32, #tpu.memory_space<vmem>>, vector<1x16xf32>,
        %swap3A_93 = arith.index_cast %scan3A_37 : i32 to index
        %swap3A_94 = arith.constant 64 : index
        %swap3A_95 = tpu.vector_load %arg6[%swap3A_93, %swap3A_94] {strides = array<i32>} : memref<392x128xf32, #tpu.memory_space<vmem>>, vector<1x16xf32>,
        %swap3A_96 = vector.shape_cast %swap3A_95 : vector<1x16xf32> to vector<16xf32>
        %swap3A_97 = vector.shape_cast %add3A_73 : vector<16xf32> to vector<1x16xf32>
        tpu.vector_store %arg6[%swap3A_93, %swap3A_94], %swap3A_97 {strides = array<i32>} : memref<392x128xf32, #tpu.memory_space<vmem>>, vector<1x16xf32>,
        %swap3A_98 = arith.index_cast %scan3A_37 : i32 to index
        %swap3A_99 = arith.constant 80 : index
        %swap3A_100 = tpu.vector_load %arg6[%swap3A_98, %swap3A_99] {strides = array<i32>} : memref<392x128xf32, #tpu.memory_space<vmem>>, vector<1x16xf32>,
        %swap3A_101 = vector.shape_cast %swap3A_100 : vector<1x16xf32> to vector<16xf32>
        %swap3A_102 = vector.shape_cast %add3A_73 : vector<16xf32> to vector<1x16xf32>
        tpu.vector_store %arg6[%swap3A_98, %swap3A_99], %swap3A_102 {strides = array<i32>} : memref<392x128xf32, #tpu.memory_space<vmem>>, vector<1x16xf32>,
        %swap3A_103 = arith.index_cast %scan3A_37 : i32 to index
        %swap3A_104 = arith.constant 96 : index
        %swap3A_105 = tpu.vector_load %arg6[%swap3A_103, %swap3A_104] {strides = array<i32>} : memref<392x128xf32, #tpu.memory_space<vmem>>, vector<1x16xf32>,
        %swap3A_106 = vector.shape_cast %swap3A_105 : vector<1x16xf32> to vector<16xf32>
        %swap3A_107 = vector.shape_cast %add3A_73 : vector<16xf32> to vector<1x16xf32>
        tpu.vector_store %arg6[%swap3A_103, %swap3A_104], %swap3A_107 {strides = array<i32>} : memref<392x128xf32, #tpu.memory_space<vmem>>, vector<1x16xf32>,
        %swap3A_108 = arith.index_cast %scan3A_37 : i32 to index
        %swap3A_109 = arith.constant 112 : index
        %swap3A_110 = tpu.vector_load %arg6[%swap3A_108, %swap3A_109] {strides = array<i32>} : memref<392x128xf32, #tpu.memory_space<vmem>>, vector<1x16xf32>,
        %swap3A_111 = vector.shape_cast %swap3A_110 : vector<1x16xf32> to vector<16xf32>
        %swap3A_112 = vector.shape_cast %add3A_73 : vector<16xf32> to vector<1x16xf32>
        tpu.vector_store %arg6[%swap3A_108, %swap3A_109], %swap3A_112 {strides = array<i32>} : memref<392x128xf32, #tpu.memory_space<vmem>>, vector<1x16xf32>,
        %scan3A_113 = arith.constant 0 : i32
        scf.yield %scan3A_113 : i32
      }
      %scan3A_34 = arith.constant 392 : i32
      %add3A_35 = arith.constant 392 : i32
      %add3A_36 = arith.addi %mul3A_2, %add3A_35 : i32
      "tpu.region"() ({
        %run_scoped3A_37 = tpu.sem_alloc : memref<!tpu.dma_semaphore, #tpu.memory_space<semaphore_mem>>
        %dma_start3A = arith.constant 0 : i32
        %dma_start3A_38 = arith.constant 0 : i32
        %dma_start3A_39 = tpu.memref_slice %arg6[%dma_start3A, %dma_start3A_38] : memref<392x128xf32, #tpu.memory_space<vmem>> -> memref<392x128xf32, #tpu.memory_space<vmem>>
        %dma_start3A_40 = arith.constant 0 : i32
        %dma_start3A_41 = tpu.memref_slice %arg3[%add3A_36, %dma_start3A_40] : memref<25000x128xf32, #tpu.memory_space<hbm>> -> memref<392x128xf32, #tpu.memory_space<hbm>>
        %dma_start3A_42 = arith.constant 0 : i32
        %dma_start3A_43 = tpu.memref_slice %arg3[%add3A_36, %dma_start3A_42] : memref<25000x128xf32, #tpu.memory_space<hbm>> -> memref<392x128xf32, #tpu.memory_space<hbm>>
        %dma_start3A_44 = arith.constant 0 : i32
        %dma_start3A_45 = arith.constant 0 : i32
        %dma_start3A_46 = tpu.memref_slice %arg6[%dma_start3A_44, %dma_start3A_45] : memref<392x128xf32, #tpu.memory_space<vmem>> -> memref<392x128xf32, #tpu.memory_space<vmem>>
        tpu.enqueue_dma source(%dma_start3A_46 : memref<392x128xf32, #tpu.memory_space<vmem>>) target(%dma_start3A_43 : memref<392x128xf32, #tpu.memory_space<hbm>>) target_semaphore(%run_scoped3A_37 : memref<!tpu.dma_semaphore, #tpu.memory_space<semaphore_mem>>)
        %dma_wait3A = arith.constant 0 : i32
        %dma_wait3A_47 = arith.constant 0 : i32
        %dma_wait3A_48 = tpu.memref_slice %arg6[%dma_wait3A, %dma_wait3A_47] : memref<392x128xf32, #tpu.memory_space<vmem>> -> memref<392x128xf32, #tpu.memory_space<vmem>>
        %dma_wait3A_49 = arith.constant 0 : i32
        %dma_wait3A_50 = tpu.memref_slice %arg3[%add3A_36, %dma_wait3A_49] : memref<25000x128xf32, #tpu.memory_space<hbm>> -> memref<392x128xf32, #tpu.memory_space<hbm>>
        %dma_wait3A_51 = arith.constant 0 : i32
        %dma_wait3A_52 = tpu.memref_slice %arg3[%add3A_36, %dma_wait3A_51] : memref<25000x128xf32, #tpu.memory_space<hbm>> -> memref<392x128xf32, #tpu.memory_space<hbm>>
        %dma_wait3A_53 = arith.constant 0 : i32
        %dma_wait3A_54 = arith.constant 0 : i32
        %dma_wait3A_55 = tpu.memref_slice %arg6[%dma_wait3A_53, %dma_wait3A_54] : memref<392x128xf32, #tpu.memory_space<vmem>> -> memref<392x128xf32, #tpu.memory_space<vmem>>
        tpu.wait_dma2 semaphore(%run_scoped3A_37 : memref<!tpu.dma_semaphore, #tpu.memory_space<semaphore_mem>>) src(%dma_wait3A_55 : memref<392x128xf32, #tpu.memory_space<vmem>>) dst(%dma_wait3A_52 : memref<392x128xf32, #tpu.memory_space<hbm>>)
        tpu.yield
      }) : () -> ()
    } else {
    }
    %eq3A = arith.constant 31 : i32
    %eq3A_18 = arith.cmpi eq, %add3A, %eq3A : i32
    %convert_element_type3A_19 = arith.extui %eq3A_18 : i1 to i32
    %cond3A_20 = arith.constant 0 : i32
    %cond3A_21 = arith.cmpi ne, %convert_element_type3A_19, %cond3A_20 : i32
    scf.if %cond3A_21 {
      %add3A_22 = arith.constant 392 : i32
      %add3A_23 = arith.addi %mul3A_2, %add3A_22 : i32
      %mul3A_24 = arith.constant 2 : i32
      %mul3A_25 = arith.muli %mul3A_24, %add3A_23 : i32
      %run_scoped3A_26 = arith.constant 0 : i32
      "tpu.region"() ({
        %run_scoped3A_37 = tpu.sem_alloc : memref<!tpu.dma_semaphore, #tpu.memory_space<semaphore_mem>>
        %dma_start3A = arith.constant 0 : i32
        %dma_start3A_38 = arith.constant 0 : i32
        %dma_start3A_39 = tpu.memref_slice %arg4[%dma_start3A, %dma_start3A_38] : memref<784x16xf32, #tpu.memory_space<vmem>> -> memref<608x16xf32, #tpu.memory_space<vmem>>
        %dma_start3A_40 = arith.constant 0 : i32
        %dma_start3A_41 = arith.constant 0 : i32
        %dma_start3A_42 = tpu.memref_slice %arg2[%run_scoped3A_26, %dma_start3A_40, %dma_start3A_41] : memref<2x50000x16xf32, #tpu.memory_space<hbm>> -> memref<1x50000x16xf32, #tpu.memory_space<hbm>>
        %dma_start3A_43 = tpu.memref_squeeze %dma_start3A_42 : memref<1x50000x16xf32, #tpu.memory_space<hbm>> -> memref<50000x16xf32, #tpu.memory_space<hbm>>
        %dma_start3A_44 = arith.constant 0 : i32
        %dma_start3A_45 = tpu.memref_slice %dma_start3A_43[%mul3A_25, %dma_start3A_44] : memref<50000x16xf32, #tpu.memory_space<hbm>> -> memref<608x16xf32, #tpu.memory_space<hbm>>
        %dma_start3A_46 = arith.constant 0 : i32
        %dma_start3A_47 = arith.constant 0 : i32
        %dma_start3A_48 = tpu.memref_slice %arg4[%dma_start3A_46, %dma_start3A_47] : memref<784x16xf32, #tpu.memory_space<vmem>> -> memref<608x16xf32, #tpu.memory_space<vmem>>
        %dma_start3A_49 = arith.constant 0 : i32
        %dma_start3A_50 = arith.constant 0 : i32
        %dma_start3A_51 = tpu.memref_slice %arg2[%run_scoped3A_26, %dma_start3A_49, %dma_start3A_50] : memref<2x50000x16xf32, #tpu.memory_space<hbm>> -> memref<1x50000x16xf32, #tpu.memory_space<hbm>>
        %dma_start3A_52 = tpu.memref_squeeze %dma_start3A_51 : memref<1x50000x16xf32, #tpu.memory_space<hbm>> -> memref<50000x16xf32, #tpu.memory_space<hbm>>
        %dma_start3A_53 = arith.constant 0 : i32
        %dma_start3A_54 = tpu.memref_slice %dma_start3A_52[%mul3A_25, %dma_start3A_53] : memref<50000x16xf32, #tpu.memory_space<hbm>> -> memref<608x16xf32, #tpu.memory_space<hbm>>
        tpu.enqueue_dma source(%dma_start3A_54 : memref<608x16xf32, #tpu.memory_space<hbm>>) target(%dma_start3A_48 : memref<608x16xf32, #tpu.memory_space<vmem>>) target_semaphore(%run_scoped3A_37 : memref<!tpu.dma_semaphore, #tpu.memory_space<semaphore_mem>>)
        %dma_wait3A = arith.constant 0 : i32
        %dma_wait3A_55 = arith.constant 0 : i32
        %dma_wait3A_56 = tpu.memref_slice %arg4[%dma_wait3A, %dma_wait3A_55] : memref<784x16xf32, #tpu.memory_space<vmem>> -> memref<608x16xf32, #tpu.memory_space<vmem>>
        %dma_wait3A_57 = arith.constant 0 : i32
        %dma_wait3A_58 = arith.constant 0 : i32
        %dma_wait3A_59 = tpu.memref_slice %arg2[%run_scoped3A_26, %dma_wait3A_57, %dma_wait3A_58] : memref<2x50000x16xf32, #tpu.memory_space<hbm>> -> memref<1x50000x16xf32, #tpu.memory_space<hbm>>
        %dma_wait3A_60 = tpu.memref_squeeze %dma_wait3A_59 : memref<1x50000x16xf32, #tpu.memory_space<hbm>> -> memref<50000x16xf32, #tpu.memory_space<hbm>>
        %dma_wait3A_61 = arith.constant 0 : i32
        %dma_wait3A_62 = tpu.memref_slice %dma_wait3A_60[%mul3A_25, %dma_wait3A_61] : memref<50000x16xf32, #tpu.memory_space<hbm>> -> memref<608x16xf32, #tpu.memory_space<hbm>>
        %dma_wait3A_63 = arith.constant 0 : i32
        %dma_wait3A_64 = arith.constant 0 : i32
        %dma_wait3A_65 = tpu.memref_slice %arg4[%dma_wait3A_63, %dma_wait3A_64] : memref<784x16xf32, #tpu.memory_space<vmem>> -> memref<608x16xf32, #tpu.memory_space<vmem>>
        %dma_wait3A_66 = arith.constant 0 : i32
        %dma_wait3A_67 = arith.constant 0 : i32
        %dma_wait3A_68 = tpu.memref_slice %arg2[%run_scoped3A_26, %dma_wait3A_66, %dma_wait3A_67] : memref<2x50000x16xf32, #tpu.memory_space<hbm>> -> memref<1x50000x16xf32, #tpu.memory_space<hbm>>
        %dma_wait3A_69 = tpu.memref_squeeze %dma_wait3A_68 : memref<1x50000x16xf32, #tpu.memory_space<hbm>> -> memref<50000x16xf32, #tpu.memory_space<hbm>>
        %dma_wait3A_70 = arith.constant 0 : i32
        %dma_wait3A_71 = tpu.memref_slice %dma_wait3A_69[%mul3A_25, %dma_wait3A_70] : memref<50000x16xf32, #tpu.memory_space<hbm>> -> memref<608x16xf32, #tpu.memory_space<hbm>>
        tpu.wait_dma2 semaphore(%run_scoped3A_37 : memref<!tpu.dma_semaphore, #tpu.memory_space<semaphore_mem>>) src(%dma_wait3A_71 : memref<608x16xf32, #tpu.memory_space<hbm>>) dst(%dma_wait3A_65 : memref<608x16xf32, #tpu.memory_space<vmem>>)
        tpu.yield
      }) : () -> ()
      %run_scoped3A_27 = arith.constant 1 : i32
      "tpu.region"() ({
        %run_scoped3A_37 = tpu.sem_alloc : memref<!tpu.dma_semaphore, #tpu.memory_space<semaphore_mem>>
        %dma_start3A = arith.constant 0 : i32
        %dma_start3A_38 = arith.constant 0 : i32
        %dma_start3A_39 = tpu.memref_slice %arg5[%dma_start3A, %dma_start3A_38] : memref<784x16xf32, #tpu.memory_space<vmem>> -> memref<608x16xf32, #tpu.memory_space<vmem>>
        %dma_start3A_40 = arith.constant 0 : i32
        %dma_start3A_41 = arith.constant 0 : i32
        %dma_start3A_42 = tpu.memref_slice %arg2[%run_scoped3A_27, %dma_start3A_40, %dma_start3A_41] : memref<2x50000x16xf32, #tpu.memory_space<hbm>> -> memref<1x50000x16xf32, #tpu.memory_space<hbm>>
        %dma_start3A_43 = tpu.memref_squeeze %dma_start3A_42 : memref<1x50000x16xf32, #tpu.memory_space<hbm>> -> memref<50000x16xf32, #tpu.memory_space<hbm>>
        %dma_start3A_44 = arith.constant 0 : i32
        %dma_start3A_45 = tpu.memref_slice %dma_start3A_43[%mul3A_25, %dma_start3A_44] : memref<50000x16xf32, #tpu.memory_space<hbm>> -> memref<608x16xf32, #tpu.memory_space<hbm>>
        %dma_start3A_46 = arith.constant 0 : i32
        %dma_start3A_47 = arith.constant 0 : i32
        %dma_start3A_48 = tpu.memref_slice %arg5[%dma_start3A_46, %dma_start3A_47] : memref<784x16xf32, #tpu.memory_space<vmem>> -> memref<608x16xf32, #tpu.memory_space<vmem>>
        %dma_start3A_49 = arith.constant 0 : i32
        %dma_start3A_50 = arith.constant 0 : i32
        %dma_start3A_51 = tpu.memref_slice %arg2[%run_scoped3A_27, %dma_start3A_49, %dma_start3A_50] : memref<2x50000x16xf32, #tpu.memory_space<hbm>> -> memref<1x50000x16xf32, #tpu.memory_space<hbm>>
        %dma_start3A_52 = tpu.memref_squeeze %dma_start3A_51 : memref<1x50000x16xf32, #tpu.memory_space<hbm>> -> memref<50000x16xf32, #tpu.memory_space<hbm>>
        %dma_start3A_53 = arith.constant 0 : i32
        %dma_start3A_54 = tpu.memref_slice %dma_start3A_52[%mul3A_25, %dma_start3A_53] : memref<50000x16xf32, #tpu.memory_space<hbm>> -> memref<608x16xf32, #tpu.memory_space<hbm>>
        tpu.enqueue_dma source(%dma_start3A_54 : memref<608x16xf32, #tpu.memory_space<hbm>>) target(%dma_start3A_48 : memref<608x16xf32, #tpu.memory_space<vmem>>) target_semaphore(%run_scoped3A_37 : memref<!tpu.dma_semaphore, #tpu.memory_space<semaphore_mem>>)
        %dma_wait3A = arith.constant 0 : i32
        %dma_wait3A_55 = arith.constant 0 : i32
        %dma_wait3A_56 = tpu.memref_slice %arg5[%dma_wait3A, %dma_wait3A_55] : memref<784x16xf32, #tpu.memory_space<vmem>> -> memref<608x16xf32, #tpu.memory_space<vmem>>
        %dma_wait3A_57 = arith.constant 0 : i32
        %dma_wait3A_58 = arith.constant 0 : i32
        %dma_wait3A_59 = tpu.memref_slice %arg2[%run_scoped3A_27, %dma_wait3A_57, %dma_wait3A_58] : memref<2x50000x16xf32, #tpu.memory_space<hbm>> -> memref<1x50000x16xf32, #tpu.memory_space<hbm>>
        %dma_wait3A_60 = tpu.memref_squeeze %dma_wait3A_59 : memref<1x50000x16xf32, #tpu.memory_space<hbm>> -> memref<50000x16xf32, #tpu.memory_space<hbm>>
        %dma_wait3A_61 = arith.constant 0 : i32
        %dma_wait3A_62 = tpu.memref_slice %dma_wait3A_60[%mul3A_25, %dma_wait3A_61] : memref<50000x16xf32, #tpu.memory_space<hbm>> -> memref<608x16xf32, #tpu.memory_space<hbm>>
        %dma_wait3A_63 = arith.constant 0 : i32
        %dma_wait3A_64 = arith.constant 0 : i32
        %dma_wait3A_65 = tpu.memref_slice %arg5[%dma_wait3A_63, %dma_wait3A_64] : memref<784x16xf32, #tpu.memory_space<vmem>> -> memref<608x16xf32, #tpu.memory_space<vmem>>
        %dma_wait3A_66 = arith.constant 0 : i32
        %dma_wait3A_67 = arith.constant 0 : i32
        %dma_wait3A_68 = tpu.memref_slice %arg2[%run_scoped3A_27, %dma_wait3A_66, %dma_wait3A_67] : memref<2x50000x16xf32, #tpu.memory_space<hbm>> -> memref<1x50000x16xf32, #tpu.memory_space<hbm>>
        %dma_wait3A_69 = tpu.memref_squeeze %dma_wait3A_68 : memref<1x50000x16xf32, #tpu.memory_space<hbm>> -> memref<50000x16xf32, #tpu.memory_space<hbm>>
        %dma_wait3A_70 = arith.constant 0 : i32
        %dma_wait3A_71 = tpu.memref_slice %dma_wait3A_69[%mul3A_25, %dma_wait3A_70] : memref<50000x16xf32, #tpu.memory_space<hbm>> -> memref<608x16xf32, #tpu.memory_space<hbm>>
        tpu.wait_dma2 semaphore(%run_scoped3A_37 : memref<!tpu.dma_semaphore, #tpu.memory_space<semaphore_mem>>) src(%dma_wait3A_71 : memref<608x16xf32, #tpu.memory_space<hbm>>) dst(%dma_wait3A_65 : memref<608x16xf32, #tpu.memory_space<vmem>>)
        tpu.yield
      }) : () -> ()
      %scan3A_28 = arith.constant 0 : i32
      %scan3A_29 = arith.constant 0 : i32
      %scan3A_30 = arith.constant 304 : i32
      %scan3A_31 = arith.addi %scan3A_29, %scan3A_30 : i32
      %scan3A_32 = arith.constant 1 : i32
      %scan3A_33 = scf.for %scan3A_37 = %scan3A_29 to %scan3A_31 step %scan3A_32 iter_args(%scan3A_38 = %scan3A_28) -> (i32)  : i32 {
        %mul3A_39 = arith.constant 2 : i32
        %mul3A_40 = arith.muli %mul3A_39, %scan3A_37 : i32
        %get3A = arith.index_cast %mul3A_40 : i32 to index
        %get3A_41 = arith.constant 0 : index
        %get3A_42 = tpu.vector_load %arg4[%get3A, %get3A_41] {strides = array<i32>} : memref<784x16xf32, #tpu.memory_space<vmem>>, vector<1x16xf32>,
        %get3A_43 = vector.shape_cast %get3A_42 : vector<1x16xf32> to vector<16xf32>
        %mul3A_44 = arith.constant 2 : i32
        %mul3A_45 = arith.muli %mul3A_44, %scan3A_37 : i32
        %get3A_46 = arith.index_cast %mul3A_45 : i32 to index
        %get3A_47 = arith.constant 0 : index
        %get3A_48 = tpu.vector_load %arg5[%get3A_46, %get3A_47] {strides = array<i32>} : memref<784x16xf32, #tpu.memory_space<vmem>>, vector<1x16xf32>,
        %get3A_49 = vector.shape_cast %get3A_48 : vector<1x16xf32> to vector<16xf32>
        %add3A_50 = arith.addf %get3A_43, %get3A_49 : vector<16xf32>
        %add3A_51 = arith.constant 1.000000e+00 : f32
        %add3A_52 = vector.broadcast %add3A_51 : f32 to vector<16xf32>
        %add3A_53 = arith.addf %add3A_50, %add3A_52 : vector<16xf32>
        %mul3A_54 = arith.constant 2 : i32
        %mul3A_55 = arith.muli %mul3A_54, %scan3A_37 : i32
        %add3A_56 = arith.constant 1 : i32
        %add3A_57 = arith.addi %mul3A_55, %add3A_56 : i32
        %get3A_58 = arith.index_cast %add3A_57 : i32 to index
        %get3A_59 = arith.constant 0 : index
        %get3A_60 = tpu.vector_load %arg4[%get3A_58, %get3A_59] {strides = array<i32>} : memref<784x16xf32, #tpu.memory_space<vmem>>, vector<1x16xf32>,
        %get3A_61 = vector.shape_cast %get3A_60 : vector<1x16xf32> to vector<16xf32>
        %mul3A_62 = arith.constant 2 : i32
        %mul3A_63 = arith.muli %mul3A_62, %scan3A_37 : i32
        %add3A_64 = arith.constant 1 : i32
        %add3A_65 = arith.addi %mul3A_63, %add3A_64 : i32
        %get3A_66 = arith.index_cast %add3A_65 : i32 to index
        %get3A_67 = arith.constant 0 : index
        %get3A_68 = tpu.vector_load %arg5[%get3A_66, %get3A_67] {strides = array<i32>} : memref<784x16xf32, #tpu.memory_space<vmem>>, vector<1x16xf32>,
        %get3A_69 = vector.shape_cast %get3A_68 : vector<1x16xf32> to vector<16xf32>
        %add3A_70 = arith.addf %get3A_61, %get3A_69 : vector<16xf32>
        %add3A_71 = arith.constant 1.000000e+00 : f32
        %add3A_72 = vector.broadcast %add3A_71 : f32 to vector<16xf32>
        %add3A_73 = arith.addf %add3A_70, %add3A_72 : vector<16xf32>
        %swap3A = arith.index_cast %scan3A_37 : i32 to index
        %swap3A_74 = arith.constant 0 : index
        %swap3A_75 = tpu.vector_load %arg6[%swap3A, %swap3A_74] {strides = array<i32>} : memref<392x128xf32, #tpu.memory_space<vmem>>, vector<1x16xf32>,
        %swap3A_76 = vector.shape_cast %swap3A_75 : vector<1x16xf32> to vector<16xf32>
        %swap3A_77 = vector.shape_cast %add3A_53 : vector<16xf32> to vector<1x16xf32>
        tpu.vector_store %arg6[%swap3A, %swap3A_74], %swap3A_77 {strides = array<i32>} : memref<392x128xf32, #tpu.memory_space<vmem>>, vector<1x16xf32>,
        %swap3A_78 = arith.index_cast %scan3A_37 : i32 to index
        %swap3A_79 = arith.constant 16 : index
        %swap3A_80 = tpu.vector_load %arg6[%swap3A_78, %swap3A_79] {strides = array<i32>} : memref<392x128xf32, #tpu.memory_space<vmem>>, vector<1x16xf32>,
        %swap3A_81 = vector.shape_cast %swap3A_80 : vector<1x16xf32> to vector<16xf32>
        %swap3A_82 = vector.shape_cast %add3A_53 : vector<16xf32> to vector<1x16xf32>
        tpu.vector_store %arg6[%swap3A_78, %swap3A_79], %swap3A_82 {strides = array<i32>} : memref<392x128xf32, #tpu.memory_space<vmem>>, vector<1x16xf32>,
        %swap3A_83 = arith.index_cast %scan3A_37 : i32 to index
        %swap3A_84 = arith.constant 32 : index
        %swap3A_85 = tpu.vector_load %arg6[%swap3A_83, %swap3A_84] {strides = array<i32>} : memref<392x128xf32, #tpu.memory_space<vmem>>, vector<1x16xf32>,
        %swap3A_86 = vector.shape_cast %swap3A_85 : vector<1x16xf32> to vector<16xf32>
        %swap3A_87 = vector.shape_cast %add3A_53 : vector<16xf32> to vector<1x16xf32>
        tpu.vector_store %arg6[%swap3A_83, %swap3A_84], %swap3A_87 {strides = array<i32>} : memref<392x128xf32, #tpu.memory_space<vmem>>, vector<1x16xf32>,
        %swap3A_88 = arith.index_cast %scan3A_37 : i32 to index
        %swap3A_89 = arith.constant 48 : index
        %swap3A_90 = tpu.vector_load %arg6[%swap3A_88, %swap3A_89] {strides = array<i32>} : memref<392x128xf32, #tpu.memory_space<vmem>>, vector<1x16xf32>,
        %swap3A_91 = vector.shape_cast %swap3A_90 : vector<1x16xf32> to vector<16xf32>
        %swap3A_92 = vector.shape_cast %add3A_53 : vector<16xf32> to vector<1x16xf32>
        tpu.vector_store %arg6[%swap3A_88, %swap3A_89], %swap3A_92 {strides = array<i32>} : memref<392x128xf32, #tpu.memory_space<vmem>>, vector<1x16xf32>,
        %swap3A_93 = arith.index_cast %scan3A_37 : i32 to index
        %swap3A_94 = arith.constant 64 : index
        %swap3A_95 = tpu.vector_load %arg6[%swap3A_93, %swap3A_94] {strides = array<i32>} : memref<392x128xf32, #tpu.memory_space<vmem>>, vector<1x16xf32>,
        %swap3A_96 = vector.shape_cast %swap3A_95 : vector<1x16xf32> to vector<16xf32>
        %swap3A_97 = vector.shape_cast %add3A_73 : vector<16xf32> to vector<1x16xf32>
        tpu.vector_store %arg6[%swap3A_93, %swap3A_94], %swap3A_97 {strides = array<i32>} : memref<392x128xf32, #tpu.memory_space<vmem>>, vector<1x16xf32>,
        %swap3A_98 = arith.index_cast %scan3A_37 : i32 to index
        %swap3A_99 = arith.constant 80 : index
        %swap3A_100 = tpu.vector_load %arg6[%swap3A_98, %swap3A_99] {strides = array<i32>} : memref<392x128xf32, #tpu.memory_space<vmem>>, vector<1x16xf32>,
        %swap3A_101 = vector.shape_cast %swap3A_100 : vector<1x16xf32> to vector<16xf32>
        %swap3A_102 = vector.shape_cast %add3A_73 : vector<16xf32> to vector<1x16xf32>
        tpu.vector_store %arg6[%swap3A_98, %swap3A_99], %swap3A_102 {strides = array<i32>} : memref<392x128xf32, #tpu.memory_space<vmem>>, vector<1x16xf32>,
        %swap3A_103 = arith.index_cast %scan3A_37 : i32 to index
        %swap3A_104 = arith.constant 96 : index
        %swap3A_105 = tpu.vector_load %arg6[%swap3A_103, %swap3A_104] {strides = array<i32>} : memref<392x128xf32, #tpu.memory_space<vmem>>, vector<1x16xf32>,
        %swap3A_106 = vector.shape_cast %swap3A_105 : vector<1x16xf32> to vector<16xf32>
        %swap3A_107 = vector.shape_cast %add3A_73 : vector<16xf32> to vector<1x16xf32>
        tpu.vector_store %arg6[%swap3A_103, %swap3A_104], %swap3A_107 {strides = array<i32>} : memref<392x128xf32, #tpu.memory_space<vmem>>, vector<1x16xf32>,
        %swap3A_108 = arith.index_cast %scan3A_37 : i32 to index
        %swap3A_109 = arith.constant 112 : index
        %swap3A_110 = tpu.vector_load %arg6[%swap3A_108, %swap3A_109] {strides = array<i32>} : memref<392x128xf32, #tpu.memory_space<vmem>>, vector<1x16xf32>,
        %swap3A_111 = vector.shape_cast %swap3A_110 : vector<1x16xf32> to vector<16xf32>
        %swap3A_112 = vector.shape_cast %add3A_73 : vector<16xf32> to vector<1x16xf32>
        tpu.vector_store %arg6[%swap3A_108, %swap3A_109], %swap3A_112 {strides = array<i32>} : memref<392x128xf32, #tpu.memory_space<vmem>>, vector<1x16xf32>,
        %scan3A_113 = arith.constant 0 : i32
        scf.yield %scan3A_113 : i32
      }
      %scan3A_34 = arith.constant 304 : i32
      %add3A_35 = arith.constant 392 : i32
      %add3A_36 = arith.addi %mul3A_2, %add3A_35 : i32
      "tpu.region"() ({
        %run_scoped3A_37 = tpu.sem_alloc : memref<!tpu.dma_semaphore, #tpu.memory_space<semaphore_mem>>
        %dma_start3A = arith.constant 0 : i32
        %dma_start3A_38 = arith.constant 0 : i32
        %dma_start3A_39 = tpu.memref_slice %arg6[%dma_start3A, %dma_start3A_38] : memref<392x128xf32, #tpu.memory_space<vmem>> -> memref<304x128xf32, #tpu.memory_space<vmem>>
        %dma_start3A_40 = arith.constant 0 : i32
        %dma_start3A_41 = tpu.memref_slice %arg3[%add3A_36, %dma_start3A_40] : memref<25000x128xf32, #tpu.memory_space<hbm>> -> memref<304x128xf32, #tpu.memory_space<hbm>>
        %dma_start3A_42 = arith.constant 0 : i32
        %dma_start3A_43 = tpu.memref_slice %arg3[%add3A_36, %dma_start3A_42] : memref<25000x128xf32, #tpu.memory_space<hbm>> -> memref<304x128xf32, #tpu.memory_space<hbm>>
        %dma_start3A_44 = arith.constant 0 : i32
        %dma_start3A_45 = arith.constant 0 : i32
        %dma_start3A_46 = tpu.memref_slice %arg6[%dma_start3A_44, %dma_start3A_45] : memref<392x128xf32, #tpu.memory_space<vmem>> -> memref<304x128xf32, #tpu.memory_space<vmem>>
        tpu.enqueue_dma source(%dma_start3A_46 : memref<304x128xf32, #tpu.memory_space<vmem>>) target(%dma_start3A_43 : memref<304x128xf32, #tpu.memory_space<hbm>>) target_semaphore(%run_scoped3A_37 : memref<!tpu.dma_semaphore, #tpu.memory_space<semaphore_mem>>)
        %dma_wait3A = arith.constant 0 : i32
        %dma_wait3A_47 = arith.constant 0 : i32
        %dma_wait3A_48 = tpu.memref_slice %arg6[%dma_wait3A, %dma_wait3A_47] : memref<392x128xf32, #tpu.memory_space<vmem>> -> memref<304x128xf32, #tpu.memory_space<vmem>>
        %dma_wait3A_49 = arith.constant 0 : i32
        %dma_wait3A_50 = tpu.memref_slice %arg3[%add3A_36, %dma_wait3A_49] : memref<25000x128xf32, #tpu.memory_space<hbm>> -> memref<304x128xf32, #tpu.memory_space<hbm>>
        %dma_wait3A_51 = arith.constant 0 : i32
        %dma_wait3A_52 = tpu.memref_slice %arg3[%add3A_36, %dma_wait3A_51] : memref<25000x128xf32, #tpu.memory_space<hbm>> -> memref<304x128xf32, #tpu.memory_space<hbm>>
        %dma_wait3A_53 = arith.constant 0 : i32
        %dma_wait3A_54 = arith.constant 0 : i32
        %dma_wait3A_55 = tpu.memref_slice %arg6[%dma_wait3A_53, %dma_wait3A_54] : memref<392x128xf32, #tpu.memory_space<vmem>> -> memref<304x128xf32, #tpu.memory_space<vmem>>
        tpu.wait_dma2 semaphore(%run_scoped3A_37 : memref<!tpu.dma_semaphore, #tpu.memory_space<semaphore_mem>>) src(%dma_wait3A_55 : memref<304x128xf32, #tpu.memory_space<vmem>>) dst(%dma_wait3A_52 : memref<304x128xf32, #tpu.memory_space<hbm>>)
        tpu.yield
      }) : () -> ()
    } else {
    }
    return
  }
}

#map = affine_map<(d0, d1) -> (0, 0, 0)>
#map1 = affine_map<(d0, d1) -> (0)>
#map2 = affine_map<(d0, d1) -> (0, 0)>
module attributes {stable_mosaic.version = 14 : i64} {
  func.func @_conv_body(%arg0: i32, %arg1: i32, %arg2: memref<2x50000x32xbf16, #tpu.memory_space<hbm>>, %arg3: memref<800000xi32, #tpu.memory_space<hbm>>, %arg4: memref<800000xi32, #tpu.memory_space<hbm>>, %arg5: memref<50000x64xbf16, #tpu.memory_space<hbm>>, %arg6: memref<2000xi32, #tpu.memory_space<vmem>>, %arg7: memref<2000xi32, #tpu.memory_space<vmem>>, %arg8: memref<2000xi32, #tpu.memory_space<vmem>>, %arg9: memref<2000xi32, #tpu.memory_space<vmem>>, %arg10: memref<2000xi32, #tpu.memory_space<vmem>>, %arg11: memref<2000xi32, #tpu.memory_space<vmem>>, %arg12: memref<2000x32xbf16, #tpu.memory_space<vmem>>, %arg13: memref<2000x32xbf16, #tpu.memory_space<vmem>>, %arg14: memref<!tpu.dma_semaphore, #tpu.memory_space<semaphore_mem>>, %arg15: memref<!tpu.dma_semaphore, #tpu.memory_space<semaphore_mem>>, %arg16: memref<!tpu.dma_semaphore, #tpu.memory_space<semaphore_mem>>, %arg17: memref<!tpu.dma_semaphore, #tpu.memory_space<semaphore_mem>>, %arg18: memref<!tpu.dma_semaphore, #tpu.memory_space<semaphore_mem>>, %arg19: memref<!tpu.dma_semaphore, #tpu.memory_space<semaphore_mem>>, %arg20: memref<!tpu.dma_semaphore, #tpu.memory_space<semaphore_mem>>, %arg21: memref<50000x32xbf16, #tpu.memory_space<vmem_shared>>) attributes {dimension_semantics = [#tpu.dimension_semantics<core_parallel>, #tpu.dimension_semantics<subcore_parallel>], iteration_bounds = array<i64: 2, 16>, scalar_prefetch = 0 : i64, scratch_operands = 16 : i64, tpu.core_type = #tpu.core_type<sc_vector_subcore>, window_params = [{transform_indices = #map}, {transform_indices = #map1}, {transform_indices = #map1}, {transform_indices = #map2}]} {
    %mul3A = arith.constant 3136 : i32
    %mul3A_0 = arith.muli %arg1, %mul3A : i32
    %mul3A_1 = arith.constant 32 : i32
    %mul3A_2 = arith.muli %arg0, %mul3A_1 : i32
    %broadcast_in_dim3A = arith.constant 0.000000e+00 : bf16
    %broadcast_in_dim3A_3 = vector.broadcast %broadcast_in_dim3A : bf16 to vector<32xbf16>
    %scan3A = arith.constant 0 : i32
    %scan3A_4 = arith.constant 0 : i32
    %scan3A_5 = arith.constant 2000 : i32
    %scan3A_6 = arith.addi %scan3A_4, %scan3A_5 : i32
    %scan3A_7 = arith.constant 1 : i32
    %scan3A_8 = scf.for %scan3A_68 = %scan3A_4 to %scan3A_6 step %scan3A_7 iter_args(%scan3A_69 = %scan3A) -> (i32)  : i32 {
      %swap3A = arith.index_cast %scan3A_68 : i32 to index
      %swap3A_70 = arith.constant 0 : index
      %swap3A_71 = tpu.vector_load %arg12[%swap3A, %swap3A_70] {strides = array<i32>} : memref<2000x32xbf16, #tpu.memory_space<vmem>>, vector<1x32xbf16>,
      %swap3A_72 = vector.shape_cast %swap3A_71 : vector<1x32xbf16> to vector<32xbf16>
      %swap3A_73 = vector.shape_cast %broadcast_in_dim3A_3 : vector<32xbf16> to vector<1x32xbf16>
      tpu.vector_store %arg12[%swap3A, %swap3A_70], %swap3A_73 {strides = array<i32>} : memref<2000x32xbf16, #tpu.memory_space<vmem>>, vector<1x32xbf16>,
      %scan3A_74 = arith.constant 0 : i32
      scf.yield %scan3A_74 : i32
    }
    %scan3A_9 = arith.constant 2000 : i32
    "tpu.region"() ({
      %run_scoped3A = tpu.sem_alloc : memref<!tpu.dma_semaphore, #tpu.memory_space<semaphore_mem>>
      %dma_start3A_68 = arith.constant 0 : i32
      %dma_start3A_69 = tpu.memref_slice %arg21[%mul3A_0, %dma_start3A_68] : memref<50000x32xbf16, #tpu.memory_space<vmem_shared>> -> memref<2000x32xbf16, #tpu.memory_space<vmem_shared>>
      %dma_start3A_70 = arith.constant 0 : i32
      %dma_start3A_71 = tpu.memref_slice %arg21[%mul3A_0, %dma_start3A_70] : memref<50000x32xbf16, #tpu.memory_space<vmem_shared>> -> memref<2000x32xbf16, #tpu.memory_space<vmem_shared>>
      tpu.enqueue_dma source(%arg12 : memref<2000x32xbf16, #tpu.memory_space<vmem>>) target(%dma_start3A_71 : memref<2000x32xbf16, #tpu.memory_space<vmem_shared>>) target_semaphore(%run_scoped3A : memref<!tpu.dma_semaphore, #tpu.memory_space<semaphore_mem>>)
      %dma_wait3A_72 = arith.constant 0 : i32
      %dma_wait3A_73 = tpu.memref_slice %arg21[%mul3A_0, %dma_wait3A_72] : memref<50000x32xbf16, #tpu.memory_space<vmem_shared>> -> memref<2000x32xbf16, #tpu.memory_space<vmem_shared>>
      %dma_wait3A_74 = arith.constant 0 : i32
      %dma_wait3A_75 = tpu.memref_slice %arg21[%mul3A_0, %dma_wait3A_74] : memref<50000x32xbf16, #tpu.memory_space<vmem_shared>> -> memref<2000x32xbf16, #tpu.memory_space<vmem_shared>>
      tpu.wait_dma2 semaphore(%run_scoped3A : memref<!tpu.dma_semaphore, #tpu.memory_space<semaphore_mem>>) src(%arg12 : memref<2000x32xbf16, #tpu.memory_space<vmem>>) dst(%dma_wait3A_75 : memref<2000x32xbf16, #tpu.memory_space<vmem_shared>>)
      tpu.yield
    }) : () -> ()
    %lt3A = arith.constant 15 : i32
    %lt3A_10 = arith.cmpi slt, %arg1, %lt3A : i32
    %convert_element_type3A = arith.extui %lt3A_10 : i1 to i32
    %cond3A = arith.constant 0 : i32
    %cond3A_11 = arith.cmpi ne, %convert_element_type3A, %cond3A : i32
    scf.if %cond3A_11 {
      %add3A_68 = arith.constant 2000 : i32
      %add3A_69 = arith.addi %mul3A_0, %add3A_68 : i32
      "tpu.region"() ({
        %run_scoped3A = tpu.sem_alloc : memref<!tpu.dma_semaphore, #tpu.memory_space<semaphore_mem>>
        %dma_start3A_70 = arith.constant 0 : i32
        %dma_start3A_71 = arith.constant 0 : i32
        %dma_start3A_72 = tpu.memref_slice %arg12[%dma_start3A_70, %dma_start3A_71] : memref<2000x32xbf16, #tpu.memory_space<vmem>> -> memref<1136x32xbf16, #tpu.memory_space<vmem>>
        %dma_start3A_73 = arith.constant 0 : i32
        %dma_start3A_74 = tpu.memref_slice %arg21[%add3A_69, %dma_start3A_73] : memref<50000x32xbf16, #tpu.memory_space<vmem_shared>> -> memref<1136x32xbf16, #tpu.memory_space<vmem_shared>>
        %dma_start3A_75 = arith.constant 0 : i32
        %dma_start3A_76 = tpu.memref_slice %arg21[%add3A_69, %dma_start3A_75] : memref<50000x32xbf16, #tpu.memory_space<vmem_shared>> -> memref<1136x32xbf16, #tpu.memory_space<vmem_shared>>
        %dma_start3A_77 = arith.constant 0 : i32
        %dma_start3A_78 = arith.constant 0 : i32
        %dma_start3A_79 = tpu.memref_slice %arg12[%dma_start3A_77, %dma_start3A_78] : memref<2000x32xbf16, #tpu.memory_space<vmem>> -> memref<1136x32xbf16, #tpu.memory_space<vmem>>
        tpu.enqueue_dma source(%dma_start3A_79 : memref<1136x32xbf16, #tpu.memory_space<vmem>>) target(%dma_start3A_76 : memref<1136x32xbf16, #tpu.memory_space<vmem_shared>>) target_semaphore(%run_scoped3A : memref<!tpu.dma_semaphore, #tpu.memory_space<semaphore_mem>>)
        %dma_wait3A_80 = arith.constant 0 : i32
        %dma_wait3A_81 = arith.constant 0 : i32
        %dma_wait3A_82 = tpu.memref_slice %arg12[%dma_wait3A_80, %dma_wait3A_81] : memref<2000x32xbf16, #tpu.memory_space<vmem>> -> memref<1136x32xbf16, #tpu.memory_space<vmem>>
        %dma_wait3A_83 = arith.constant 0 : i32
        %dma_wait3A_84 = tpu.memref_slice %arg21[%add3A_69, %dma_wait3A_83] : memref<50000x32xbf16, #tpu.memory_space<vmem_shared>> -> memref<1136x32xbf16, #tpu.memory_space<vmem_shared>>
        %dma_wait3A_85 = arith.constant 0 : i32
        %dma_wait3A_86 = tpu.memref_slice %arg21[%add3A_69, %dma_wait3A_85] : memref<50000x32xbf16, #tpu.memory_space<vmem_shared>> -> memref<1136x32xbf16, #tpu.memory_space<vmem_shared>>
        %dma_wait3A_87 = arith.constant 0 : i32
        %dma_wait3A_88 = arith.constant 0 : i32
        %dma_wait3A_89 = tpu.memref_slice %arg12[%dma_wait3A_87, %dma_wait3A_88] : memref<2000x32xbf16, #tpu.memory_space<vmem>> -> memref<1136x32xbf16, #tpu.memory_space<vmem>>
        tpu.wait_dma2 semaphore(%run_scoped3A : memref<!tpu.dma_semaphore, #tpu.memory_space<semaphore_mem>>) src(%dma_wait3A_89 : memref<1136x32xbf16, #tpu.memory_space<vmem>>) dst(%dma_wait3A_86 : memref<1136x32xbf16, #tpu.memory_space<vmem_shared>>)
        tpu.yield
      }) : () -> ()
    } else {
    }
    %eq3A = arith.constant 15 : i32
    %eq3A_12 = arith.cmpi eq, %arg1, %eq3A : i32
    %convert_element_type3A_13 = arith.extui %eq3A_12 : i1 to i32
    %cond3A_14 = arith.constant 0 : i32
    %cond3A_15 = arith.cmpi ne, %convert_element_type3A_13, %cond3A_14 : i32
    scf.if %cond3A_15 {
      %add3A_68 = arith.constant 2000 : i32
      %add3A_69 = arith.addi %mul3A_0, %add3A_68 : i32
      "tpu.region"() ({
        %run_scoped3A = tpu.sem_alloc : memref<!tpu.dma_semaphore, #tpu.memory_space<semaphore_mem>>
        %dma_start3A_70 = arith.constant 0 : i32
        %dma_start3A_71 = arith.constant 0 : i32
        %dma_start3A_72 = tpu.memref_slice %arg12[%dma_start3A_70, %dma_start3A_71] : memref<2000x32xbf16, #tpu.memory_space<vmem>> -> memref<960x32xbf16, #tpu.memory_space<vmem>>
        %dma_start3A_73 = arith.constant 0 : i32
        %dma_start3A_74 = tpu.memref_slice %arg21[%add3A_69, %dma_start3A_73] : memref<50000x32xbf16, #tpu.memory_space<vmem_shared>> -> memref<960x32xbf16, #tpu.memory_space<vmem_shared>>
        %dma_start3A_75 = arith.constant 0 : i32
        %dma_start3A_76 = tpu.memref_slice %arg21[%add3A_69, %dma_start3A_75] : memref<50000x32xbf16, #tpu.memory_space<vmem_shared>> -> memref<960x32xbf16, #tpu.memory_space<vmem_shared>>
        %dma_start3A_77 = arith.constant 0 : i32
        %dma_start3A_78 = arith.constant 0 : i32
        %dma_start3A_79 = tpu.memref_slice %arg12[%dma_start3A_77, %dma_start3A_78] : memref<2000x32xbf16, #tpu.memory_space<vmem>> -> memref<960x32xbf16, #tpu.memory_space<vmem>>
        tpu.enqueue_dma source(%dma_start3A_79 : memref<960x32xbf16, #tpu.memory_space<vmem>>) target(%dma_start3A_76 : memref<960x32xbf16, #tpu.memory_space<vmem_shared>>) target_semaphore(%run_scoped3A : memref<!tpu.dma_semaphore, #tpu.memory_space<semaphore_mem>>)
        %dma_wait3A_80 = arith.constant 0 : i32
        %dma_wait3A_81 = arith.constant 0 : i32
        %dma_wait3A_82 = tpu.memref_slice %arg12[%dma_wait3A_80, %dma_wait3A_81] : memref<2000x32xbf16, #tpu.memory_space<vmem>> -> memref<960x32xbf16, #tpu.memory_space<vmem>>
        %dma_wait3A_83 = arith.constant 0 : i32
        %dma_wait3A_84 = tpu.memref_slice %arg21[%add3A_69, %dma_wait3A_83] : memref<50000x32xbf16, #tpu.memory_space<vmem_shared>> -> memref<960x32xbf16, #tpu.memory_space<vmem_shared>>
        %dma_wait3A_85 = arith.constant 0 : i32
        %dma_wait3A_86 = tpu.memref_slice %arg21[%add3A_69, %dma_wait3A_85] : memref<50000x32xbf16, #tpu.memory_space<vmem_shared>> -> memref<960x32xbf16, #tpu.memory_space<vmem_shared>>
        %dma_wait3A_87 = arith.constant 0 : i32
        %dma_wait3A_88 = arith.constant 0 : i32
        %dma_wait3A_89 = tpu.memref_slice %arg12[%dma_wait3A_87, %dma_wait3A_88] : memref<2000x32xbf16, #tpu.memory_space<vmem>> -> memref<960x32xbf16, #tpu.memory_space<vmem>>
        tpu.wait_dma2 semaphore(%run_scoped3A : memref<!tpu.dma_semaphore, #tpu.memory_space<semaphore_mem>>) src(%dma_wait3A_89 : memref<960x32xbf16, #tpu.memory_space<vmem>>) dst(%dma_wait3A_86 : memref<960x32xbf16, #tpu.memory_space<vmem_shared>>)
        tpu.yield
      }) : () -> ()
    } else {
    }
    %barrier3A = arith.constant 0 : index
    tpu.barrier barrier_id(%barrier3A)
    %mul3A_16 = arith.constant 50000 : i32
    %mul3A_17 = arith.muli %arg1, %mul3A_16 : i32
    %add3A = arith.constant 0 : i32
    %add3A_18 = arith.addi %mul3A_17, %add3A : i32
    %dma_start3A = tpu.memref_slice %arg3[%add3A_18] : memref<800000xi32, #tpu.memory_space<hbm>> -> memref<2000xi32, #tpu.memory_space<hbm>>
    %dma_start3A_19 = tpu.memref_slice %arg3[%add3A_18] : memref<800000xi32, #tpu.memory_space<hbm>> -> memref<2000xi32, #tpu.memory_space<hbm>>
    tpu.enqueue_dma source(%dma_start3A_19 : memref<2000xi32, #tpu.memory_space<hbm>>) target(%arg6 : memref<2000xi32, #tpu.memory_space<vmem>>) target_semaphore(%arg14 : memref<!tpu.dma_semaphore, #tpu.memory_space<semaphore_mem>>)
    %dma_start3A_20 = tpu.memref_slice %arg4[%add3A_18] : memref<800000xi32, #tpu.memory_space<hbm>> -> memref<2000xi32, #tpu.memory_space<hbm>>
    %dma_start3A_21 = tpu.memref_slice %arg4[%add3A_18] : memref<800000xi32, #tpu.memory_space<hbm>> -> memref<2000xi32, #tpu.memory_space<hbm>>
    tpu.enqueue_dma source(%dma_start3A_21 : memref<2000xi32, #tpu.memory_space<hbm>>) target(%arg9 : memref<2000xi32, #tpu.memory_space<vmem>>) target_semaphore(%arg14 : memref<!tpu.dma_semaphore, #tpu.memory_space<semaphore_mem>>)
    %mul3A_22 = arith.constant 50000 : i32
    %mul3A_23 = arith.muli %arg1, %mul3A_22 : i32
    %add3A_24 = arith.constant 0 : i32
    %add3A_25 = arith.addi %mul3A_23, %add3A_24 : i32
    %dma_wait3A = tpu.memref_slice %arg3[%add3A_25] : memref<800000xi32, #tpu.memory_space<hbm>> -> memref<2000xi32, #tpu.memory_space<hbm>>
    %dma_wait3A_26 = tpu.memref_slice %arg3[%add3A_25] : memref<800000xi32, #tpu.memory_space<hbm>> -> memref<2000xi32, #tpu.memory_space<hbm>>
    tpu.wait_dma2 semaphore(%arg14 : memref<!tpu.dma_semaphore, #tpu.memory_space<semaphore_mem>>) src(%dma_wait3A_26 : memref<2000xi32, #tpu.memory_space<hbm>>) dst(%arg6 : memref<2000xi32, #tpu.memory_space<vmem>>)
    %dma_wait3A_27 = tpu.memref_slice %arg4[%add3A_25] : memref<800000xi32, #tpu.memory_space<hbm>> -> memref<2000xi32, #tpu.memory_space<hbm>>
    %dma_wait3A_28 = tpu.memref_slice %arg4[%add3A_25] : memref<800000xi32, #tpu.memory_space<hbm>> -> memref<2000xi32, #tpu.memory_space<hbm>>
    tpu.wait_dma2 semaphore(%arg14 : memref<!tpu.dma_semaphore, #tpu.memory_space<semaphore_mem>>) src(%dma_wait3A_28 : memref<2000xi32, #tpu.memory_space<hbm>>) dst(%arg9 : memref<2000xi32, #tpu.memory_space<vmem>>)
    %dma_start3A_29 = arith.constant 0 : i32
    %dma_start3A_30 = arith.constant 0 : i32
    %dma_start3A_31 = tpu.memref_slice %arg2[%arg0, %dma_start3A_29, %dma_start3A_30] : memref<2x50000x32xbf16, #tpu.memory_space<hbm>> -> memref<1x50000x32xbf16, #tpu.memory_space<hbm>>
    %dma_start3A_32 = tpu.memref_squeeze %dma_start3A_31 : memref<1x50000x32xbf16, #tpu.memory_space<hbm>> -> memref<50000x32xbf16, #tpu.memory_space<hbm>>
    %dma_start3A_33 = arith.constant 0 : i32
    %dma_start3A_34 = arith.constant 0 : i32
    %dma_start3A_35 = tpu.memref_slice %dma_start3A_32[%dma_start3A_33, %dma_start3A_34] : memref<50000x32xbf16, #tpu.memory_space<hbm>> -> memref<50000x32xbf16, #tpu.memory_space<hbm>>
    tpu.enqueue_indirect_dma source(%dma_start3A_35 : memref<50000x32xbf16, #tpu.memory_space<hbm>>) target(%arg12 : memref<2000x32xbf16, #tpu.memory_space<vmem>>) offsets(%arg6 : memref<2000xi32, #tpu.memory_space<vmem>>) semaphore(%arg17 : memref<!tpu.dma_semaphore, #tpu.memory_space<semaphore_mem>>)
    %mul3A_36 = arith.constant 50000 : i32
    %mul3A_37 = arith.muli %arg1, %mul3A_36 : i32
    %add3A_38 = arith.constant 2000 : i32
    %add3A_39 = arith.addi %mul3A_37, %add3A_38 : i32
    %dma_start3A_40 = tpu.memref_slice %arg3[%add3A_39] : memref<800000xi32, #tpu.memory_space<hbm>> -> memref<2000xi32, #tpu.memory_space<hbm>>
    %dma_start3A_41 = tpu.memref_slice %arg3[%add3A_39] : memref<800000xi32, #tpu.memory_space<hbm>> -> memref<2000xi32, #tpu.memory_space<hbm>>
    tpu.enqueue_dma source(%dma_start3A_41 : memref<2000xi32, #tpu.memory_space<hbm>>) target(%arg7 : memref<2000xi32, #tpu.memory_space<vmem>>) target_semaphore(%arg15 : memref<!tpu.dma_semaphore, #tpu.memory_space<semaphore_mem>>)
    %dma_start3A_42 = tpu.memref_slice %arg4[%add3A_39] : memref<800000xi32, #tpu.memory_space<hbm>> -> memref<2000xi32, #tpu.memory_space<hbm>>
    %dma_start3A_43 = tpu.memref_slice %arg4[%add3A_39] : memref<800000xi32, #tpu.memory_space<hbm>> -> memref<2000xi32, #tpu.memory_space<hbm>>
    tpu.enqueue_dma source(%dma_start3A_43 : memref<2000xi32, #tpu.memory_space<hbm>>) target(%arg10 : memref<2000xi32, #tpu.memory_space<vmem>>) target_semaphore(%arg15 : memref<!tpu.dma_semaphore, #tpu.memory_space<semaphore_mem>>)
    %scan3A_44 = arith.constant 0 : i32
    %scan3A_45 = arith.constant 0 : i32
    %scan3A_46 = arith.constant 25 : i32
    %scan3A_47 = arith.addi %scan3A_45, %scan3A_46 : i32
    %scan3A_48 = arith.constant 1 : i32
    %scan3A_49 = scf.for %scan3A_68 = %scan3A_45 to %scan3A_47 step %scan3A_48 iter_args(%scan3A_69 = %scan3A_44) -> (i32)  : i32 {
      %jit3A = arith.constant 6 : i32
      %eq3A_70 = arith.constant 0 : i32
      %eq3A_71 = arith.cmpi eq, %jit3A, %eq3A_70 : i32
      %jit3A_72 = arith.constant 1 : i32
      %select_n3A = arith.select %eq3A_71, %jit3A_72, %jit3A : i32
      %rem3A = arith.remsi %scan3A_68, %select_n3A : i32
      %ne3A = arith.constant 0 : i32
      %ne3A_73 = arith.cmpi ne, %rem3A, %ne3A : i32
      %lt3A_74 = arith.constant 0 : i32
      %lt3A_75 = arith.cmpi slt, %rem3A, %lt3A_74 : i32
      %lt3A_76 = arith.constant 0 : i32
      %lt3A_77 = arith.cmpi slt, %select_n3A, %lt3A_76 : i32
      %ne3A_78 = arith.xori %lt3A_75, %lt3A_77 : i1
      %and3A = arith.andi %ne3A_78, %ne3A_73 : i1
      %add3A_79 = arith.addi %rem3A, %select_n3A : i32
      %select_n3A_80 = arith.select %and3A, %add3A_79, %rem3A : i32
      %eq3A_81 = arith.constant 0 : i32
      %eq3A_82 = arith.cmpi eq, %select_n3A_80, %eq3A_81 : i32
      %convert_element_type3A_83 = arith.extui %eq3A_82 : i1 to i32
      %cond3A_84 = arith.constant 0 : i32
      %cond3A_85 = arith.cmpi ne, %convert_element_type3A_83, %cond3A_84 : i32
      scf.if %cond3A_85 {
        %dma_wait3A_192 = arith.constant 0 : i32
        %dma_wait3A_193 = arith.constant 0 : i32
        %dma_wait3A_194 = tpu.memref_slice %arg2[%arg0, %dma_wait3A_192, %dma_wait3A_193] : memref<2x50000x32xbf16, #tpu.memory_space<hbm>> -> memref<1x50000x32xbf16, #tpu.memory_space<hbm>>
        %dma_wait3A_195 = tpu.memref_squeeze %dma_wait3A_194 : memref<1x50000x32xbf16, #tpu.memory_space<hbm>> -> memref<50000x32xbf16, #tpu.memory_space<hbm>>
        %dma_wait3A_196 = arith.constant 0 : i32
        %dma_wait3A_197 = arith.constant 0 : i32
        %dma_wait3A_198 = tpu.memref_slice %dma_wait3A_195[%dma_wait3A_196, %dma_wait3A_197] : memref<50000x32xbf16, #tpu.memory_space<hbm>> -> memref<50000x32xbf16, #tpu.memory_space<hbm>>
        tpu.wait_indirect_dma semaphore(%arg17 : memref<!tpu.dma_semaphore, #tpu.memory_space<semaphore_mem>>) src(%dma_wait3A_198 : memref<50000x32xbf16, #tpu.memory_space<hbm>>) dst(%arg12 : memref<2000x32xbf16, #tpu.memory_space<vmem>>)
        %dma_start3A_199 = arith.constant 0 : i32
        %dma_start3A_200 = arith.constant 0 : i32
        %dma_start3A_201 = tpu.memref_slice %arg21[%dma_start3A_199, %dma_start3A_200] : memref<50000x32xbf16, #tpu.memory_space<vmem_shared>> -> memref<50000x32xbf16, #tpu.memory_space<vmem_shared>>
        tpu.enqueue_indirect_dma source(%arg12 : memref<2000x32xbf16, #tpu.memory_space<vmem>>) target(%dma_start3A_201 : memref<50000x32xbf16, #tpu.memory_space<vmem_shared>>) offsets(%arg9 : memref<2000xi32, #tpu.memory_space<vmem>>) semaphore(%arg19 : memref<!tpu.dma_semaphore, #tpu.memory_space<semaphore_mem>>) {add = true}
        %add3A_202 = arith.constant 1 : i32
        %add3A_203 = arith.addi %scan3A_68, %add3A_202 : i32
        %lt3A_204 = arith.constant 25 : i32
        %lt3A_205 = arith.cmpi slt, %add3A_203, %lt3A_204 : i32
        %convert_element_type3A_206 = arith.extui %lt3A_205 : i1 to i32
        %cond3A_207 = arith.constant 0 : i32
        %cond3A_208 = arith.cmpi ne, %convert_element_type3A_206, %cond3A_207 : i32
        scf.if %cond3A_208 {
          %add3A_216 = arith.constant 1 : i32
          %add3A_217 = arith.addi %scan3A_68, %add3A_216 : i32
          %mul3A_218 = arith.constant 50000 : i32
          %mul3A_219 = arith.muli %arg1, %mul3A_218 : i32
          %mul3A_220 = arith.constant 2000 : i32
          %mul3A_221 = arith.muli %add3A_217, %mul3A_220 : i32
          %add3A_222 = arith.addi %mul3A_219, %mul3A_221 : i32
          %dma_wait3A_223 = tpu.memref_slice %arg3[%add3A_222] : memref<800000xi32, #tpu.memory_space<hbm>> -> memref<2000xi32, #tpu.memory_space<hbm>>
          %dma_wait3A_224 = tpu.memref_slice %arg3[%add3A_222] : memref<800000xi32, #tpu.memory_space<hbm>> -> memref<2000xi32, #tpu.memory_space<hbm>>
          tpu.wait_dma2 semaphore(%arg15 : memref<!tpu.dma_semaphore, #tpu.memory_space<semaphore_mem>>) src(%dma_wait3A_224 : memref<2000xi32, #tpu.memory_space<hbm>>) dst(%arg7 : memref<2000xi32, #tpu.memory_space<vmem>>)
          %dma_wait3A_225 = tpu.memref_slice %arg4[%add3A_222] : memref<800000xi32, #tpu.memory_space<hbm>> -> memref<2000xi32, #tpu.memory_space<hbm>>
          %dma_wait3A_226 = tpu.memref_slice %arg4[%add3A_222] : memref<800000xi32, #tpu.memory_space<hbm>> -> memref<2000xi32, #tpu.memory_space<hbm>>
          tpu.wait_dma2 semaphore(%arg15 : memref<!tpu.dma_semaphore, #tpu.memory_space<semaphore_mem>>) src(%dma_wait3A_226 : memref<2000xi32, #tpu.memory_space<hbm>>) dst(%arg10 : memref<2000xi32, #tpu.memory_space<vmem>>)
          %ge3A = arith.constant 1 : i32
          %ge3A_227 = arith.cmpi sge, %scan3A_68, %ge3A : i32
          %convert_element_type3A_228 = arith.extui %ge3A_227 : i1 to i32
          %cond3A_229 = arith.constant 0 : i32
          %cond3A_230 = arith.cmpi ne, %convert_element_type3A_228, %cond3A_229 : i32
          scf.if %cond3A_230 {
            %dma_wait3A_238 = arith.constant 0 : i32
            %dma_wait3A_239 = arith.constant 0 : i32
            %dma_wait3A_240 = tpu.memref_slice %arg21[%dma_wait3A_238, %dma_wait3A_239] : memref<50000x32xbf16, #tpu.memory_space<vmem_shared>> -> memref<50000x32xbf16, #tpu.memory_space<vmem_shared>>
            tpu.wait_indirect_dma semaphore(%arg20 : memref<!tpu.dma_semaphore, #tpu.memory_space<semaphore_mem>>) src(%arg13 : memref<2000x32xbf16, #tpu.memory_space<vmem>>) dst(%dma_wait3A_240 : memref<50000x32xbf16, #tpu.memory_space<vmem_shared>>)
          } else {
          }
          %dma_start3A_231 = arith.constant 0 : i32
          %dma_start3A_232 = arith.constant 0 : i32
          %dma_start3A_233 = tpu.memref_slice %arg2[%arg0, %dma_start3A_231, %dma_start3A_232] : memref<2x50000x32xbf16, #tpu.memory_space<hbm>> -> memref<1x50000x32xbf16, #tpu.memory_space<hbm>>
          %dma_start3A_234 = tpu.memref_squeeze %dma_start3A_233 : memref<1x50000x32xbf16, #tpu.memory_space<hbm>> -> memref<50000x32xbf16, #tpu.memory_space<hbm>>
          %dma_start3A_235 = arith.constant 0 : i32
          %dma_start3A_236 = arith.constant 0 : i32
          %dma_start3A_237 = tpu.memref_slice %dma_start3A_234[%dma_start3A_235, %dma_start3A_236] : memref<50000x32xbf16, #tpu.memory_space<hbm>> -> memref<50000x32xbf16, #tpu.memory_space<hbm>>
          tpu.enqueue_indirect_dma source(%dma_start3A_237 : memref<50000x32xbf16, #tpu.memory_space<hbm>>) target(%arg13 : memref<2000x32xbf16, #tpu.memory_space<vmem>>) offsets(%arg7 : memref<2000xi32, #tpu.memory_space<vmem>>) semaphore(%arg18 : memref<!tpu.dma_semaphore, #tpu.memory_space<semaphore_mem>>)
        } else {
        }
        %add3A_209 = arith.constant 2 : i32
        %add3A_210 = arith.addi %scan3A_68, %add3A_209 : i32
        %lt3A_211 = arith.constant 25 : i32
        %lt3A_212 = arith.cmpi slt, %add3A_210, %lt3A_211 : i32
        %convert_element_type3A_213 = arith.extui %lt3A_212 : i1 to i32
        %cond3A_214 = arith.constant 0 : i32
        %cond3A_215 = arith.cmpi ne, %convert_element_type3A_213, %cond3A_214 : i32
        scf.if %cond3A_215 {
          %add3A_216 = arith.constant 2 : i32
          %add3A_217 = arith.addi %scan3A_68, %add3A_216 : i32
          %mul3A_218 = arith.constant 50000 : i32
          %mul3A_219 = arith.muli %arg1, %mul3A_218 : i32
          %mul3A_220 = arith.constant 2000 : i32
          %mul3A_221 = arith.muli %add3A_217, %mul3A_220 : i32
          %add3A_222 = arith.addi %mul3A_219, %mul3A_221 : i32
          %dma_start3A_223 = tpu.memref_slice %arg3[%add3A_222] : memref<800000xi32, #tpu.memory_space<hbm>> -> memref<2000xi32, #tpu.memory_space<hbm>>
          %dma_start3A_224 = tpu.memref_slice %arg3[%add3A_222] : memref<800000xi32, #tpu.memory_space<hbm>> -> memref<2000xi32, #tpu.memory_space<hbm>>
          tpu.enqueue_dma source(%dma_start3A_224 : memref<2000xi32, #tpu.memory_space<hbm>>) target(%arg8 : memref<2000xi32, #tpu.memory_space<vmem>>) target_semaphore(%arg16 : memref<!tpu.dma_semaphore, #tpu.memory_space<semaphore_mem>>)
          %dma_start3A_225 = tpu.memref_slice %arg4[%add3A_222] : memref<800000xi32, #tpu.memory_space<hbm>> -> memref<2000xi32, #tpu.memory_space<hbm>>
          %dma_start3A_226 = tpu.memref_slice %arg4[%add3A_222] : memref<800000xi32, #tpu.memory_space<hbm>> -> memref<2000xi32, #tpu.memory_space<hbm>>
          tpu.enqueue_dma source(%dma_start3A_226 : memref<2000xi32, #tpu.memory_space<hbm>>) target(%arg11 : memref<2000xi32, #tpu.memory_space<vmem>>) target_semaphore(%arg16 : memref<!tpu.dma_semaphore, #tpu.memory_space<semaphore_mem>>)
        } else {
        }
      } else {
      }
      %jit3A_86 = arith.constant 6 : i32
      %eq3A_87 = arith.constant 0 : i32
      %eq3A_88 = arith.cmpi eq, %jit3A_86, %eq3A_87 : i32
      %jit3A_89 = arith.constant 1 : i32
      %select_n3A_90 = arith.select %eq3A_88, %jit3A_89, %jit3A_86 : i32
      %rem3A_91 = arith.remsi %scan3A_68, %select_n3A_90 : i32
      %ne3A_92 = arith.constant 0 : i32
      %ne3A_93 = arith.cmpi ne, %rem3A_91, %ne3A_92 : i32
      %lt3A_94 = arith.constant 0 : i32
      %lt3A_95 = arith.cmpi slt, %rem3A_91, %lt3A_94 : i32
      %lt3A_96 = arith.constant 0 : i32
      %lt3A_97 = arith.cmpi slt, %select_n3A_90, %lt3A_96 : i32
      %ne3A_98 = arith.xori %lt3A_95, %lt3A_97 : i1
      %and3A_99 = arith.andi %ne3A_98, %ne3A_93 : i1
      %add3A_100 = arith.addi %rem3A_91, %select_n3A_90 : i32
      %select_n3A_101 = arith.select %and3A_99, %add3A_100, %rem3A_91 : i32
      %eq3A_102 = arith.constant 1 : i32
      %eq3A_103 = arith.cmpi eq, %select_n3A_101, %eq3A_102 : i32
      %convert_element_type3A_104 = arith.extui %eq3A_103 : i1 to i32
      %cond3A_105 = arith.constant 0 : i32
      %cond3A_106 = arith.cmpi ne, %convert_element_type3A_104, %cond3A_105 : i32
      scf.if %cond3A_106 {
        %dma_wait3A_192 = arith.constant 0 : i32
        %dma_wait3A_193 = arith.constant 0 : i32
        %dma_wait3A_194 = tpu.memref_slice %arg2[%arg0, %dma_wait3A_192, %dma_wait3A_193] : memref<2x50000x32xbf16, #tpu.memory_space<hbm>> -> memref<1x50000x32xbf16, #tpu.memory_space<hbm>>
        %dma_wait3A_195 = tpu.memref_squeeze %dma_wait3A_194 : memref<1x50000x32xbf16, #tpu.memory_space<hbm>> -> memref<50000x32xbf16, #tpu.memory_space<hbm>>
        %dma_wait3A_196 = arith.constant 0 : i32
        %dma_wait3A_197 = arith.constant 0 : i32
        %dma_wait3A_198 = tpu.memref_slice %dma_wait3A_195[%dma_wait3A_196, %dma_wait3A_197] : memref<50000x32xbf16, #tpu.memory_space<hbm>> -> memref<50000x32xbf16, #tpu.memory_space<hbm>>
        tpu.wait_indirect_dma semaphore(%arg18 : memref<!tpu.dma_semaphore, #tpu.memory_space<semaphore_mem>>) src(%dma_wait3A_198 : memref<50000x32xbf16, #tpu.memory_space<hbm>>) dst(%arg13 : memref<2000x32xbf16, #tpu.memory_space<vmem>>)
        %dma_start3A_199 = arith.constant 0 : i32
        %dma_start3A_200 = arith.constant 0 : i32
        %dma_start3A_201 = tpu.memref_slice %arg21[%dma_start3A_199, %dma_start3A_200] : memref<50000x32xbf16, #tpu.memory_space<vmem_shared>> -> memref<50000x32xbf16, #tpu.memory_space<vmem_shared>>
        tpu.enqueue_indirect_dma source(%arg13 : memref<2000x32xbf16, #tpu.memory_space<vmem>>) target(%dma_start3A_201 : memref<50000x32xbf16, #tpu.memory_space<vmem_shared>>) offsets(%arg10 : memref<2000xi32, #tpu.memory_space<vmem>>) semaphore(%arg20 : memref<!tpu.dma_semaphore, #tpu.memory_space<semaphore_mem>>) {add = true}
        %add3A_202 = arith.constant 1 : i32
        %add3A_203 = arith.addi %scan3A_68, %add3A_202 : i32
        %lt3A_204 = arith.constant 25 : i32
        %lt3A_205 = arith.cmpi slt, %add3A_203, %lt3A_204 : i32
        %convert_element_type3A_206 = arith.extui %lt3A_205 : i1 to i32
        %cond3A_207 = arith.constant 0 : i32
        %cond3A_208 = arith.cmpi ne, %convert_element_type3A_206, %cond3A_207 : i32
        scf.if %cond3A_208 {
          %add3A_216 = arith.constant 1 : i32
          %add3A_217 = arith.addi %scan3A_68, %add3A_216 : i32
          %mul3A_218 = arith.constant 50000 : i32
          %mul3A_219 = arith.muli %arg1, %mul3A_218 : i32
          %mul3A_220 = arith.constant 2000 : i32
          %mul3A_221 = arith.muli %add3A_217, %mul3A_220 : i32
          %add3A_222 = arith.addi %mul3A_219, %mul3A_221 : i32
          %dma_wait3A_223 = tpu.memref_slice %arg3[%add3A_222] : memref<800000xi32, #tpu.memory_space<hbm>> -> memref<2000xi32, #tpu.memory_space<hbm>>
          %dma_wait3A_224 = tpu.memref_slice %arg3[%add3A_222] : memref<800000xi32, #tpu.memory_space<hbm>> -> memref<2000xi32, #tpu.memory_space<hbm>>
          tpu.wait_dma2 semaphore(%arg16 : memref<!tpu.dma_semaphore, #tpu.memory_space<semaphore_mem>>) src(%dma_wait3A_224 : memref<2000xi32, #tpu.memory_space<hbm>>) dst(%arg8 : memref<2000xi32, #tpu.memory_space<vmem>>)
          %dma_wait3A_225 = tpu.memref_slice %arg4[%add3A_222] : memref<800000xi32, #tpu.memory_space<hbm>> -> memref<2000xi32, #tpu.memory_space<hbm>>
          %dma_wait3A_226 = tpu.memref_slice %arg4[%add3A_222] : memref<800000xi32, #tpu.memory_space<hbm>> -> memref<2000xi32, #tpu.memory_space<hbm>>
          tpu.wait_dma2 semaphore(%arg16 : memref<!tpu.dma_semaphore, #tpu.memory_space<semaphore_mem>>) src(%dma_wait3A_226 : memref<2000xi32, #tpu.memory_space<hbm>>) dst(%arg11 : memref<2000xi32, #tpu.memory_space<vmem>>)
          %ge3A = arith.constant 1 : i32
          %ge3A_227 = arith.cmpi sge, %scan3A_68, %ge3A : i32
          %convert_element_type3A_228 = arith.extui %ge3A_227 : i1 to i32
          %cond3A_229 = arith.constant 0 : i32
          %cond3A_230 = arith.cmpi ne, %convert_element_type3A_228, %cond3A_229 : i32
          scf.if %cond3A_230 {
            %dma_wait3A_238 = arith.constant 0 : i32
            %dma_wait3A_239 = arith.constant 0 : i32
            %dma_wait3A_240 = tpu.memref_slice %arg21[%dma_wait3A_238, %dma_wait3A_239] : memref<50000x32xbf16, #tpu.memory_space<vmem_shared>> -> memref<50000x32xbf16, #tpu.memory_space<vmem_shared>>
            tpu.wait_indirect_dma semaphore(%arg19 : memref<!tpu.dma_semaphore, #tpu.memory_space<semaphore_mem>>) src(%arg12 : memref<2000x32xbf16, #tpu.memory_space<vmem>>) dst(%dma_wait3A_240 : memref<50000x32xbf16, #tpu.memory_space<vmem_shared>>)
          } else {
          }
          %dma_start3A_231 = arith.constant 0 : i32
          %dma_start3A_232 = arith.constant 0 : i32
          %dma_start3A_233 = tpu.memref_slice %arg2[%arg0, %dma_start3A_231, %dma_start3A_232] : memref<2x50000x32xbf16, #tpu.memory_space<hbm>> -> memref<1x50000x32xbf16, #tpu.memory_space<hbm>>
          %dma_start3A_234 = tpu.memref_squeeze %dma_start3A_233 : memref<1x50000x32xbf16, #tpu.memory_space<hbm>> -> memref<50000x32xbf16, #tpu.memory_space<hbm>>
          %dma_start3A_235 = arith.constant 0 : i32
          %dma_start3A_236 = arith.constant 0 : i32
          %dma_start3A_237 = tpu.memref_slice %dma_start3A_234[%dma_start3A_235, %dma_start3A_236] : memref<50000x32xbf16, #tpu.memory_space<hbm>> -> memref<50000x32xbf16, #tpu.memory_space<hbm>>
          tpu.enqueue_indirect_dma source(%dma_start3A_237 : memref<50000x32xbf16, #tpu.memory_space<hbm>>) target(%arg12 : memref<2000x32xbf16, #tpu.memory_space<vmem>>) offsets(%arg8 : memref<2000xi32, #tpu.memory_space<vmem>>) semaphore(%arg17 : memref<!tpu.dma_semaphore, #tpu.memory_space<semaphore_mem>>)
        } else {
        }
        %add3A_209 = arith.constant 2 : i32
        %add3A_210 = arith.addi %scan3A_68, %add3A_209 : i32
        %lt3A_211 = arith.constant 25 : i32
        %lt3A_212 = arith.cmpi slt, %add3A_210, %lt3A_211 : i32
        %convert_element_type3A_213 = arith.extui %lt3A_212 : i1 to i32
        %cond3A_214 = arith.constant 0 : i32
        %cond3A_215 = arith.cmpi ne, %convert_element_type3A_213, %cond3A_214 : i32
        scf.if %cond3A_215 {
          %add3A_216 = arith.constant 2 : i32
          %add3A_217 = arith.addi %scan3A_68, %add3A_216 : i32
          %mul3A_218 = arith.constant 50000 : i32
          %mul3A_219 = arith.muli %arg1, %mul3A_218 : i32
          %mul3A_220 = arith.constant 2000 : i32
          %mul3A_221 = arith.muli %add3A_217, %mul3A_220 : i32
          %add3A_222 = arith.addi %mul3A_219, %mul3A_221 : i32
          %dma_start3A_223 = tpu.memref_slice %arg3[%add3A_222] : memref<800000xi32, #tpu.memory_space<hbm>> -> memref<2000xi32, #tpu.memory_space<hbm>>
          %dma_start3A_224 = tpu.memref_slice %arg3[%add3A_222] : memref<800000xi32, #tpu.memory_space<hbm>> -> memref<2000xi32, #tpu.memory_space<hbm>>
          tpu.enqueue_dma source(%dma_start3A_224 : memref<2000xi32, #tpu.memory_space<hbm>>) target(%arg6 : memref<2000xi32, #tpu.memory_space<vmem>>) target_semaphore(%arg14 : memref<!tpu.dma_semaphore, #tpu.memory_space<semaphore_mem>>)
          %dma_start3A_225 = tpu.memref_slice %arg4[%add3A_222] : memref<800000xi32, #tpu.memory_space<hbm>> -> memref<2000xi32, #tpu.memory_space<hbm>>
          %dma_start3A_226 = tpu.memref_slice %arg4[%add3A_222] : memref<800000xi32, #tpu.memory_space<hbm>> -> memref<2000xi32, #tpu.memory_space<hbm>>
          tpu.enqueue_dma source(%dma_start3A_226 : memref<2000xi32, #tpu.memory_space<hbm>>) target(%arg9 : memref<2000xi32, #tpu.memory_space<vmem>>) target_semaphore(%arg14 : memref<!tpu.dma_semaphore, #tpu.memory_space<semaphore_mem>>)
        } else {
        }
      } else {
      }
      %jit3A_107 = arith.constant 6 : i32
      %eq3A_108 = arith.constant 0 : i32
      %eq3A_109 = arith.cmpi eq, %jit3A_107, %eq3A_108 : i32
      %jit3A_110 = arith.constant 1 : i32
      %select_n3A_111 = arith.select %eq3A_109, %jit3A_110, %jit3A_107 : i32
      %rem3A_112 = arith.remsi %scan3A_68, %select_n3A_111 : i32
      %ne3A_113 = arith.constant 0 : i32
      %ne3A_114 = arith.cmpi ne, %rem3A_112, %ne3A_113 : i32
      %lt3A_115 = arith.constant 0 : i32
      %lt3A_116 = arith.cmpi slt, %rem3A_112, %lt3A_115 : i32
      %lt3A_117 = arith.constant 0 : i32
      %lt3A_118 = arith.cmpi slt, %select_n3A_111, %lt3A_117 : i32
      %ne3A_119 = arith.xori %lt3A_116, %lt3A_118 : i1
      %and3A_120 = arith.andi %ne3A_119, %ne3A_114 : i1
      %add3A_121 = arith.addi %rem3A_112, %select_n3A_111 : i32
      %select_n3A_122 = arith.select %and3A_120, %add3A_121, %rem3A_112 : i32
      %eq3A_123 = arith.constant 2 : i32
      %eq3A_124 = arith.cmpi eq, %select_n3A_122, %eq3A_123 : i32
      %convert_element_type3A_125 = arith.extui %eq3A_124 : i1 to i32
      %cond3A_126 = arith.constant 0 : i32
      %cond3A_127 = arith.cmpi ne, %convert_element_type3A_125, %cond3A_126 : i32
      scf.if %cond3A_127 {
        %dma_wait3A_192 = arith.constant 0 : i32
        %dma_wait3A_193 = arith.constant 0 : i32
        %dma_wait3A_194 = tpu.memref_slice %arg2[%arg0, %dma_wait3A_192, %dma_wait3A_193] : memref<2x50000x32xbf16, #tpu.memory_space<hbm>> -> memref<1x50000x32xbf16, #tpu.memory_space<hbm>>
        %dma_wait3A_195 = tpu.memref_squeeze %dma_wait3A_194 : memref<1x50000x32xbf16, #tpu.memory_space<hbm>> -> memref<50000x32xbf16, #tpu.memory_space<hbm>>
        %dma_wait3A_196 = arith.constant 0 : i32
        %dma_wait3A_197 = arith.constant 0 : i32
        %dma_wait3A_198 = tpu.memref_slice %dma_wait3A_195[%dma_wait3A_196, %dma_wait3A_197] : memref<50000x32xbf16, #tpu.memory_space<hbm>> -> memref<50000x32xbf16, #tpu.memory_space<hbm>>
        tpu.wait_indirect_dma semaphore(%arg17 : memref<!tpu.dma_semaphore, #tpu.memory_space<semaphore_mem>>) src(%dma_wait3A_198 : memref<50000x32xbf16, #tpu.memory_space<hbm>>) dst(%arg12 : memref<2000x32xbf16, #tpu.memory_space<vmem>>)
        %dma_start3A_199 = arith.constant 0 : i32
        %dma_start3A_200 = arith.constant 0 : i32
        %dma_start3A_201 = tpu.memref_slice %arg21[%dma_start3A_199, %dma_start3A_200] : memref<50000x32xbf16, #tpu.memory_space<vmem_shared>> -> memref<50000x32xbf16, #tpu.memory_space<vmem_shared>>
        tpu.enqueue_indirect_dma source(%arg12 : memref<2000x32xbf16, #tpu.memory_space<vmem>>) target(%dma_start3A_201 : memref<50000x32xbf16, #tpu.memory_space<vmem_shared>>) offsets(%arg11 : memref<2000xi32, #tpu.memory_space<vmem>>) semaphore(%arg19 : memref<!tpu.dma_semaphore, #tpu.memory_space<semaphore_mem>>) {add = true}
        %add3A_202 = arith.constant 1 : i32
        %add3A_203 = arith.addi %scan3A_68, %add3A_202 : i32
        %lt3A_204 = arith.constant 25 : i32
        %lt3A_205 = arith.cmpi slt, %add3A_203, %lt3A_204 : i32
        %convert_element_type3A_206 = arith.extui %lt3A_205 : i1 to i32
        %cond3A_207 = arith.constant 0 : i32
        %cond3A_208 = arith.cmpi ne, %convert_element_type3A_206, %cond3A_207 : i32
        scf.if %cond3A_208 {
          %add3A_216 = arith.constant 1 : i32
          %add3A_217 = arith.addi %scan3A_68, %add3A_216 : i32
          %mul3A_218 = arith.constant 50000 : i32
          %mul3A_219 = arith.muli %arg1, %mul3A_218 : i32
          %mul3A_220 = arith.constant 2000 : i32
          %mul3A_221 = arith.muli %add3A_217, %mul3A_220 : i32
          %add3A_222 = arith.addi %mul3A_219, %mul3A_221 : i32
          %dma_wait3A_223 = tpu.memref_slice %arg3[%add3A_222] : memref<800000xi32, #tpu.memory_space<hbm>> -> memref<2000xi32, #tpu.memory_space<hbm>>
          %dma_wait3A_224 = tpu.memref_slice %arg3[%add3A_222] : memref<800000xi32, #tpu.memory_space<hbm>> -> memref<2000xi32, #tpu.memory_space<hbm>>
          tpu.wait_dma2 semaphore(%arg14 : memref<!tpu.dma_semaphore, #tpu.memory_space<semaphore_mem>>) src(%dma_wait3A_224 : memref<2000xi32, #tpu.memory_space<hbm>>) dst(%arg6 : memref<2000xi32, #tpu.memory_space<vmem>>)
          %dma_wait3A_225 = tpu.memref_slice %arg4[%add3A_222] : memref<800000xi32, #tpu.memory_space<hbm>> -> memref<2000xi32, #tpu.memory_space<hbm>>
          %dma_wait3A_226 = tpu.memref_slice %arg4[%add3A_222] : memref<800000xi32, #tpu.memory_space<hbm>> -> memref<2000xi32, #tpu.memory_space<hbm>>
          tpu.wait_dma2 semaphore(%arg14 : memref<!tpu.dma_semaphore, #tpu.memory_space<semaphore_mem>>) src(%dma_wait3A_226 : memref<2000xi32, #tpu.memory_space<hbm>>) dst(%arg9 : memref<2000xi32, #tpu.memory_space<vmem>>)
          %ge3A = arith.constant 1 : i32
          %ge3A_227 = arith.cmpi sge, %scan3A_68, %ge3A : i32
          %convert_element_type3A_228 = arith.extui %ge3A_227 : i1 to i32
          %cond3A_229 = arith.constant 0 : i32
          %cond3A_230 = arith.cmpi ne, %convert_element_type3A_228, %cond3A_229 : i32
          scf.if %cond3A_230 {
            %dma_wait3A_238 = arith.constant 0 : i32
            %dma_wait3A_239 = arith.constant 0 : i32
            %dma_wait3A_240 = tpu.memref_slice %arg21[%dma_wait3A_238, %dma_wait3A_239] : memref<50000x32xbf16, #tpu.memory_space<vmem_shared>> -> memref<50000x32xbf16, #tpu.memory_space<vmem_shared>>
            tpu.wait_indirect_dma semaphore(%arg20 : memref<!tpu.dma_semaphore, #tpu.memory_space<semaphore_mem>>) src(%arg13 : memref<2000x32xbf16, #tpu.memory_space<vmem>>) dst(%dma_wait3A_240 : memref<50000x32xbf16, #tpu.memory_space<vmem_shared>>)
          } else {
          }
          %dma_start3A_231 = arith.constant 0 : i32
          %dma_start3A_232 = arith.constant 0 : i32
          %dma_start3A_233 = tpu.memref_slice %arg2[%arg0, %dma_start3A_231, %dma_start3A_232] : memref<2x50000x32xbf16, #tpu.memory_space<hbm>> -> memref<1x50000x32xbf16, #tpu.memory_space<hbm>>
          %dma_start3A_234 = tpu.memref_squeeze %dma_start3A_233 : memref<1x50000x32xbf16, #tpu.memory_space<hbm>> -> memref<50000x32xbf16, #tpu.memory_space<hbm>>
          %dma_start3A_235 = arith.constant 0 : i32
          %dma_start3A_236 = arith.constant 0 : i32
          %dma_start3A_237 = tpu.memref_slice %dma_start3A_234[%dma_start3A_235, %dma_start3A_236] : memref<50000x32xbf16, #tpu.memory_space<hbm>> -> memref<50000x32xbf16, #tpu.memory_space<hbm>>
          tpu.enqueue_indirect_dma source(%dma_start3A_237 : memref<50000x32xbf16, #tpu.memory_space<hbm>>) target(%arg13 : memref<2000x32xbf16, #tpu.memory_space<vmem>>) offsets(%arg6 : memref<2000xi32, #tpu.memory_space<vmem>>) semaphore(%arg18 : memref<!tpu.dma_semaphore, #tpu.memory_space<semaphore_mem>>)
        } else {
        }
        %add3A_209 = arith.constant 2 : i32
        %add3A_210 = arith.addi %scan3A_68, %add3A_209 : i32
        %lt3A_211 = arith.constant 25 : i32
        %lt3A_212 = arith.cmpi slt, %add3A_210, %lt3A_211 : i32
        %convert_element_type3A_213 = arith.extui %lt3A_212 : i1 to i32
        %cond3A_214 = arith.constant 0 : i32
        %cond3A_215 = arith.cmpi ne, %convert_element_type3A_213, %cond3A_214 : i32
        scf.if %cond3A_215 {
          %add3A_216 = arith.constant 2 : i32
          %add3A_217 = arith.addi %scan3A_68, %add3A_216 : i32
          %mul3A_218 = arith.constant 50000 : i32
          %mul3A_219 = arith.muli %arg1, %mul3A_218 : i32
          %mul3A_220 = arith.constant 2000 : i32
          %mul3A_221 = arith.muli %add3A_217, %mul3A_220 : i32
          %add3A_222 = arith.addi %mul3A_219, %mul3A_221 : i32
          %dma_start3A_223 = tpu.memref_slice %arg3[%add3A_222] : memref<800000xi32, #tpu.memory_space<hbm>> -> memref<2000xi32, #tpu.memory_space<hbm>>
          %dma_start3A_224 = tpu.memref_slice %arg3[%add3A_222] : memref<800000xi32, #tpu.memory_space<hbm>> -> memref<2000xi32, #tpu.memory_space<hbm>>
          tpu.enqueue_dma source(%dma_start3A_224 : memref<2000xi32, #tpu.memory_space<hbm>>) target(%arg7 : memref<2000xi32, #tpu.memory_space<vmem>>) target_semaphore(%arg15 : memref<!tpu.dma_semaphore, #tpu.memory_space<semaphore_mem>>)
          %dma_start3A_225 = tpu.memref_slice %arg4[%add3A_222] : memref<800000xi32, #tpu.memory_space<hbm>> -> memref<2000xi32, #tpu.memory_space<hbm>>
          %dma_start3A_226 = tpu.memref_slice %arg4[%add3A_222] : memref<800000xi32, #tpu.memory_space<hbm>> -> memref<2000xi32, #tpu.memory_space<hbm>>
          tpu.enqueue_dma source(%dma_start3A_226 : memref<2000xi32, #tpu.memory_space<hbm>>) target(%arg10 : memref<2000xi32, #tpu.memory_space<vmem>>) target_semaphore(%arg15 : memref<!tpu.dma_semaphore, #tpu.memory_space<semaphore_mem>>)
        } else {
        }
      } else {
      }
      %jit3A_128 = arith.constant 6 : i32
      %eq3A_129 = arith.constant 0 : i32
      %eq3A_130 = arith.cmpi eq, %jit3A_128, %eq3A_129 : i32
      %jit3A_131 = arith.constant 1 : i32
      %select_n3A_132 = arith.select %eq3A_130, %jit3A_131, %jit3A_128 : i32
      %rem3A_133 = arith.remsi %scan3A_68, %select_n3A_132 : i32
      %ne3A_134 = arith.constant 0 : i32
      %ne3A_135 = arith.cmpi ne, %rem3A_133, %ne3A_134 : i32
      %lt3A_136 = arith.constant 0 : i32
      %lt3A_137 = arith.cmpi slt, %rem3A_133, %lt3A_136 : i32
      %lt3A_138 = arith.constant 0 : i32
      %lt3A_139 = arith.cmpi slt, %select_n3A_132, %lt3A_138 : i32
      %ne3A_140 = arith.xori %lt3A_137, %lt3A_139 : i1
      %and3A_141 = arith.andi %ne3A_140, %ne3A_135 : i1
      %add3A_142 = arith.addi %rem3A_133, %select_n3A_132 : i32
      %select_n3A_143 = arith.select %and3A_141, %add3A_142, %rem3A_133 : i32
      %eq3A_144 = arith.constant 3 : i32
      %eq3A_145 = arith.cmpi eq, %select_n3A_143, %eq3A_144 : i32
      %convert_element_type3A_146 = arith.extui %eq3A_145 : i1 to i32
      %cond3A_147 = arith.constant 0 : i32
      %cond3A_148 = arith.cmpi ne, %convert_element_type3A_146, %cond3A_147 : i32
      scf.if %cond3A_148 {
        %dma_wait3A_192 = arith.constant 0 : i32
        %dma_wait3A_193 = arith.constant 0 : i32
        %dma_wait3A_194 = tpu.memref_slice %arg2[%arg0, %dma_wait3A_192, %dma_wait3A_193] : memref<2x50000x32xbf16, #tpu.memory_space<hbm>> -> memref<1x50000x32xbf16, #tpu.memory_space<hbm>>
        %dma_wait3A_195 = tpu.memref_squeeze %dma_wait3A_194 : memref<1x50000x32xbf16, #tpu.memory_space<hbm>> -> memref<50000x32xbf16, #tpu.memory_space<hbm>>
        %dma_wait3A_196 = arith.constant 0 : i32
        %dma_wait3A_197 = arith.constant 0 : i32
        %dma_wait3A_198 = tpu.memref_slice %dma_wait3A_195[%dma_wait3A_196, %dma_wait3A_197] : memref<50000x32xbf16, #tpu.memory_space<hbm>> -> memref<50000x32xbf16, #tpu.memory_space<hbm>>
        tpu.wait_indirect_dma semaphore(%arg18 : memref<!tpu.dma_semaphore, #tpu.memory_space<semaphore_mem>>) src(%dma_wait3A_198 : memref<50000x32xbf16, #tpu.memory_space<hbm>>) dst(%arg13 : memref<2000x32xbf16, #tpu.memory_space<vmem>>)
        %dma_start3A_199 = arith.constant 0 : i32
        %dma_start3A_200 = arith.constant 0 : i32
        %dma_start3A_201 = tpu.memref_slice %arg21[%dma_start3A_199, %dma_start3A_200] : memref<50000x32xbf16, #tpu.memory_space<vmem_shared>> -> memref<50000x32xbf16, #tpu.memory_space<vmem_shared>>
        tpu.enqueue_indirect_dma source(%arg13 : memref<2000x32xbf16, #tpu.memory_space<vmem>>) target(%dma_start3A_201 : memref<50000x32xbf16, #tpu.memory_space<vmem_shared>>) offsets(%arg9 : memref<2000xi32, #tpu.memory_space<vmem>>) semaphore(%arg20 : memref<!tpu.dma_semaphore, #tpu.memory_space<semaphore_mem>>) {add = true}
        %add3A_202 = arith.constant 1 : i32
        %add3A_203 = arith.addi %scan3A_68, %add3A_202 : i32
        %lt3A_204 = arith.constant 25 : i32
        %lt3A_205 = arith.cmpi slt, %add3A_203, %lt3A_204 : i32
        %convert_element_type3A_206 = arith.extui %lt3A_205 : i1 to i32
        %cond3A_207 = arith.constant 0 : i32
        %cond3A_208 = arith.cmpi ne, %convert_element_type3A_206, %cond3A_207 : i32
        scf.if %cond3A_208 {
          %add3A_216 = arith.constant 1 : i32
          %add3A_217 = arith.addi %scan3A_68, %add3A_216 : i32
          %mul3A_218 = arith.constant 50000 : i32
          %mul3A_219 = arith.muli %arg1, %mul3A_218 : i32
          %mul3A_220 = arith.constant 2000 : i32
          %mul3A_221 = arith.muli %add3A_217, %mul3A_220 : i32
          %add3A_222 = arith.addi %mul3A_219, %mul3A_221 : i32
          %dma_wait3A_223 = tpu.memref_slice %arg3[%add3A_222] : memref<800000xi32, #tpu.memory_space<hbm>> -> memref<2000xi32, #tpu.memory_space<hbm>>
          %dma_wait3A_224 = tpu.memref_slice %arg3[%add3A_222] : memref<800000xi32, #tpu.memory_space<hbm>> -> memref<2000xi32, #tpu.memory_space<hbm>>
          tpu.wait_dma2 semaphore(%arg15 : memref<!tpu.dma_semaphore, #tpu.memory_space<semaphore_mem>>) src(%dma_wait3A_224 : memref<2000xi32, #tpu.memory_space<hbm>>) dst(%arg7 : memref<2000xi32, #tpu.memory_space<vmem>>)
          %dma_wait3A_225 = tpu.memref_slice %arg4[%add3A_222] : memref<800000xi32, #tpu.memory_space<hbm>> -> memref<2000xi32, #tpu.memory_space<hbm>>
          %dma_wait3A_226 = tpu.memref_slice %arg4[%add3A_222] : memref<800000xi32, #tpu.memory_space<hbm>> -> memref<2000xi32, #tpu.memory_space<hbm>>
          tpu.wait_dma2 semaphore(%arg15 : memref<!tpu.dma_semaphore, #tpu.memory_space<semaphore_mem>>) src(%dma_wait3A_226 : memref<2000xi32, #tpu.memory_space<hbm>>) dst(%arg10 : memref<2000xi32, #tpu.memory_space<vmem>>)
          %ge3A = arith.constant 1 : i32
          %ge3A_227 = arith.cmpi sge, %scan3A_68, %ge3A : i32
          %convert_element_type3A_228 = arith.extui %ge3A_227 : i1 to i32
          %cond3A_229 = arith.constant 0 : i32
          %cond3A_230 = arith.cmpi ne, %convert_element_type3A_228, %cond3A_229 : i32
          scf.if %cond3A_230 {
            %dma_wait3A_238 = arith.constant 0 : i32
            %dma_wait3A_239 = arith.constant 0 : i32
            %dma_wait3A_240 = tpu.memref_slice %arg21[%dma_wait3A_238, %dma_wait3A_239] : memref<50000x32xbf16, #tpu.memory_space<vmem_shared>> -> memref<50000x32xbf16, #tpu.memory_space<vmem_shared>>
            tpu.wait_indirect_dma semaphore(%arg19 : memref<!tpu.dma_semaphore, #tpu.memory_space<semaphore_mem>>) src(%arg12 : memref<2000x32xbf16, #tpu.memory_space<vmem>>) dst(%dma_wait3A_240 : memref<50000x32xbf16, #tpu.memory_space<vmem_shared>>)
          } else {
          }
          %dma_start3A_231 = arith.constant 0 : i32
          %dma_start3A_232 = arith.constant 0 : i32
          %dma_start3A_233 = tpu.memref_slice %arg2[%arg0, %dma_start3A_231, %dma_start3A_232] : memref<2x50000x32xbf16, #tpu.memory_space<hbm>> -> memref<1x50000x32xbf16, #tpu.memory_space<hbm>>
          %dma_start3A_234 = tpu.memref_squeeze %dma_start3A_233 : memref<1x50000x32xbf16, #tpu.memory_space<hbm>> -> memref<50000x32xbf16, #tpu.memory_space<hbm>>
          %dma_start3A_235 = arith.constant 0 : i32
          %dma_start3A_236 = arith.constant 0 : i32
          %dma_start3A_237 = tpu.memref_slice %dma_start3A_234[%dma_start3A_235, %dma_start3A_236] : memref<50000x32xbf16, #tpu.memory_space<hbm>> -> memref<50000x32xbf16, #tpu.memory_space<hbm>>
          tpu.enqueue_indirect_dma source(%dma_start3A_237 : memref<50000x32xbf16, #tpu.memory_space<hbm>>) target(%arg12 : memref<2000x32xbf16, #tpu.memory_space<vmem>>) offsets(%arg7 : memref<2000xi32, #tpu.memory_space<vmem>>) semaphore(%arg17 : memref<!tpu.dma_semaphore, #tpu.memory_space<semaphore_mem>>)
        } else {
        }
        %add3A_209 = arith.constant 2 : i32
        %add3A_210 = arith.addi %scan3A_68, %add3A_209 : i32
        %lt3A_211 = arith.constant 25 : i32
        %lt3A_212 = arith.cmpi slt, %add3A_210, %lt3A_211 : i32
        %convert_element_type3A_213 = arith.extui %lt3A_212 : i1 to i32
        %cond3A_214 = arith.constant 0 : i32
        %cond3A_215 = arith.cmpi ne, %convert_element_type3A_213, %cond3A_214 : i32
        scf.if %cond3A_215 {
          %add3A_216 = arith.constant 2 : i32
          %add3A_217 = arith.addi %scan3A_68, %add3A_216 : i32
          %mul3A_218 = arith.constant 50000 : i32
          %mul3A_219 = arith.muli %arg1, %mul3A_218 : i32
          %mul3A_220 = arith.constant 2000 : i32
          %mul3A_221 = arith.muli %add3A_217, %mul3A_220 : i32
          %add3A_222 = arith.addi %mul3A_219, %mul3A_221 : i32
          %dma_start3A_223 = tpu.memref_slice %arg3[%add3A_222] : memref<800000xi32, #tpu.memory_space<hbm>> -> memref<2000xi32, #tpu.memory_space<hbm>>
          %dma_start3A_224 = tpu.memref_slice %arg3[%add3A_222] : memref<800000xi32, #tpu.memory_space<hbm>> -> memref<2000xi32, #tpu.memory_space<hbm>>
          tpu.enqueue_dma source(%dma_start3A_224 : memref<2000xi32, #tpu.memory_space<hbm>>) target(%arg8 : memref<2000xi32, #tpu.memory_space<vmem>>) target_semaphore(%arg16 : memref<!tpu.dma_semaphore, #tpu.memory_space<semaphore_mem>>)
          %dma_start3A_225 = tpu.memref_slice %arg4[%add3A_222] : memref<800000xi32, #tpu.memory_space<hbm>> -> memref<2000xi32, #tpu.memory_space<hbm>>
          %dma_start3A_226 = tpu.memref_slice %arg4[%add3A_222] : memref<800000xi32, #tpu.memory_space<hbm>> -> memref<2000xi32, #tpu.memory_space<hbm>>
          tpu.enqueue_dma source(%dma_start3A_226 : memref<2000xi32, #tpu.memory_space<hbm>>) target(%arg11 : memref<2000xi32, #tpu.memory_space<vmem>>) target_semaphore(%arg16 : memref<!tpu.dma_semaphore, #tpu.memory_space<semaphore_mem>>)
        } else {
        }
      } else {
      }
      %jit3A_149 = arith.constant 6 : i32
      %eq3A_150 = arith.constant 0 : i32
      %eq3A_151 = arith.cmpi eq, %jit3A_149, %eq3A_150 : i32
      %jit3A_152 = arith.constant 1 : i32
      %select_n3A_153 = arith.select %eq3A_151, %jit3A_152, %jit3A_149 : i32
      %rem3A_154 = arith.remsi %scan3A_68, %select_n3A_153 : i32
      %ne3A_155 = arith.constant 0 : i32
      %ne3A_156 = arith.cmpi ne, %rem3A_154, %ne3A_155 : i32
      %lt3A_157 = arith.constant 0 : i32
      %lt3A_158 = arith.cmpi slt, %rem3A_154, %lt3A_157 : i32
      %lt3A_159 = arith.constant 0 : i32
      %lt3A_160 = arith.cmpi slt, %select_n3A_153, %lt3A_159 : i32
      %ne3A_161 = arith.xori %lt3A_158, %lt3A_160 : i1
      %and3A_162 = arith.andi %ne3A_161, %ne3A_156 : i1
      %add3A_163 = arith.addi %rem3A_154, %select_n3A_153 : i32
      %select_n3A_164 = arith.select %and3A_162, %add3A_163, %rem3A_154 : i32
      %eq3A_165 = arith.constant 4 : i32
      %eq3A_166 = arith.cmpi eq, %select_n3A_164, %eq3A_165 : i32
      %convert_element_type3A_167 = arith.extui %eq3A_166 : i1 to i32
      %cond3A_168 = arith.constant 0 : i32
      %cond3A_169 = arith.cmpi ne, %convert_element_type3A_167, %cond3A_168 : i32
      scf.if %cond3A_169 {
        %dma_wait3A_192 = arith.constant 0 : i32
        %dma_wait3A_193 = arith.constant 0 : i32
        %dma_wait3A_194 = tpu.memref_slice %arg2[%arg0, %dma_wait3A_192, %dma_wait3A_193] : memref<2x50000x32xbf16, #tpu.memory_space<hbm>> -> memref<1x50000x32xbf16, #tpu.memory_space<hbm>>
        %dma_wait3A_195 = tpu.memref_squeeze %dma_wait3A_194 : memref<1x50000x32xbf16, #tpu.memory_space<hbm>> -> memref<50000x32xbf16, #tpu.memory_space<hbm>>
        %dma_wait3A_196 = arith.constant 0 : i32
        %dma_wait3A_197 = arith.constant 0 : i32
        %dma_wait3A_198 = tpu.memref_slice %dma_wait3A_195[%dma_wait3A_196, %dma_wait3A_197] : memref<50000x32xbf16, #tpu.memory_space<hbm>> -> memref<50000x32xbf16, #tpu.memory_space<hbm>>
        tpu.wait_indirect_dma semaphore(%arg17 : memref<!tpu.dma_semaphore, #tpu.memory_space<semaphore_mem>>) src(%dma_wait3A_198 : memref<50000x32xbf16, #tpu.memory_space<hbm>>) dst(%arg12 : memref<2000x32xbf16, #tpu.memory_space<vmem>>)
        %dma_start3A_199 = arith.constant 0 : i32
        %dma_start3A_200 = arith.constant 0 : i32
        %dma_start3A_201 = tpu.memref_slice %arg21[%dma_start3A_199, %dma_start3A_200] : memref<50000x32xbf16, #tpu.memory_space<vmem_shared>> -> memref<50000x32xbf16, #tpu.memory_space<vmem_shared>>
        tpu.enqueue_indirect_dma source(%arg12 : memref<2000x32xbf16, #tpu.memory_space<vmem>>) target(%dma_start3A_201 : memref<50000x32xbf16, #tpu.memory_space<vmem_shared>>) offsets(%arg10 : memref<2000xi32, #tpu.memory_space<vmem>>) semaphore(%arg19 : memref<!tpu.dma_semaphore, #tpu.memory_space<semaphore_mem>>) {add = true}
        %add3A_202 = arith.constant 1 : i32
        %add3A_203 = arith.addi %scan3A_68, %add3A_202 : i32
        %lt3A_204 = arith.constant 25 : i32
        %lt3A_205 = arith.cmpi slt, %add3A_203, %lt3A_204 : i32
        %convert_element_type3A_206 = arith.extui %lt3A_205 : i1 to i32
        %cond3A_207 = arith.constant 0 : i32
        %cond3A_208 = arith.cmpi ne, %convert_element_type3A_206, %cond3A_207 : i32
        scf.if %cond3A_208 {
          %add3A_216 = arith.constant 1 : i32
          %add3A_217 = arith.addi %scan3A_68, %add3A_216 : i32
          %mul3A_218 = arith.constant 50000 : i32
          %mul3A_219 = arith.muli %arg1, %mul3A_218 : i32
          %mul3A_220 = arith.constant 2000 : i32
          %mul3A_221 = arith.muli %add3A_217, %mul3A_220 : i32
          %add3A_222 = arith.addi %mul3A_219, %mul3A_221 : i32
          %dma_wait3A_223 = tpu.memref_slice %arg3[%add3A_222] : memref<800000xi32, #tpu.memory_space<hbm>> -> memref<2000xi32, #tpu.memory_space<hbm>>
          %dma_wait3A_224 = tpu.memref_slice %arg3[%add3A_222] : memref<800000xi32, #tpu.memory_space<hbm>> -> memref<2000xi32, #tpu.memory_space<hbm>>
          tpu.wait_dma2 semaphore(%arg16 : memref<!tpu.dma_semaphore, #tpu.memory_space<semaphore_mem>>) src(%dma_wait3A_224 : memref<2000xi32, #tpu.memory_space<hbm>>) dst(%arg8 : memref<2000xi32, #tpu.memory_space<vmem>>)
          %dma_wait3A_225 = tpu.memref_slice %arg4[%add3A_222] : memref<800000xi32, #tpu.memory_space<hbm>> -> memref<2000xi32, #tpu.memory_space<hbm>>
          %dma_wait3A_226 = tpu.memref_slice %arg4[%add3A_222] : memref<800000xi32, #tpu.memory_space<hbm>> -> memref<2000xi32, #tpu.memory_space<hbm>>
          tpu.wait_dma2 semaphore(%arg16 : memref<!tpu.dma_semaphore, #tpu.memory_space<semaphore_mem>>) src(%dma_wait3A_226 : memref<2000xi32, #tpu.memory_space<hbm>>) dst(%arg11 : memref<2000xi32, #tpu.memory_space<vmem>>)
          %ge3A = arith.constant 1 : i32
          %ge3A_227 = arith.cmpi sge, %scan3A_68, %ge3A : i32
          %convert_element_type3A_228 = arith.extui %ge3A_227 : i1 to i32
          %cond3A_229 = arith.constant 0 : i32
          %cond3A_230 = arith.cmpi ne, %convert_element_type3A_228, %cond3A_229 : i32
          scf.if %cond3A_230 {
            %dma_wait3A_238 = arith.constant 0 : i32
            %dma_wait3A_239 = arith.constant 0 : i32
            %dma_wait3A_240 = tpu.memref_slice %arg21[%dma_wait3A_238, %dma_wait3A_239] : memref<50000x32xbf16, #tpu.memory_space<vmem_shared>> -> memref<50000x32xbf16, #tpu.memory_space<vmem_shared>>
            tpu.wait_indirect_dma semaphore(%arg20 : memref<!tpu.dma_semaphore, #tpu.memory_space<semaphore_mem>>) src(%arg13 : memref<2000x32xbf16, #tpu.memory_space<vmem>>) dst(%dma_wait3A_240 : memref<50000x32xbf16, #tpu.memory_space<vmem_shared>>)
          } else {
          }
          %dma_start3A_231 = arith.constant 0 : i32
          %dma_start3A_232 = arith.constant 0 : i32
          %dma_start3A_233 = tpu.memref_slice %arg2[%arg0, %dma_start3A_231, %dma_start3A_232] : memref<2x50000x32xbf16, #tpu.memory_space<hbm>> -> memref<1x50000x32xbf16, #tpu.memory_space<hbm>>
          %dma_start3A_234 = tpu.memref_squeeze %dma_start3A_233 : memref<1x50000x32xbf16, #tpu.memory_space<hbm>> -> memref<50000x32xbf16, #tpu.memory_space<hbm>>
          %dma_start3A_235 = arith.constant 0 : i32
          %dma_start3A_236 = arith.constant 0 : i32
          %dma_start3A_237 = tpu.memref_slice %dma_start3A_234[%dma_start3A_235, %dma_start3A_236] : memref<50000x32xbf16, #tpu.memory_space<hbm>> -> memref<50000x32xbf16, #tpu.memory_space<hbm>>
          tpu.enqueue_indirect_dma source(%dma_start3A_237 : memref<50000x32xbf16, #tpu.memory_space<hbm>>) target(%arg13 : memref<2000x32xbf16, #tpu.memory_space<vmem>>) offsets(%arg8 : memref<2000xi32, #tpu.memory_space<vmem>>) semaphore(%arg18 : memref<!tpu.dma_semaphore, #tpu.memory_space<semaphore_mem>>)
        } else {
        }
        %add3A_209 = arith.constant 2 : i32
        %add3A_210 = arith.addi %scan3A_68, %add3A_209 : i32
        %lt3A_211 = arith.constant 25 : i32
        %lt3A_212 = arith.cmpi slt, %add3A_210, %lt3A_211 : i32
        %convert_element_type3A_213 = arith.extui %lt3A_212 : i1 to i32
        %cond3A_214 = arith.constant 0 : i32
        %cond3A_215 = arith.cmpi ne, %convert_element_type3A_213, %cond3A_214 : i32
        scf.if %cond3A_215 {
          %add3A_216 = arith.constant 2 : i32
          %add3A_217 = arith.addi %scan3A_68, %add3A_216 : i32
          %mul3A_218 = arith.constant 50000 : i32
          %mul3A_219 = arith.muli %arg1, %mul3A_218 : i32
          %mul3A_220 = arith.constant 2000 : i32
          %mul3A_221 = arith.muli %add3A_217, %mul3A_220 : i32
          %add3A_222 = arith.addi %mul3A_219, %mul3A_221 : i32
          %dma_start3A_223 = tpu.memref_slice %arg3[%add3A_222] : memref<800000xi32, #tpu.memory_space<hbm>> -> memref<2000xi32, #tpu.memory_space<hbm>>
          %dma_start3A_224 = tpu.memref_slice %arg3[%add3A_222] : memref<800000xi32, #tpu.memory_space<hbm>> -> memref<2000xi32, #tpu.memory_space<hbm>>
          tpu.enqueue_dma source(%dma_start3A_224 : memref<2000xi32, #tpu.memory_space<hbm>>) target(%arg6 : memref<2000xi32, #tpu.memory_space<vmem>>) target_semaphore(%arg14 : memref<!tpu.dma_semaphore, #tpu.memory_space<semaphore_mem>>)
          %dma_start3A_225 = tpu.memref_slice %arg4[%add3A_222] : memref<800000xi32, #tpu.memory_space<hbm>> -> memref<2000xi32, #tpu.memory_space<hbm>>
          %dma_start3A_226 = tpu.memref_slice %arg4[%add3A_222] : memref<800000xi32, #tpu.memory_space<hbm>> -> memref<2000xi32, #tpu.memory_space<hbm>>
          tpu.enqueue_dma source(%dma_start3A_226 : memref<2000xi32, #tpu.memory_space<hbm>>) target(%arg9 : memref<2000xi32, #tpu.memory_space<vmem>>) target_semaphore(%arg14 : memref<!tpu.dma_semaphore, #tpu.memory_space<semaphore_mem>>)
        } else {
        }
      } else {
      }
      %jit3A_170 = arith.constant 6 : i32
      %eq3A_171 = arith.constant 0 : i32
      %eq3A_172 = arith.cmpi eq, %jit3A_170, %eq3A_171 : i32
      %jit3A_173 = arith.constant 1 : i32
      %select_n3A_174 = arith.select %eq3A_172, %jit3A_173, %jit3A_170 : i32
      %rem3A_175 = arith.remsi %scan3A_68, %select_n3A_174 : i32
      %ne3A_176 = arith.constant 0 : i32
      %ne3A_177 = arith.cmpi ne, %rem3A_175, %ne3A_176 : i32
      %lt3A_178 = arith.constant 0 : i32
      %lt3A_179 = arith.cmpi slt, %rem3A_175, %lt3A_178 : i32
      %lt3A_180 = arith.constant 0 : i32
      %lt3A_181 = arith.cmpi slt, %select_n3A_174, %lt3A_180 : i32
      %ne3A_182 = arith.xori %lt3A_179, %lt3A_181 : i1
      %and3A_183 = arith.andi %ne3A_182, %ne3A_177 : i1
      %add3A_184 = arith.addi %rem3A_175, %select_n3A_174 : i32
      %select_n3A_185 = arith.select %and3A_183, %add3A_184, %rem3A_175 : i32
      %eq3A_186 = arith.constant 5 : i32
      %eq3A_187 = arith.cmpi eq, %select_n3A_185, %eq3A_186 : i32
      %convert_element_type3A_188 = arith.extui %eq3A_187 : i1 to i32
      %cond3A_189 = arith.constant 0 : i32
      %cond3A_190 = arith.cmpi ne, %convert_element_type3A_188, %cond3A_189 : i32
      scf.if %cond3A_190 {
        %dma_wait3A_192 = arith.constant 0 : i32
        %dma_wait3A_193 = arith.constant 0 : i32
        %dma_wait3A_194 = tpu.memref_slice %arg2[%arg0, %dma_wait3A_192, %dma_wait3A_193] : memref<2x50000x32xbf16, #tpu.memory_space<hbm>> -> memref<1x50000x32xbf16, #tpu.memory_space<hbm>>
        %dma_wait3A_195 = tpu.memref_squeeze %dma_wait3A_194 : memref<1x50000x32xbf16, #tpu.memory_space<hbm>> -> memref<50000x32xbf16, #tpu.memory_space<hbm>>
        %dma_wait3A_196 = arith.constant 0 : i32
        %dma_wait3A_197 = arith.constant 0 : i32
        %dma_wait3A_198 = tpu.memref_slice %dma_wait3A_195[%dma_wait3A_196, %dma_wait3A_197] : memref<50000x32xbf16, #tpu.memory_space<hbm>> -> memref<50000x32xbf16, #tpu.memory_space<hbm>>
        tpu.wait_indirect_dma semaphore(%arg18 : memref<!tpu.dma_semaphore, #tpu.memory_space<semaphore_mem>>) src(%dma_wait3A_198 : memref<50000x32xbf16, #tpu.memory_space<hbm>>) dst(%arg13 : memref<2000x32xbf16, #tpu.memory_space<vmem>>)
        %dma_start3A_199 = arith.constant 0 : i32
        %dma_start3A_200 = arith.constant 0 : i32
        %dma_start3A_201 = tpu.memref_slice %arg21[%dma_start3A_199, %dma_start3A_200] : memref<50000x32xbf16, #tpu.memory_space<vmem_shared>> -> memref<50000x32xbf16, #tpu.memory_space<vmem_shared>>
        tpu.enqueue_indirect_dma source(%arg13 : memref<2000x32xbf16, #tpu.memory_space<vmem>>) target(%dma_start3A_201 : memref<50000x32xbf16, #tpu.memory_space<vmem_shared>>) offsets(%arg11 : memref<2000xi32, #tpu.memory_space<vmem>>) semaphore(%arg20 : memref<!tpu.dma_semaphore, #tpu.memory_space<semaphore_mem>>) {add = true}
        %add3A_202 = arith.constant 1 : i32
        %add3A_203 = arith.addi %scan3A_68, %add3A_202 : i32
        %lt3A_204 = arith.constant 25 : i32
        %lt3A_205 = arith.cmpi slt, %add3A_203, %lt3A_204 : i32
        %convert_element_type3A_206 = arith.extui %lt3A_205 : i1 to i32
        %cond3A_207 = arith.constant 0 : i32
        %cond3A_208 = arith.cmpi ne, %convert_element_type3A_206, %cond3A_207 : i32
        scf.if %cond3A_208 {
          %add3A_216 = arith.constant 1 : i32
          %add3A_217 = arith.addi %scan3A_68, %add3A_216 : i32
          %mul3A_218 = arith.constant 50000 : i32
          %mul3A_219 = arith.muli %arg1, %mul3A_218 : i32
          %mul3A_220 = arith.constant 2000 : i32
          %mul3A_221 = arith.muli %add3A_217, %mul3A_220 : i32
          %add3A_222 = arith.addi %mul3A_219, %mul3A_221 : i32
          %dma_wait3A_223 = tpu.memref_slice %arg3[%add3A_222] : memref<800000xi32, #tpu.memory_space<hbm>> -> memref<2000xi32, #tpu.memory_space<hbm>>
          %dma_wait3A_224 = tpu.memref_slice %arg3[%add3A_222] : memref<800000xi32, #tpu.memory_space<hbm>> -> memref<2000xi32, #tpu.memory_space<hbm>>
          tpu.wait_dma2 semaphore(%arg14 : memref<!tpu.dma_semaphore, #tpu.memory_space<semaphore_mem>>) src(%dma_wait3A_224 : memref<2000xi32, #tpu.memory_space<hbm>>) dst(%arg6 : memref<2000xi32, #tpu.memory_space<vmem>>)
          %dma_wait3A_225 = tpu.memref_slice %arg4[%add3A_222] : memref<800000xi32, #tpu.memory_space<hbm>> -> memref<2000xi32, #tpu.memory_space<hbm>>
          %dma_wait3A_226 = tpu.memref_slice %arg4[%add3A_222] : memref<800000xi32, #tpu.memory_space<hbm>> -> memref<2000xi32, #tpu.memory_space<hbm>>
          tpu.wait_dma2 semaphore(%arg14 : memref<!tpu.dma_semaphore, #tpu.memory_space<semaphore_mem>>) src(%dma_wait3A_226 : memref<2000xi32, #tpu.memory_space<hbm>>) dst(%arg9 : memref<2000xi32, #tpu.memory_space<vmem>>)
          %ge3A = arith.constant 1 : i32
          %ge3A_227 = arith.cmpi sge, %scan3A_68, %ge3A : i32
          %convert_element_type3A_228 = arith.extui %ge3A_227 : i1 to i32
          %cond3A_229 = arith.constant 0 : i32
          %cond3A_230 = arith.cmpi ne, %convert_element_type3A_228, %cond3A_229 : i32
          scf.if %cond3A_230 {
            %dma_wait3A_238 = arith.constant 0 : i32
            %dma_wait3A_239 = arith.constant 0 : i32
            %dma_wait3A_240 = tpu.memref_slice %arg21[%dma_wait3A_238, %dma_wait3A_239] : memref<50000x32xbf16, #tpu.memory_space<vmem_shared>> -> memref<50000x32xbf16, #tpu.memory_space<vmem_shared>>
            tpu.wait_indirect_dma semaphore(%arg19 : memref<!tpu.dma_semaphore, #tpu.memory_space<semaphore_mem>>) src(%arg12 : memref<2000x32xbf16, #tpu.memory_space<vmem>>) dst(%dma_wait3A_240 : memref<50000x32xbf16, #tpu.memory_space<vmem_shared>>)
          } else {
          }
          %dma_start3A_231 = arith.constant 0 : i32
          %dma_start3A_232 = arith.constant 0 : i32
          %dma_start3A_233 = tpu.memref_slice %arg2[%arg0, %dma_start3A_231, %dma_start3A_232] : memref<2x50000x32xbf16, #tpu.memory_space<hbm>> -> memref<1x50000x32xbf16, #tpu.memory_space<hbm>>
          %dma_start3A_234 = tpu.memref_squeeze %dma_start3A_233 : memref<1x50000x32xbf16, #tpu.memory_space<hbm>> -> memref<50000x32xbf16, #tpu.memory_space<hbm>>
          %dma_start3A_235 = arith.constant 0 : i32
          %dma_start3A_236 = arith.constant 0 : i32
          %dma_start3A_237 = tpu.memref_slice %dma_start3A_234[%dma_start3A_235, %dma_start3A_236] : memref<50000x32xbf16, #tpu.memory_space<hbm>> -> memref<50000x32xbf16, #tpu.memory_space<hbm>>
          tpu.enqueue_indirect_dma source(%dma_start3A_237 : memref<50000x32xbf16, #tpu.memory_space<hbm>>) target(%arg12 : memref<2000x32xbf16, #tpu.memory_space<vmem>>) offsets(%arg6 : memref<2000xi32, #tpu.memory_space<vmem>>) semaphore(%arg17 : memref<!tpu.dma_semaphore, #tpu.memory_space<semaphore_mem>>)
        } else {
        }
        %add3A_209 = arith.constant 2 : i32
        %add3A_210 = arith.addi %scan3A_68, %add3A_209 : i32
        %lt3A_211 = arith.constant 25 : i32
        %lt3A_212 = arith.cmpi slt, %add3A_210, %lt3A_211 : i32
        %convert_element_type3A_213 = arith.extui %lt3A_212 : i1 to i32
        %cond3A_214 = arith.constant 0 : i32
        %cond3A_215 = arith.cmpi ne, %convert_element_type3A_213, %cond3A_214 : i32
        scf.if %cond3A_215 {
          %add3A_216 = arith.constant 2 : i32
          %add3A_217 = arith.addi %scan3A_68, %add3A_216 : i32
          %mul3A_218 = arith.constant 50000 : i32
          %mul3A_219 = arith.muli %arg1, %mul3A_218 : i32
          %mul3A_220 = arith.constant 2000 : i32
          %mul3A_221 = arith.muli %add3A_217, %mul3A_220 : i32
          %add3A_222 = arith.addi %mul3A_219, %mul3A_221 : i32
          %dma_start3A_223 = tpu.memref_slice %arg3[%add3A_222] : memref<800000xi32, #tpu.memory_space<hbm>> -> memref<2000xi32, #tpu.memory_space<hbm>>
          %dma_start3A_224 = tpu.memref_slice %arg3[%add3A_222] : memref<800000xi32, #tpu.memory_space<hbm>> -> memref<2000xi32, #tpu.memory_space<hbm>>
          tpu.enqueue_dma source(%dma_start3A_224 : memref<2000xi32, #tpu.memory_space<hbm>>) target(%arg7 : memref<2000xi32, #tpu.memory_space<vmem>>) target_semaphore(%arg15 : memref<!tpu.dma_semaphore, #tpu.memory_space<semaphore_mem>>)
          %dma_start3A_225 = tpu.memref_slice %arg4[%add3A_222] : memref<800000xi32, #tpu.memory_space<hbm>> -> memref<2000xi32, #tpu.memory_space<hbm>>
          %dma_start3A_226 = tpu.memref_slice %arg4[%add3A_222] : memref<800000xi32, #tpu.memory_space<hbm>> -> memref<2000xi32, #tpu.memory_space<hbm>>
          tpu.enqueue_dma source(%dma_start3A_226 : memref<2000xi32, #tpu.memory_space<hbm>>) target(%arg10 : memref<2000xi32, #tpu.memory_space<vmem>>) target_semaphore(%arg15 : memref<!tpu.dma_semaphore, #tpu.memory_space<semaphore_mem>>)
        } else {
        }
      } else {
      }
      %scan3A_191 = arith.constant 0 : i32
      scf.yield %scan3A_191 : i32
    }
    %scan3A_50 = arith.constant 25 : i32
    %dma_wait3A_51 = arith.constant 0 : i32
    %dma_wait3A_52 = arith.constant 0 : i32
    %dma_wait3A_53 = tpu.memref_slice %arg21[%dma_wait3A_51, %dma_wait3A_52] : memref<50000x32xbf16, #tpu.memory_space<vmem_shared>> -> memref<50000x32xbf16, #tpu.memory_space<vmem_shared>>
    tpu.wait_indirect_dma semaphore(%arg20 : memref<!tpu.dma_semaphore, #tpu.memory_space<semaphore_mem>>) src(%arg13 : memref<2000x32xbf16, #tpu.memory_space<vmem>>) dst(%dma_wait3A_53 : memref<50000x32xbf16, #tpu.memory_space<vmem_shared>>)
    %dma_wait3A_54 = arith.constant 0 : i32
    %dma_wait3A_55 = arith.constant 0 : i32
    %dma_wait3A_56 = tpu.memref_slice %arg21[%dma_wait3A_54, %dma_wait3A_55] : memref<50000x32xbf16, #tpu.memory_space<vmem_shared>> -> memref<50000x32xbf16, #tpu.memory_space<vmem_shared>>
    tpu.wait_indirect_dma semaphore(%arg19 : memref<!tpu.dma_semaphore, #tpu.memory_space<semaphore_mem>>) src(%arg12 : memref<2000x32xbf16, #tpu.memory_space<vmem>>) dst(%dma_wait3A_56 : memref<50000x32xbf16, #tpu.memory_space<vmem_shared>>)
    %barrier3A_57 = arith.constant 0 : index
    tpu.barrier barrier_id(%barrier3A_57)
    %lt3A_58 = arith.constant 15 : i32
    %lt3A_59 = arith.cmpi slt, %arg1, %lt3A_58 : i32
    %convert_element_type3A_60 = arith.extui %lt3A_59 : i1 to i32
    %cond3A_61 = arith.constant 0 : i32
    %cond3A_62 = arith.cmpi ne, %convert_element_type3A_60, %cond3A_61 : i32
    scf.if %cond3A_62 {
      "tpu.region"() ({
        %run_scoped3A = tpu.sem_alloc : memref<!tpu.dma_semaphore, #tpu.memory_space<semaphore_mem>>
        %dma_start3A_68 = tpu.memref_slice %arg5[%mul3A_0, %mul3A_2] : memref<50000x64xbf16, #tpu.memory_space<hbm>> -> memref<3136x32xbf16, #tpu.memory_space<hbm>>
        %dma_start3A_69 = arith.constant 0 : i32
        %dma_start3A_70 = tpu.memref_slice %arg21[%mul3A_0, %dma_start3A_69] : memref<50000x32xbf16, #tpu.memory_space<vmem_shared>> -> memref<3136x32xbf16, #tpu.memory_space<vmem_shared>>
        tpu.enqueue_dma source(%dma_start3A_70 : memref<3136x32xbf16, #tpu.memory_space<vmem_shared>>) target(%dma_start3A_68 : memref<3136x32xbf16, #tpu.memory_space<hbm>>) target_semaphore(%run_scoped3A : memref<!tpu.dma_semaphore, #tpu.memory_space<semaphore_mem>>)
        %dma_wait3A_71 = tpu.memref_slice %arg5[%mul3A_0, %mul3A_2] : memref<50000x64xbf16, #tpu.memory_space<hbm>> -> memref<3136x32xbf16, #tpu.memory_space<hbm>>
        %dma_wait3A_72 = arith.constant 0 : i32
        %dma_wait3A_73 = tpu.memref_slice %arg21[%mul3A_0, %dma_wait3A_72] : memref<50000x32xbf16, #tpu.memory_space<vmem_shared>> -> memref<3136x32xbf16, #tpu.memory_space<vmem_shared>>
        tpu.wait_dma2 semaphore(%run_scoped3A : memref<!tpu.dma_semaphore, #tpu.memory_space<semaphore_mem>>) src(%dma_wait3A_73 : memref<3136x32xbf16, #tpu.memory_space<vmem_shared>>) dst(%dma_wait3A_71 : memref<3136x32xbf16, #tpu.memory_space<hbm>>)
        tpu.yield
      }) : () -> ()
    } else {
    }
    %eq3A_63 = arith.constant 15 : i32
    %eq3A_64 = arith.cmpi eq, %arg1, %eq3A_63 : i32
    %convert_element_type3A_65 = arith.extui %eq3A_64 : i1 to i32
    %cond3A_66 = arith.constant 0 : i32
    %cond3A_67 = arith.cmpi ne, %convert_element_type3A_65, %cond3A_66 : i32
    scf.if %cond3A_67 {
      "tpu.region"() ({
        %run_scoped3A = tpu.sem_alloc : memref<!tpu.dma_semaphore, #tpu.memory_space<semaphore_mem>>
        %dma_start3A_68 = tpu.memref_slice %arg5[%mul3A_0, %mul3A_2] : memref<50000x64xbf16, #tpu.memory_space<hbm>> -> memref<2960x32xbf16, #tpu.memory_space<hbm>>
        %dma_start3A_69 = arith.constant 0 : i32
        %dma_start3A_70 = tpu.memref_slice %arg21[%mul3A_0, %dma_start3A_69] : memref<50000x32xbf16, #tpu.memory_space<vmem_shared>> -> memref<2960x32xbf16, #tpu.memory_space<vmem_shared>>
        tpu.enqueue_dma source(%dma_start3A_70 : memref<2960x32xbf16, #tpu.memory_space<vmem_shared>>) target(%dma_start3A_68 : memref<2960x32xbf16, #tpu.memory_space<hbm>>) target_semaphore(%run_scoped3A : memref<!tpu.dma_semaphore, #tpu.memory_space<semaphore_mem>>)
        %dma_wait3A_71 = tpu.memref_slice %arg5[%mul3A_0, %mul3A_2] : memref<50000x64xbf16, #tpu.memory_space<hbm>> -> memref<2960x32xbf16, #tpu.memory_space<hbm>>
        %dma_wait3A_72 = arith.constant 0 : i32
        %dma_wait3A_73 = tpu.memref_slice %arg21[%mul3A_0, %dma_wait3A_72] : memref<50000x32xbf16, #tpu.memory_space<vmem_shared>> -> memref<2960x32xbf16, #tpu.memory_space<vmem_shared>>
        tpu.wait_dma2 semaphore(%run_scoped3A : memref<!tpu.dma_semaphore, #tpu.memory_space<semaphore_mem>>) src(%dma_wait3A_73 : memref<2960x32xbf16, #tpu.memory_space<vmem_shared>>) dst(%dma_wait3A_71 : memref<2960x32xbf16, #tpu.memory_space<hbm>>)
        tpu.yield
      }) : () -> ()
    } else {
    }
    return
  }
}

#map = affine_map<(d0, d1) -> (0, 0)>
#map1 = affine_map<(d0, d1) -> (0, 0, 0)>
module attributes {stable_mosaic.version = 14 : i64} {
  func.func @_reformat_body(%arg0: i32, %arg1: i32, %arg2: memref<50000x64xbf16, #tpu.memory_space<hbm>>, %arg3: memref<2x50000x32xbf16, #tpu.memory_space<hbm>>, %arg4: memref<1568x32xbf16, #tpu.memory_space<vmem>>, %arg5: memref<1568x32xbf16, #tpu.memory_space<vmem>>, %arg6: memref<!tpu.dma_semaphore, #tpu.memory_space<semaphore_mem>>, %arg7: memref<!tpu.dma_semaphore, #tpu.memory_space<semaphore_mem>>) attributes {dimension_semantics = [#tpu.dimension_semantics<core_parallel>, #tpu.dimension_semantics<subcore_parallel>], iteration_bounds = array<i64: 2, 16>, scalar_prefetch = 0 : i64, scratch_operands = 4 : i64, tpu.core_type = #tpu.core_type<sc_vector_subcore>, window_params = [{transform_indices = #map}, {transform_indices = #map1}]} {
    %mul3A = arith.constant 16 : i32
    %mul3A_0 = arith.muli %arg0, %mul3A : i32
    %add3A = arith.addi %mul3A_0, %arg1 : i32
    %mul3A_1 = arith.constant 1568 : i32
    %mul3A_2 = arith.muli %add3A, %mul3A_1 : i32
    %lt3A = arith.constant 31 : i32
    %lt3A_3 = arith.cmpi slt, %add3A, %lt3A : i32
    %convert_element_type3A = arith.extui %lt3A_3 : i1 to i32
    %cond3A = arith.constant 0 : i32
    %cond3A_4 = arith.cmpi ne, %convert_element_type3A, %cond3A : i32
    scf.if %cond3A_4 {
      %dma_start3A = arith.constant 0 : i32
      %dma_start3A_9 = arith.constant 0 : i32
      %dma_start3A_10 = tpu.memref_slice %arg4[%dma_start3A, %dma_start3A_9] : memref<1568x32xbf16, #tpu.memory_space<vmem>> -> memref<1568x32xbf16, #tpu.memory_space<vmem>>
      %dma_start3A_11 = arith.constant 0 : i32
      %dma_start3A_12 = tpu.memref_slice %arg2[%mul3A_2, %dma_start3A_11] : memref<50000x64xbf16, #tpu.memory_space<hbm>> -> memref<1568x32xbf16, #tpu.memory_space<hbm>>
      %dma_start3A_13 = arith.constant 0 : i32
      %dma_start3A_14 = arith.constant 0 : i32
      %dma_start3A_15 = tpu.memref_slice %arg4[%dma_start3A_13, %dma_start3A_14] : memref<1568x32xbf16, #tpu.memory_space<vmem>> -> memref<1568x32xbf16, #tpu.memory_space<vmem>>
      %dma_start3A_16 = arith.constant 0 : i32
      %dma_start3A_17 = tpu.memref_slice %arg2[%mul3A_2, %dma_start3A_16] : memref<50000x64xbf16, #tpu.memory_space<hbm>> -> memref<1568x32xbf16, #tpu.memory_space<hbm>>
      tpu.enqueue_dma source(%dma_start3A_17 : memref<1568x32xbf16, #tpu.memory_space<hbm>>) target(%dma_start3A_15 : memref<1568x32xbf16, #tpu.memory_space<vmem>>) target_semaphore(%arg6 : memref<!tpu.dma_semaphore, #tpu.memory_space<semaphore_mem>>)
      %dma_start3A_18 = arith.constant 0 : i32
      %dma_start3A_19 = arith.constant 0 : i32
      %dma_start3A_20 = tpu.memref_slice %arg5[%dma_start3A_18, %dma_start3A_19] : memref<1568x32xbf16, #tpu.memory_space<vmem>> -> memref<1568x32xbf16, #tpu.memory_space<vmem>>
      %dma_start3A_21 = arith.constant 32 : i32
      %dma_start3A_22 = tpu.memref_slice %arg2[%mul3A_2, %dma_start3A_21] : memref<50000x64xbf16, #tpu.memory_space<hbm>> -> memref<1568x32xbf16, #tpu.memory_space<hbm>>
      %dma_start3A_23 = arith.constant 0 : i32
      %dma_start3A_24 = arith.constant 0 : i32
      %dma_start3A_25 = tpu.memref_slice %arg5[%dma_start3A_23, %dma_start3A_24] : memref<1568x32xbf16, #tpu.memory_space<vmem>> -> memref<1568x32xbf16, #tpu.memory_space<vmem>>
      %dma_start3A_26 = arith.constant 32 : i32
      %dma_start3A_27 = tpu.memref_slice %arg2[%mul3A_2, %dma_start3A_26] : memref<50000x64xbf16, #tpu.memory_space<hbm>> -> memref<1568x32xbf16, #tpu.memory_space<hbm>>
      tpu.enqueue_dma source(%dma_start3A_27 : memref<1568x32xbf16, #tpu.memory_space<hbm>>) target(%dma_start3A_25 : memref<1568x32xbf16, #tpu.memory_space<vmem>>) target_semaphore(%arg7 : memref<!tpu.dma_semaphore, #tpu.memory_space<semaphore_mem>>)
      %dma_wait3A = arith.constant 0 : i32
      %dma_wait3A_28 = arith.constant 0 : i32
      %dma_wait3A_29 = tpu.memref_slice %arg4[%dma_wait3A, %dma_wait3A_28] : memref<1568x32xbf16, #tpu.memory_space<vmem>> -> memref<1568x32xbf16, #tpu.memory_space<vmem>>
      %dma_wait3A_30 = arith.constant 0 : i32
      %dma_wait3A_31 = tpu.memref_slice %arg2[%mul3A_2, %dma_wait3A_30] : memref<50000x64xbf16, #tpu.memory_space<hbm>> -> memref<1568x32xbf16, #tpu.memory_space<hbm>>
      %dma_wait3A_32 = arith.constant 0 : i32
      %dma_wait3A_33 = arith.constant 0 : i32
      %dma_wait3A_34 = tpu.memref_slice %arg4[%dma_wait3A_32, %dma_wait3A_33] : memref<1568x32xbf16, #tpu.memory_space<vmem>> -> memref<1568x32xbf16, #tpu.memory_space<vmem>>
      %dma_wait3A_35 = arith.constant 0 : i32
      %dma_wait3A_36 = tpu.memref_slice %arg2[%mul3A_2, %dma_wait3A_35] : memref<50000x64xbf16, #tpu.memory_space<hbm>> -> memref<1568x32xbf16, #tpu.memory_space<hbm>>
      tpu.wait_dma2 semaphore(%arg6 : memref<!tpu.dma_semaphore, #tpu.memory_space<semaphore_mem>>) src(%dma_wait3A_36 : memref<1568x32xbf16, #tpu.memory_space<hbm>>) dst(%dma_wait3A_34 : memref<1568x32xbf16, #tpu.memory_space<vmem>>)
      %run_scoped3A = arith.constant 0 : i32
      "tpu.region"() ({
        %run_scoped3A_48 = tpu.sem_alloc : memref<!tpu.dma_semaphore, #tpu.memory_space<semaphore_mem>>
        %dma_start3A_49 = arith.constant 0 : i32
        %dma_start3A_50 = arith.constant 0 : i32
        %dma_start3A_51 = tpu.memref_slice %arg4[%dma_start3A_49, %dma_start3A_50] : memref<1568x32xbf16, #tpu.memory_space<vmem>> -> memref<1568x32xbf16, #tpu.memory_space<vmem>>
        %dma_start3A_52 = arith.constant 0 : i32
        %dma_start3A_53 = arith.constant 0 : i32
        %dma_start3A_54 = tpu.memref_slice %arg3[%run_scoped3A, %dma_start3A_52, %dma_start3A_53] : memref<2x50000x32xbf16, #tpu.memory_space<hbm>> -> memref<1x50000x32xbf16, #tpu.memory_space<hbm>>
        %dma_start3A_55 = tpu.memref_squeeze %dma_start3A_54 : memref<1x50000x32xbf16, #tpu.memory_space<hbm>> -> memref<50000x32xbf16, #tpu.memory_space<hbm>>
        %dma_start3A_56 = arith.constant 0 : i32
        %dma_start3A_57 = tpu.memref_slice %dma_start3A_55[%mul3A_2, %dma_start3A_56] : memref<50000x32xbf16, #tpu.memory_space<hbm>> -> memref<1568x32xbf16, #tpu.memory_space<hbm>>
        %dma_start3A_58 = arith.constant 0 : i32
        %dma_start3A_59 = arith.constant 0 : i32
        %dma_start3A_60 = tpu.memref_slice %arg3[%run_scoped3A, %dma_start3A_58, %dma_start3A_59] : memref<2x50000x32xbf16, #tpu.memory_space<hbm>> -> memref<1x50000x32xbf16, #tpu.memory_space<hbm>>
        %dma_start3A_61 = tpu.memref_squeeze %dma_start3A_60 : memref<1x50000x32xbf16, #tpu.memory_space<hbm>> -> memref<50000x32xbf16, #tpu.memory_space<hbm>>
        %dma_start3A_62 = arith.constant 0 : i32
        %dma_start3A_63 = tpu.memref_slice %dma_start3A_61[%mul3A_2, %dma_start3A_62] : memref<50000x32xbf16, #tpu.memory_space<hbm>> -> memref<1568x32xbf16, #tpu.memory_space<hbm>>
        %dma_start3A_64 = arith.constant 0 : i32
        %dma_start3A_65 = arith.constant 0 : i32
        %dma_start3A_66 = tpu.memref_slice %arg4[%dma_start3A_64, %dma_start3A_65] : memref<1568x32xbf16, #tpu.memory_space<vmem>> -> memref<1568x32xbf16, #tpu.memory_space<vmem>>
        tpu.enqueue_dma source(%dma_start3A_66 : memref<1568x32xbf16, #tpu.memory_space<vmem>>) target(%dma_start3A_63 : memref<1568x32xbf16, #tpu.memory_space<hbm>>) target_semaphore(%run_scoped3A_48 : memref<!tpu.dma_semaphore, #tpu.memory_space<semaphore_mem>>)
        %dma_wait3A_67 = arith.constant 0 : i32
        %dma_wait3A_68 = arith.constant 0 : i32
        %dma_wait3A_69 = tpu.memref_slice %arg4[%dma_wait3A_67, %dma_wait3A_68] : memref<1568x32xbf16, #tpu.memory_space<vmem>> -> memref<1568x32xbf16, #tpu.memory_space<vmem>>
        %dma_wait3A_70 = arith.constant 0 : i32
        %dma_wait3A_71 = arith.constant 0 : i32
        %dma_wait3A_72 = tpu.memref_slice %arg3[%run_scoped3A, %dma_wait3A_70, %dma_wait3A_71] : memref<2x50000x32xbf16, #tpu.memory_space<hbm>> -> memref<1x50000x32xbf16, #tpu.memory_space<hbm>>
        %dma_wait3A_73 = tpu.memref_squeeze %dma_wait3A_72 : memref<1x50000x32xbf16, #tpu.memory_space<hbm>> -> memref<50000x32xbf16, #tpu.memory_space<hbm>>
        %dma_wait3A_74 = arith.constant 0 : i32
        %dma_wait3A_75 = tpu.memref_slice %dma_wait3A_73[%mul3A_2, %dma_wait3A_74] : memref<50000x32xbf16, #tpu.memory_space<hbm>> -> memref<1568x32xbf16, #tpu.memory_space<hbm>>
        %dma_wait3A_76 = arith.constant 0 : i32
        %dma_wait3A_77 = arith.constant 0 : i32
        %dma_wait3A_78 = tpu.memref_slice %arg3[%run_scoped3A, %dma_wait3A_76, %dma_wait3A_77] : memref<2x50000x32xbf16, #tpu.memory_space<hbm>> -> memref<1x50000x32xbf16, #tpu.memory_space<hbm>>
        %dma_wait3A_79 = tpu.memref_squeeze %dma_wait3A_78 : memref<1x50000x32xbf16, #tpu.memory_space<hbm>> -> memref<50000x32xbf16, #tpu.memory_space<hbm>>
        %dma_wait3A_80 = arith.constant 0 : i32
        %dma_wait3A_81 = tpu.memref_slice %dma_wait3A_79[%mul3A_2, %dma_wait3A_80] : memref<50000x32xbf16, #tpu.memory_space<hbm>> -> memref<1568x32xbf16, #tpu.memory_space<hbm>>
        %dma_wait3A_82 = arith.constant 0 : i32
        %dma_wait3A_83 = arith.constant 0 : i32
        %dma_wait3A_84 = tpu.memref_slice %arg4[%dma_wait3A_82, %dma_wait3A_83] : memref<1568x32xbf16, #tpu.memory_space<vmem>> -> memref<1568x32xbf16, #tpu.memory_space<vmem>>
        tpu.wait_dma2 semaphore(%run_scoped3A_48 : memref<!tpu.dma_semaphore, #tpu.memory_space<semaphore_mem>>) src(%dma_wait3A_84 : memref<1568x32xbf16, #tpu.memory_space<vmem>>) dst(%dma_wait3A_81 : memref<1568x32xbf16, #tpu.memory_space<hbm>>)
        tpu.yield
      }) : () -> ()
      %dma_wait3A_37 = arith.constant 0 : i32
      %dma_wait3A_38 = arith.constant 0 : i32
      %dma_wait3A_39 = tpu.memref_slice %arg5[%dma_wait3A_37, %dma_wait3A_38] : memref<1568x32xbf16, #tpu.memory_space<vmem>> -> memref<1568x32xbf16, #tpu.memory_space<vmem>>
      %dma_wait3A_40 = arith.constant 32 : i32
      %dma_wait3A_41 = tpu.memref_slice %arg2[%mul3A_2, %dma_wait3A_40] : memref<50000x64xbf16, #tpu.memory_space<hbm>> -> memref<1568x32xbf16, #tpu.memory_space<hbm>>
      %dma_wait3A_42 = arith.constant 0 : i32
      %dma_wait3A_43 = arith.constant 0 : i32
      %dma_wait3A_44 = tpu.memref_slice %arg5[%dma_wait3A_42, %dma_wait3A_43] : memref<1568x32xbf16, #tpu.memory_space<vmem>> -> memref<1568x32xbf16, #tpu.memory_space<vmem>>
      %dma_wait3A_45 = arith.constant 32 : i32
      %dma_wait3A_46 = tpu.memref_slice %arg2[%mul3A_2, %dma_wait3A_45] : memref<50000x64xbf16, #tpu.memory_space<hbm>> -> memref<1568x32xbf16, #tpu.memory_space<hbm>>
      tpu.wait_dma2 semaphore(%arg7 : memref<!tpu.dma_semaphore, #tpu.memory_space<semaphore_mem>>) src(%dma_wait3A_46 : memref<1568x32xbf16, #tpu.memory_space<hbm>>) dst(%dma_wait3A_44 : memref<1568x32xbf16, #tpu.memory_space<vmem>>)
      %run_scoped3A_47 = arith.constant 1 : i32
      "tpu.region"() ({
        %run_scoped3A_48 = tpu.sem_alloc : memref<!tpu.dma_semaphore, #tpu.memory_space<semaphore_mem>>
        %dma_start3A_49 = arith.constant 0 : i32
        %dma_start3A_50 = arith.constant 0 : i32
        %dma_start3A_51 = tpu.memref_slice %arg5[%dma_start3A_49, %dma_start3A_50] : memref<1568x32xbf16, #tpu.memory_space<vmem>> -> memref<1568x32xbf16, #tpu.memory_space<vmem>>
        %dma_start3A_52 = arith.constant 0 : i32
        %dma_start3A_53 = arith.constant 0 : i32
        %dma_start3A_54 = tpu.memref_slice %arg3[%run_scoped3A_47, %dma_start3A_52, %dma_start3A_53] : memref<2x50000x32xbf16, #tpu.memory_space<hbm>> -> memref<1x50000x32xbf16, #tpu.memory_space<hbm>>
        %dma_start3A_55 = tpu.memref_squeeze %dma_start3A_54 : memref<1x50000x32xbf16, #tpu.memory_space<hbm>> -> memref<50000x32xbf16, #tpu.memory_space<hbm>>
        %dma_start3A_56 = arith.constant 0 : i32
        %dma_start3A_57 = tpu.memref_slice %dma_start3A_55[%mul3A_2, %dma_start3A_56] : memref<50000x32xbf16, #tpu.memory_space<hbm>> -> memref<1568x32xbf16, #tpu.memory_space<hbm>>
        %dma_start3A_58 = arith.constant 0 : i32
        %dma_start3A_59 = arith.constant 0 : i32
        %dma_start3A_60 = tpu.memref_slice %arg3[%run_scoped3A_47, %dma_start3A_58, %dma_start3A_59] : memref<2x50000x32xbf16, #tpu.memory_space<hbm>> -> memref<1x50000x32xbf16, #tpu.memory_space<hbm>>
        %dma_start3A_61 = tpu.memref_squeeze %dma_start3A_60 : memref<1x50000x32xbf16, #tpu.memory_space<hbm>> -> memref<50000x32xbf16, #tpu.memory_space<hbm>>
        %dma_start3A_62 = arith.constant 0 : i32
        %dma_start3A_63 = tpu.memref_slice %dma_start3A_61[%mul3A_2, %dma_start3A_62] : memref<50000x32xbf16, #tpu.memory_space<hbm>> -> memref<1568x32xbf16, #tpu.memory_space<hbm>>
        %dma_start3A_64 = arith.constant 0 : i32
        %dma_start3A_65 = arith.constant 0 : i32
        %dma_start3A_66 = tpu.memref_slice %arg5[%dma_start3A_64, %dma_start3A_65] : memref<1568x32xbf16, #tpu.memory_space<vmem>> -> memref<1568x32xbf16, #tpu.memory_space<vmem>>
        tpu.enqueue_dma source(%dma_start3A_66 : memref<1568x32xbf16, #tpu.memory_space<vmem>>) target(%dma_start3A_63 : memref<1568x32xbf16, #tpu.memory_space<hbm>>) target_semaphore(%run_scoped3A_48 : memref<!tpu.dma_semaphore, #tpu.memory_space<semaphore_mem>>)
        %dma_wait3A_67 = arith.constant 0 : i32
        %dma_wait3A_68 = arith.constant 0 : i32
        %dma_wait3A_69 = tpu.memref_slice %arg5[%dma_wait3A_67, %dma_wait3A_68] : memref<1568x32xbf16, #tpu.memory_space<vmem>> -> memref<1568x32xbf16, #tpu.memory_space<vmem>>
        %dma_wait3A_70 = arith.constant 0 : i32
        %dma_wait3A_71 = arith.constant 0 : i32
        %dma_wait3A_72 = tpu.memref_slice %arg3[%run_scoped3A_47, %dma_wait3A_70, %dma_wait3A_71] : memref<2x50000x32xbf16, #tpu.memory_space<hbm>> -> memref<1x50000x32xbf16, #tpu.memory_space<hbm>>
        %dma_wait3A_73 = tpu.memref_squeeze %dma_wait3A_72 : memref<1x50000x32xbf16, #tpu.memory_space<hbm>> -> memref<50000x32xbf16, #tpu.memory_space<hbm>>
        %dma_wait3A_74 = arith.constant 0 : i32
        %dma_wait3A_75 = tpu.memref_slice %dma_wait3A_73[%mul3A_2, %dma_wait3A_74] : memref<50000x32xbf16, #tpu.memory_space<hbm>> -> memref<1568x32xbf16, #tpu.memory_space<hbm>>
        %dma_wait3A_76 = arith.constant 0 : i32
        %dma_wait3A_77 = arith.constant 0 : i32
        %dma_wait3A_78 = tpu.memref_slice %arg3[%run_scoped3A_47, %dma_wait3A_76, %dma_wait3A_77] : memref<2x50000x32xbf16, #tpu.memory_space<hbm>> -> memref<1x50000x32xbf16, #tpu.memory_space<hbm>>
        %dma_wait3A_79 = tpu.memref_squeeze %dma_wait3A_78 : memref<1x50000x32xbf16, #tpu.memory_space<hbm>> -> memref<50000x32xbf16, #tpu.memory_space<hbm>>
        %dma_wait3A_80 = arith.constant 0 : i32
        %dma_wait3A_81 = tpu.memref_slice %dma_wait3A_79[%mul3A_2, %dma_wait3A_80] : memref<50000x32xbf16, #tpu.memory_space<hbm>> -> memref<1568x32xbf16, #tpu.memory_space<hbm>>
        %dma_wait3A_82 = arith.constant 0 : i32
        %dma_wait3A_83 = arith.constant 0 : i32
        %dma_wait3A_84 = tpu.memref_slice %arg5[%dma_wait3A_82, %dma_wait3A_83] : memref<1568x32xbf16, #tpu.memory_space<vmem>> -> memref<1568x32xbf16, #tpu.memory_space<vmem>>
        tpu.wait_dma2 semaphore(%run_scoped3A_48 : memref<!tpu.dma_semaphore, #tpu.memory_space<semaphore_mem>>) src(%dma_wait3A_84 : memref<1568x32xbf16, #tpu.memory_space<vmem>>) dst(%dma_wait3A_81 : memref<1568x32xbf16, #tpu.memory_space<hbm>>)
        tpu.yield
      }) : () -> ()
    } else {
    }
    %eq3A = arith.constant 31 : i32
    %eq3A_5 = arith.cmpi eq, %add3A, %eq3A : i32
    %convert_element_type3A_6 = arith.extui %eq3A_5 : i1 to i32
    %cond3A_7 = arith.constant 0 : i32
    %cond3A_8 = arith.cmpi ne, %convert_element_type3A_6, %cond3A_7 : i32
    scf.if %cond3A_8 {
      %dma_start3A = arith.constant 0 : i32
      %dma_start3A_9 = arith.constant 0 : i32
      %dma_start3A_10 = tpu.memref_slice %arg4[%dma_start3A, %dma_start3A_9] : memref<1568x32xbf16, #tpu.memory_space<vmem>> -> memref<1392x32xbf16, #tpu.memory_space<vmem>>
      %dma_start3A_11 = arith.constant 0 : i32
      %dma_start3A_12 = tpu.memref_slice %arg2[%mul3A_2, %dma_start3A_11] : memref<50000x64xbf16, #tpu.memory_space<hbm>> -> memref<1392x32xbf16, #tpu.memory_space<hbm>>
      %dma_start3A_13 = arith.constant 0 : i32
      %dma_start3A_14 = arith.constant 0 : i32
      %dma_start3A_15 = tpu.memref_slice %arg4[%dma_start3A_13, %dma_start3A_14] : memref<1568x32xbf16, #tpu.memory_space<vmem>> -> memref<1392x32xbf16, #tpu.memory_space<vmem>>
      %dma_start3A_16 = arith.constant 0 : i32
      %dma_start3A_17 = tpu.memref_slice %arg2[%mul3A_2, %dma_start3A_16] : memref<50000x64xbf16, #tpu.memory_space<hbm>> -> memref<1392x32xbf16, #tpu.memory_space<hbm>>
      tpu.enqueue_dma source(%dma_start3A_17 : memref<1392x32xbf16, #tpu.memory_space<hbm>>) target(%dma_start3A_15 : memref<1392x32xbf16, #tpu.memory_space<vmem>>) target_semaphore(%arg6 : memref<!tpu.dma_semaphore, #tpu.memory_space<semaphore_mem>>)
      %dma_start3A_18 = arith.constant 0 : i32
      %dma_start3A_19 = arith.constant 0 : i32
      %dma_start3A_20 = tpu.memref_slice %arg5[%dma_start3A_18, %dma_start3A_19] : memref<1568x32xbf16, #tpu.memory_space<vmem>> -> memref<1392x32xbf16, #tpu.memory_space<vmem>>
      %dma_start3A_21 = arith.constant 32 : i32
      %dma_start3A_22 = tpu.memref_slice %arg2[%mul3A_2, %dma_start3A_21] : memref<50000x64xbf16, #tpu.memory_space<hbm>> -> memref<1392x32xbf16, #tpu.memory_space<hbm>>
      %dma_start3A_23 = arith.constant 0 : i32
      %dma_start3A_24 = arith.constant 0 : i32
      %dma_start3A_25 = tpu.memref_slice %arg5[%dma_start3A_23, %dma_start3A_24] : memref<1568x32xbf16, #tpu.memory_space<vmem>> -> memref<1392x32xbf16, #tpu.memory_space<vmem>>
      %dma_start3A_26 = arith.constant 32 : i32
      %dma_start3A_27 = tpu.memref_slice %arg2[%mul3A_2, %dma_start3A_26] : memref<50000x64xbf16, #tpu.memory_space<hbm>> -> memref<1392x32xbf16, #tpu.memory_space<hbm>>
      tpu.enqueue_dma source(%dma_start3A_27 : memref<1392x32xbf16, #tpu.memory_space<hbm>>) target(%dma_start3A_25 : memref<1392x32xbf16, #tpu.memory_space<vmem>>) target_semaphore(%arg7 : memref<!tpu.dma_semaphore, #tpu.memory_space<semaphore_mem>>)
      %dma_wait3A = arith.constant 0 : i32
      %dma_wait3A_28 = arith.constant 0 : i32
      %dma_wait3A_29 = tpu.memref_slice %arg4[%dma_wait3A, %dma_wait3A_28] : memref<1568x32xbf16, #tpu.memory_space<vmem>> -> memref<1392x32xbf16, #tpu.memory_space<vmem>>
      %dma_wait3A_30 = arith.constant 0 : i32
      %dma_wait3A_31 = tpu.memref_slice %arg2[%mul3A_2, %dma_wait3A_30] : memref<50000x64xbf16, #tpu.memory_space<hbm>> -> memref<1392x32xbf16, #tpu.memory_space<hbm>>
      %dma_wait3A_32 = arith.constant 0 : i32
      %dma_wait3A_33 = arith.constant 0 : i32
      %dma_wait3A_34 = tpu.memref_slice %arg4[%dma_wait3A_32, %dma_wait3A_33] : memref<1568x32xbf16, #tpu.memory_space<vmem>> -> memref<1392x32xbf16, #tpu.memory_space<vmem>>
      %dma_wait3A_35 = arith.constant 0 : i32
      %dma_wait3A_36 = tpu.memref_slice %arg2[%mul3A_2, %dma_wait3A_35] : memref<50000x64xbf16, #tpu.memory_space<hbm>> -> memref<1392x32xbf16, #tpu.memory_space<hbm>>
      tpu.wait_dma2 semaphore(%arg6 : memref<!tpu.dma_semaphore, #tpu.memory_space<semaphore_mem>>) src(%dma_wait3A_36 : memref<1392x32xbf16, #tpu.memory_space<hbm>>) dst(%dma_wait3A_34 : memref<1392x32xbf16, #tpu.memory_space<vmem>>)
      %run_scoped3A = arith.constant 0 : i32
      "tpu.region"() ({
        %run_scoped3A_48 = tpu.sem_alloc : memref<!tpu.dma_semaphore, #tpu.memory_space<semaphore_mem>>
        %dma_start3A_49 = arith.constant 0 : i32
        %dma_start3A_50 = arith.constant 0 : i32
        %dma_start3A_51 = tpu.memref_slice %arg4[%dma_start3A_49, %dma_start3A_50] : memref<1568x32xbf16, #tpu.memory_space<vmem>> -> memref<1392x32xbf16, #tpu.memory_space<vmem>>
        %dma_start3A_52 = arith.constant 0 : i32
        %dma_start3A_53 = arith.constant 0 : i32
        %dma_start3A_54 = tpu.memref_slice %arg3[%run_scoped3A, %dma_start3A_52, %dma_start3A_53] : memref<2x50000x32xbf16, #tpu.memory_space<hbm>> -> memref<1x50000x32xbf16, #tpu.memory_space<hbm>>
        %dma_start3A_55 = tpu.memref_squeeze %dma_start3A_54 : memref<1x50000x32xbf16, #tpu.memory_space<hbm>> -> memref<50000x32xbf16, #tpu.memory_space<hbm>>
        %dma_start3A_56 = arith.constant 0 : i32
        %dma_start3A_57 = tpu.memref_slice %dma_start3A_55[%mul3A_2, %dma_start3A_56] : memref<50000x32xbf16, #tpu.memory_space<hbm>> -> memref<1392x32xbf16, #tpu.memory_space<hbm>>
        %dma_start3A_58 = arith.constant 0 : i32
        %dma_start3A_59 = arith.constant 0 : i32
        %dma_start3A_60 = tpu.memref_slice %arg3[%run_scoped3A, %dma_start3A_58, %dma_start3A_59] : memref<2x50000x32xbf16, #tpu.memory_space<hbm>> -> memref<1x50000x32xbf16, #tpu.memory_space<hbm>>
        %dma_start3A_61 = tpu.memref_squeeze %dma_start3A_60 : memref<1x50000x32xbf16, #tpu.memory_space<hbm>> -> memref<50000x32xbf16, #tpu.memory_space<hbm>>
        %dma_start3A_62 = arith.constant 0 : i32
        %dma_start3A_63 = tpu.memref_slice %dma_start3A_61[%mul3A_2, %dma_start3A_62] : memref<50000x32xbf16, #tpu.memory_space<hbm>> -> memref<1392x32xbf16, #tpu.memory_space<hbm>>
        %dma_start3A_64 = arith.constant 0 : i32
        %dma_start3A_65 = arith.constant 0 : i32
        %dma_start3A_66 = tpu.memref_slice %arg4[%dma_start3A_64, %dma_start3A_65] : memref<1568x32xbf16, #tpu.memory_space<vmem>> -> memref<1392x32xbf16, #tpu.memory_space<vmem>>
        tpu.enqueue_dma source(%dma_start3A_66 : memref<1392x32xbf16, #tpu.memory_space<vmem>>) target(%dma_start3A_63 : memref<1392x32xbf16, #tpu.memory_space<hbm>>) target_semaphore(%run_scoped3A_48 : memref<!tpu.dma_semaphore, #tpu.memory_space<semaphore_mem>>)
        %dma_wait3A_67 = arith.constant 0 : i32
        %dma_wait3A_68 = arith.constant 0 : i32
        %dma_wait3A_69 = tpu.memref_slice %arg4[%dma_wait3A_67, %dma_wait3A_68] : memref<1568x32xbf16, #tpu.memory_space<vmem>> -> memref<1392x32xbf16, #tpu.memory_space<vmem>>
        %dma_wait3A_70 = arith.constant 0 : i32
        %dma_wait3A_71 = arith.constant 0 : i32
        %dma_wait3A_72 = tpu.memref_slice %arg3[%run_scoped3A, %dma_wait3A_70, %dma_wait3A_71] : memref<2x50000x32xbf16, #tpu.memory_space<hbm>> -> memref<1x50000x32xbf16, #tpu.memory_space<hbm>>
        %dma_wait3A_73 = tpu.memref_squeeze %dma_wait3A_72 : memref<1x50000x32xbf16, #tpu.memory_space<hbm>> -> memref<50000x32xbf16, #tpu.memory_space<hbm>>
        %dma_wait3A_74 = arith.constant 0 : i32
        %dma_wait3A_75 = tpu.memref_slice %dma_wait3A_73[%mul3A_2, %dma_wait3A_74] : memref<50000x32xbf16, #tpu.memory_space<hbm>> -> memref<1392x32xbf16, #tpu.memory_space<hbm>>
        %dma_wait3A_76 = arith.constant 0 : i32
        %dma_wait3A_77 = arith.constant 0 : i32
        %dma_wait3A_78 = tpu.memref_slice %arg3[%run_scoped3A, %dma_wait3A_76, %dma_wait3A_77] : memref<2x50000x32xbf16, #tpu.memory_space<hbm>> -> memref<1x50000x32xbf16, #tpu.memory_space<hbm>>
        %dma_wait3A_79 = tpu.memref_squeeze %dma_wait3A_78 : memref<1x50000x32xbf16, #tpu.memory_space<hbm>> -> memref<50000x32xbf16, #tpu.memory_space<hbm>>
        %dma_wait3A_80 = arith.constant 0 : i32
        %dma_wait3A_81 = tpu.memref_slice %dma_wait3A_79[%mul3A_2, %dma_wait3A_80] : memref<50000x32xbf16, #tpu.memory_space<hbm>> -> memref<1392x32xbf16, #tpu.memory_space<hbm>>
        %dma_wait3A_82 = arith.constant 0 : i32
        %dma_wait3A_83 = arith.constant 0 : i32
        %dma_wait3A_84 = tpu.memref_slice %arg4[%dma_wait3A_82, %dma_wait3A_83] : memref<1568x32xbf16, #tpu.memory_space<vmem>> -> memref<1392x32xbf16, #tpu.memory_space<vmem>>
        tpu.wait_dma2 semaphore(%run_scoped3A_48 : memref<!tpu.dma_semaphore, #tpu.memory_space<semaphore_mem>>) src(%dma_wait3A_84 : memref<1392x32xbf16, #tpu.memory_space<vmem>>) dst(%dma_wait3A_81 : memref<1392x32xbf16, #tpu.memory_space<hbm>>)
        tpu.yield
      }) : () -> ()
      %dma_wait3A_37 = arith.constant 0 : i32
      %dma_wait3A_38 = arith.constant 0 : i32
      %dma_wait3A_39 = tpu.memref_slice %arg5[%dma_wait3A_37, %dma_wait3A_38] : memref<1568x32xbf16, #tpu.memory_space<vmem>> -> memref<1392x32xbf16, #tpu.memory_space<vmem>>
      %dma_wait3A_40 = arith.constant 32 : i32
      %dma_wait3A_41 = tpu.memref_slice %arg2[%mul3A_2, %dma_wait3A_40] : memref<50000x64xbf16, #tpu.memory_space<hbm>> -> memref<1392x32xbf16, #tpu.memory_space<hbm>>
      %dma_wait3A_42 = arith.constant 0 : i32
      %dma_wait3A_43 = arith.constant 0 : i32
      %dma_wait3A_44 = tpu.memref_slice %arg5[%dma_wait3A_42, %dma_wait3A_43] : memref<1568x32xbf16, #tpu.memory_space<vmem>> -> memref<1392x32xbf16, #tpu.memory_space<vmem>>
      %dma_wait3A_45 = arith.constant 32 : i32
      %dma_wait3A_46 = tpu.memref_slice %arg2[%mul3A_2, %dma_wait3A_45] : memref<50000x64xbf16, #tpu.memory_space<hbm>> -> memref<1392x32xbf16, #tpu.memory_space<hbm>>
      tpu.wait_dma2 semaphore(%arg7 : memref<!tpu.dma_semaphore, #tpu.memory_space<semaphore_mem>>) src(%dma_wait3A_46 : memref<1392x32xbf16, #tpu.memory_space<hbm>>) dst(%dma_wait3A_44 : memref<1392x32xbf16, #tpu.memory_space<vmem>>)
      %run_scoped3A_47 = arith.constant 1 : i32
      "tpu.region"() ({
        %run_scoped3A_48 = tpu.sem_alloc : memref<!tpu.dma_semaphore, #tpu.memory_space<semaphore_mem>>
        %dma_start3A_49 = arith.constant 0 : i32
        %dma_start3A_50 = arith.constant 0 : i32
        %dma_start3A_51 = tpu.memref_slice %arg5[%dma_start3A_49, %dma_start3A_50] : memref<1568x32xbf16, #tpu.memory_space<vmem>> -> memref<1392x32xbf16, #tpu.memory_space<vmem>>
        %dma_start3A_52 = arith.constant 0 : i32
        %dma_start3A_53 = arith.constant 0 : i32
        %dma_start3A_54 = tpu.memref_slice %arg3[%run_scoped3A_47, %dma_start3A_52, %dma_start3A_53] : memref<2x50000x32xbf16, #tpu.memory_space<hbm>> -> memref<1x50000x32xbf16, #tpu.memory_space<hbm>>
        %dma_start3A_55 = tpu.memref_squeeze %dma_start3A_54 : memref<1x50000x32xbf16, #tpu.memory_space<hbm>> -> memref<50000x32xbf16, #tpu.memory_space<hbm>>
        %dma_start3A_56 = arith.constant 0 : i32
        %dma_start3A_57 = tpu.memref_slice %dma_start3A_55[%mul3A_2, %dma_start3A_56] : memref<50000x32xbf16, #tpu.memory_space<hbm>> -> memref<1392x32xbf16, #tpu.memory_space<hbm>>
        %dma_start3A_58 = arith.constant 0 : i32
        %dma_start3A_59 = arith.constant 0 : i32
        %dma_start3A_60 = tpu.memref_slice %arg3[%run_scoped3A_47, %dma_start3A_58, %dma_start3A_59] : memref<2x50000x32xbf16, #tpu.memory_space<hbm>> -> memref<1x50000x32xbf16, #tpu.memory_space<hbm>>
        %dma_start3A_61 = tpu.memref_squeeze %dma_start3A_60 : memref<1x50000x32xbf16, #tpu.memory_space<hbm>> -> memref<50000x32xbf16, #tpu.memory_space<hbm>>
        %dma_start3A_62 = arith.constant 0 : i32
        %dma_start3A_63 = tpu.memref_slice %dma_start3A_61[%mul3A_2, %dma_start3A_62] : memref<50000x32xbf16, #tpu.memory_space<hbm>> -> memref<1392x32xbf16, #tpu.memory_space<hbm>>
        %dma_start3A_64 = arith.constant 0 : i32
        %dma_start3A_65 = arith.constant 0 : i32
        %dma_start3A_66 = tpu.memref_slice %arg5[%dma_start3A_64, %dma_start3A_65] : memref<1568x32xbf16, #tpu.memory_space<vmem>> -> memref<1392x32xbf16, #tpu.memory_space<vmem>>
        tpu.enqueue_dma source(%dma_start3A_66 : memref<1392x32xbf16, #tpu.memory_space<vmem>>) target(%dma_start3A_63 : memref<1392x32xbf16, #tpu.memory_space<hbm>>) target_semaphore(%run_scoped3A_48 : memref<!tpu.dma_semaphore, #tpu.memory_space<semaphore_mem>>)
        %dma_wait3A_67 = arith.constant 0 : i32
        %dma_wait3A_68 = arith.constant 0 : i32
        %dma_wait3A_69 = tpu.memref_slice %arg5[%dma_wait3A_67, %dma_wait3A_68] : memref<1568x32xbf16, #tpu.memory_space<vmem>> -> memref<1392x32xbf16, #tpu.memory_space<vmem>>
        %dma_wait3A_70 = arith.constant 0 : i32
        %dma_wait3A_71 = arith.constant 0 : i32
        %dma_wait3A_72 = tpu.memref_slice %arg3[%run_scoped3A_47, %dma_wait3A_70, %dma_wait3A_71] : memref<2x50000x32xbf16, #tpu.memory_space<hbm>> -> memref<1x50000x32xbf16, #tpu.memory_space<hbm>>
        %dma_wait3A_73 = tpu.memref_squeeze %dma_wait3A_72 : memref<1x50000x32xbf16, #tpu.memory_space<hbm>> -> memref<50000x32xbf16, #tpu.memory_space<hbm>>
        %dma_wait3A_74 = arith.constant 0 : i32
        %dma_wait3A_75 = tpu.memref_slice %dma_wait3A_73[%mul3A_2, %dma_wait3A_74] : memref<50000x32xbf16, #tpu.memory_space<hbm>> -> memref<1392x32xbf16, #tpu.memory_space<hbm>>
        %dma_wait3A_76 = arith.constant 0 : i32
        %dma_wait3A_77 = arith.constant 0 : i32
        %dma_wait3A_78 = tpu.memref_slice %arg3[%run_scoped3A_47, %dma_wait3A_76, %dma_wait3A_77] : memref<2x50000x32xbf16, #tpu.memory_space<hbm>> -> memref<1x50000x32xbf16, #tpu.memory_space<hbm>>
        %dma_wait3A_79 = tpu.memref_squeeze %dma_wait3A_78 : memref<1x50000x32xbf16, #tpu.memory_space<hbm>> -> memref<50000x32xbf16, #tpu.memory_space<hbm>>
        %dma_wait3A_80 = arith.constant 0 : i32
        %dma_wait3A_81 = tpu.memref_slice %dma_wait3A_79[%mul3A_2, %dma_wait3A_80] : memref<50000x32xbf16, #tpu.memory_space<hbm>> -> memref<1392x32xbf16, #tpu.memory_space<hbm>>
        %dma_wait3A_82 = arith.constant 0 : i32
        %dma_wait3A_83 = arith.constant 0 : i32
        %dma_wait3A_84 = tpu.memref_slice %arg5[%dma_wait3A_82, %dma_wait3A_83] : memref<1568x32xbf16, #tpu.memory_space<vmem>> -> memref<1392x32xbf16, #tpu.memory_space<vmem>>
        tpu.wait_dma2 semaphore(%run_scoped3A_48 : memref<!tpu.dma_semaphore, #tpu.memory_space<semaphore_mem>>) src(%dma_wait3A_84 : memref<1392x32xbf16, #tpu.memory_space<vmem>>) dst(%dma_wait3A_81 : memref<1392x32xbf16, #tpu.memory_space<hbm>>)
        tpu.yield
      }) : () -> ()
    } else {
    }
    return
  }
}

#map = affine_map<(d0, d1) -> (0, 0, 0)>
#map1 = affine_map<(d0, d1) -> (0)>
#map2 = affine_map<(d0, d1) -> (0, 0)>
module attributes {stable_mosaic.version = 14 : i64} {
  func.func @_conv_body(%arg0: i32, %arg1: i32, %arg2: memref<2x50000x32xbf16, #tpu.memory_space<hbm>>, %arg3: memref<800000xi32, #tpu.memory_space<hbm>>, %arg4: memref<800000xi32, #tpu.memory_space<hbm>>, %arg5: memref<50000x64xbf16, #tpu.memory_space<hbm>>, %arg6: memref<2000xi32, #tpu.memory_space<vmem>>, %arg7: memref<2000xi32, #tpu.memory_space<vmem>>, %arg8: memref<2000xi32, #tpu.memory_space<vmem>>, %arg9: memref<2000xi32, #tpu.memory_space<vmem>>, %arg10: memref<2000xi32, #tpu.memory_space<vmem>>, %arg11: memref<2000xi32, #tpu.memory_space<vmem>>, %arg12: memref<2000x32xbf16, #tpu.memory_space<vmem>>, %arg13: memref<2000x32xbf16, #tpu.memory_space<vmem>>, %arg14: memref<!tpu.dma_semaphore, #tpu.memory_space<semaphore_mem>>, %arg15: memref<!tpu.dma_semaphore, #tpu.memory_space<semaphore_mem>>, %arg16: memref<!tpu.dma_semaphore, #tpu.memory_space<semaphore_mem>>, %arg17: memref<!tpu.dma_semaphore, #tpu.memory_space<semaphore_mem>>, %arg18: memref<!tpu.dma_semaphore, #tpu.memory_space<semaphore_mem>>, %arg19: memref<!tpu.dma_semaphore, #tpu.memory_space<semaphore_mem>>, %arg20: memref<!tpu.dma_semaphore, #tpu.memory_space<semaphore_mem>>, %arg21: memref<50000x32xbf16, #tpu.memory_space<vmem_shared>>) attributes {dimension_semantics = [#tpu.dimension_semantics<core_parallel>, #tpu.dimension_semantics<subcore_parallel>], iteration_bounds = array<i64: 2, 16>, scalar_prefetch = 0 : i64, scratch_operands = 16 : i64, tpu.core_type = #tpu.core_type<sc_vector_subcore>, window_params = [{transform_indices = #map}, {transform_indices = #map1}, {transform_indices = #map1}, {transform_indices = #map2}]} {
    %mul3A = arith.constant 3136 : i32
    %mul3A_0 = arith.muli %arg1, %mul3A : i32
    %mul3A_1 = arith.constant 32 : i32
    %mul3A_2 = arith.muli %arg0, %mul3A_1 : i32
    %broadcast_in_dim3A = arith.constant 0.000000e+00 : bf16
    %broadcast_in_dim3A_3 = vector.broadcast %broadcast_in_dim3A : bf16 to vector<32xbf16>
    %scan3A = arith.constant 0 : i32
    %scan3A_4 = arith.constant 0 : i32
    %scan3A_5 = arith.constant 2000 : i32
    %scan3A_6 = arith.addi %scan3A_4, %scan3A_5 : i32
    %scan3A_7 = arith.constant 1 : i32
    %scan3A_8 = scf.for %scan3A_68 = %scan3A_4 to %scan3A_6 step %scan3A_7 iter_args(%scan3A_69 = %scan3A) -> (i32)  : i32 {
      %swap3A = arith.index_cast %scan3A_68 : i32 to index
      %swap3A_70 = arith.constant 0 : index
      %swap3A_71 = tpu.vector_load %arg12[%swap3A, %swap3A_70] {strides = array<i32>} : memref<2000x32xbf16, #tpu.memory_space<vmem>>, vector<1x32xbf16>,
      %swap3A_72 = vector.shape_cast %swap3A_71 : vector<1x32xbf16> to vector<32xbf16>
      %swap3A_73 = vector.shape_cast %broadcast_in_dim3A_3 : vector<32xbf16> to vector<1x32xbf16>
      tpu.vector_store %arg12[%swap3A, %swap3A_70], %swap3A_73 {strides = array<i32>} : memref<2000x32xbf16, #tpu.memory_space<vmem>>, vector<1x32xbf16>,
      %scan3A_74 = arith.constant 0 : i32
      scf.yield %scan3A_74 : i32
    }
    %scan3A_9 = arith.constant 2000 : i32
    "tpu.region"() ({
      %run_scoped3A = tpu.sem_alloc : memref<!tpu.dma_semaphore, #tpu.memory_space<semaphore_mem>>
      %dma_start3A_68 = arith.constant 0 : i32
      %dma_start3A_69 = tpu.memref_slice %arg21[%mul3A_0, %dma_start3A_68] : memref<50000x32xbf16, #tpu.memory_space<vmem_shared>> -> memref<2000x32xbf16, #tpu.memory_space<vmem_shared>>
      %dma_start3A_70 = arith.constant 0 : i32
      %dma_start3A_71 = tpu.memref_slice %arg21[%mul3A_0, %dma_start3A_70] : memref<50000x32xbf16, #tpu.memory_space<vmem_shared>> -> memref<2000x32xbf16, #tpu.memory_space<vmem_shared>>
      tpu.enqueue_dma source(%arg12 : memref<2000x32xbf16, #tpu.memory_space<vmem>>) target(%dma_start3A_71 : memref<2000x32xbf16, #tpu.memory_space<vmem_shared>>) target_semaphore(%run_scoped3A : memref<!tpu.dma_semaphore, #tpu.memory_space<semaphore_mem>>)
      %dma_wait3A_72 = arith.constant 0 : i32
      %dma_wait3A_73 = tpu.memref_slice %arg21[%mul3A_0, %dma_wait3A_72] : memref<50000x32xbf16, #tpu.memory_space<vmem_shared>> -> memref<2000x32xbf16, #tpu.memory_space<vmem_shared>>
      %dma_wait3A_74 = arith.constant 0 : i32
      %dma_wait3A_75 = tpu.memref_slice %arg21[%mul3A_0, %dma_wait3A_74] : memref<50000x32xbf16, #tpu.memory_space<vmem_shared>> -> memref<2000x32xbf16, #tpu.memory_space<vmem_shared>>
      tpu.wait_dma2 semaphore(%run_scoped3A : memref<!tpu.dma_semaphore, #tpu.memory_space<semaphore_mem>>) src(%arg12 : memref<2000x32xbf16, #tpu.memory_space<vmem>>) dst(%dma_wait3A_75 : memref<2000x32xbf16, #tpu.memory_space<vmem_shared>>)
      tpu.yield
    }) : () -> ()
    %lt3A = arith.constant 15 : i32
    %lt3A_10 = arith.cmpi slt, %arg1, %lt3A : i32
    %convert_element_type3A = arith.extui %lt3A_10 : i1 to i32
    %cond3A = arith.constant 0 : i32
    %cond3A_11 = arith.cmpi ne, %convert_element_type3A, %cond3A : i32
    scf.if %cond3A_11 {
      %add3A_68 = arith.constant 2000 : i32
      %add3A_69 = arith.addi %mul3A_0, %add3A_68 : i32
      "tpu.region"() ({
        %run_scoped3A = tpu.sem_alloc : memref<!tpu.dma_semaphore, #tpu.memory_space<semaphore_mem>>
        %dma_start3A_70 = arith.constant 0 : i32
        %dma_start3A_71 = arith.constant 0 : i32
        %dma_start3A_72 = tpu.memref_slice %arg12[%dma_start3A_70, %dma_start3A_71] : memref<2000x32xbf16, #tpu.memory_space<vmem>> -> memref<1136x32xbf16, #tpu.memory_space<vmem>>
        %dma_start3A_73 = arith.constant 0 : i32
        %dma_start3A_74 = tpu.memref_slice %arg21[%add3A_69, %dma_start3A_73] : memref<50000x32xbf16, #tpu.memory_space<vmem_shared>> -> memref<1136x32xbf16, #tpu.memory_space<vmem_shared>>
        %dma_start3A_75 = arith.constant 0 : i32
        %dma_start3A_76 = tpu.memref_slice %arg21[%add3A_69, %dma_start3A_75] : memref<50000x32xbf16, #tpu.memory_space<vmem_shared>> -> memref<1136x32xbf16, #tpu.memory_space<vmem_shared>>
        %dma_start3A_77 = arith.constant 0 : i32
        %dma_start3A_78 = arith.constant 0 : i32
        %dma_start3A_79 = tpu.memref_slice %arg12[%dma_start3A_77, %dma_start3A_78] : memref<2000x32xbf16, #tpu.memory_space<vmem>> -> memref<1136x32xbf16, #tpu.memory_space<vmem>>
        tpu.enqueue_dma source(%dma_start3A_79 : memref<1136x32xbf16, #tpu.memory_space<vmem>>) target(%dma_start3A_76 : memref<1136x32xbf16, #tpu.memory_space<vmem_shared>>) target_semaphore(%run_scoped3A : memref<!tpu.dma_semaphore, #tpu.memory_space<semaphore_mem>>)
        %dma_wait3A_80 = arith.constant 0 : i32
        %dma_wait3A_81 = arith.constant 0 : i32
        %dma_wait3A_82 = tpu.memref_slice %arg12[%dma_wait3A_80, %dma_wait3A_81] : memref<2000x32xbf16, #tpu.memory_space<vmem>> -> memref<1136x32xbf16, #tpu.memory_space<vmem>>
        %dma_wait3A_83 = arith.constant 0 : i32
        %dma_wait3A_84 = tpu.memref_slice %arg21[%add3A_69, %dma_wait3A_83] : memref<50000x32xbf16, #tpu.memory_space<vmem_shared>> -> memref<1136x32xbf16, #tpu.memory_space<vmem_shared>>
        %dma_wait3A_85 = arith.constant 0 : i32
        %dma_wait3A_86 = tpu.memref_slice %arg21[%add3A_69, %dma_wait3A_85] : memref<50000x32xbf16, #tpu.memory_space<vmem_shared>> -> memref<1136x32xbf16, #tpu.memory_space<vmem_shared>>
        %dma_wait3A_87 = arith.constant 0 : i32
        %dma_wait3A_88 = arith.constant 0 : i32
        %dma_wait3A_89 = tpu.memref_slice %arg12[%dma_wait3A_87, %dma_wait3A_88] : memref<2000x32xbf16, #tpu.memory_space<vmem>> -> memref<1136x32xbf16, #tpu.memory_space<vmem>>
        tpu.wait_dma2 semaphore(%run_scoped3A : memref<!tpu.dma_semaphore, #tpu.memory_space<semaphore_mem>>) src(%dma_wait3A_89 : memref<1136x32xbf16, #tpu.memory_space<vmem>>) dst(%dma_wait3A_86 : memref<1136x32xbf16, #tpu.memory_space<vmem_shared>>)
        tpu.yield
      }) : () -> ()
    } else {
    }
    %eq3A = arith.constant 15 : i32
    %eq3A_12 = arith.cmpi eq, %arg1, %eq3A : i32
    %convert_element_type3A_13 = arith.extui %eq3A_12 : i1 to i32
    %cond3A_14 = arith.constant 0 : i32
    %cond3A_15 = arith.cmpi ne, %convert_element_type3A_13, %cond3A_14 : i32
    scf.if %cond3A_15 {
      %add3A_68 = arith.constant 2000 : i32
      %add3A_69 = arith.addi %mul3A_0, %add3A_68 : i32
      "tpu.region"() ({
        %run_scoped3A = tpu.sem_alloc : memref<!tpu.dma_semaphore, #tpu.memory_space<semaphore_mem>>
        %dma_start3A_70 = arith.constant 0 : i32
        %dma_start3A_71 = arith.constant 0 : i32
        %dma_start3A_72 = tpu.memref_slice %arg12[%dma_start3A_70, %dma_start3A_71] : memref<2000x32xbf16, #tpu.memory_space<vmem>> -> memref<960x32xbf16, #tpu.memory_space<vmem>>
        %dma_start3A_73 = arith.constant 0 : i32
        %dma_start3A_74 = tpu.memref_slice %arg21[%add3A_69, %dma_start3A_73] : memref<50000x32xbf16, #tpu.memory_space<vmem_shared>> -> memref<960x32xbf16, #tpu.memory_space<vmem_shared>>
        %dma_start3A_75 = arith.constant 0 : i32
        %dma_start3A_76 = tpu.memref_slice %arg21[%add3A_69, %dma_start3A_75] : memref<50000x32xbf16, #tpu.memory_space<vmem_shared>> -> memref<960x32xbf16, #tpu.memory_space<vmem_shared>>
        %dma_start3A_77 = arith.constant 0 : i32
        %dma_start3A_78 = arith.constant 0 : i32
        %dma_start3A_79 = tpu.memref_slice %arg12[%dma_start3A_77, %dma_start3A_78] : memref<2000x32xbf16, #tpu.memory_space<vmem>> -> memref<960x32xbf16, #tpu.memory_space<vmem>>
        tpu.enqueue_dma source(%dma_start3A_79 : memref<960x32xbf16, #tpu.memory_space<vmem>>) target(%dma_start3A_76 : memref<960x32xbf16, #tpu.memory_space<vmem_shared>>) target_semaphore(%run_scoped3A : memref<!tpu.dma_semaphore, #tpu.memory_space<semaphore_mem>>)
        %dma_wait3A_80 = arith.constant 0 : i32
        %dma_wait3A_81 = arith.constant 0 : i32
        %dma_wait3A_82 = tpu.memref_slice %arg12[%dma_wait3A_80, %dma_wait3A_81] : memref<2000x32xbf16, #tpu.memory_space<vmem>> -> memref<960x32xbf16, #tpu.memory_space<vmem>>
        %dma_wait3A_83 = arith.constant 0 : i32
        %dma_wait3A_84 = tpu.memref_slice %arg21[%add3A_69, %dma_wait3A_83] : memref<50000x32xbf16, #tpu.memory_space<vmem_shared>> -> memref<960x32xbf16, #tpu.memory_space<vmem_shared>>
        %dma_wait3A_85 = arith.constant 0 : i32
        %dma_wait3A_86 = tpu.memref_slice %arg21[%add3A_69, %dma_wait3A_85] : memref<50000x32xbf16, #tpu.memory_space<vmem_shared>> -> memref<960x32xbf16, #tpu.memory_space<vmem_shared>>
        %dma_wait3A_87 = arith.constant 0 : i32
        %dma_wait3A_88 = arith.constant 0 : i32
        %dma_wait3A_89 = tpu.memref_slice %arg12[%dma_wait3A_87, %dma_wait3A_88] : memref<2000x32xbf16, #tpu.memory_space<vmem>> -> memref<960x32xbf16, #tpu.memory_space<vmem>>
        tpu.wait_dma2 semaphore(%run_scoped3A : memref<!tpu.dma_semaphore, #tpu.memory_space<semaphore_mem>>) src(%dma_wait3A_89 : memref<960x32xbf16, #tpu.memory_space<vmem>>) dst(%dma_wait3A_86 : memref<960x32xbf16, #tpu.memory_space<vmem_shared>>)
        tpu.yield
      }) : () -> ()
    } else {
    }
    %barrier3A = arith.constant 0 : index
    tpu.barrier barrier_id(%barrier3A)
    %mul3A_16 = arith.constant 50000 : i32
    %mul3A_17 = arith.muli %arg1, %mul3A_16 : i32
    %add3A = arith.constant 0 : i32
    %add3A_18 = arith.addi %mul3A_17, %add3A : i32
    %dma_start3A = tpu.memref_slice %arg3[%add3A_18] : memref<800000xi32, #tpu.memory_space<hbm>> -> memref<2000xi32, #tpu.memory_space<hbm>>
    %dma_start3A_19 = tpu.memref_slice %arg3[%add3A_18] : memref<800000xi32, #tpu.memory_space<hbm>> -> memref<2000xi32, #tpu.memory_space<hbm>>
    tpu.enqueue_dma source(%dma_start3A_19 : memref<2000xi32, #tpu.memory_space<hbm>>) target(%arg6 : memref<2000xi32, #tpu.memory_space<vmem>>) target_semaphore(%arg14 : memref<!tpu.dma_semaphore, #tpu.memory_space<semaphore_mem>>)
    %dma_start3A_20 = tpu.memref_slice %arg4[%add3A_18] : memref<800000xi32, #tpu.memory_space<hbm>> -> memref<2000xi32, #tpu.memory_space<hbm>>
    %dma_start3A_21 = tpu.memref_slice %arg4[%add3A_18] : memref<800000xi32, #tpu.memory_space<hbm>> -> memref<2000xi32, #tpu.memory_space<hbm>>
    tpu.enqueue_dma source(%dma_start3A_21 : memref<2000xi32, #tpu.memory_space<hbm>>) target(%arg9 : memref<2000xi32, #tpu.memory_space<vmem>>) target_semaphore(%arg14 : memref<!tpu.dma_semaphore, #tpu.memory_space<semaphore_mem>>)
    %mul3A_22 = arith.constant 50000 : i32
    %mul3A_23 = arith.muli %arg1, %mul3A_22 : i32
    %add3A_24 = arith.constant 0 : i32
    %add3A_25 = arith.addi %mul3A_23, %add3A_24 : i32
    %dma_wait3A = tpu.memref_slice %arg3[%add3A_25] : memref<800000xi32, #tpu.memory_space<hbm>> -> memref<2000xi32, #tpu.memory_space<hbm>>
    %dma_wait3A_26 = tpu.memref_slice %arg3[%add3A_25] : memref<800000xi32, #tpu.memory_space<hbm>> -> memref<2000xi32, #tpu.memory_space<hbm>>
    tpu.wait_dma2 semaphore(%arg14 : memref<!tpu.dma_semaphore, #tpu.memory_space<semaphore_mem>>) src(%dma_wait3A_26 : memref<2000xi32, #tpu.memory_space<hbm>>) dst(%arg6 : memref<2000xi32, #tpu.memory_space<vmem>>)
    %dma_wait3A_27 = tpu.memref_slice %arg4[%add3A_25] : memref<800000xi32, #tpu.memory_space<hbm>> -> memref<2000xi32, #tpu.memory_space<hbm>>
    %dma_wait3A_28 = tpu.memref_slice %arg4[%add3A_25] : memref<800000xi32, #tpu.memory_space<hbm>> -> memref<2000xi32, #tpu.memory_space<hbm>>
    tpu.wait_dma2 semaphore(%arg14 : memref<!tpu.dma_semaphore, #tpu.memory_space<semaphore_mem>>) src(%dma_wait3A_28 : memref<2000xi32, #tpu.memory_space<hbm>>) dst(%arg9 : memref<2000xi32, #tpu.memory_space<vmem>>)
    %dma_start3A_29 = arith.constant 0 : i32
    %dma_start3A_30 = arith.constant 0 : i32
    %dma_start3A_31 = tpu.memref_slice %arg2[%arg0, %dma_start3A_29, %dma_start3A_30] : memref<2x50000x32xbf16, #tpu.memory_space<hbm>> -> memref<1x50000x32xbf16, #tpu.memory_space<hbm>>
    %dma_start3A_32 = tpu.memref_squeeze %dma_start3A_31 : memref<1x50000x32xbf16, #tpu.memory_space<hbm>> -> memref<50000x32xbf16, #tpu.memory_space<hbm>>
    %dma_start3A_33 = arith.constant 0 : i32
    %dma_start3A_34 = arith.constant 0 : i32
    %dma_start3A_35 = tpu.memref_slice %dma_start3A_32[%dma_start3A_33, %dma_start3A_34] : memref<50000x32xbf16, #tpu.memory_space<hbm>> -> memref<50000x32xbf16, #tpu.memory_space<hbm>>
    tpu.enqueue_indirect_dma source(%dma_start3A_35 : memref<50000x32xbf16, #tpu.memory_space<hbm>>) target(%arg12 : memref<2000x32xbf16, #tpu.memory_space<vmem>>) offsets(%arg6 : memref<2000xi32, #tpu.memory_space<vmem>>) semaphore(%arg17 : memref<!tpu.dma_semaphore, #tpu.memory_space<semaphore_mem>>)
    %mul3A_36 = arith.constant 50000 : i32
    %mul3A_37 = arith.muli %arg1, %mul3A_36 : i32
    %add3A_38 = arith.constant 2000 : i32
    %add3A_39 = arith.addi %mul3A_37, %add3A_38 : i32
    %dma_start3A_40 = tpu.memref_slice %arg3[%add3A_39] : memref<800000xi32, #tpu.memory_space<hbm>> -> memref<2000xi32, #tpu.memory_space<hbm>>
    %dma_start3A_41 = tpu.memref_slice %arg3[%add3A_39] : memref<800000xi32, #tpu.memory_space<hbm>> -> memref<2000xi32, #tpu.memory_space<hbm>>
    tpu.enqueue_dma source(%dma_start3A_41 : memref<2000xi32, #tpu.memory_space<hbm>>) target(%arg7 : memref<2000xi32, #tpu.memory_space<vmem>>) target_semaphore(%arg15 : memref<!tpu.dma_semaphore, #tpu.memory_space<semaphore_mem>>)
    %dma_start3A_42 = tpu.memref_slice %arg4[%add3A_39] : memref<800000xi32, #tpu.memory_space<hbm>> -> memref<2000xi32, #tpu.memory_space<hbm>>
    %dma_start3A_43 = tpu.memref_slice %arg4[%add3A_39] : memref<800000xi32, #tpu.memory_space<hbm>> -> memref<2000xi32, #tpu.memory_space<hbm>>
    tpu.enqueue_dma source(%dma_start3A_43 : memref<2000xi32, #tpu.memory_space<hbm>>) target(%arg10 : memref<2000xi32, #tpu.memory_space<vmem>>) target_semaphore(%arg15 : memref<!tpu.dma_semaphore, #tpu.memory_space<semaphore_mem>>)
    %scan3A_44 = arith.constant 0 : i32
    %scan3A_45 = arith.constant 0 : i32
    %scan3A_46 = arith.constant 25 : i32
    %scan3A_47 = arith.addi %scan3A_45, %scan3A_46 : i32
    %scan3A_48 = arith.constant 1 : i32
    %scan3A_49 = scf.for %scan3A_68 = %scan3A_45 to %scan3A_47 step %scan3A_48 iter_args(%scan3A_69 = %scan3A_44) -> (i32)  : i32 {
      %jit3A = arith.constant 6 : i32
      %eq3A_70 = arith.constant 0 : i32
      %eq3A_71 = arith.cmpi eq, %jit3A, %eq3A_70 : i32
      %jit3A_72 = arith.constant 1 : i32
      %select_n3A = arith.select %eq3A_71, %jit3A_72, %jit3A : i32
      %rem3A = arith.remsi %scan3A_68, %select_n3A : i32
      %ne3A = arith.constant 0 : i32
      %ne3A_73 = arith.cmpi ne, %rem3A, %ne3A : i32
      %lt3A_74 = arith.constant 0 : i32
      %lt3A_75 = arith.cmpi slt, %rem3A, %lt3A_74 : i32
      %lt3A_76 = arith.constant 0 : i32
      %lt3A_77 = arith.cmpi slt, %select_n3A, %lt3A_76 : i32
      %ne3A_78 = arith.xori %lt3A_75, %lt3A_77 : i1
      %and3A = arith.andi %ne3A_78, %ne3A_73 : i1
      %add3A_79 = arith.addi %rem3A, %select_n3A : i32
      %select_n3A_80 = arith.select %and3A, %add3A_79, %rem3A : i32
      %eq3A_81 = arith.constant 0 : i32
      %eq3A_82 = arith.cmpi eq, %select_n3A_80, %eq3A_81 : i32
      %convert_element_type3A_83 = arith.extui %eq3A_82 : i1 to i32
      %cond3A_84 = arith.constant 0 : i32
      %cond3A_85 = arith.cmpi ne, %convert_element_type3A_83, %cond3A_84 : i32
      scf.if %cond3A_85 {
        %dma_wait3A_192 = arith.constant 0 : i32
        %dma_wait3A_193 = arith.constant 0 : i32
        %dma_wait3A_194 = tpu.memref_slice %arg2[%arg0, %dma_wait3A_192, %dma_wait3A_193] : memref<2x50000x32xbf16, #tpu.memory_space<hbm>> -> memref<1x50000x32xbf16, #tpu.memory_space<hbm>>
        %dma_wait3A_195 = tpu.memref_squeeze %dma_wait3A_194 : memref<1x50000x32xbf16, #tpu.memory_space<hbm>> -> memref<50000x32xbf16, #tpu.memory_space<hbm>>
        %dma_wait3A_196 = arith.constant 0 : i32
        %dma_wait3A_197 = arith.constant 0 : i32
        %dma_wait3A_198 = tpu.memref_slice %dma_wait3A_195[%dma_wait3A_196, %dma_wait3A_197] : memref<50000x32xbf16, #tpu.memory_space<hbm>> -> memref<50000x32xbf16, #tpu.memory_space<hbm>>
        tpu.wait_indirect_dma semaphore(%arg17 : memref<!tpu.dma_semaphore, #tpu.memory_space<semaphore_mem>>) src(%dma_wait3A_198 : memref<50000x32xbf16, #tpu.memory_space<hbm>>) dst(%arg12 : memref<2000x32xbf16, #tpu.memory_space<vmem>>)
        %dma_start3A_199 = arith.constant 0 : i32
        %dma_start3A_200 = arith.constant 0 : i32
        %dma_start3A_201 = tpu.memref_slice %arg21[%dma_start3A_199, %dma_start3A_200] : memref<50000x32xbf16, #tpu.memory_space<vmem_shared>> -> memref<50000x32xbf16, #tpu.memory_space<vmem_shared>>
        tpu.enqueue_indirect_dma source(%arg12 : memref<2000x32xbf16, #tpu.memory_space<vmem>>) target(%dma_start3A_201 : memref<50000x32xbf16, #tpu.memory_space<vmem_shared>>) offsets(%arg9 : memref<2000xi32, #tpu.memory_space<vmem>>) semaphore(%arg19 : memref<!tpu.dma_semaphore, #tpu.memory_space<semaphore_mem>>) {add = true}
        %add3A_202 = arith.constant 1 : i32
        %add3A_203 = arith.addi %scan3A_68, %add3A_202 : i32
        %lt3A_204 = arith.constant 25 : i32
        %lt3A_205 = arith.cmpi slt, %add3A_203, %lt3A_204 : i32
        %convert_element_type3A_206 = arith.extui %lt3A_205 : i1 to i32
        %cond3A_207 = arith.constant 0 : i32
        %cond3A_208 = arith.cmpi ne, %convert_element_type3A_206, %cond3A_207 : i32
        scf.if %cond3A_208 {
          %add3A_216 = arith.constant 1 : i32
          %add3A_217 = arith.addi %scan3A_68, %add3A_216 : i32
          %mul3A_218 = arith.constant 50000 : i32
          %mul3A_219 = arith.muli %arg1, %mul3A_218 : i32
          %mul3A_220 = arith.constant 2000 : i32
          %mul3A_221 = arith.muli %add3A_217, %mul3A_220 : i32
          %add3A_222 = arith.addi %mul3A_219, %mul3A_221 : i32
          %dma_wait3A_223 = tpu.memref_slice %arg3[%add3A_222] : memref<800000xi32, #tpu.memory_space<hbm>> -> memref<2000xi32, #tpu.memory_space<hbm>>
          %dma_wait3A_224 = tpu.memref_slice %arg3[%add3A_222] : memref<800000xi32, #tpu.memory_space<hbm>> -> memref<2000xi32, #tpu.memory_space<hbm>>
          tpu.wait_dma2 semaphore(%arg15 : memref<!tpu.dma_semaphore, #tpu.memory_space<semaphore_mem>>) src(%dma_wait3A_224 : memref<2000xi32, #tpu.memory_space<hbm>>) dst(%arg7 : memref<2000xi32, #tpu.memory_space<vmem>>)
          %dma_wait3A_225 = tpu.memref_slice %arg4[%add3A_222] : memref<800000xi32, #tpu.memory_space<hbm>> -> memref<2000xi32, #tpu.memory_space<hbm>>
          %dma_wait3A_226 = tpu.memref_slice %arg4[%add3A_222] : memref<800000xi32, #tpu.memory_space<hbm>> -> memref<2000xi32, #tpu.memory_space<hbm>>
          tpu.wait_dma2 semaphore(%arg15 : memref<!tpu.dma_semaphore, #tpu.memory_space<semaphore_mem>>) src(%dma_wait3A_226 : memref<2000xi32, #tpu.memory_space<hbm>>) dst(%arg10 : memref<2000xi32, #tpu.memory_space<vmem>>)
          %ge3A = arith.constant 1 : i32
          %ge3A_227 = arith.cmpi sge, %scan3A_68, %ge3A : i32
          %convert_element_type3A_228 = arith.extui %ge3A_227 : i1 to i32
          %cond3A_229 = arith.constant 0 : i32
          %cond3A_230 = arith.cmpi ne, %convert_element_type3A_228, %cond3A_229 : i32
          scf.if %cond3A_230 {
            %dma_wait3A_238 = arith.constant 0 : i32
            %dma_wait3A_239 = arith.constant 0 : i32
            %dma_wait3A_240 = tpu.memref_slice %arg21[%dma_wait3A_238, %dma_wait3A_239] : memref<50000x32xbf16, #tpu.memory_space<vmem_shared>> -> memref<50000x32xbf16, #tpu.memory_space<vmem_shared>>
            tpu.wait_indirect_dma semaphore(%arg20 : memref<!tpu.dma_semaphore, #tpu.memory_space<semaphore_mem>>) src(%arg13 : memref<2000x32xbf16, #tpu.memory_space<vmem>>) dst(%dma_wait3A_240 : memref<50000x32xbf16, #tpu.memory_space<vmem_shared>>)
          } else {
          }
          %dma_start3A_231 = arith.constant 0 : i32
          %dma_start3A_232 = arith.constant 0 : i32
          %dma_start3A_233 = tpu.memref_slice %arg2[%arg0, %dma_start3A_231, %dma_start3A_232] : memref<2x50000x32xbf16, #tpu.memory_space<hbm>> -> memref<1x50000x32xbf16, #tpu.memory_space<hbm>>
          %dma_start3A_234 = tpu.memref_squeeze %dma_start3A_233 : memref<1x50000x32xbf16, #tpu.memory_space<hbm>> -> memref<50000x32xbf16, #tpu.memory_space<hbm>>
          %dma_start3A_235 = arith.constant 0 : i32
          %dma_start3A_236 = arith.constant 0 : i32
          %dma_start3A_237 = tpu.memref_slice %dma_start3A_234[%dma_start3A_235, %dma_start3A_236] : memref<50000x32xbf16, #tpu.memory_space<hbm>> -> memref<50000x32xbf16, #tpu.memory_space<hbm>>
          tpu.enqueue_indirect_dma source(%dma_start3A_237 : memref<50000x32xbf16, #tpu.memory_space<hbm>>) target(%arg13 : memref<2000x32xbf16, #tpu.memory_space<vmem>>) offsets(%arg7 : memref<2000xi32, #tpu.memory_space<vmem>>) semaphore(%arg18 : memref<!tpu.dma_semaphore, #tpu.memory_space<semaphore_mem>>)
        } else {
        }
        %add3A_209 = arith.constant 2 : i32
        %add3A_210 = arith.addi %scan3A_68, %add3A_209 : i32
        %lt3A_211 = arith.constant 25 : i32
        %lt3A_212 = arith.cmpi slt, %add3A_210, %lt3A_211 : i32
        %convert_element_type3A_213 = arith.extui %lt3A_212 : i1 to i32
        %cond3A_214 = arith.constant 0 : i32
        %cond3A_215 = arith.cmpi ne, %convert_element_type3A_213, %cond3A_214 : i32
        scf.if %cond3A_215 {
          %add3A_216 = arith.constant 2 : i32
          %add3A_217 = arith.addi %scan3A_68, %add3A_216 : i32
          %mul3A_218 = arith.constant 50000 : i32
          %mul3A_219 = arith.muli %arg1, %mul3A_218 : i32
          %mul3A_220 = arith.constant 2000 : i32
          %mul3A_221 = arith.muli %add3A_217, %mul3A_220 : i32
          %add3A_222 = arith.addi %mul3A_219, %mul3A_221 : i32
          %dma_start3A_223 = tpu.memref_slice %arg3[%add3A_222] : memref<800000xi32, #tpu.memory_space<hbm>> -> memref<2000xi32, #tpu.memory_space<hbm>>
          %dma_start3A_224 = tpu.memref_slice %arg3[%add3A_222] : memref<800000xi32, #tpu.memory_space<hbm>> -> memref<2000xi32, #tpu.memory_space<hbm>>
          tpu.enqueue_dma source(%dma_start3A_224 : memref<2000xi32, #tpu.memory_space<hbm>>) target(%arg8 : memref<2000xi32, #tpu.memory_space<vmem>>) target_semaphore(%arg16 : memref<!tpu.dma_semaphore, #tpu.memory_space<semaphore_mem>>)
          %dma_start3A_225 = tpu.memref_slice %arg4[%add3A_222] : memref<800000xi32, #tpu.memory_space<hbm>> -> memref<2000xi32, #tpu.memory_space<hbm>>
          %dma_start3A_226 = tpu.memref_slice %arg4[%add3A_222] : memref<800000xi32, #tpu.memory_space<hbm>> -> memref<2000xi32, #tpu.memory_space<hbm>>
          tpu.enqueue_dma source(%dma_start3A_226 : memref<2000xi32, #tpu.memory_space<hbm>>) target(%arg11 : memref<2000xi32, #tpu.memory_space<vmem>>) target_semaphore(%arg16 : memref<!tpu.dma_semaphore, #tpu.memory_space<semaphore_mem>>)
        } else {
        }
      } else {
      }
      %jit3A_86 = arith.constant 6 : i32
      %eq3A_87 = arith.constant 0 : i32
      %eq3A_88 = arith.cmpi eq, %jit3A_86, %eq3A_87 : i32
      %jit3A_89 = arith.constant 1 : i32
      %select_n3A_90 = arith.select %eq3A_88, %jit3A_89, %jit3A_86 : i32
      %rem3A_91 = arith.remsi %scan3A_68, %select_n3A_90 : i32
      %ne3A_92 = arith.constant 0 : i32
      %ne3A_93 = arith.cmpi ne, %rem3A_91, %ne3A_92 : i32
      %lt3A_94 = arith.constant 0 : i32
      %lt3A_95 = arith.cmpi slt, %rem3A_91, %lt3A_94 : i32
      %lt3A_96 = arith.constant 0 : i32
      %lt3A_97 = arith.cmpi slt, %select_n3A_90, %lt3A_96 : i32
      %ne3A_98 = arith.xori %lt3A_95, %lt3A_97 : i1
      %and3A_99 = arith.andi %ne3A_98, %ne3A_93 : i1
      %add3A_100 = arith.addi %rem3A_91, %select_n3A_90 : i32
      %select_n3A_101 = arith.select %and3A_99, %add3A_100, %rem3A_91 : i32
      %eq3A_102 = arith.constant 1 : i32
      %eq3A_103 = arith.cmpi eq, %select_n3A_101, %eq3A_102 : i32
      %convert_element_type3A_104 = arith.extui %eq3A_103 : i1 to i32
      %cond3A_105 = arith.constant 0 : i32
      %cond3A_106 = arith.cmpi ne, %convert_element_type3A_104, %cond3A_105 : i32
      scf.if %cond3A_106 {
        %dma_wait3A_192 = arith.constant 0 : i32
        %dma_wait3A_193 = arith.constant 0 : i32
        %dma_wait3A_194 = tpu.memref_slice %arg2[%arg0, %dma_wait3A_192, %dma_wait3A_193] : memref<2x50000x32xbf16, #tpu.memory_space<hbm>> -> memref<1x50000x32xbf16, #tpu.memory_space<hbm>>
        %dma_wait3A_195 = tpu.memref_squeeze %dma_wait3A_194 : memref<1x50000x32xbf16, #tpu.memory_space<hbm>> -> memref<50000x32xbf16, #tpu.memory_space<hbm>>
        %dma_wait3A_196 = arith.constant 0 : i32
        %dma_wait3A_197 = arith.constant 0 : i32
        %dma_wait3A_198 = tpu.memref_slice %dma_wait3A_195[%dma_wait3A_196, %dma_wait3A_197] : memref<50000x32xbf16, #tpu.memory_space<hbm>> -> memref<50000x32xbf16, #tpu.memory_space<hbm>>
        tpu.wait_indirect_dma semaphore(%arg18 : memref<!tpu.dma_semaphore, #tpu.memory_space<semaphore_mem>>) src(%dma_wait3A_198 : memref<50000x32xbf16, #tpu.memory_space<hbm>>) dst(%arg13 : memref<2000x32xbf16, #tpu.memory_space<vmem>>)
        %dma_start3A_199 = arith.constant 0 : i32
        %dma_start3A_200 = arith.constant 0 : i32
        %dma_start3A_201 = tpu.memref_slice %arg21[%dma_start3A_199, %dma_start3A_200] : memref<50000x32xbf16, #tpu.memory_space<vmem_shared>> -> memref<50000x32xbf16, #tpu.memory_space<vmem_shared>>
        tpu.enqueue_indirect_dma source(%arg13 : memref<2000x32xbf16, #tpu.memory_space<vmem>>) target(%dma_start3A_201 : memref<50000x32xbf16, #tpu.memory_space<vmem_shared>>) offsets(%arg10 : memref<2000xi32, #tpu.memory_space<vmem>>) semaphore(%arg20 : memref<!tpu.dma_semaphore, #tpu.memory_space<semaphore_mem>>) {add = true}
        %add3A_202 = arith.constant 1 : i32
        %add3A_203 = arith.addi %scan3A_68, %add3A_202 : i32
        %lt3A_204 = arith.constant 25 : i32
        %lt3A_205 = arith.cmpi slt, %add3A_203, %lt3A_204 : i32
        %convert_element_type3A_206 = arith.extui %lt3A_205 : i1 to i32
        %cond3A_207 = arith.constant 0 : i32
        %cond3A_208 = arith.cmpi ne, %convert_element_type3A_206, %cond3A_207 : i32
        scf.if %cond3A_208 {
          %add3A_216 = arith.constant 1 : i32
          %add3A_217 = arith.addi %scan3A_68, %add3A_216 : i32
          %mul3A_218 = arith.constant 50000 : i32
          %mul3A_219 = arith.muli %arg1, %mul3A_218 : i32
          %mul3A_220 = arith.constant 2000 : i32
          %mul3A_221 = arith.muli %add3A_217, %mul3A_220 : i32
          %add3A_222 = arith.addi %mul3A_219, %mul3A_221 : i32
          %dma_wait3A_223 = tpu.memref_slice %arg3[%add3A_222] : memref<800000xi32, #tpu.memory_space<hbm>> -> memref<2000xi32, #tpu.memory_space<hbm>>
          %dma_wait3A_224 = tpu.memref_slice %arg3[%add3A_222] : memref<800000xi32, #tpu.memory_space<hbm>> -> memref<2000xi32, #tpu.memory_space<hbm>>
          tpu.wait_dma2 semaphore(%arg16 : memref<!tpu.dma_semaphore, #tpu.memory_space<semaphore_mem>>) src(%dma_wait3A_224 : memref<2000xi32, #tpu.memory_space<hbm>>) dst(%arg8 : memref<2000xi32, #tpu.memory_space<vmem>>)
          %dma_wait3A_225 = tpu.memref_slice %arg4[%add3A_222] : memref<800000xi32, #tpu.memory_space<hbm>> -> memref<2000xi32, #tpu.memory_space<hbm>>
          %dma_wait3A_226 = tpu.memref_slice %arg4[%add3A_222] : memref<800000xi32, #tpu.memory_space<hbm>> -> memref<2000xi32, #tpu.memory_space<hbm>>
          tpu.wait_dma2 semaphore(%arg16 : memref<!tpu.dma_semaphore, #tpu.memory_space<semaphore_mem>>) src(%dma_wait3A_226 : memref<2000xi32, #tpu.memory_space<hbm>>) dst(%arg11 : memref<2000xi32, #tpu.memory_space<vmem>>)
          %ge3A = arith.constant 1 : i32
          %ge3A_227 = arith.cmpi sge, %scan3A_68, %ge3A : i32
          %convert_element_type3A_228 = arith.extui %ge3A_227 : i1 to i32
          %cond3A_229 = arith.constant 0 : i32
          %cond3A_230 = arith.cmpi ne, %convert_element_type3A_228, %cond3A_229 : i32
          scf.if %cond3A_230 {
            %dma_wait3A_238 = arith.constant 0 : i32
            %dma_wait3A_239 = arith.constant 0 : i32
            %dma_wait3A_240 = tpu.memref_slice %arg21[%dma_wait3A_238, %dma_wait3A_239] : memref<50000x32xbf16, #tpu.memory_space<vmem_shared>> -> memref<50000x32xbf16, #tpu.memory_space<vmem_shared>>
            tpu.wait_indirect_dma semaphore(%arg19 : memref<!tpu.dma_semaphore, #tpu.memory_space<semaphore_mem>>) src(%arg12 : memref<2000x32xbf16, #tpu.memory_space<vmem>>) dst(%dma_wait3A_240 : memref<50000x32xbf16, #tpu.memory_space<vmem_shared>>)
          } else {
          }
          %dma_start3A_231 = arith.constant 0 : i32
          %dma_start3A_232 = arith.constant 0 : i32
          %dma_start3A_233 = tpu.memref_slice %arg2[%arg0, %dma_start3A_231, %dma_start3A_232] : memref<2x50000x32xbf16, #tpu.memory_space<hbm>> -> memref<1x50000x32xbf16, #tpu.memory_space<hbm>>
          %dma_start3A_234 = tpu.memref_squeeze %dma_start3A_233 : memref<1x50000x32xbf16, #tpu.memory_space<hbm>> -> memref<50000x32xbf16, #tpu.memory_space<hbm>>
          %dma_start3A_235 = arith.constant 0 : i32
          %dma_start3A_236 = arith.constant 0 : i32
          %dma_start3A_237 = tpu.memref_slice %dma_start3A_234[%dma_start3A_235, %dma_start3A_236] : memref<50000x32xbf16, #tpu.memory_space<hbm>> -> memref<50000x32xbf16, #tpu.memory_space<hbm>>
          tpu.enqueue_indirect_dma source(%dma_start3A_237 : memref<50000x32xbf16, #tpu.memory_space<hbm>>) target(%arg12 : memref<2000x32xbf16, #tpu.memory_space<vmem>>) offsets(%arg8 : memref<2000xi32, #tpu.memory_space<vmem>>) semaphore(%arg17 : memref<!tpu.dma_semaphore, #tpu.memory_space<semaphore_mem>>)
        } else {
        }
        %add3A_209 = arith.constant 2 : i32
        %add3A_210 = arith.addi %scan3A_68, %add3A_209 : i32
        %lt3A_211 = arith.constant 25 : i32
        %lt3A_212 = arith.cmpi slt, %add3A_210, %lt3A_211 : i32
        %convert_element_type3A_213 = arith.extui %lt3A_212 : i1 to i32
        %cond3A_214 = arith.constant 0 : i32
        %cond3A_215 = arith.cmpi ne, %convert_element_type3A_213, %cond3A_214 : i32
        scf.if %cond3A_215 {
          %add3A_216 = arith.constant 2 : i32
          %add3A_217 = arith.addi %scan3A_68, %add3A_216 : i32
          %mul3A_218 = arith.constant 50000 : i32
          %mul3A_219 = arith.muli %arg1, %mul3A_218 : i32
          %mul3A_220 = arith.constant 2000 : i32
          %mul3A_221 = arith.muli %add3A_217, %mul3A_220 : i32
          %add3A_222 = arith.addi %mul3A_219, %mul3A_221 : i32
          %dma_start3A_223 = tpu.memref_slice %arg3[%add3A_222] : memref<800000xi32, #tpu.memory_space<hbm>> -> memref<2000xi32, #tpu.memory_space<hbm>>
          %dma_start3A_224 = tpu.memref_slice %arg3[%add3A_222] : memref<800000xi32, #tpu.memory_space<hbm>> -> memref<2000xi32, #tpu.memory_space<hbm>>
          tpu.enqueue_dma source(%dma_start3A_224 : memref<2000xi32, #tpu.memory_space<hbm>>) target(%arg6 : memref<2000xi32, #tpu.memory_space<vmem>>) target_semaphore(%arg14 : memref<!tpu.dma_semaphore, #tpu.memory_space<semaphore_mem>>)
          %dma_start3A_225 = tpu.memref_slice %arg4[%add3A_222] : memref<800000xi32, #tpu.memory_space<hbm>> -> memref<2000xi32, #tpu.memory_space<hbm>>
          %dma_start3A_226 = tpu.memref_slice %arg4[%add3A_222] : memref<800000xi32, #tpu.memory_space<hbm>> -> memref<2000xi32, #tpu.memory_space<hbm>>
          tpu.enqueue_dma source(%dma_start3A_226 : memref<2000xi32, #tpu.memory_space<hbm>>) target(%arg9 : memref<2000xi32, #tpu.memory_space<vmem>>) target_semaphore(%arg14 : memref<!tpu.dma_semaphore, #tpu.memory_space<semaphore_mem>>)
        } else {
        }
      } else {
      }
      %jit3A_107 = arith.constant 6 : i32
      %eq3A_108 = arith.constant 0 : i32
      %eq3A_109 = arith.cmpi eq, %jit3A_107, %eq3A_108 : i32
      %jit3A_110 = arith.constant 1 : i32
      %select_n3A_111 = arith.select %eq3A_109, %jit3A_110, %jit3A_107 : i32
      %rem3A_112 = arith.remsi %scan3A_68, %select_n3A_111 : i32
      %ne3A_113 = arith.constant 0 : i32
      %ne3A_114 = arith.cmpi ne, %rem3A_112, %ne3A_113 : i32
      %lt3A_115 = arith.constant 0 : i32
      %lt3A_116 = arith.cmpi slt, %rem3A_112, %lt3A_115 : i32
      %lt3A_117 = arith.constant 0 : i32
      %lt3A_118 = arith.cmpi slt, %select_n3A_111, %lt3A_117 : i32
      %ne3A_119 = arith.xori %lt3A_116, %lt3A_118 : i1
      %and3A_120 = arith.andi %ne3A_119, %ne3A_114 : i1
      %add3A_121 = arith.addi %rem3A_112, %select_n3A_111 : i32
      %select_n3A_122 = arith.select %and3A_120, %add3A_121, %rem3A_112 : i32
      %eq3A_123 = arith.constant 2 : i32
      %eq3A_124 = arith.cmpi eq, %select_n3A_122, %eq3A_123 : i32
      %convert_element_type3A_125 = arith.extui %eq3A_124 : i1 to i32
      %cond3A_126 = arith.constant 0 : i32
      %cond3A_127 = arith.cmpi ne, %convert_element_type3A_125, %cond3A_126 : i32
      scf.if %cond3A_127 {
        %dma_wait3A_192 = arith.constant 0 : i32
        %dma_wait3A_193 = arith.constant 0 : i32
        %dma_wait3A_194 = tpu.memref_slice %arg2[%arg0, %dma_wait3A_192, %dma_wait3A_193] : memref<2x50000x32xbf16, #tpu.memory_space<hbm>> -> memref<1x50000x32xbf16, #tpu.memory_space<hbm>>
        %dma_wait3A_195 = tpu.memref_squeeze %dma_wait3A_194 : memref<1x50000x32xbf16, #tpu.memory_space<hbm>> -> memref<50000x32xbf16, #tpu.memory_space<hbm>>
        %dma_wait3A_196 = arith.constant 0 : i32
        %dma_wait3A_197 = arith.constant 0 : i32
        %dma_wait3A_198 = tpu.memref_slice %dma_wait3A_195[%dma_wait3A_196, %dma_wait3A_197] : memref<50000x32xbf16, #tpu.memory_space<hbm>> -> memref<50000x32xbf16, #tpu.memory_space<hbm>>
        tpu.wait_indirect_dma semaphore(%arg17 : memref<!tpu.dma_semaphore, #tpu.memory_space<semaphore_mem>>) src(%dma_wait3A_198 : memref<50000x32xbf16, #tpu.memory_space<hbm>>) dst(%arg12 : memref<2000x32xbf16, #tpu.memory_space<vmem>>)
        %dma_start3A_199 = arith.constant 0 : i32
        %dma_start3A_200 = arith.constant 0 : i32
        %dma_start3A_201 = tpu.memref_slice %arg21[%dma_start3A_199, %dma_start3A_200] : memref<50000x32xbf16, #tpu.memory_space<vmem_shared>> -> memref<50000x32xbf16, #tpu.memory_space<vmem_shared>>
        tpu.enqueue_indirect_dma source(%arg12 : memref<2000x32xbf16, #tpu.memory_space<vmem>>) target(%dma_start3A_201 : memref<50000x32xbf16, #tpu.memory_space<vmem_shared>>) offsets(%arg11 : memref<2000xi32, #tpu.memory_space<vmem>>) semaphore(%arg19 : memref<!tpu.dma_semaphore, #tpu.memory_space<semaphore_mem>>) {add = true}
        %add3A_202 = arith.constant 1 : i32
        %add3A_203 = arith.addi %scan3A_68, %add3A_202 : i32
        %lt3A_204 = arith.constant 25 : i32
        %lt3A_205 = arith.cmpi slt, %add3A_203, %lt3A_204 : i32
        %convert_element_type3A_206 = arith.extui %lt3A_205 : i1 to i32
        %cond3A_207 = arith.constant 0 : i32
        %cond3A_208 = arith.cmpi ne, %convert_element_type3A_206, %cond3A_207 : i32
        scf.if %cond3A_208 {
          %add3A_216 = arith.constant 1 : i32
          %add3A_217 = arith.addi %scan3A_68, %add3A_216 : i32
          %mul3A_218 = arith.constant 50000 : i32
          %mul3A_219 = arith.muli %arg1, %mul3A_218 : i32
          %mul3A_220 = arith.constant 2000 : i32
          %mul3A_221 = arith.muli %add3A_217, %mul3A_220 : i32
          %add3A_222 = arith.addi %mul3A_219, %mul3A_221 : i32
          %dma_wait3A_223 = tpu.memref_slice %arg3[%add3A_222] : memref<800000xi32, #tpu.memory_space<hbm>> -> memref<2000xi32, #tpu.memory_space<hbm>>
          %dma_wait3A_224 = tpu.memref_slice %arg3[%add3A_222] : memref<800000xi32, #tpu.memory_space<hbm>> -> memref<2000xi32, #tpu.memory_space<hbm>>
          tpu.wait_dma2 semaphore(%arg14 : memref<!tpu.dma_semaphore, #tpu.memory_space<semaphore_mem>>) src(%dma_wait3A_224 : memref<2000xi32, #tpu.memory_space<hbm>>) dst(%arg6 : memref<2000xi32, #tpu.memory_space<vmem>>)
          %dma_wait3A_225 = tpu.memref_slice %arg4[%add3A_222] : memref<800000xi32, #tpu.memory_space<hbm>> -> memref<2000xi32, #tpu.memory_space<hbm>>
          %dma_wait3A_226 = tpu.memref_slice %arg4[%add3A_222] : memref<800000xi32, #tpu.memory_space<hbm>> -> memref<2000xi32, #tpu.memory_space<hbm>>
          tpu.wait_dma2 semaphore(%arg14 : memref<!tpu.dma_semaphore, #tpu.memory_space<semaphore_mem>>) src(%dma_wait3A_226 : memref<2000xi32, #tpu.memory_space<hbm>>) dst(%arg9 : memref<2000xi32, #tpu.memory_space<vmem>>)
          %ge3A = arith.constant 1 : i32
          %ge3A_227 = arith.cmpi sge, %scan3A_68, %ge3A : i32
          %convert_element_type3A_228 = arith.extui %ge3A_227 : i1 to i32
          %cond3A_229 = arith.constant 0 : i32
          %cond3A_230 = arith.cmpi ne, %convert_element_type3A_228, %cond3A_229 : i32
          scf.if %cond3A_230 {
            %dma_wait3A_238 = arith.constant 0 : i32
            %dma_wait3A_239 = arith.constant 0 : i32
            %dma_wait3A_240 = tpu.memref_slice %arg21[%dma_wait3A_238, %dma_wait3A_239] : memref<50000x32xbf16, #tpu.memory_space<vmem_shared>> -> memref<50000x32xbf16, #tpu.memory_space<vmem_shared>>
            tpu.wait_indirect_dma semaphore(%arg20 : memref<!tpu.dma_semaphore, #tpu.memory_space<semaphore_mem>>) src(%arg13 : memref<2000x32xbf16, #tpu.memory_space<vmem>>) dst(%dma_wait3A_240 : memref<50000x32xbf16, #tpu.memory_space<vmem_shared>>)
          } else {
          }
          %dma_start3A_231 = arith.constant 0 : i32
          %dma_start3A_232 = arith.constant 0 : i32
          %dma_start3A_233 = tpu.memref_slice %arg2[%arg0, %dma_start3A_231, %dma_start3A_232] : memref<2x50000x32xbf16, #tpu.memory_space<hbm>> -> memref<1x50000x32xbf16, #tpu.memory_space<hbm>>
          %dma_start3A_234 = tpu.memref_squeeze %dma_start3A_233 : memref<1x50000x32xbf16, #tpu.memory_space<hbm>> -> memref<50000x32xbf16, #tpu.memory_space<hbm>>
          %dma_start3A_235 = arith.constant 0 : i32
          %dma_start3A_236 = arith.constant 0 : i32
          %dma_start3A_237 = tpu.memref_slice %dma_start3A_234[%dma_start3A_235, %dma_start3A_236] : memref<50000x32xbf16, #tpu.memory_space<hbm>> -> memref<50000x32xbf16, #tpu.memory_space<hbm>>
          tpu.enqueue_indirect_dma source(%dma_start3A_237 : memref<50000x32xbf16, #tpu.memory_space<hbm>>) target(%arg13 : memref<2000x32xbf16, #tpu.memory_space<vmem>>) offsets(%arg6 : memref<2000xi32, #tpu.memory_space<vmem>>) semaphore(%arg18 : memref<!tpu.dma_semaphore, #tpu.memory_space<semaphore_mem>>)
        } else {
        }
        %add3A_209 = arith.constant 2 : i32
        %add3A_210 = arith.addi %scan3A_68, %add3A_209 : i32
        %lt3A_211 = arith.constant 25 : i32
        %lt3A_212 = arith.cmpi slt, %add3A_210, %lt3A_211 : i32
        %convert_element_type3A_213 = arith.extui %lt3A_212 : i1 to i32
        %cond3A_214 = arith.constant 0 : i32
        %cond3A_215 = arith.cmpi ne, %convert_element_type3A_213, %cond3A_214 : i32
        scf.if %cond3A_215 {
          %add3A_216 = arith.constant 2 : i32
          %add3A_217 = arith.addi %scan3A_68, %add3A_216 : i32
          %mul3A_218 = arith.constant 50000 : i32
          %mul3A_219 = arith.muli %arg1, %mul3A_218 : i32
          %mul3A_220 = arith.constant 2000 : i32
          %mul3A_221 = arith.muli %add3A_217, %mul3A_220 : i32
          %add3A_222 = arith.addi %mul3A_219, %mul3A_221 : i32
          %dma_start3A_223 = tpu.memref_slice %arg3[%add3A_222] : memref<800000xi32, #tpu.memory_space<hbm>> -> memref<2000xi32, #tpu.memory_space<hbm>>
          %dma_start3A_224 = tpu.memref_slice %arg3[%add3A_222] : memref<800000xi32, #tpu.memory_space<hbm>> -> memref<2000xi32, #tpu.memory_space<hbm>>
          tpu.enqueue_dma source(%dma_start3A_224 : memref<2000xi32, #tpu.memory_space<hbm>>) target(%arg7 : memref<2000xi32, #tpu.memory_space<vmem>>) target_semaphore(%arg15 : memref<!tpu.dma_semaphore, #tpu.memory_space<semaphore_mem>>)
          %dma_start3A_225 = tpu.memref_slice %arg4[%add3A_222] : memref<800000xi32, #tpu.memory_space<hbm>> -> memref<2000xi32, #tpu.memory_space<hbm>>
          %dma_start3A_226 = tpu.memref_slice %arg4[%add3A_222] : memref<800000xi32, #tpu.memory_space<hbm>> -> memref<2000xi32, #tpu.memory_space<hbm>>
          tpu.enqueue_dma source(%dma_start3A_226 : memref<2000xi32, #tpu.memory_space<hbm>>) target(%arg10 : memref<2000xi32, #tpu.memory_space<vmem>>) target_semaphore(%arg15 : memref<!tpu.dma_semaphore, #tpu.memory_space<semaphore_mem>>)
        } else {
        }
      } else {
      }
      %jit3A_128 = arith.constant 6 : i32
      %eq3A_129 = arith.constant 0 : i32
      %eq3A_130 = arith.cmpi eq, %jit3A_128, %eq3A_129 : i32
      %jit3A_131 = arith.constant 1 : i32
      %select_n3A_132 = arith.select %eq3A_130, %jit3A_131, %jit3A_128 : i32
      %rem3A_133 = arith.remsi %scan3A_68, %select_n3A_132 : i32
      %ne3A_134 = arith.constant 0 : i32
      %ne3A_135 = arith.cmpi ne, %rem3A_133, %ne3A_134 : i32
      %lt3A_136 = arith.constant 0 : i32
      %lt3A_137 = arith.cmpi slt, %rem3A_133, %lt3A_136 : i32
      %lt3A_138 = arith.constant 0 : i32
      %lt3A_139 = arith.cmpi slt, %select_n3A_132, %lt3A_138 : i32
      %ne3A_140 = arith.xori %lt3A_137, %lt3A_139 : i1
      %and3A_141 = arith.andi %ne3A_140, %ne3A_135 : i1
      %add3A_142 = arith.addi %rem3A_133, %select_n3A_132 : i32
      %select_n3A_143 = arith.select %and3A_141, %add3A_142, %rem3A_133 : i32
      %eq3A_144 = arith.constant 3 : i32
      %eq3A_145 = arith.cmpi eq, %select_n3A_143, %eq3A_144 : i32
      %convert_element_type3A_146 = arith.extui %eq3A_145 : i1 to i32
      %cond3A_147 = arith.constant 0 : i32
      %cond3A_148 = arith.cmpi ne, %convert_element_type3A_146, %cond3A_147 : i32
      scf.if %cond3A_148 {
        %dma_wait3A_192 = arith.constant 0 : i32
        %dma_wait3A_193 = arith.constant 0 : i32
        %dma_wait3A_194 = tpu.memref_slice %arg2[%arg0, %dma_wait3A_192, %dma_wait3A_193] : memref<2x50000x32xbf16, #tpu.memory_space<hbm>> -> memref<1x50000x32xbf16, #tpu.memory_space<hbm>>
        %dma_wait3A_195 = tpu.memref_squeeze %dma_wait3A_194 : memref<1x50000x32xbf16, #tpu.memory_space<hbm>> -> memref<50000x32xbf16, #tpu.memory_space<hbm>>
        %dma_wait3A_196 = arith.constant 0 : i32
        %dma_wait3A_197 = arith.constant 0 : i32
        %dma_wait3A_198 = tpu.memref_slice %dma_wait3A_195[%dma_wait3A_196, %dma_wait3A_197] : memref<50000x32xbf16, #tpu.memory_space<hbm>> -> memref<50000x32xbf16, #tpu.memory_space<hbm>>
        tpu.wait_indirect_dma semaphore(%arg18 : memref<!tpu.dma_semaphore, #tpu.memory_space<semaphore_mem>>) src(%dma_wait3A_198 : memref<50000x32xbf16, #tpu.memory_space<hbm>>) dst(%arg13 : memref<2000x32xbf16, #tpu.memory_space<vmem>>)
        %dma_start3A_199 = arith.constant 0 : i32
        %dma_start3A_200 = arith.constant 0 : i32
        %dma_start3A_201 = tpu.memref_slice %arg21[%dma_start3A_199, %dma_start3A_200] : memref<50000x32xbf16, #tpu.memory_space<vmem_shared>> -> memref<50000x32xbf16, #tpu.memory_space<vmem_shared>>
        tpu.enqueue_indirect_dma source(%arg13 : memref<2000x32xbf16, #tpu.memory_space<vmem>>) target(%dma_start3A_201 : memref<50000x32xbf16, #tpu.memory_space<vmem_shared>>) offsets(%arg9 : memref<2000xi32, #tpu.memory_space<vmem>>) semaphore(%arg20 : memref<!tpu.dma_semaphore, #tpu.memory_space<semaphore_mem>>) {add = true}
        %add3A_202 = arith.constant 1 : i32
        %add3A_203 = arith.addi %scan3A_68, %add3A_202 : i32
        %lt3A_204 = arith.constant 25 : i32
        %lt3A_205 = arith.cmpi slt, %add3A_203, %lt3A_204 : i32
        %convert_element_type3A_206 = arith.extui %lt3A_205 : i1 to i32
        %cond3A_207 = arith.constant 0 : i32
        %cond3A_208 = arith.cmpi ne, %convert_element_type3A_206, %cond3A_207 : i32
        scf.if %cond3A_208 {
          %add3A_216 = arith.constant 1 : i32
          %add3A_217 = arith.addi %scan3A_68, %add3A_216 : i32
          %mul3A_218 = arith.constant 50000 : i32
          %mul3A_219 = arith.muli %arg1, %mul3A_218 : i32
          %mul3A_220 = arith.constant 2000 : i32
          %mul3A_221 = arith.muli %add3A_217, %mul3A_220 : i32
          %add3A_222 = arith.addi %mul3A_219, %mul3A_221 : i32
          %dma_wait3A_223 = tpu.memref_slice %arg3[%add3A_222] : memref<800000xi32, #tpu.memory_space<hbm>> -> memref<2000xi32, #tpu.memory_space<hbm>>
          %dma_wait3A_224 = tpu.memref_slice %arg3[%add3A_222] : memref<800000xi32, #tpu.memory_space<hbm>> -> memref<2000xi32, #tpu.memory_space<hbm>>
          tpu.wait_dma2 semaphore(%arg15 : memref<!tpu.dma_semaphore, #tpu.memory_space<semaphore_mem>>) src(%dma_wait3A_224 : memref<2000xi32, #tpu.memory_space<hbm>>) dst(%arg7 : memref<2000xi32, #tpu.memory_space<vmem>>)
          %dma_wait3A_225 = tpu.memref_slice %arg4[%add3A_222] : memref<800000xi32, #tpu.memory_space<hbm>> -> memref<2000xi32, #tpu.memory_space<hbm>>
          %dma_wait3A_226 = tpu.memref_slice %arg4[%add3A_222] : memref<800000xi32, #tpu.memory_space<hbm>> -> memref<2000xi32, #tpu.memory_space<hbm>>
          tpu.wait_dma2 semaphore(%arg15 : memref<!tpu.dma_semaphore, #tpu.memory_space<semaphore_mem>>) src(%dma_wait3A_226 : memref<2000xi32, #tpu.memory_space<hbm>>) dst(%arg10 : memref<2000xi32, #tpu.memory_space<vmem>>)
          %ge3A = arith.constant 1 : i32
          %ge3A_227 = arith.cmpi sge, %scan3A_68, %ge3A : i32
          %convert_element_type3A_228 = arith.extui %ge3A_227 : i1 to i32
          %cond3A_229 = arith.constant 0 : i32
          %cond3A_230 = arith.cmpi ne, %convert_element_type3A_228, %cond3A_229 : i32
          scf.if %cond3A_230 {
            %dma_wait3A_238 = arith.constant 0 : i32
            %dma_wait3A_239 = arith.constant 0 : i32
            %dma_wait3A_240 = tpu.memref_slice %arg21[%dma_wait3A_238, %dma_wait3A_239] : memref<50000x32xbf16, #tpu.memory_space<vmem_shared>> -> memref<50000x32xbf16, #tpu.memory_space<vmem_shared>>
            tpu.wait_indirect_dma semaphore(%arg19 : memref<!tpu.dma_semaphore, #tpu.memory_space<semaphore_mem>>) src(%arg12 : memref<2000x32xbf16, #tpu.memory_space<vmem>>) dst(%dma_wait3A_240 : memref<50000x32xbf16, #tpu.memory_space<vmem_shared>>)
          } else {
          }
          %dma_start3A_231 = arith.constant 0 : i32
          %dma_start3A_232 = arith.constant 0 : i32
          %dma_start3A_233 = tpu.memref_slice %arg2[%arg0, %dma_start3A_231, %dma_start3A_232] : memref<2x50000x32xbf16, #tpu.memory_space<hbm>> -> memref<1x50000x32xbf16, #tpu.memory_space<hbm>>
          %dma_start3A_234 = tpu.memref_squeeze %dma_start3A_233 : memref<1x50000x32xbf16, #tpu.memory_space<hbm>> -> memref<50000x32xbf16, #tpu.memory_space<hbm>>
          %dma_start3A_235 = arith.constant 0 : i32
          %dma_start3A_236 = arith.constant 0 : i32
          %dma_start3A_237 = tpu.memref_slice %dma_start3A_234[%dma_start3A_235, %dma_start3A_236] : memref<50000x32xbf16, #tpu.memory_space<hbm>> -> memref<50000x32xbf16, #tpu.memory_space<hbm>>
          tpu.enqueue_indirect_dma source(%dma_start3A_237 : memref<50000x32xbf16, #tpu.memory_space<hbm>>) target(%arg12 : memref<2000x32xbf16, #tpu.memory_space<vmem>>) offsets(%arg7 : memref<2000xi32, #tpu.memory_space<vmem>>) semaphore(%arg17 : memref<!tpu.dma_semaphore, #tpu.memory_space<semaphore_mem>>)
        } else {
        }
        %add3A_209 = arith.constant 2 : i32
        %add3A_210 = arith.addi %scan3A_68, %add3A_209 : i32
        %lt3A_211 = arith.constant 25 : i32
        %lt3A_212 = arith.cmpi slt, %add3A_210, %lt3A_211 : i32
        %convert_element_type3A_213 = arith.extui %lt3A_212 : i1 to i32
        %cond3A_214 = arith.constant 0 : i32
        %cond3A_215 = arith.cmpi ne, %convert_element_type3A_213, %cond3A_214 : i32
        scf.if %cond3A_215 {
          %add3A_216 = arith.constant 2 : i32
          %add3A_217 = arith.addi %scan3A_68, %add3A_216 : i32
          %mul3A_218 = arith.constant 50000 : i32
          %mul3A_219 = arith.muli %arg1, %mul3A_218 : i32
          %mul3A_220 = arith.constant 2000 : i32
          %mul3A_221 = arith.muli %add3A_217, %mul3A_220 : i32
          %add3A_222 = arith.addi %mul3A_219, %mul3A_221 : i32
          %dma_start3A_223 = tpu.memref_slice %arg3[%add3A_222] : memref<800000xi32, #tpu.memory_space<hbm>> -> memref<2000xi32, #tpu.memory_space<hbm>>
          %dma_start3A_224 = tpu.memref_slice %arg3[%add3A_222] : memref<800000xi32, #tpu.memory_space<hbm>> -> memref<2000xi32, #tpu.memory_space<hbm>>
          tpu.enqueue_dma source(%dma_start3A_224 : memref<2000xi32, #tpu.memory_space<hbm>>) target(%arg8 : memref<2000xi32, #tpu.memory_space<vmem>>) target_semaphore(%arg16 : memref<!tpu.dma_semaphore, #tpu.memory_space<semaphore_mem>>)
          %dma_start3A_225 = tpu.memref_slice %arg4[%add3A_222] : memref<800000xi32, #tpu.memory_space<hbm>> -> memref<2000xi32, #tpu.memory_space<hbm>>
          %dma_start3A_226 = tpu.memref_slice %arg4[%add3A_222] : memref<800000xi32, #tpu.memory_space<hbm>> -> memref<2000xi32, #tpu.memory_space<hbm>>
          tpu.enqueue_dma source(%dma_start3A_226 : memref<2000xi32, #tpu.memory_space<hbm>>) target(%arg11 : memref<2000xi32, #tpu.memory_space<vmem>>) target_semaphore(%arg16 : memref<!tpu.dma_semaphore, #tpu.memory_space<semaphore_mem>>)
        } else {
        }
      } else {
      }
      %jit3A_149 = arith.constant 6 : i32
      %eq3A_150 = arith.constant 0 : i32
      %eq3A_151 = arith.cmpi eq, %jit3A_149, %eq3A_150 : i32
      %jit3A_152 = arith.constant 1 : i32
      %select_n3A_153 = arith.select %eq3A_151, %jit3A_152, %jit3A_149 : i32
      %rem3A_154 = arith.remsi %scan3A_68, %select_n3A_153 : i32
      %ne3A_155 = arith.constant 0 : i32
      %ne3A_156 = arith.cmpi ne, %rem3A_154, %ne3A_155 : i32
      %lt3A_157 = arith.constant 0 : i32
      %lt3A_158 = arith.cmpi slt, %rem3A_154, %lt3A_157 : i32
      %lt3A_159 = arith.constant 0 : i32
      %lt3A_160 = arith.cmpi slt, %select_n3A_153, %lt3A_159 : i32
      %ne3A_161 = arith.xori %lt3A_158, %lt3A_160 : i1
      %and3A_162 = arith.andi %ne3A_161, %ne3A_156 : i1
      %add3A_163 = arith.addi %rem3A_154, %select_n3A_153 : i32
      %select_n3A_164 = arith.select %and3A_162, %add3A_163, %rem3A_154 : i32
      %eq3A_165 = arith.constant 4 : i32
      %eq3A_166 = arith.cmpi eq, %select_n3A_164, %eq3A_165 : i32
      %convert_element_type3A_167 = arith.extui %eq3A_166 : i1 to i32
      %cond3A_168 = arith.constant 0 : i32
      %cond3A_169 = arith.cmpi ne, %convert_element_type3A_167, %cond3A_168 : i32
      scf.if %cond3A_169 {
        %dma_wait3A_192 = arith.constant 0 : i32
        %dma_wait3A_193 = arith.constant 0 : i32
        %dma_wait3A_194 = tpu.memref_slice %arg2[%arg0, %dma_wait3A_192, %dma_wait3A_193] : memref<2x50000x32xbf16, #tpu.memory_space<hbm>> -> memref<1x50000x32xbf16, #tpu.memory_space<hbm>>
        %dma_wait3A_195 = tpu.memref_squeeze %dma_wait3A_194 : memref<1x50000x32xbf16, #tpu.memory_space<hbm>> -> memref<50000x32xbf16, #tpu.memory_space<hbm>>
        %dma_wait3A_196 = arith.constant 0 : i32
        %dma_wait3A_197 = arith.constant 0 : i32
        %dma_wait3A_198 = tpu.memref_slice %dma_wait3A_195[%dma_wait3A_196, %dma_wait3A_197] : memref<50000x32xbf16, #tpu.memory_space<hbm>> -> memref<50000x32xbf16, #tpu.memory_space<hbm>>
        tpu.wait_indirect_dma semaphore(%arg17 : memref<!tpu.dma_semaphore, #tpu.memory_space<semaphore_mem>>) src(%dma_wait3A_198 : memref<50000x32xbf16, #tpu.memory_space<hbm>>) dst(%arg12 : memref<2000x32xbf16, #tpu.memory_space<vmem>>)
        %dma_start3A_199 = arith.constant 0 : i32
        %dma_start3A_200 = arith.constant 0 : i32
        %dma_start3A_201 = tpu.memref_slice %arg21[%dma_start3A_199, %dma_start3A_200] : memref<50000x32xbf16, #tpu.memory_space<vmem_shared>> -> memref<50000x32xbf16, #tpu.memory_space<vmem_shared>>
        tpu.enqueue_indirect_dma source(%arg12 : memref<2000x32xbf16, #tpu.memory_space<vmem>>) target(%dma_start3A_201 : memref<50000x32xbf16, #tpu.memory_space<vmem_shared>>) offsets(%arg10 : memref<2000xi32, #tpu.memory_space<vmem>>) semaphore(%arg19 : memref<!tpu.dma_semaphore, #tpu.memory_space<semaphore_mem>>) {add = true}
        %add3A_202 = arith.constant 1 : i32
        %add3A_203 = arith.addi %scan3A_68, %add3A_202 : i32
        %lt3A_204 = arith.constant 25 : i32
        %lt3A_205 = arith.cmpi slt, %add3A_203, %lt3A_204 : i32
        %convert_element_type3A_206 = arith.extui %lt3A_205 : i1 to i32
        %cond3A_207 = arith.constant 0 : i32
        %cond3A_208 = arith.cmpi ne, %convert_element_type3A_206, %cond3A_207 : i32
        scf.if %cond3A_208 {
          %add3A_216 = arith.constant 1 : i32
          %add3A_217 = arith.addi %scan3A_68, %add3A_216 : i32
          %mul3A_218 = arith.constant 50000 : i32
          %mul3A_219 = arith.muli %arg1, %mul3A_218 : i32
          %mul3A_220 = arith.constant 2000 : i32
          %mul3A_221 = arith.muli %add3A_217, %mul3A_220 : i32
          %add3A_222 = arith.addi %mul3A_219, %mul3A_221 : i32
          %dma_wait3A_223 = tpu.memref_slice %arg3[%add3A_222] : memref<800000xi32, #tpu.memory_space<hbm>> -> memref<2000xi32, #tpu.memory_space<hbm>>
          %dma_wait3A_224 = tpu.memref_slice %arg3[%add3A_222] : memref<800000xi32, #tpu.memory_space<hbm>> -> memref<2000xi32, #tpu.memory_space<hbm>>
          tpu.wait_dma2 semaphore(%arg16 : memref<!tpu.dma_semaphore, #tpu.memory_space<semaphore_mem>>) src(%dma_wait3A_224 : memref<2000xi32, #tpu.memory_space<hbm>>) dst(%arg8 : memref<2000xi32, #tpu.memory_space<vmem>>)
          %dma_wait3A_225 = tpu.memref_slice %arg4[%add3A_222] : memref<800000xi32, #tpu.memory_space<hbm>> -> memref<2000xi32, #tpu.memory_space<hbm>>
          %dma_wait3A_226 = tpu.memref_slice %arg4[%add3A_222] : memref<800000xi32, #tpu.memory_space<hbm>> -> memref<2000xi32, #tpu.memory_space<hbm>>
          tpu.wait_dma2 semaphore(%arg16 : memref<!tpu.dma_semaphore, #tpu.memory_space<semaphore_mem>>) src(%dma_wait3A_226 : memref<2000xi32, #tpu.memory_space<hbm>>) dst(%arg11 : memref<2000xi32, #tpu.memory_space<vmem>>)
          %ge3A = arith.constant 1 : i32
          %ge3A_227 = arith.cmpi sge, %scan3A_68, %ge3A : i32
          %convert_element_type3A_228 = arith.extui %ge3A_227 : i1 to i32
          %cond3A_229 = arith.constant 0 : i32
          %cond3A_230 = arith.cmpi ne, %convert_element_type3A_228, %cond3A_229 : i32
          scf.if %cond3A_230 {
            %dma_wait3A_238 = arith.constant 0 : i32
            %dma_wait3A_239 = arith.constant 0 : i32
            %dma_wait3A_240 = tpu.memref_slice %arg21[%dma_wait3A_238, %dma_wait3A_239] : memref<50000x32xbf16, #tpu.memory_space<vmem_shared>> -> memref<50000x32xbf16, #tpu.memory_space<vmem_shared>>
            tpu.wait_indirect_dma semaphore(%arg20 : memref<!tpu.dma_semaphore, #tpu.memory_space<semaphore_mem>>) src(%arg13 : memref<2000x32xbf16, #tpu.memory_space<vmem>>) dst(%dma_wait3A_240 : memref<50000x32xbf16, #tpu.memory_space<vmem_shared>>)
          } else {
          }
          %dma_start3A_231 = arith.constant 0 : i32
          %dma_start3A_232 = arith.constant 0 : i32
          %dma_start3A_233 = tpu.memref_slice %arg2[%arg0, %dma_start3A_231, %dma_start3A_232] : memref<2x50000x32xbf16, #tpu.memory_space<hbm>> -> memref<1x50000x32xbf16, #tpu.memory_space<hbm>>
          %dma_start3A_234 = tpu.memref_squeeze %dma_start3A_233 : memref<1x50000x32xbf16, #tpu.memory_space<hbm>> -> memref<50000x32xbf16, #tpu.memory_space<hbm>>
          %dma_start3A_235 = arith.constant 0 : i32
          %dma_start3A_236 = arith.constant 0 : i32
          %dma_start3A_237 = tpu.memref_slice %dma_start3A_234[%dma_start3A_235, %dma_start3A_236] : memref<50000x32xbf16, #tpu.memory_space<hbm>> -> memref<50000x32xbf16, #tpu.memory_space<hbm>>
          tpu.enqueue_indirect_dma source(%dma_start3A_237 : memref<50000x32xbf16, #tpu.memory_space<hbm>>) target(%arg13 : memref<2000x32xbf16, #tpu.memory_space<vmem>>) offsets(%arg8 : memref<2000xi32, #tpu.memory_space<vmem>>) semaphore(%arg18 : memref<!tpu.dma_semaphore, #tpu.memory_space<semaphore_mem>>)
        } else {
        }
        %add3A_209 = arith.constant 2 : i32
        %add3A_210 = arith.addi %scan3A_68, %add3A_209 : i32
        %lt3A_211 = arith.constant 25 : i32
        %lt3A_212 = arith.cmpi slt, %add3A_210, %lt3A_211 : i32
        %convert_element_type3A_213 = arith.extui %lt3A_212 : i1 to i32
        %cond3A_214 = arith.constant 0 : i32
        %cond3A_215 = arith.cmpi ne, %convert_element_type3A_213, %cond3A_214 : i32
        scf.if %cond3A_215 {
          %add3A_216 = arith.constant 2 : i32
          %add3A_217 = arith.addi %scan3A_68, %add3A_216 : i32
          %mul3A_218 = arith.constant 50000 : i32
          %mul3A_219 = arith.muli %arg1, %mul3A_218 : i32
          %mul3A_220 = arith.constant 2000 : i32
          %mul3A_221 = arith.muli %add3A_217, %mul3A_220 : i32
          %add3A_222 = arith.addi %mul3A_219, %mul3A_221 : i32
          %dma_start3A_223 = tpu.memref_slice %arg3[%add3A_222] : memref<800000xi32, #tpu.memory_space<hbm>> -> memref<2000xi32, #tpu.memory_space<hbm>>
          %dma_start3A_224 = tpu.memref_slice %arg3[%add3A_222] : memref<800000xi32, #tpu.memory_space<hbm>> -> memref<2000xi32, #tpu.memory_space<hbm>>
          tpu.enqueue_dma source(%dma_start3A_224 : memref<2000xi32, #tpu.memory_space<hbm>>) target(%arg6 : memref<2000xi32, #tpu.memory_space<vmem>>) target_semaphore(%arg14 : memref<!tpu.dma_semaphore, #tpu.memory_space<semaphore_mem>>)
          %dma_start3A_225 = tpu.memref_slice %arg4[%add3A_222] : memref<800000xi32, #tpu.memory_space<hbm>> -> memref<2000xi32, #tpu.memory_space<hbm>>
          %dma_start3A_226 = tpu.memref_slice %arg4[%add3A_222] : memref<800000xi32, #tpu.memory_space<hbm>> -> memref<2000xi32, #tpu.memory_space<hbm>>
          tpu.enqueue_dma source(%dma_start3A_226 : memref<2000xi32, #tpu.memory_space<hbm>>) target(%arg9 : memref<2000xi32, #tpu.memory_space<vmem>>) target_semaphore(%arg14 : memref<!tpu.dma_semaphore, #tpu.memory_space<semaphore_mem>>)
        } else {
        }
      } else {
      }
      %jit3A_170 = arith.constant 6 : i32
      %eq3A_171 = arith.constant 0 : i32
      %eq3A_172 = arith.cmpi eq, %jit3A_170, %eq3A_171 : i32
      %jit3A_173 = arith.constant 1 : i32
      %select_n3A_174 = arith.select %eq3A_172, %jit3A_173, %jit3A_170 : i32
      %rem3A_175 = arith.remsi %scan3A_68, %select_n3A_174 : i32
      %ne3A_176 = arith.constant 0 : i32
      %ne3A_177 = arith.cmpi ne, %rem3A_175, %ne3A_176 : i32
      %lt3A_178 = arith.constant 0 : i32
      %lt3A_179 = arith.cmpi slt, %rem3A_175, %lt3A_178 : i32
      %lt3A_180 = arith.constant 0 : i32
      %lt3A_181 = arith.cmpi slt, %select_n3A_174, %lt3A_180 : i32
      %ne3A_182 = arith.xori %lt3A_179, %lt3A_181 : i1
      %and3A_183 = arith.andi %ne3A_182, %ne3A_177 : i1
      %add3A_184 = arith.addi %rem3A_175, %select_n3A_174 : i32
      %select_n3A_185 = arith.select %and3A_183, %add3A_184, %rem3A_175 : i32
      %eq3A_186 = arith.constant 5 : i32
      %eq3A_187 = arith.cmpi eq, %select_n3A_185, %eq3A_186 : i32
      %convert_element_type3A_188 = arith.extui %eq3A_187 : i1 to i32
      %cond3A_189 = arith.constant 0 : i32
      %cond3A_190 = arith.cmpi ne, %convert_element_type3A_188, %cond3A_189 : i32
      scf.if %cond3A_190 {
        %dma_wait3A_192 = arith.constant 0 : i32
        %dma_wait3A_193 = arith.constant 0 : i32
        %dma_wait3A_194 = tpu.memref_slice %arg2[%arg0, %dma_wait3A_192, %dma_wait3A_193] : memref<2x50000x32xbf16, #tpu.memory_space<hbm>> -> memref<1x50000x32xbf16, #tpu.memory_space<hbm>>
        %dma_wait3A_195 = tpu.memref_squeeze %dma_wait3A_194 : memref<1x50000x32xbf16, #tpu.memory_space<hbm>> -> memref<50000x32xbf16, #tpu.memory_space<hbm>>
        %dma_wait3A_196 = arith.constant 0 : i32
        %dma_wait3A_197 = arith.constant 0 : i32
        %dma_wait3A_198 = tpu.memref_slice %dma_wait3A_195[%dma_wait3A_196, %dma_wait3A_197] : memref<50000x32xbf16, #tpu.memory_space<hbm>> -> memref<50000x32xbf16, #tpu.memory_space<hbm>>
        tpu.wait_indirect_dma semaphore(%arg18 : memref<!tpu.dma_semaphore, #tpu.memory_space<semaphore_mem>>) src(%dma_wait3A_198 : memref<50000x32xbf16, #tpu.memory_space<hbm>>) dst(%arg13 : memref<2000x32xbf16, #tpu.memory_space<vmem>>)
        %dma_start3A_199 = arith.constant 0 : i32
        %dma_start3A_200 = arith.constant 0 : i32
        %dma_start3A_201 = tpu.memref_slice %arg21[%dma_start3A_199, %dma_start3A_200] : memref<50000x32xbf16, #tpu.memory_space<vmem_shared>> -> memref<50000x32xbf16, #tpu.memory_space<vmem_shared>>
        tpu.enqueue_indirect_dma source(%arg13 : memref<2000x32xbf16, #tpu.memory_space<vmem>>) target(%dma_start3A_201 : memref<50000x32xbf16, #tpu.memory_space<vmem_shared>>) offsets(%arg11 : memref<2000xi32, #tpu.memory_space<vmem>>) semaphore(%arg20 : memref<!tpu.dma_semaphore, #tpu.memory_space<semaphore_mem>>) {add = true}
        %add3A_202 = arith.constant 1 : i32
        %add3A_203 = arith.addi %scan3A_68, %add3A_202 : i32
        %lt3A_204 = arith.constant 25 : i32
        %lt3A_205 = arith.cmpi slt, %add3A_203, %lt3A_204 : i32
        %convert_element_type3A_206 = arith.extui %lt3A_205 : i1 to i32
        %cond3A_207 = arith.constant 0 : i32
        %cond3A_208 = arith.cmpi ne, %convert_element_type3A_206, %cond3A_207 : i32
        scf.if %cond3A_208 {
          %add3A_216 = arith.constant 1 : i32
          %add3A_217 = arith.addi %scan3A_68, %add3A_216 : i32
          %mul3A_218 = arith.constant 50000 : i32
          %mul3A_219 = arith.muli %arg1, %mul3A_218 : i32
          %mul3A_220 = arith.constant 2000 : i32
          %mul3A_221 = arith.muli %add3A_217, %mul3A_220 : i32
          %add3A_222 = arith.addi %mul3A_219, %mul3A_221 : i32
          %dma_wait3A_223 = tpu.memref_slice %arg3[%add3A_222] : memref<800000xi32, #tpu.memory_space<hbm>> -> memref<2000xi32, #tpu.memory_space<hbm>>
          %dma_wait3A_224 = tpu.memref_slice %arg3[%add3A_222] : memref<800000xi32, #tpu.memory_space<hbm>> -> memref<2000xi32, #tpu.memory_space<hbm>>
          tpu.wait_dma2 semaphore(%arg14 : memref<!tpu.dma_semaphore, #tpu.memory_space<semaphore_mem>>) src(%dma_wait3A_224 : memref<2000xi32, #tpu.memory_space<hbm>>) dst(%arg6 : memref<2000xi32, #tpu.memory_space<vmem>>)
          %dma_wait3A_225 = tpu.memref_slice %arg4[%add3A_222] : memref<800000xi32, #tpu.memory_space<hbm>> -> memref<2000xi32, #tpu.memory_space<hbm>>
          %dma_wait3A_226 = tpu.memref_slice %arg4[%add3A_222] : memref<800000xi32, #tpu.memory_space<hbm>> -> memref<2000xi32, #tpu.memory_space<hbm>>
          tpu.wait_dma2 semaphore(%arg14 : memref<!tpu.dma_semaphore, #tpu.memory_space<semaphore_mem>>) src(%dma_wait3A_226 : memref<2000xi32, #tpu.memory_space<hbm>>) dst(%arg9 : memref<2000xi32, #tpu.memory_space<vmem>>)
          %ge3A = arith.constant 1 : i32
          %ge3A_227 = arith.cmpi sge, %scan3A_68, %ge3A : i32
          %convert_element_type3A_228 = arith.extui %ge3A_227 : i1 to i32
          %cond3A_229 = arith.constant 0 : i32
          %cond3A_230 = arith.cmpi ne, %convert_element_type3A_228, %cond3A_229 : i32
          scf.if %cond3A_230 {
            %dma_wait3A_238 = arith.constant 0 : i32
            %dma_wait3A_239 = arith.constant 0 : i32
            %dma_wait3A_240 = tpu.memref_slice %arg21[%dma_wait3A_238, %dma_wait3A_239] : memref<50000x32xbf16, #tpu.memory_space<vmem_shared>> -> memref<50000x32xbf16, #tpu.memory_space<vmem_shared>>
            tpu.wait_indirect_dma semaphore(%arg19 : memref<!tpu.dma_semaphore, #tpu.memory_space<semaphore_mem>>) src(%arg12 : memref<2000x32xbf16, #tpu.memory_space<vmem>>) dst(%dma_wait3A_240 : memref<50000x32xbf16, #tpu.memory_space<vmem_shared>>)
          } else {
          }
          %dma_start3A_231 = arith.constant 0 : i32
          %dma_start3A_232 = arith.constant 0 : i32
          %dma_start3A_233 = tpu.memref_slice %arg2[%arg0, %dma_start3A_231, %dma_start3A_232] : memref<2x50000x32xbf16, #tpu.memory_space<hbm>> -> memref<1x50000x32xbf16, #tpu.memory_space<hbm>>
          %dma_start3A_234 = tpu.memref_squeeze %dma_start3A_233 : memref<1x50000x32xbf16, #tpu.memory_space<hbm>> -> memref<50000x32xbf16, #tpu.memory_space<hbm>>
          %dma_start3A_235 = arith.constant 0 : i32
          %dma_start3A_236 = arith.constant 0 : i32
          %dma_start3A_237 = tpu.memref_slice %dma_start3A_234[%dma_start3A_235, %dma_start3A_236] : memref<50000x32xbf16, #tpu.memory_space<hbm>> -> memref<50000x32xbf16, #tpu.memory_space<hbm>>
          tpu.enqueue_indirect_dma source(%dma_start3A_237 : memref<50000x32xbf16, #tpu.memory_space<hbm>>) target(%arg12 : memref<2000x32xbf16, #tpu.memory_space<vmem>>) offsets(%arg6 : memref<2000xi32, #tpu.memory_space<vmem>>) semaphore(%arg17 : memref<!tpu.dma_semaphore, #tpu.memory_space<semaphore_mem>>)
        } else {
        }
        %add3A_209 = arith.constant 2 : i32
        %add3A_210 = arith.addi %scan3A_68, %add3A_209 : i32
        %lt3A_211 = arith.constant 25 : i32
        %lt3A_212 = arith.cmpi slt, %add3A_210, %lt3A_211 : i32
        %convert_element_type3A_213 = arith.extui %lt3A_212 : i1 to i32
        %cond3A_214 = arith.constant 0 : i32
        %cond3A_215 = arith.cmpi ne, %convert_element_type3A_213, %cond3A_214 : i32
        scf.if %cond3A_215 {
          %add3A_216 = arith.constant 2 : i32
          %add3A_217 = arith.addi %scan3A_68, %add3A_216 : i32
          %mul3A_218 = arith.constant 50000 : i32
          %mul3A_219 = arith.muli %arg1, %mul3A_218 : i32
          %mul3A_220 = arith.constant 2000 : i32
          %mul3A_221 = arith.muli %add3A_217, %mul3A_220 : i32
          %add3A_222 = arith.addi %mul3A_219, %mul3A_221 : i32
          %dma_start3A_223 = tpu.memref_slice %arg3[%add3A_222] : memref<800000xi32, #tpu.memory_space<hbm>> -> memref<2000xi32, #tpu.memory_space<hbm>>
          %dma_start3A_224 = tpu.memref_slice %arg3[%add3A_222] : memref<800000xi32, #tpu.memory_space<hbm>> -> memref<2000xi32, #tpu.memory_space<hbm>>
          tpu.enqueue_dma source(%dma_start3A_224 : memref<2000xi32, #tpu.memory_space<hbm>>) target(%arg7 : memref<2000xi32, #tpu.memory_space<vmem>>) target_semaphore(%arg15 : memref<!tpu.dma_semaphore, #tpu.memory_space<semaphore_mem>>)
          %dma_start3A_225 = tpu.memref_slice %arg4[%add3A_222] : memref<800000xi32, #tpu.memory_space<hbm>> -> memref<2000xi32, #tpu.memory_space<hbm>>
          %dma_start3A_226 = tpu.memref_slice %arg4[%add3A_222] : memref<800000xi32, #tpu.memory_space<hbm>> -> memref<2000xi32, #tpu.memory_space<hbm>>
          tpu.enqueue_dma source(%dma_start3A_226 : memref<2000xi32, #tpu.memory_space<hbm>>) target(%arg10 : memref<2000xi32, #tpu.memory_space<vmem>>) target_semaphore(%arg15 : memref<!tpu.dma_semaphore, #tpu.memory_space<semaphore_mem>>)
        } else {
        }
      } else {
      }
      %scan3A_191 = arith.constant 0 : i32
      scf.yield %scan3A_191 : i32
    }
    %scan3A_50 = arith.constant 25 : i32
    %dma_wait3A_51 = arith.constant 0 : i32
    %dma_wait3A_52 = arith.constant 0 : i32
    %dma_wait3A_53 = tpu.memref_slice %arg21[%dma_wait3A_51, %dma_wait3A_52] : memref<50000x32xbf16, #tpu.memory_space<vmem_shared>> -> memref<50000x32xbf16, #tpu.memory_space<vmem_shared>>
    tpu.wait_indirect_dma semaphore(%arg20 : memref<!tpu.dma_semaphore, #tpu.memory_space<semaphore_mem>>) src(%arg13 : memref<2000x32xbf16, #tpu.memory_space<vmem>>) dst(%dma_wait3A_53 : memref<50000x32xbf16, #tpu.memory_space<vmem_shared>>)
    %dma_wait3A_54 = arith.constant 0 : i32
    %dma_wait3A_55 = arith.constant 0 : i32
    %dma_wait3A_56 = tpu.memref_slice %arg21[%dma_wait3A_54, %dma_wait3A_55] : memref<50000x32xbf16, #tpu.memory_space<vmem_shared>> -> memref<50000x32xbf16, #tpu.memory_space<vmem_shared>>
    tpu.wait_indirect_dma semaphore(%arg19 : memref<!tpu.dma_semaphore, #tpu.memory_space<semaphore_mem>>) src(%arg12 : memref<2000x32xbf16, #tpu.memory_space<vmem>>) dst(%dma_wait3A_56 : memref<50000x32xbf16, #tpu.memory_space<vmem_shared>>)
    %barrier3A_57 = arith.constant 0 : index
    tpu.barrier barrier_id(%barrier3A_57)
    %lt3A_58 = arith.constant 15 : i32
    %lt3A_59 = arith.cmpi slt, %arg1, %lt3A_58 : i32
    %convert_element_type3A_60 = arith.extui %lt3A_59 : i1 to i32
    %cond3A_61 = arith.constant 0 : i32
    %cond3A_62 = arith.cmpi ne, %convert_element_type3A_60, %cond3A_61 : i32
    scf.if %cond3A_62 {
      "tpu.region"() ({
        %run_scoped3A = tpu.sem_alloc : memref<!tpu.dma_semaphore, #tpu.memory_space<semaphore_mem>>
        %dma_start3A_68 = tpu.memref_slice %arg5[%mul3A_0, %mul3A_2] : memref<50000x64xbf16, #tpu.memory_space<hbm>> -> memref<3136x32xbf16, #tpu.memory_space<hbm>>
        %dma_start3A_69 = arith.constant 0 : i32
        %dma_start3A_70 = tpu.memref_slice %arg21[%mul3A_0, %dma_start3A_69] : memref<50000x32xbf16, #tpu.memory_space<vmem_shared>> -> memref<3136x32xbf16, #tpu.memory_space<vmem_shared>>
        tpu.enqueue_dma source(%dma_start3A_70 : memref<3136x32xbf16, #tpu.memory_space<vmem_shared>>) target(%dma_start3A_68 : memref<3136x32xbf16, #tpu.memory_space<hbm>>) target_semaphore(%run_scoped3A : memref<!tpu.dma_semaphore, #tpu.memory_space<semaphore_mem>>)
        %dma_wait3A_71 = tpu.memref_slice %arg5[%mul3A_0, %mul3A_2] : memref<50000x64xbf16, #tpu.memory_space<hbm>> -> memref<3136x32xbf16, #tpu.memory_space<hbm>>
        %dma_wait3A_72 = arith.constant 0 : i32
        %dma_wait3A_73 = tpu.memref_slice %arg21[%mul3A_0, %dma_wait3A_72] : memref<50000x32xbf16, #tpu.memory_space<vmem_shared>> -> memref<3136x32xbf16, #tpu.memory_space<vmem_shared>>
        tpu.wait_dma2 semaphore(%run_scoped3A : memref<!tpu.dma_semaphore, #tpu.memory_space<semaphore_mem>>) src(%dma_wait3A_73 : memref<3136x32xbf16, #tpu.memory_space<vmem_shared>>) dst(%dma_wait3A_71 : memref<3136x32xbf16, #tpu.memory_space<hbm>>)
        tpu.yield
      }) : () -> ()
    } else {
    }
    %eq3A_63 = arith.constant 15 : i32
    %eq3A_64 = arith.cmpi eq, %arg1, %eq3A_63 : i32
    %convert_element_type3A_65 = arith.extui %eq3A_64 : i1 to i32
    %cond3A_66 = arith.constant 0 : i32
    %cond3A_67 = arith.cmpi ne, %convert_element_type3A_65, %cond3A_66 : i32
    scf.if %cond3A_67 {
      "tpu.region"() ({
        %run_scoped3A = tpu.sem_alloc : memref<!tpu.dma_semaphore, #tpu.memory_space<semaphore_mem>>
        %dma_start3A_68 = tpu.memref_slice %arg5[%mul3A_0, %mul3A_2] : memref<50000x64xbf16, #tpu.memory_space<hbm>> -> memref<2960x32xbf16, #tpu.memory_space<hbm>>
        %dma_start3A_69 = arith.constant 0 : i32
        %dma_start3A_70 = tpu.memref_slice %arg21[%mul3A_0, %dma_start3A_69] : memref<50000x32xbf16, #tpu.memory_space<vmem_shared>> -> memref<2960x32xbf16, #tpu.memory_space<vmem_shared>>
        tpu.enqueue_dma source(%dma_start3A_70 : memref<2960x32xbf16, #tpu.memory_space<vmem_shared>>) target(%dma_start3A_68 : memref<2960x32xbf16, #tpu.memory_space<hbm>>) target_semaphore(%run_scoped3A : memref<!tpu.dma_semaphore, #tpu.memory_space<semaphore_mem>>)
        %dma_wait3A_71 = tpu.memref_slice %arg5[%mul3A_0, %mul3A_2] : memref<50000x64xbf16, #tpu.memory_space<hbm>> -> memref<2960x32xbf16, #tpu.memory_space<hbm>>
        %dma_wait3A_72 = arith.constant 0 : i32
        %dma_wait3A_73 = tpu.memref_slice %arg21[%mul3A_0, %dma_wait3A_72] : memref<50000x32xbf16, #tpu.memory_space<vmem_shared>> -> memref<2960x32xbf16, #tpu.memory_space<vmem_shared>>
        tpu.wait_dma2 semaphore(%run_scoped3A : memref<!tpu.dma_semaphore, #tpu.memory_space<semaphore_mem>>) src(%dma_wait3A_73 : memref<2960x32xbf16, #tpu.memory_space<vmem_shared>>) dst(%dma_wait3A_71 : memref<2960x32xbf16, #tpu.memory_space<hbm>>)
        tpu.yield
      }) : () -> ()
    } else {
    }
    return
  }
}

module attributes {stable_mosaic.version = 14 : i64} {
  func.func @_encoder_kernel(%arg0: i32, %arg1: memref<1000x256xf32, #tpu.memory_space<vmem>>, %arg2: memref<256x128xf32, #tpu.memory_space<vmem>>, %arg3: memref<1x128xf32, #tpu.memory_space<vmem>>, %arg4: memref<128x128xf32, #tpu.memory_space<vmem>>, %arg5: memref<1x128xf32, #tpu.memory_space<vmem>>, %arg6: memref<1000x128xbf16, #tpu.memory_space<vmem>>) attributes {dimension_semantics = [#tpu.dimension_semantics<arbitrary>], iteration_bounds = array<i64: 25>, scalar_prefetch = 0 : i64, scratch_operands = 0 : i64, tpu.core_type = #tpu.core_type<tc>, window_params = [{transform_indices = @transform_0, window_bounds = array<i64: 1000, 256>}, {pipeline_mode = #tpu.pipeline_mode<synchronous>, transform_indices = @transform_1, window_bounds = array<i64: 256, 128>}, {pipeline_mode = #tpu.pipeline_mode<synchronous>, transform_indices = @transform_2, window_bounds = array<i64: 1, 128>}, {pipeline_mode = #tpu.pipeline_mode<synchronous>, transform_indices = @transform_3, window_bounds = array<i64: 128, 128>}, {pipeline_mode = #tpu.pipeline_mode<synchronous>, transform_indices = @transform_4, window_bounds = array<i64: 1, 128>}, {transform_indices = @transform_5, window_bounds = array<i64: 1000, 128>}]} {
    %get3A = arith.constant 0 : index
    %get3A_0 = arith.constant 0 : index
    %get3A_1 = vector.load %arg1[%get3A, %get3A_0] : memref<1000x256xf32, #tpu.memory_space<vmem>>, vector<1000x256xf32>
    %get3A_2 = arith.constant 0 : index
    %get3A_3 = arith.constant 0 : index
    %get3A_4 = vector.load %arg2[%get3A_2, %get3A_3] : memref<256x128xf32, #tpu.memory_space<vmem>>, vector<256x128xf32>
    %dot_general3A = arith.constant dense<0.000000e+00> : vector<1000x128xf32>
    %dot_general3A_5 = tpu.matmul %get3A_1, %get3A_4, %dot_general3A {dimension_numbers = #tpu.dot_dimension_numbers<[1], [0], [0], [1], [0, 0, 1, 1], [], []>, transpose_lhs_hint = false} : vector<1000x256xf32>, vector<256x128xf32>, vector<1000x128xf32> -> vector<1000x128xf32>
    %get3A_6 = arith.constant 0 : index
    %get3A_7 = arith.constant 0 : index
    %get3A_8 = vector.load %arg3[%get3A_6, %get3A_7] : memref<1x128xf32, #tpu.memory_space<vmem>>, vector<1x128xf32>
    %add3A = vector.broadcast %get3A_8 : vector<1x128xf32> to vector<1000x128xf32>
    %add3A_9 = arith.addf %dot_general3A_5, %add3A : vector<1000x128xf32>
    %max3A = arith.constant 0.000000e+00 : f32
    %max3A_10 = vector.broadcast %max3A : f32 to vector<1000x128xf32>
    %max3A_11 = arith.maximumf %add3A_9, %max3A_10 : vector<1000x128xf32>
    %get3A_12 = arith.constant 0 : index
    %get3A_13 = arith.constant 0 : index
    %get3A_14 = vector.load %arg4[%get3A_12, %get3A_13] : memref<128x128xf32, #tpu.memory_space<vmem>>, vector<128x128xf32>
    %dot_general3A_15 = arith.constant dense<0.000000e+00> : vector<1000x128xf32>
    %dot_general3A_16 = tpu.matmul %max3A_11, %get3A_14, %dot_general3A_15 {dimension_numbers = #tpu.dot_dimension_numbers<[1], [0], [0], [1], [0, 0, 1, 1], [], []>, transpose_lhs_hint = false} : vector<1000x128xf32>, vector<128x128xf32>, vector<1000x128xf32> -> vector<1000x128xf32>
    %get3A_17 = arith.constant 0 : index
    %get3A_18 = arith.constant 0 : index
    %get3A_19 = vector.load %arg5[%get3A_17, %get3A_18] : memref<1x128xf32, #tpu.memory_space<vmem>>, vector<1x128xf32>
    %add3A_20 = vector.broadcast %get3A_19 : vector<1x128xf32> to vector<1000x128xf32>
    %add3A_21 = arith.addf %dot_general3A_16, %add3A_20 : vector<1000x128xf32>
    %convert_element_type3A = arith.truncf %add3A_21 : vector<1000x128xf32> to vector<1000x128xbf16>
    %swap3A = arith.constant 0 : index
    %swap3A_22 = arith.constant 0 : index
    %swap3A_23 = vector.load %arg6[%swap3A, %swap3A_22] : memref<1000x128xbf16, #tpu.memory_space<vmem>>, vector<1000x128xbf16>
    tpu.vector_store %arg6[%swap3A, %swap3A_22], %convert_element_type3A {strides = array<i32>} : memref<1000x128xbf16, #tpu.memory_space<vmem>>, vector<1000x128xbf16>,
    return
  }
  func.func @transform_0(%arg0: i32) -> (i32, i32) {
    %c0_i32 = arith.constant 0 : i32
    %c0_i32_0 = arith.constant 0 : i32
    return %arg0, %c0_i32 : i32, i32
  }
  func.func @transform_1(%arg0: i32) -> (i32, i32) {
    %c0_i32 = arith.constant 0 : i32
    %c0_i32_0 = arith.constant 0 : i32
    %c0_i32_1 = arith.constant 0 : i32
    return %c0_i32, %c0_i32_0 : i32, i32
  }
  func.func @transform_2(%arg0: i32) -> (i32, i32) {
    %c0_i32 = arith.constant 0 : i32
    %c0_i32_0 = arith.constant 0 : i32
    %c0_i32_1 = arith.constant 0 : i32
    return %c0_i32, %c0_i32_0 : i32, i32
  }
  func.func @transform_3(%arg0: i32) -> (i32, i32) {
    %c0_i32 = arith.constant 0 : i32
    %c0_i32_0 = arith.constant 0 : i32
    %c0_i32_1 = arith.constant 0 : i32
    return %c0_i32, %c0_i32_0 : i32, i32
  }
  func.func @transform_4(%arg0: i32) -> (i32, i32) {
    %c0_i32 = arith.constant 0 : i32
    %c0_i32_0 = arith.constant 0 : i32
    %c0_i32_1 = arith.constant 0 : i32
    return %c0_i32, %c0_i32_0 : i32, i32
  }
  func.func @transform_5(%arg0: i32) -> (i32, i32) {
    %c0_i32 = arith.constant 0 : i32
    %c0_i32_0 = arith.constant 0 : i32
    return %arg0, %c0_i32 : i32, i32
  }
}

module attributes {stable_mosaic.version = 14 : i64} {
  func.func @_meanstats_kernel(%arg0: i32, %arg1: memref<1000x128xbf16, #tpu.memory_space<vmem>>, %arg2: memref<1000x128xbf16, #tpu.memory_space<vmem>>, %arg3: memref<1000x128xf32, #tpu.memory_space<vmem>>, %arg4: memref<1000x128xbf16, #tpu.memory_space<vmem>>, %arg5: memref<2x128xf32, #tpu.memory_space<vmem>>) attributes {dimension_semantics = [#tpu.dimension_semantics<arbitrary>], iteration_bounds = array<i64: 25>, scalar_prefetch = 0 : i64, scratch_operands = 0 : i64, tpu.core_type = #tpu.core_type<tc>, window_params = [{transform_indices = @transform_0, window_bounds = array<i64: 1000, 128>}, {transform_indices = @transform_1, window_bounds = array<i64: 1000, 128>}, {transform_indices = @transform_2, window_bounds = array<i64: 1000, 128>}, {transform_indices = @transform_3, window_bounds = array<i64: 1000, 128>}, {pipeline_mode = #tpu.pipeline_mode<synchronous>, transform_indices = @transform_4, window_bounds = array<i64: 2, 128>}]} {
    %get3A = arith.constant 0 : index
    %get3A_0 = arith.constant 0 : index
    %get3A_1 = vector.load %arg1[%get3A, %get3A_0] : memref<1000x128xbf16, #tpu.memory_space<vmem>>, vector<1000x128xbf16>
    %convert_element_type3A = arith.extf %get3A_1 : vector<1000x128xbf16> to vector<1000x128xf32>
    %get3A_2 = arith.constant 0 : index
    %get3A_3 = arith.constant 0 : index
    %get3A_4 = vector.load %arg2[%get3A_2, %get3A_3] : memref<1000x128xbf16, #tpu.memory_space<vmem>>, vector<1000x128xbf16>
    %convert_element_type3A_5 = arith.extf %get3A_4 : vector<1000x128xbf16> to vector<1000x128xf32>
    %add3A = arith.addf %convert_element_type3A, %convert_element_type3A_5 : vector<1000x128xf32>
    %get3A_6 = arith.constant 0 : index
    %get3A_7 = arith.constant 0 : index
    %get3A_8 = vector.load %arg3[%get3A_6, %get3A_7] : memref<1000x128xf32, #tpu.memory_space<vmem>>, vector<1000x128xf32>
    %div3A = arith.divf %add3A, %get3A_8 : vector<1000x128xf32>
    %convert_element_type3A_9 = arith.truncf %div3A : vector<1000x128xf32> to vector<1000x128xbf16>
    %swap3A = arith.constant 0 : index
    %swap3A_10 = arith.constant 0 : index
    %swap3A_11 = vector.load %arg4[%swap3A, %swap3A_10] : memref<1000x128xbf16, #tpu.memory_space<vmem>>, vector<1000x128xbf16>
    tpu.vector_store %arg4[%swap3A, %swap3A_10], %convert_element_type3A_9 {strides = array<i32>} : memref<1000x128xbf16, #tpu.memory_space<vmem>>, vector<1000x128xbf16>,
    %reduce_sum3A = arith.constant dense<0.000000e+00> : vector<128xf32>
    %reduce_sum3A_12 = vector.multi_reduction <add>, %div3A, %reduce_sum3A [0] : vector<1000x128xf32> to vector<128xf32>
    %broadcast_in_dim3A = vector.shape_cast %reduce_sum3A_12 : vector<128xf32> to vector<1x128xf32>
    %mul3A = arith.mulf %div3A, %div3A : vector<1000x128xf32>
    %reduce_sum3A_13 = arith.constant dense<0.000000e+00> : vector<128xf32>
    %reduce_sum3A_14 = vector.multi_reduction <add>, %mul3A, %reduce_sum3A_13 [0] : vector<1000x128xf32> to vector<128xf32>
    %broadcast_in_dim3A_15 = vector.shape_cast %reduce_sum3A_14 : vector<128xf32> to vector<1x128xf32>
    %concatenate3A = tpu.concatenate %broadcast_in_dim3A, %broadcast_in_dim3A_15 in 0 : vector<1x128xf32>, vector<1x128xf32> -> vector<2x128xf32>
    %eq3A = arith.constant 0 : i32
    %eq3A_16 = arith.cmpi eq, %arg0, %eq3A : i32
    %convert_element_type3A_17 = arith.extui %eq3A_16 : i1 to i32
    %cond3A = arith.constant 0 : i32
    %cond3A_18 = arith.cmpi ne, %convert_element_type3A_17, %cond3A : i32
    scf.if %cond3A_18 {
      %swap3A_23 = arith.constant 0 : index
      %swap3A_24 = arith.constant 0 : index
      %swap3A_25 = vector.load %arg5[%swap3A_23, %swap3A_24] : memref<2x128xf32, #tpu.memory_space<vmem>>, vector<2x128xf32>
      tpu.vector_store %arg5[%swap3A_23, %swap3A_24], %concatenate3A {strides = array<i32>} : memref<2x128xf32, #tpu.memory_space<vmem>>, vector<2x128xf32>,
    } else {
    }
    %gt3A = arith.constant 0 : i32
    %gt3A_19 = arith.cmpi sgt, %arg0, %gt3A : i32
    %convert_element_type3A_20 = arith.extui %gt3A_19 : i1 to i32
    %cond3A_21 = arith.constant 0 : i32
    %cond3A_22 = arith.cmpi ne, %convert_element_type3A_20, %cond3A_21 : i32
    scf.if %cond3A_22 {
      %get3A_23 = arith.constant 0 : index
      %get3A_24 = arith.constant 0 : index
      %get3A_25 = vector.load %arg5[%get3A_23, %get3A_24] : memref<2x128xf32, #tpu.memory_space<vmem>>, vector<2x128xf32>
      %add3A_26 = arith.addf %get3A_25, %concatenate3A : vector<2x128xf32>
      %swap3A_27 = arith.constant 0 : index
      %swap3A_28 = arith.constant 0 : index
      %swap3A_29 = vector.load %arg5[%swap3A_27, %swap3A_28] : memref<2x128xf32, #tpu.memory_space<vmem>>, vector<2x128xf32>
      tpu.vector_store %arg5[%swap3A_27, %swap3A_28], %add3A_26 {strides = array<i32>} : memref<2x128xf32, #tpu.memory_space<vmem>>, vector<2x128xf32>,
    } else {
    }
    return
  }
  func.func @transform_0(%arg0: i32) -> (i32, i32) {
    %c0_i32 = arith.constant 0 : i32
    %c0_i32_0 = arith.constant 0 : i32
    return %arg0, %c0_i32 : i32, i32
  }
  func.func @transform_1(%arg0: i32) -> (i32, i32) {
    %c0_i32 = arith.constant 0 : i32
    %c0_i32_0 = arith.constant 0 : i32
    return %arg0, %c0_i32 : i32, i32
  }
  func.func @transform_2(%arg0: i32) -> (i32, i32) {
    %c0_i32 = arith.constant 0 : i32
    %c0_i32_0 = arith.constant 0 : i32
    return %arg0, %c0_i32 : i32, i32
  }
  func.func @transform_3(%arg0: i32) -> (i32, i32) {
    %c0_i32 = arith.constant 0 : i32
    %c0_i32_0 = arith.constant 0 : i32
    return %arg0, %c0_i32 : i32, i32
  }
  func.func @transform_4(%arg0: i32) -> (i32, i32) {
    %c0_i32 = arith.constant 0 : i32
    %c0_i32_0 = arith.constant 0 : i32
    %c0_i32_1 = arith.constant 0 : i32
    return %c0_i32, %c0_i32_0 : i32, i32
  }
}

module attributes {stable_mosaic.version = 14 : i64} {
  func.func @_bnmat_kernel(%arg0: i32, %arg1: memref<1000x128xbf16, #tpu.memory_space<vmem>>, %arg2: memref<2x128xf32, #tpu.memory_space<vmem>>, %arg3: memref<128x128xf32, #tpu.memory_space<vmem>>, %arg4: memref<1000x128xbf16, #tpu.memory_space<vmem>>) attributes {dimension_semantics = [#tpu.dimension_semantics<arbitrary>], iteration_bounds = array<i64: 25>, scalar_prefetch = 0 : i64, scratch_operands = 0 : i64, tpu.core_type = #tpu.core_type<tc>, window_params = [{transform_indices = @transform_0, window_bounds = array<i64: 1000, 128>}, {pipeline_mode = #tpu.pipeline_mode<synchronous>, transform_indices = @transform_1, window_bounds = array<i64: 2, 128>}, {pipeline_mode = #tpu.pipeline_mode<synchronous>, transform_indices = @transform_2, window_bounds = array<i64: 128, 128>}, {transform_indices = @transform_3, window_bounds = array<i64: 1000, 128>}]} {
    %get3A = arith.constant 0 : index
    %get3A_0 = arith.constant 0 : index
    %get3A_1 = vector.load %arg2[%get3A, %get3A_0] : memref<2x128xf32, #tpu.memory_space<vmem>>, vector<1x64xf32>
    %get3A_2 = arith.constant 0 : index
    %get3A_3 = arith.constant 64 : index
    %get3A_4 = vector.load %arg2[%get3A_2, %get3A_3] : memref<2x128xf32, #tpu.memory_space<vmem>>, vector<1x64xf32>
    %add3A = arith.addf %get3A_1, %get3A_4 : vector<1x64xf32>
    %div3A = arith.constant 5.000000e+04 : f32
    %div3A_5 = vector.broadcast %div3A : f32 to vector<1x64xf32>
    %div3A_6 = arith.divf %add3A, %div3A_5 : vector<1x64xf32>
    %get3A_7 = arith.constant 1 : index
    %get3A_8 = arith.constant 0 : index
    %get3A_9 = vector.load %arg2[%get3A_7, %get3A_8] : memref<2x128xf32, #tpu.memory_space<vmem>>, vector<1x64xf32>
    %get3A_10 = arith.constant 1 : index
    %get3A_11 = arith.constant 64 : index
    %get3A_12 = vector.load %arg2[%get3A_10, %get3A_11] : memref<2x128xf32, #tpu.memory_space<vmem>>, vector<1x64xf32>
    %add3A_13 = arith.addf %get3A_9, %get3A_12 : vector<1x64xf32>
    %div3A_14 = arith.constant 5.000000e+04 : f32
    %div3A_15 = vector.broadcast %div3A_14 : f32 to vector<1x64xf32>
    %div3A_16 = arith.divf %add3A_13, %div3A_15 : vector<1x64xf32>
    %mul3A = arith.mulf %div3A_6, %div3A_6 : vector<1x64xf32>
    %sub3A = arith.subf %div3A_16, %mul3A : vector<1x64xf32>
    %max3A = arith.constant 0.000000e+00 : f32
    %max3A_17 = vector.broadcast %max3A : f32 to vector<1x64xf32>
    %max3A_18 = arith.maximumf %sub3A, %max3A_17 : vector<1x64xf32>
    %add3A_19 = arith.constant 9.99999974E-6 : f32
    %add3A_20 = vector.broadcast %add3A_19 : f32 to vector<1x64xf32>
    %add3A_21 = arith.addf %max3A_18, %add3A_20 : vector<1x64xf32>
    %rsqrt3A = math.rsqrt %add3A_21 : vector<1x64xf32>
    %concatenate3A = tpu.concatenate %div3A_6, %div3A_6 in 1 : vector<1x64xf32>, vector<1x64xf32> -> vector<1x128xf32>
    %concatenate3A_22 = tpu.concatenate %rsqrt3A, %rsqrt3A in 1 : vector<1x64xf32>, vector<1x64xf32> -> vector<1x128xf32>
    %get3A_23 = arith.constant 0 : index
    %get3A_24 = arith.constant 0 : index
    %get3A_25 = vector.load %arg1[%get3A_23, %get3A_24] : memref<1000x128xbf16, #tpu.memory_space<vmem>>, vector<1000x128xbf16>
    %convert_element_type3A = arith.extf %get3A_25 : vector<1000x128xbf16> to vector<1000x128xf32>
    %sub3A_26 = vector.broadcast %concatenate3A : vector<1x128xf32> to vector<1000x128xf32>
    %sub3A_27 = arith.subf %convert_element_type3A, %sub3A_26 : vector<1000x128xf32>
    %mul3A_28 = vector.broadcast %concatenate3A_22 : vector<1x128xf32> to vector<1000x128xf32>
    %mul3A_29 = arith.mulf %sub3A_27, %mul3A_28 : vector<1000x128xf32>
    %max3A_30 = arith.constant 0.000000e+00 : f32
    %max3A_31 = vector.broadcast %max3A_30 : f32 to vector<1000x128xf32>
    %max3A_32 = arith.maximumf %mul3A_29, %max3A_31 : vector<1000x128xf32>
    %get3A_33 = arith.constant 0 : index
    %get3A_34 = arith.constant 0 : index
    %get3A_35 = vector.load %arg3[%get3A_33, %get3A_34] : memref<128x128xf32, #tpu.memory_space<vmem>>, vector<128x128xf32>
    %dot_general3A = arith.constant dense<0.000000e+00> : vector<1000x128xf32>
    %dot_general3A_36 = tpu.matmul %max3A_32, %get3A_35, %dot_general3A {dimension_numbers = #tpu.dot_dimension_numbers<[1], [0], [0], [1], [0, 0, 1, 1], [], []>, transpose_lhs_hint = false} : vector<1000x128xf32>, vector<128x128xf32>, vector<1000x128xf32> -> vector<1000x128xf32>
    %convert_element_type3A_37 = arith.truncf %dot_general3A_36 : vector<1000x128xf32> to vector<1000x128xbf16>
    %swap3A = arith.constant 0 : index
    %swap3A_38 = arith.constant 0 : index
    %swap3A_39 = vector.load %arg4[%swap3A, %swap3A_38] : memref<1000x128xbf16, #tpu.memory_space<vmem>>, vector<1000x128xbf16>
    tpu.vector_store %arg4[%swap3A, %swap3A_38], %convert_element_type3A_37 {strides = array<i32>} : memref<1000x128xbf16, #tpu.memory_space<vmem>>, vector<1000x128xbf16>,
    return
  }
  func.func @transform_0(%arg0: i32) -> (i32, i32) {
    %c0_i32 = arith.constant 0 : i32
    %c0_i32_0 = arith.constant 0 : i32
    return %arg0, %c0_i32 : i32, i32
  }
  func.func @transform_1(%arg0: i32) -> (i32, i32) {
    %c0_i32 = arith.constant 0 : i32
    %c0_i32_0 = arith.constant 0 : i32
    %c0_i32_1 = arith.constant 0 : i32
    return %c0_i32, %c0_i32_0 : i32, i32
  }
  func.func @transform_2(%arg0: i32) -> (i32, i32) {
    %c0_i32 = arith.constant 0 : i32
    %c0_i32_0 = arith.constant 0 : i32
    %c0_i32_1 = arith.constant 0 : i32
    return %c0_i32, %c0_i32_0 : i32, i32
  }
  func.func @transform_3(%arg0: i32) -> (i32, i32) {
    %c0_i32 = arith.constant 0 : i32
    %c0_i32_0 = arith.constant 0 : i32
    return %arg0, %c0_i32 : i32, i32
  }
}

module attributes {stable_mosaic.version = 14 : i64} {
  func.func @_pool_kernel(%arg0: i32, %arg1: memref<1000x128xbf16, #tpu.memory_space<vmem>>, %arg2: memref<1000x128xbf16, #tpu.memory_space<vmem>>, %arg3: memref<1000x128xf32, #tpu.memory_space<vmem>>, %arg4: memref<1x1x1000xi32, #tpu.memory_space<vmem>>, %arg5: memref<1x1x1000xi32, #tpu.memory_space<vmem>>, %arg6: memref<1x64xf32, #tpu.memory_space<vmem>>, %arg7: memref<64x64xf32, #tpu.memory_space<vmem>>, %arg8: memref<1x64xf32, #tpu.memory_space<vmem>>, %arg9: memref<64x2xf32, #tpu.memory_space<vmem>>, %arg10: memref<1x2xf32, #tpu.memory_space<vmem>>, %arg11: memref<64x2xf32, #tpu.memory_space<vmem>>, %arg12: memref<64x128xf32, #tpu.memory_space<vmem>>) attributes {dimension_semantics = [#tpu.dimension_semantics<arbitrary>], iteration_bounds = array<i64: 25>, scalar_prefetch = 0 : i64, scratch_operands = 1 : i64, tpu.core_type = #tpu.core_type<tc>, window_params = [{transform_indices = @transform_0, window_bounds = array<i64: 1000, 128>}, {transform_indices = @transform_1, window_bounds = array<i64: 1000, 128>}, {transform_indices = @transform_2, window_bounds = array<i64: 1000, 128>}, {transform_indices = @transform_3, window_bounds = array<i64: 1, 1, 1000>}, {transform_indices = @transform_4, window_bounds = array<i64: 1, 1, 1000>}, {pipeline_mode = #tpu.pipeline_mode<synchronous>, transform_indices = @transform_5, window_bounds = array<i64: 1, 64>}, {pipeline_mode = #tpu.pipeline_mode<synchronous>, transform_indices = @transform_6, window_bounds = array<i64: 64, 64>}, {pipeline_mode = #tpu.pipeline_mode<synchronous>, transform_indices = @transform_7, window_bounds = array<i64: 1, 64>}, {pipeline_mode = #tpu.pipeline_mode<synchronous>, transform_indices = @transform_8, window_bounds = array<i64: 64, 2>}, {pipeline_mode = #tpu.pipeline_mode<synchronous>, transform_indices = @transform_9, window_bounds = array<i64: 1, 2>}, {pipeline_mode = #tpu.pipeline_mode<synchronous>, transform_indices = @transform_10, window_bounds = array<i64: 64, 2>}]} {
    %get3A = arith.constant 0 : index
    %get3A_0 = arith.constant 0 : index
    %get3A_1 = vector.load %arg1[%get3A, %get3A_0] : memref<1000x128xbf16, #tpu.memory_space<vmem>>, vector<1000x128xbf16>
    %convert_element_type3A = arith.extf %get3A_1 : vector<1000x128xbf16> to vector<1000x128xf32>
    %get3A_2 = arith.constant 0 : index
    %get3A_3 = arith.constant 0 : index
    %get3A_4 = vector.load %arg2[%get3A_2, %get3A_3] : memref<1000x128xbf16, #tpu.memory_space<vmem>>, vector<1000x128xbf16>
    %convert_element_type3A_5 = arith.extf %get3A_4 : vector<1000x128xbf16> to vector<1000x128xf32>
    %add3A = arith.addf %convert_element_type3A, %convert_element_type3A_5 : vector<1000x128xf32>
    %get3A_6 = arith.constant 0 : index
    %get3A_7 = arith.constant 0 : index
    %get3A_8 = vector.load %arg3[%get3A_6, %get3A_7] : memref<1000x128xf32, #tpu.memory_space<vmem>>, vector<1000x128xf32>
    %div3A = arith.divf %add3A, %get3A_8 : vector<1000x128xf32>
    %get3A_9 = arith.constant 0 : index
    %get3A_10 = arith.constant 0 : index
    %get3A_11 = arith.constant 0 : index
    %get3A_12 = vector.load %arg4[%get3A_9, %get3A_10, %get3A_11] : memref<1x1x1000xi32, #tpu.memory_space<vmem>>, vector<1x1x1000xi32>
    %get3A_13 = vector.shape_cast %get3A_12 : vector<1x1x1000xi32> to vector<1x1000xi32>
    %get3A_14 = arith.constant 0 : index
    %get3A_15 = arith.constant 0 : index
    %get3A_16 = arith.constant 0 : index
    %get3A_17 = vector.load %arg5[%get3A_14, %get3A_15, %get3A_16] : memref<1x1x1000xi32, #tpu.memory_space<vmem>>, vector<1x1x1000xi32>
    %get3A_18 = vector.shape_cast %get3A_17 : vector<1x1x1000xi32> to vector<1x1000xi32>
    %iota3A = tpu.iota {dimensions = array<i32: 0>} : vector<64x1000xi32>
    %eq3A = vector.broadcast %get3A_13 : vector<1x1000xi32> to vector<64x1000xi32>
    %eq3A_19 = arith.cmpi eq, %iota3A, %eq3A : vector<64x1000xi32>
    %convert_element_type3A_20 = arith.extui %eq3A_19 : vector<64x1000xi1> to vector<64x1000xi32>
    %convert_element_type3A_21 = arith.sitofp %convert_element_type3A_20 : vector<64x1000xi32> to vector<64x1000xf32>
    %eq3A_22 = vector.broadcast %get3A_18 : vector<1x1000xi32> to vector<64x1000xi32>
    %eq3A_23 = arith.cmpi eq, %iota3A, %eq3A_22 : vector<64x1000xi32>
    %convert_element_type3A_24 = arith.extui %eq3A_23 : vector<64x1000xi1> to vector<64x1000xi32>
    %convert_element_type3A_25 = arith.sitofp %convert_element_type3A_24 : vector<64x1000xi32> to vector<64x1000xf32>
    %broadcast_in_dim3A = arith.constant 1.000000e+00 : f32
    %broadcast_in_dim3A_26 = vector.broadcast %broadcast_in_dim3A : f32 to vector<1000x64xf32>
    %slice3A = vector.extract_strided_slice %div3A {offsets = [0, 0], sizes = [1000, 64], strides = [1, 1]} : vector<1000x128xf32> to vector<1000x64xf32>
    %concatenate3A = tpu.concatenate %slice3A, %broadcast_in_dim3A_26 in 1 : vector<1000x64xf32>, vector<1000x64xf32> -> vector<1000x128xf32>
    %slice3A_27 = vector.extract_strided_slice %div3A {offsets = [0, 64], sizes = [1000, 64], strides = [1, 1]} : vector<1000x128xf32> to vector<1000x64xf32>
    %concatenate3A_28 = tpu.concatenate %slice3A_27, %broadcast_in_dim3A_26 in 1 : vector<1000x64xf32>, vector<1000x64xf32> -> vector<1000x128xf32>
    %dot_general3A = arith.constant dense<0.000000e+00> : vector<64x128xf32>
    %dot_general3A_29 = tpu.matmul %convert_element_type3A_21, %concatenate3A, %dot_general3A {dimension_numbers = #tpu.dot_dimension_numbers<[1], [0], [0], [1], [0, 0, 1, 1], [], []>, transpose_lhs_hint = false} : vector<64x1000xf32>, vector<1000x128xf32>, vector<64x128xf32> -> vector<64x128xf32>
    %dot_general3A_30 = arith.constant dense<0.000000e+00> : vector<64x128xf32>
    %dot_general3A_31 = tpu.matmul %convert_element_type3A_25, %concatenate3A_28, %dot_general3A_30 {dimension_numbers = #tpu.dot_dimension_numbers<[1], [0], [0], [1], [0, 0, 1, 1], [], []>, transpose_lhs_hint = false} : vector<64x1000xf32>, vector<1000x128xf32>, vector<64x128xf32> -> vector<64x128xf32>
    %add3A_32 = arith.addf %dot_general3A_29, %dot_general3A_31 : vector<64x128xf32>
    %eq3A_33 = arith.constant 0 : i32
    %eq3A_34 = arith.cmpi eq, %arg0, %eq3A_33 : i32
    %convert_element_type3A_35 = arith.extui %eq3A_34 : i1 to i32
    %cond3A = arith.constant 0 : i32
    %cond3A_36 = arith.cmpi ne, %convert_element_type3A_35, %cond3A : i32
    scf.if %cond3A_36 {
      %swap3A = arith.constant 0 : index
      %swap3A_46 = arith.constant 0 : index
      %swap3A_47 = vector.load %arg12[%swap3A, %swap3A_46] : memref<64x128xf32, #tpu.memory_space<vmem>>, vector<64x128xf32>
      tpu.vector_store %arg12[%swap3A, %swap3A_46], %add3A_32 {strides = array<i32>} : memref<64x128xf32, #tpu.memory_space<vmem>>, vector<64x128xf32>,
    } else {
    }
    %gt3A = arith.constant 0 : i32
    %gt3A_37 = arith.cmpi sgt, %arg0, %gt3A : i32
    %convert_element_type3A_38 = arith.extui %gt3A_37 : i1 to i32
    %cond3A_39 = arith.constant 0 : i32
    %cond3A_40 = arith.cmpi ne, %convert_element_type3A_38, %cond3A_39 : i32
    scf.if %cond3A_40 {
      %get3A_46 = arith.constant 0 : index
      %get3A_47 = arith.constant 0 : index
      %get3A_48 = vector.load %arg12[%get3A_46, %get3A_47] : memref<64x128xf32, #tpu.memory_space<vmem>>, vector<64x128xf32>
      %add3A_49 = arith.addf %get3A_48, %add3A_32 : vector<64x128xf32>
      %swap3A = arith.constant 0 : index
      %swap3A_50 = arith.constant 0 : index
      %swap3A_51 = vector.load %arg12[%swap3A, %swap3A_50] : memref<64x128xf32, #tpu.memory_space<vmem>>, vector<64x128xf32>
      tpu.vector_store %arg12[%swap3A, %swap3A_50], %add3A_49 {strides = array<i32>} : memref<64x128xf32, #tpu.memory_space<vmem>>, vector<64x128xf32>,
    } else {
    }
    %eq3A_41 = arith.constant 24 : i32
    %eq3A_42 = arith.cmpi eq, %arg0, %eq3A_41 : i32
    %convert_element_type3A_43 = arith.extui %eq3A_42 : i1 to i32
    %cond3A_44 = arith.constant 0 : i32
    %cond3A_45 = arith.cmpi ne, %convert_element_type3A_43, %cond3A_44 : i32
    scf.if %cond3A_45 {
      %get3A_46 = arith.constant 0 : index
      %get3A_47 = arith.constant 0 : index
      %get3A_48 = vector.load %arg12[%get3A_46, %get3A_47] : memref<64x128xf32, #tpu.memory_space<vmem>>, vector<64x64xf32>
      %get3A_49 = arith.constant 0 : index
      %get3A_50 = arith.constant 64 : index
      %get3A_51 = vector.load %arg12[%get3A_49, %get3A_50] : memref<64x128xf32, #tpu.memory_space<vmem>>, vector<64x1xf32>
      %max3A = arith.constant 1.000000e+00 : f32
      %max3A_52 = vector.broadcast %max3A : f32 to vector<64x1xf32>
      %max3A_53 = arith.maximumf %get3A_51, %max3A_52 : vector<64x1xf32>
      %div3A_54 = vector.broadcast %max3A_53 : vector<64x1xf32> to vector<64x64xf32>
      %div3A_55 = arith.divf %get3A_48, %div3A_54 : vector<64x64xf32>
      %gt3A_56 = arith.constant 0.000000e+00 : f32
      %gt3A_57 = vector.broadcast %gt3A_56 : f32 to vector<64x1xf32>
      %gt3A_58 = arith.cmpf ogt, %get3A_51, %gt3A_57 : vector<64x1xf32>
      %jit3A = arith.constant 1.000000e+00 : f32
      %jit3A_59 = arith.constant 0.000000e+00 : f32
      %broadcast_in_dim3A_60 = vector.broadcast %jit3A : f32 to vector<64x1xf32>
      %broadcast_in_dim3A_61 = vector.broadcast %jit3A_59 : f32 to vector<64x1xf32>
      %select_n3A = arith.select %gt3A_58, %broadcast_in_dim3A_60, %broadcast_in_dim3A_61 : vector<64x1xi1>, vector<64x1xf32>
      %get3A_62 = arith.constant 0 : index
      %get3A_63 = arith.constant 0 : index
      %get3A_64 = vector.load %arg6[%get3A_62, %get3A_63] : memref<1x64xf32, #tpu.memory_space<vmem>>, vector<1x64xf32>
      %mul3A = vector.broadcast %select_n3A : vector<64x1xf32> to vector<64x64xf32>
      %mul3A_65 = vector.broadcast %get3A_64 : vector<1x64xf32> to vector<64x64xf32>
      %mul3A_66 = arith.mulf %mul3A, %mul3A_65 : vector<64x64xf32>
      %add3A_67 = arith.addf %div3A_55, %mul3A_66 : vector<64x64xf32>
      %get3A_68 = arith.constant 0 : index
      %get3A_69 = arith.constant 0 : index
      %get3A_70 = vector.load %arg7[%get3A_68, %get3A_69] : memref<64x64xf32, #tpu.memory_space<vmem>>, vector<64x64xf32>
      %dot_general3A_71 = arith.constant dense<0.000000e+00> : vector<64x64xf32>
      %dot_general3A_72 = tpu.matmul %add3A_67, %get3A_70, %dot_general3A_71 {dimension_numbers = #tpu.dot_dimension_numbers<[1], [0], [0], [1], [0, 0, 1, 1], [], []>, transpose_lhs_hint = false} : vector<64x64xf32>, vector<64x64xf32>, vector<64x64xf32> -> vector<64x64xf32>
      %get3A_73 = arith.constant 0 : index
      %get3A_74 = arith.constant 0 : index
      %get3A_75 = vector.load %arg8[%get3A_73, %get3A_74] : memref<1x64xf32, #tpu.memory_space<vmem>>, vector<1x64xf32>
      %add3A_76 = vector.broadcast %get3A_75 : vector<1x64xf32> to vector<64x64xf32>
      %add3A_77 = arith.addf %dot_general3A_72, %add3A_76 : vector<64x64xf32>
      %max3A_78 = arith.constant 0.000000e+00 : f32
      %max3A_79 = vector.broadcast %max3A_78 : f32 to vector<64x64xf32>
      %max3A_80 = arith.maximumf %add3A_77, %max3A_79 : vector<64x64xf32>
      %get3A_81 = arith.constant 0 : index
      %get3A_82 = arith.constant 0 : index
      %get3A_83 = vector.load %arg9[%get3A_81, %get3A_82] : memref<64x2xf32, #tpu.memory_space<vmem>>, vector<64x2xf32>
      %dot_general3A_84 = arith.constant dense<0.000000e+00> : vector<64x2xf32>
      %dot_general3A_85 = tpu.matmul %max3A_80, %get3A_83, %dot_general3A_84 {dimension_numbers = #tpu.dot_dimension_numbers<[1], [0], [0], [1], [0, 0, 1, 1], [], []>, transpose_lhs_hint = false} : vector<64x64xf32>, vector<64x2xf32>, vector<64x2xf32> -> vector<64x2xf32>
      %get3A_86 = arith.constant 0 : index
      %get3A_87 = arith.constant 0 : index
      %get3A_88 = vector.load %arg10[%get3A_86, %get3A_87] : memref<1x2xf32, #tpu.memory_space<vmem>>, vector<1x2xf32>
      %add3A_89 = vector.broadcast %get3A_88 : vector<1x2xf32> to vector<64x2xf32>
      %add3A_90 = arith.addf %dot_general3A_85, %add3A_89 : vector<64x2xf32>
      %swap3A = arith.constant 0 : index
      %swap3A_91 = arith.constant 0 : index
      %swap3A_92 = vector.load %arg11[%swap3A, %swap3A_91] : memref<64x2xf32, #tpu.memory_space<vmem>>, vector<64x2xf32>
      tpu.vector_store %arg11[%swap3A, %swap3A_91], %add3A_90 {strides = array<i32>} : memref<64x2xf32, #tpu.memory_space<vmem>>, vector<64x2xf32>,
    } else {
    }
    return
  }
  func.func @transform_0(%arg0: i32) -> (i32, i32) {
    %c0_i32 = arith.constant 0 : i32
    %c0_i32_0 = arith.constant 0 : i32
    return %arg0, %c0_i32 : i32, i32
  }
  func.func @transform_1(%arg0: i32) -> (i32, i32) {
    %c0_i32 = arith.constant 0 : i32
    %c0_i32_0 = arith.constant 0 : i32
    return %arg0, %c0_i32 : i32, i32
  }
  func.func @transform_2(%arg0: i32) -> (i32, i32) {
    %c0_i32 = arith.constant 0 : i32
    %c0_i32_0 = arith.constant 0 : i32
    return %arg0, %c0_i32 : i32, i32
  }
  func.func @transform_3(%arg0: i32) -> (i32, i32, i32) {
    %c0_i32 = arith.constant 0 : i32
    %c0_i32_0 = arith.constant 0 : i32
    %c0_i32_1 = arith.constant 0 : i32
    return %arg0, %c0_i32, %c0_i32_0 : i32, i32, i32
  }
  func.func @transform_4(%arg0: i32) -> (i32, i32, i32) {
    %c0_i32 = arith.constant 0 : i32
    %c0_i32_0 = arith.constant 0 : i32
    %c0_i32_1 = arith.constant 0 : i32
    return %arg0, %c0_i32, %c0_i32_0 : i32, i32, i32
  }
  func.func @transform_5(%arg0: i32) -> (i32, i32) {
    %c0_i32 = arith.constant 0 : i32
    %c0_i32_0 = arith.constant 0 : i32
    %c0_i32_1 = arith.constant 0 : i32
    return %c0_i32, %c0_i32_0 : i32, i32
  }
  func.func @transform_6(%arg0: i32) -> (i32, i32) {
    %c0_i32 = arith.constant 0 : i32
    %c0_i32_0 = arith.constant 0 : i32
    %c0_i32_1 = arith.constant 0 : i32
    return %c0_i32, %c0_i32_0 : i32, i32
  }
  func.func @transform_7(%arg0: i32) -> (i32, i32) {
    %c0_i32 = arith.constant 0 : i32
    %c0_i32_0 = arith.constant 0 : i32
    %c0_i32_1 = arith.constant 0 : i32
    return %c0_i32, %c0_i32_0 : i32, i32
  }
  func.func @transform_8(%arg0: i32) -> (i32, i32) {
    %c0_i32 = arith.constant 0 : i32
    %c0_i32_0 = arith.constant 0 : i32
    %c0_i32_1 = arith.constant 0 : i32
    return %c0_i32, %c0_i32_0 : i32, i32
  }
  func.func @transform_9(%arg0: i32) -> (i32, i32) {
    %c0_i32 = arith.constant 0 : i32
    %c0_i32_0 = arith.constant 0 : i32
    %c0_i32_1 = arith.constant 0 : i32
    return %c0_i32, %c0_i32_0 : i32, i32
  }
  func.func @transform_10(%arg0: i32) -> (i32, i32) {
    %c0_i32 = arith.constant 0 : i32
    %c0_i32_0 = arith.constant 0 : i32
    %c0_i32_1 = arith.constant 0 : i32
    return %c0_i32, %c0_i32_0 : i32, i32
  }
}

</mosaic_0001>

<sc_bundles>
// kernel: kernel.12.cloned.1.call-start
scs
__scs_entry_jumppad:
0x0: {  	(pc) =	sbr.rel $0x88, $3  }
0x1: {  	(tag) =	ssettag $0x0;
	lr =	simm.s32 $0x1  }
0x2: {  	[smem:$0x3F93] =	sst lr;
	_ =	strace $0xD0000000  }
0x3: {  	_ = 	snop  }
0x4: {  	_ = 	snop  }
0x5: {  	_ = 	snop  }
0x6: {  	_ = 	snop  }
0x7: {  	_ = 	snop  }
__scs_overlays_trampoline_lowered:
0x8: {  	[smem:$0x3FA2] =	sst s0  }
0x9: {  	[smem:$0x3FA3] =	sst s1  }
0xa: {  	[smem:$0x3FA4] =	sst s2  }
0xb: {  	[smem:$0x3FA5] =	sst s3  }
0xc: {  	[smem:$0x3FA6] =	sst s4  }
0xd: {  	[smem:$0x3FA7] =	sst s5  }
0xe: {  	[smem:$0x3FA8] =	sst s6  }
0xf: {  	[smem:$0x3FA9] =	sst s7  }
0x10: {  	[smem:$0x3FAA] =	sst s8  }
0x11: {  	[smem:$0x3FAB] =	sst s9;
	s0 =	simm.s32 @!p0 $0x0  }
0x12: {  	s1 =	sld [smem:$0x3F91];
	s0 =	simm.s32 @p0 $0x1  }
0x13: {  	[smem:$0x3FAC] =	sst s0;
	s0 =	simm.s32 @!p1 $0x0  }
0x14: {  	s2 =	sld [smem:$0x3F90];
	s0 =	simm.s32 @p1 $0x1  }
0x15: {  	[smem:$0x3FAD] =	sst s0;
	s0 =	simm.s32 @!p2 $0x0  }
0x16: {  	s3 =	sld [smem:$0x3FDB];
	s0 =	simm.s32 @p2 $0x1  }
0x17: {  	s4 =	simm.s32 $0x1BF5;
	[smem:$0x3FAF] =	sst s0  }
0x18: {  	s0 =	sld [smem:$0x3F92];
	_ =	swait.ge [sflag:s4], $0x0  }
0x19: {  	s7 =	sld [smem:$0x3F93]  }
0x1a: {  	s8 =	sadd.s32 $0xFFFFE003, lr  }
0x1b: {  	s9 =	sadd.s32 $0xFFFFFEF7, lr;
	s5 =	simm.s32 $0xFFFFFFFF;
	p2 =	slt.u32 s8, $0xFFFFF086  }
0x1c: {  	p1 =	slt.u32 s9, $0xF7A;
	s5 =	simm.s32 @!p2 $0x0  }
0x1d: {  	s5 =	simm.s32 @p1 $0x1;
	p0 =	seq.s32 s7, s2  }
0x1e: {  	s7 =	smul.u32 @!p0 $0xF7A, s2;
	p2 =	seq.s32 @!p0 s5, $0x0  }
0x1f: {  	s9 =	smul.u32 $0xF7A, s1;
	s8 =	simm.s32 @!p0 $0x1BF5;
	p2 =	por !p2, p0  }
0x20: {  	[sflag:s8] =	ssyncset.s32 @!p0 $0xFFFFF086;
	s6 =	sadd.s32 @!p0 s3, s7;
	s7 =	simm.s32 @!p0 $0x108  }
0x21: {  	s3 =	sadd.s32 s3, s9;
	s6 =	sadd.s32 @!p0 $0x88, s6;
	s7 =	simm.s32 @p2 $0x1082  }
0x22: {  	[simem:s7], [sflag:s8] =	dma.local @!p0 [hbm:s6], $0xF7A  }
0x23: {  	s9 =	sor.u32 $0xD0000000, s2;
	s6 =	simm.s32 $0x108;
	_ =	swait.ge @!p0 [sflag:s8], $0x0  }
0x24: {  	s3 =	sadd.s32 $0x88, s3;
	s6 =	simm.s32 @!p1 $0x1082;
	[sflag:s4] =	ssyncset.s32 $0xFFFFF086  }
0x25: {  	[simem:s6], [sflag:s4] =	dma.local [hbm:s3], $0xF7A  }
0x26: {  	[smem:$0x3F93] =	sst s1;
	(tag) =	ssettag s2;
	_ =	strace s9  }
0x27: {  	s1 =	sld [smem:$0x3FA3]  }
0x28: {  	s2 =	sld [smem:$0x3FA4]  }
0x29: {  	s4 =	sld [smem:$0x3FA6]  }
0x2a: {  	p0 =	seq.s32 s5, $0x0;
	s5 =	sld [smem:$0x3FA7]  }
0x2b: {  	s6 =	sld [smem:$0x3FA8]  }
0x2c: {  	s7 =	sld [smem:$0x3FA9]  }
0x2d: {  	s3 =	simm.s32 $0x108;
	s8 =	sld [smem:$0x3FAA]  }
0x2e: {  	s3 =	simm.s32 @!p0 $0x1082;
	s9 =	sld [smem:$0x3FAB]  }
0x2f: {  	lr =	sadd.s32 s0, s3;
	s0 =	sld [smem:$0x3FA2]  }
0x30: {  	s3 =	sld [smem:$0x3FA5]  }
0x31: {  	[smem:$0x3FAE] =	sst s10  }
0x32: {  	s10 =	sld [smem:$0x3FAC];
	_ =	sdelay $0x3  }
0x33: {  	p0 =	seq.s32 s10, $0x1;
	s10 =	sld [smem:$0x3FAE];
	_ =	sdelay $0x3  }
0x34: {  	[smem:$0x3FAE] =	sst s10  }
0x35: {  	s10 =	sld [smem:$0x3FAD];
	_ =	sdelay $0x3  }
0x36: {  	p1 =	seq.s32 s10, $0x1;
	s10 =	sld [smem:$0x3FAE];
	_ =	sdelay $0x3  }
0x37: {  	[smem:$0x3FAE] =	sst s10  }
0x38: {  	s10 =	sld [smem:$0x3FAF]  }
0x39: {  	_ = 	snop;
	(pc) =	sbr.ind lr, $3  }
0x3a: {  	_ = 	snop  }
0x3b: {  	_ = 	snop  }
0x3c: {  	p2 =	seq.s32 s10, $0x1;
	s10 =	sld [smem:$0x3FAE]  }
0x3d: {  	_ =	shalt  }
0x3e: {  	_ =	shalt  }
0x3f: {  	_ =	shalt  }
0x40: {  	_ =	shalt  }
0x41: {  	_ =	shalt  }
0x42: {  	_ =	shalt  }
0x43: {  	_ =	shalt  }
0x44: {  	_ =	shalt  }
0x45: {  	_ =	shalt  }
0x46: {  	_ =	shalt  }
0x47: {  	_ =	shalt  }
0x48: {  	_ =	shalt  }
0x49: {  	_ =	shalt  }
0x4a: {  	_ =	shalt  }
0x4b: {  	_ =	shalt  }
0x4c: {  	_ =	shalt  }
0x4d: {  	_ =	shalt  }
0x4e: {  	_ =	shalt  }
0x4f: {  	_ =	shalt  }
0x50: {  	_ =	shalt  }
0x51: {  	_ =	shalt  }
0x52: {  	_ =	shalt  }
0x53: {  	_ =	shalt  }
0x54: {  	_ =	shalt  }
0x55: {  	_ =	shalt  }
0x56: {  	_ =	shalt  }
0x57: {  	_ =	shalt  }
0x58: {  	_ =	shalt  }
0x59: {  	_ =	shalt  }
0x5a: {  	_ =	shalt  }
0x5b: {  	_ =	shalt  }
0x5c: {  	_ =	shalt  }
0x5d: {  	_ =	shalt  }
0x5e: {  	_ =	shalt  }
0x5f: {  	_ =	shalt  }
0x60: {  	_ =	shalt  }
0x61: {  	_ =	shalt  }
0x62: {  	_ =	shalt  }
0x63: {  	_ =	shalt  }
0x64: {  	_ =	shalt  }
0x65: {  	_ =	shalt  }
0x66: {  	_ =	shalt  }
0x67: {  	_ =	shalt  }
0x68: {  	_ =	shalt  }
0x69: {  	_ =	shalt  }
0x6a: {  	_ =	shalt  }
0x6b: {  	_ =	shalt  }
0x6c: {  	_ =	shalt  }
0x6d: {  	_ =	shalt  }
0x6e: {  	_ =	shalt  }
0x6f: {  	_ =	shalt  }
0x70: {  	_ =	shalt  }
0x71: {  	_ =	shalt  }
0x72: {  	_ =	shalt  }
0x73: {  	_ =	shalt  }
0x74: {  	_ =	shalt  }
0x75: {  	_ =	shalt  }
0x76: {  	_ =	shalt  }
0x77: {  	_ =	shalt  }
0x78: {  	_ =	shalt  }
0x79: {  	_ =	shalt  }
0x7a: {  	_ =	shalt  }
0x7b: {  	_ =	shalt  }
0x7c: {  	_ =	shalt  }
0x7d: {  	_ =	shalt  }
0x7e: {  	_ =	shalt  }
0x7f: {  	_ =	shalt  }
0x80: {  	_ =	shalt  }
0x81: {  	_ =	shalt  }
0x82: {  	_ =	shalt  }
0x83: {  	_ =	shalt  }
0x84: {  	_ =	shalt  }
0x85: {  	_ =	shalt  }
0x86: {  	_ =	shalt  }
0x87: {  	_ =	shalt  }
.Lfunc_end0:
.L_simem_size_0:
called_computation_lowered:
.L_overlay_start_0:
0x88: {  	s2 =	sld [smem:$0x3FD9]  }
0x89: {  	s3 =	sld [smem:$0x3FFE];
	_ =	sdelay $0x1  }
0x8a: {  	s1 =	srdreg.scid  }
0x8b: {  	s0 =	sand.u32 $0x1, s1  }
0x8c: {  	s17 =	sshll.u32 s0, $0xA;
	s2 =	sadd.s32 s3, s2  }
0x8d: {  	s2 =	sadd.s32 s2, s17  }
0x8e: {  	[smem:$0x3FBA] =	sst s2  }
0x8f: {  	_ = 	snop  }
0x90: {  	(tm) =	ssettm $0x1  }
0x91: {  	s18 =	sld [smem:$0x3FFB];
	_ =	sdelay $0x3  }
0x92: {  	_ =	strace s18  }
0x93: {  	s2 =	sld [smem:$0x3FFC];
	_ =	sdelay $0x3  }
0x94: {  	_ =	strace s2  }
0x95: {  	s2 =	sld [smem:$0x3FFD];
	_ =	sdelay $0x3  }
0x96: {  	_ =	strace s2  }
0x97: {  	_ =	strace $0x8FFFFFFF  }
0x98: {  	s19 =	sld [smem:$0x3FDB];
	_ =	sdelay $0x1  }
0x99: {  	s20 =	simm.s32 $_scs_section_size  }
0x9a: {  	s4 =	simm.s32 $_size__tile_overlayer_lowered;
	s5 =	simm.s32 $_tile_overlayer_lowered  }
0x9b: {  	s6 =	simm.s32 $0x1BFF;
	s21 =	sshll.u32 s5, $0x1;
	s3 =	sadd.s32 s20, s19  }
0x9c: {  	s22 =	simm.s32 $0x0;
	s4 =	sshll.u32 s4, $0x1;
	s5 =	sadd.s32 s21, s3  }
0x9d: {  	[timem:s22], [sflag:s6] =	dma.local [hbm:s5], s4  }
0x9e: {  	_ =	swait.ge [sflag:s6], s4  }
0x9f: {  	s4 =	ssub.s32 $0x0, s4;
	[sflag:s6] =	ssyncset.done $0x0  }
0xa0: {  	[sflag:s6] =	ssyncadd.s32 s4;
	_ =	sdelay $0x1  }
0xa1: {  	s23 =	simm.s32 $0x1B8B  }
0xa2: {  	_ =	swait.ge [sflag:s23], $0x1  }
0xa3: {  	[sflag:s23] =	ssyncset.done $0x0  }
0xa4: {  	[sflag:s23] =	ssyncadd.s32 $0xFFFFFFFF  }
0xa5: {  	s4 =	sld [smem:$0x0]  }
0xa6: {  	s5 =	sand.u32 $0xFFFFFFFE, s1  }
0xa7: {  	p0 =	sne.s32 s1, s5  }
0xa8: {  	s5 =	sshll.u32 @p0 s5, $0xE  }
0xa9: {  	s5 =	sadd.s32 @p0 $0x11B8D, s5;
	s6 =	sshll.u32 @p0 s4, $0x11  }
0xaa: {  	s5 =	sor.u32 @p0 s6, s5  }
0xab: {  	[sflag:s5] =	ssyncadd.remote.s32 @p0 $0x1;
	_ =	sdelay $0x1  }
0xac: {  	s5 =	simm.s32 @p0 $0x1B8D  }
0xad: {  	_ =	swait.eq @p0 [sflag:s5], $0x1  }
0xae: {  	[sflag:s5] =	ssyncadd.s32 @p0 $0xFFFFFFFF  }
0xaf: {  	s6 =	sshll.u32 @!p0 s1, $0xE  }
0xb0: {  	s6 =	sor.u32 @!p0 $0x4000, s6;
	s5 =	simm.s32 @!p0 $0x1B8D  }
0xb1: {  	s4 =	sshll.u32 @!p0 s4, $0x11;
	s6 =	sadd.s32 @!p0 $0x11B8D, s6;
	_ =	swait.eq @!p0 [sflag:s5], $0x1  }
0xb2: {  	s4 =	sor.u32 @!p0 s4, s6;
	[sflag:s5] =	ssyncadd.s32 @!p0 $0xFFFFFFFF  }
0xb3: {  	s25 =	simm.s32 $0x1B8E;
	s24 =	sld [smem:$0x3FFE];
	[sflag:s4] =	ssyncadd.remote.s32 @!p0 $0x1  }
0xb4: {  	s26 =	simm.s32 $execute0_lowered;
	[smem:$0x3FD2] =	sst s25  }
0xb5: {  	s5 =	sshll.u32 s26, $0x1;
	_ =	strace $0x80000049;
	[dreg:$0x1] =	wrdreg $0xFFFFFFFF  }
0xb6: {  	s28 =	simm.s32 $_size_execute0_lowered;
	s3 =	sadd.s32 s3, s5;
	[dreg:$0x0] =	wrdreg $0x0  }
0xb7: {  	s5 =	sshll.u32 s28, $0x1;
	[dreg:$0x2] =	wrdreg s3  }
0xb8: {  	[dreg:$0x3] =	wrdreg s5  }
0xb9: {  	[dreg:$0x4] =	wrdreg $0xC0  }
0xba: {  	_ =	task [dreg:s22], $0x5FFFF  }
0xbb: {  	[dreg:$0x1] =	wrdreg $0xFFFFFFFF  }
0xbc: {  	[dreg:$0x0] =	wrdreg $0x60  }
0xbd: {  	[dreg:$0x2] =	wrdreg s24  }
0xbe: {  	[dreg:$0x3] =	wrdreg $0x10A500  }
0xbf: {  	[dreg:$0x4] =	wrdreg $0x9  }
0xc0: {  	_ =	task.clear_ibuf [dreg:s22], $0x5FFFF;
	_ =	strace $0x90000049  }
0xc1: {  	s29 =	simm.s32 $0x9;
	_ =	strace $0x8000004B  }
0xc2: {  	_ =	swait.ge [sflag:s29], $0x1  }
0xc3: {  	[sflag:s29] =	ssyncadd.s32 $0xFFFFFFFF  }
0xc4: {  	_ =	strace $0x9000004B  }
0xc5: {  	_ =	sfence  }
0xc6: {  	s30 =	sld [smem:$0x0];
	_ =	sdelay $0x2  }
0xc7: {  	s31 =	sshll.u32 s1, $0xD;
	s1 =	sshrl.u32 s1, $0x2  }
0xc8: {  	s4 =	sand.u32 $0x4000, s31;
	s1 =	sadd.s32 s1, s30  }
0xc9: {  	s0 =	sor.u32 s4, s0;
	s1 =	sshll.u32 s1, $0x11  }
0xca: {  	s0 =	sor.u32 s1, s0  }
0xcb: {  	s0 =	sadd.s32 $0x8F2B, s0  }
0xcc: {  	[sflag:s0] =	ssyncadd.remote.s32 $0x1  }
0xcd: {  	_ =	sfence.sel $0xFFFF  }
0xce: {  	[dreg:$0x0] =	wrdreg $0xFFFFFFFF;
	(pc) =	sbr.abs _section_cstart, $3  }
0xcf: {  	[dreg:$0x1] =	wrdreg $0xFFFFFFFF  }
0xd0: {  	_ =	task.clear_ibuf [dreg:s22], $0x2FFFF;
	_ =	strace $0x9FFFFFFF  }
0xd1: {  	(tm) =	ssettm $0x7FFFFFFF  }
tec
execute0_lowered:
.L_overlay_start_1:
0x0: {  	(tag) =	ssettag $0x1  }
0x1: {  	s4 =	rddreg [dreg:$0x0]  }
0x2: {  	s1 =	rddreg [dreg:$0x1]  }
0x3: {  	s0 =	rddreg [dreg:$0x2];
	s3 =	srdreg.scid  }
0x4: {  	s2 =	simm.s32 $0x0;
	s15 =	simm.s32 $0x3;
	s5 =	sand.u32 $0x1, s3  }
0x5: {  	s18 =	simm.s32 $0x4;
	s3 =	stileid.u32;
	s6 =	smul.u32 $0x186A0, s5  }
0x6: {  	s19 =	simm.s32 $0x0;
	[smem:$0x7FF] =	sst s2;
	s9 =	smul.u32 $0x31000, s3  }
0x7: {  	s10 =	sadd.s32 $0x64800, s4;
	_ =	strace $0x8000004A;
	s28 =	smul.u32 $0x61A80, s5  }
0x8: {  	s7 =	sshll.u32 s5, $0x4;
	s8 =	ssub.s32 $0x2, s5;
	s12 =	smul.u32 $0x61A8, s3  }
0x9: {  	s5 =	sadd.s32 $0xB7C00, s1;
	s13 =	smul.u32 $0xC400, s3;
	p0 =	seq.s32 s3, $0xF  }
0xa: {  	s7 =	sor.u32 s3, s7;
	s25 =	sshrl.u32 s8, $0x1;
	s11 =	sadd.s32 s6, s4  }
0xb: {  	s7 =	smul.u32 $0x61A8, s7;
	s8 =	ssub.s32 s8, s25;
	s26 =	sshrl.u32 s9, $0x2  }
0xc: {  	s9 =	sadd.s32 s12, s28;
	s16 =	sshrl.u32 s13, $0x3;
	s17 =	sadd.s32 s13, s1  }
0xd: {  	s12 =	simm.s32 $0x3E8;
	s13 =	simm.s32 $0x7D0;
	s4 =	sadd.s32 s26, s1  }
.Ltmp0:
0xe: {  	s9 =	sadd.s32 $0x7D0, s9;
	s8 =	smax.u32 s8, $0x1;
	(pc) =	sbr.rel .LBB2_1-.Ltmp0, $4  }
0xf: {  	s17 =	sshrl.u32 @!p0 s17, $0x3;
	s29 =	sshrl.u32 s7, $0x3;
	s14 =	sadd.s32 $0x3E8, s7  }
0x10: {  	s7 =	sadd.s32 $0x95800, s11;
	s31 =	sshrl.u32 s9, $0x3;
	s11 =	simm.s32 $0x1  }
0x11: {  	s6 =	sadd.s32 s10, s29;
	s30 =	sshrl.u32 s14, $0x3;
	s14 =	simm.s32 $0x2  }
0x12: {  	v0 =	vimm.f32 $0.0e+00;
	v1 =	vimm.f32 $1.000000000e+00;
	s16 =	sadd.s32 @!p0 s16, s7;
	s9 =	sadd.s32 s10, s30;
	s10 =	sadd.s32 s31, s10  }
.LBB2_8:
0x13: {  	[spmem:s1] =	stream.indirect.scatter.add.f32 [tilespmem:s13], [sflag:$0x3], $0x10, s2, s12, $0xb8;
	[tilespmem:$0x1CDA0] =	vst v63  }
.LBB2_12:
0x14: {  	_ =	swait.ge [sflag:s15], $0x3E80  }
0x15: {  	[sflag:s15] =	ssyncset.done $0x0  }
0x16: {  	s20 =	sadd.s32 @p0 $0x16F80, s7;
	[sflag:s15] =	ssyncadd.s32 $0xFFFFC180  }
0x17: {  	s21 =	sshrl.u32 @p0 s5, $0x3;
	s22 =	simm.s32 @p0 $0x1FC5;
	[bflag:$0x0] =	sbarrier.arrive $0xFFFF  }
0x18: {  	[hbm:s20], [sflag:s22] =	dma.local @p0 [spmem:s21], $0x1720  }
0x19: {  	s20 =	simm.s32 @p0 $0x5  }
0x1a: {  	_ =	swait.ge @p0 [sflag:s20], $0x1720  }
0x1b: {  	s19 =	sadd.s32 $0x1, s19;
	s21 =	sshll.u32 @!p0 s3, $0x6;
	[sflag:s20] =	ssyncset.done @p0 $0x0  }
0x1c: {  	p1 =	sne.s32 s19, s8;
	[sflag:s20] =	ssyncadd.s32 @p0 $0xFFFFE8E0;
	s20 =	sor.u32 @!p0 $0x1C05, s21  }
0x1d: {  	[hbm:s16], [sflag:s20] =	dma.local @!p0 [spmem:s17], $0x1880  }
.Ltmp1:
0x1e: {  	_ = 	snop;
	(pc) =	sbr.rel @!p1 .LBB2_13-.Ltmp1, $4  }
0x1f: {  	s20 =	simm.s32 @!p0 $0x5  }
0x20: {  	_ =	swait.ge @!p0 [sflag:s20], $0x1880  }
0x21: {  	[sflag:s20] =	ssyncset.done @!p0 $0x0  }
0x22: {  	[sflag:s20] =	ssyncadd.s32 @!p0 $0xFFFFE780  }
.LBB2_1:
0x23: {  	s20 =	simm.s32 $0x0  }
.LBB2_2:
0x24: {  	p1 =	sne.s32 s20, $0x30FC0  }
.Ltmp2:
0x25: {  	_ = 	snop;
	(pc) =	sbr.rel @p1 .LBB2_2-.Ltmp2, $3  }
0x26: {  	_ =	sdelay $0x1  }
0x27: {  	s21 =	sshra.s32 s20, $0x2  }
0x28: {  	s20 =	sadd.s32 $0x40, s20;
	[tilespmem:s21+$0x4650] =	vst v0  }
0x29: {  	s20 =	simm.s32 $0x40;
	s21 =	simm.s32 $0x0  }
.LBB2_4:
0x2a: {  	p1 =	sne.s32 s20, $0xF9C0;
	[tilespmem:s21+$0x7D0] =	vst v1;
	s21 =	smov.u32 s20;
	s20 =	sadd.s32 $0x40, s20  }
.Ltmp3:
0x2b: {  	(pc) =	sbr.rel @p1 .LBB2_4-.Ltmp3, $2  }
0x2c: {  	_ =	sdelay $0x2  }
0x2d: {  	s21 =	sshra.s32 s21, $0x2  }
0x2e: {  	[tilespmem:s21+$0x7D0] =	vst v1;
	s20 =	simm.s32 @p0 $0x4650  }
0x2f: {  	[spmem:s5] =	stream.linear.scatter @p0 [tilespmem:s20], [sflag:$0x5], $0xB900, $0x38;
	[tilespmem:$0x1CDA0] =	vst v63  }
0x30: {  	s20 =	simm.s32 @p0 $0x5  }
0x31: {  	_ =	swait.ge @p0 [sflag:s20], $0xB900  }
0x32: {  	[sflag:s20] =	ssyncset.done @p0 $0x0  }
0x33: {  	[sflag:s20] =	ssyncadd.s32 @p0 $0xFFFF4700;
	s20 =	simm.s32 @!p0 $0x4650  }
0x34: {  	[spmem:s4] =	stream.linear.scatter @!p0 [tilespmem:s20], [sflag:$0x5], $0xC400, $0x38;
	[tilespmem:$0x1CDA0] =	vst v63  }
0x35: {  	s20 =	simm.s32 @!p0 $0x5  }
0x36: {  	_ =	swait.ge @!p0 [sflag:s20], $0xC400  }
0x37: {  	[sflag:s20] =	ssyncset.done @!p0 $0x0  }
0x38: {  	[sflag:s20] =	ssyncadd.s32 @!p0 $0xFFFF3C00  }
0x39: {  	[bflag:$0x0] =	sbarrier.arrive $0xFFFF  }
0x3a: {  	[tilespmem:s2], [sflag:$0x1] =	stream.linear.gather [hbm4b:s6+s2], $0x3E8, $0x38;
	[tilespmem:$0x1CDA0] =	vst v63  }
0x3b: {  	_ =	swait.ge [sflag:s11], $0x3E8  }
.Ltmp4:
0x3c: {  	[sflag:s11] =	ssyncset.done $0x0;
	(pc) =	sbr.rel .LBB2_6-.Ltmp4, $4  }
0x3d: {  	[sflag:s11] =	ssyncadd.s32 $0xFFFFFC18  }
0x3e: {  	[tilespmem:s12], [sflag:$0x2] =	stream.linear.gather [hbm4b:s9+s2], $0x3E8, $0x38;
	[tilespmem:$0x1CDA0] =	vst v63  }
0x3f: {  	s21 =	smov.u32 s10;
	s20 =	simm.s32 $0xFFFFFFE8  }
0x40: {  	[spmem:s1] =	stream.indirect.scatter.add.f32 [tilespmem:s13], [sflag:$0x3], $0x10, s2, s12, $0xb8;
	[tilespmem:$0x1CDA0] =	vst v63  }
.LBB2_10:
0x41: {  	_ =	swait.ge [sflag:s14], $0x3E8  }
0x42: {  	[sflag:s14] =	ssyncset.done $0x0  }
0x43: {  	[sflag:s14] =	ssyncadd.s32 $0xFFFFFC18  }
0x44: {  	_ =	swait.ge [sflag:s15], $0x3E80  }
0x45: {  	p1 =	seq.s32 s20, $0xFFFFFFFF;
	[sflag:s15] =	ssyncset.done $0x0  }
0x46: {  	s22 =	simm.s32 @!p1 $0x0;
	[sflag:s15] =	ssyncadd.s32 $0xFFFFC180  }
0x47: {  	[tilespmem:s22], [sflag:$0x1] =	stream.linear.gather @!p1 [hbm4b:s21+s22], $0x3E8, $0x38;
	[tilespmem:$0x1CDA0] =	vst v63  }
0x48: {  	_ = 	snop  }
0x49: {  	[spmem:s1] =	stream.indirect.scatter.add.f32 [tilespmem:s13], [sflag:$0x4], $0x10, s12, s12, $0xb8;
	[tilespmem:$0x1CDA0] =	vst v63  }
.LBB2_11:
0x4a: {  	s20 =	sadd.s32 $0x1, s20  }
0x4b: {  	p1 =	seq.s32 s20, $0x0  }
.Ltmp5:
0x4c: {  	_ = 	snop;
	(pc) =	sbr.rel @p1 .LBB2_12-.Ltmp5, $2  }
0x4d: {  	_ =	sdelay $0x2  }
0x4e: {  	s21 =	sadd.s32 $0x7D, s21  }
.LBB2_6:
0x4f: {  	s22 =	sadd.s32 $0x19, s20  }
0x50: {  	s22 =	sand.u32 $0x1, s22  }
0x51: {  	p1 =	seq.s32 s22, $0x1  }
.Ltmp6:
0x52: {  	_ = 	snop;
	(pc) =	sbr.rel @p1 .LBB2_10-.Ltmp6, $1  }
0x53: {  	_ =	sdelay $0x3  }
0x54: {  	_ =	swait.ge [sflag:s11], $0x3E8;
	p1 =	sne.s32 s20, $0xFFFFFFFF  }
.Ltmp7:
0x55: {  	[sflag:s11] =	ssyncset.done $0x0;
	(pc) =	sbr.rel @!p1 .LBB2_8-.Ltmp7, $4  }
0x56: {  	[sflag:s11] =	ssyncadd.s32 $0xFFFFFC18  }
0x57: {  	_ =	swait.ge [sflag:s18], $0x3E80  }
0x58: {  	[sflag:s18] =	ssyncset.done $0x0  }
0x59: {  	[sflag:s18] =	ssyncadd.s32 $0xFFFFC180  }
0x5a: {  	p1 =	seq.s32 s22, $0x0  }
.Ltmp8:
0x5b: {  	_ = 	snop;
	(pc) =	sbr.rel @p1 .LBB2_11-.Ltmp8, $4  }
.Ltmp9:
0x5c: {  	_ = 	snop;
	(pc) =	sbr.rel @!p1 .LBB2_10-.Ltmp9, $4  }
0x5d: {  	[tilespmem:s12], [sflag:$0x2] =	stream.linear.gather [hbm4b:s21+s2], $0x3E8, $0x38;
	[tilespmem:$0x1CDA0] =	vst v63  }
0x5e: {  	_ = 	snop  }
0x5f: {  	[spmem:s1] =	stream.indirect.scatter.add.f32 [tilespmem:s13], [sflag:$0x3], $0x10, s2, s12, $0xb8;
	[tilespmem:$0x1CDA0] =	vst v63  }
0x60: {  	_ = 	snop  }
.LBB2_13:
0x61: {  	_ =	sfence.sel $0x180000  }
0x62: {  	[bflag:$0x0] =	sbarrier.arrive $0xFFFF  }
0x63: {  	p0 =	sne.s32 s3, $0x0;
	_ =	strace $0x9000004A  }
0x64: {  	s0 =	sadd.s32 @!p0 $0x100000, s0;
	[bflag:$0x2] =	sbarrier.arrive $0xFFFF  }
0x65: {  	[sflag:s0] =	ssyncadd.tile.s32 @!p0 $0x1;
	_ =	shalt  }
.Lfunc_end2:
_tile_overlayer_lowered:
.L_overlay_start_2:
0x66: {  	(tag) =	ssettag $0x2  }
0x67: {  	s0 =	rddreg [dreg:$0x0];
	s2 =	stileid.u32  }
0x68: {  	s1 =	rddreg [dreg:$0x1];
	p0 =	sne.s32 s2, $0x0  }
0x69: {  	s3 =	rddreg [dreg:$0x2];
	[bflag:$0x3] =	sbarrier.arrive $0xFFFF;
	s2 =	simm.s32 @!p0 $0x1C05  }
0x6a: {  	[timem:s3], [sflag:s2] =	dma.local @!p0 [hbm:s0], s1  }
0x6b: {  	s0 =	simm.s32 @!p0 $0x5  }
0x6c: {  	_ =	swait.ge @!p0 [sflag:s0], s1  }
0x6d: {  	s1 =	ssub.s32 @!p0 $0x0, s1;
	[sflag:s0] =	ssyncset.done @!p0 $0x0  }
0x6e: {  	[sflag:s0] =	ssyncadd.s32 @!p0 s1  }
0x6f: {  	[bflag:$0x3] =	sbarrier.arrive $0xFFFF  }
0x70: {  	_ =	shalt  }

// kernel: kernel.15.cloned.1.call-start
scs
__scs_entry_jumppad:
0x0: {  	(pc) =	sbr.rel $0x88, $3  }
0x1: {  	(tag) =	ssettag $0x0;
	lr =	simm.s32 $0x1  }
0x2: {  	[smem:$0x3F93] =	sst lr;
	_ =	strace $0xD0000000  }
0x3: {  	_ = 	snop  }
0x4: {  	_ = 	snop  }
0x5: {  	_ = 	snop  }
0x6: {  	_ = 	snop  }
0x7: {  	_ = 	snop  }
__scs_overlays_trampoline_lowered:
0x8: {  	[smem:$0x3FA2] =	sst s0  }
0x9: {  	[smem:$0x3FA3] =	sst s1  }
0xa: {  	[smem:$0x3FA4] =	sst s2  }
0xb: {  	[smem:$0x3FA5] =	sst s3  }
0xc: {  	[smem:$0x3FA6] =	sst s4  }
0xd: {  	[smem:$0x3FA7] =	sst s5  }
0xe: {  	[smem:$0x3FA8] =	sst s6  }
0xf: {  	[smem:$0x3FA9] =	sst s7  }
0x10: {  	[smem:$0x3FAA] =	sst s8  }
0x11: {  	[smem:$0x3FAB] =	sst s9;
	s0 =	simm.s32 @!p0 $0x0  }
0x12: {  	s1 =	sld [smem:$0x3F91];
	s0 =	simm.s32 @p0 $0x1  }
0x13: {  	[smem:$0x3FAC] =	sst s0;
	s0 =	simm.s32 @!p1 $0x0  }
0x14: {  	s2 =	sld [smem:$0x3F90];
	s0 =	simm.s32 @p1 $0x1  }
0x15: {  	[smem:$0x3FAD] =	sst s0;
	s0 =	simm.s32 @!p2 $0x0  }
0x16: {  	s3 =	sld [smem:$0x3FDB];
	s0 =	simm.s32 @p2 $0x1  }
0x17: {  	s4 =	simm.s32 $0x1BF5;
	[smem:$0x3FAF] =	sst s0  }
0x18: {  	s0 =	sld [smem:$0x3F92];
	_ =	swait.ge [sflag:s4], $0x0  }
0x19: {  	s7 =	sld [smem:$0x3F93]  }
0x1a: {  	s8 =	sadd.s32 $0xFFFFE003, lr  }
0x1b: {  	s9 =	sadd.s32 $0xFFFFFEF7, lr;
	s5 =	simm.s32 $0xFFFFFFFF;
	p2 =	slt.u32 s8, $0xFFFFF086  }
0x1c: {  	p1 =	slt.u32 s9, $0xF7A;
	s5 =	simm.s32 @!p2 $0x0  }
0x1d: {  	s5 =	simm.s32 @p1 $0x1;
	p0 =	seq.s32 s7, s2  }
0x1e: {  	s7 =	smul.u32 @!p0 $0xF7A, s2;
	p2 =	seq.s32 @!p0 s5, $0x0  }
0x1f: {  	s9 =	smul.u32 $0xF7A, s1;
	s8 =	simm.s32 @!p0 $0x1BF5;
	p2 =	por !p2, p0  }
0x20: {  	[sflag:s8] =	ssyncset.s32 @!p0 $0xFFFFF086;
	s6 =	sadd.s32 @!p0 s3, s7;
	s7 =	simm.s32 @!p0 $0x108  }
0x21: {  	s3 =	sadd.s32 s3, s9;
	s6 =	sadd.s32 @!p0 $0x88, s6;
	s7 =	simm.s32 @p2 $0x1082  }
0x22: {  	[simem:s7], [sflag:s8] =	dma.local @!p0 [hbm:s6], $0xF7A  }
0x23: {  	s9 =	sor.u32 $0xD0000000, s2;
	s6 =	simm.s32 $0x108;
	_ =	swait.ge @!p0 [sflag:s8], $0x0  }
0x24: {  	s3 =	sadd.s32 $0x88, s3;
	s6 =	simm.s32 @!p1 $0x1082;
	[sflag:s4] =	ssyncset.s32 $0xFFFFF086  }
0x25: {  	[simem:s6], [sflag:s4] =	dma.local [hbm:s3], $0xF7A  }
0x26: {  	[smem:$0x3F93] =	sst s1;
	(tag) =	ssettag s2;
	_ =	strace s9  }
0x27: {  	s1 =	sld [smem:$0x3FA3]  }
0x28: {  	s2 =	sld [smem:$0x3FA4]  }
0x29: {  	s4 =	sld [smem:$0x3FA6]  }
0x2a: {  	p0 =	seq.s32 s5, $0x0;
	s5 =	sld [smem:$0x3FA7]  }
0x2b: {  	s6 =	sld [smem:$0x3FA8]  }
0x2c: {  	s7 =	sld [smem:$0x3FA9]  }
0x2d: {  	s3 =	simm.s32 $0x108;
	s8 =	sld [smem:$0x3FAA]  }
0x2e: {  	s3 =	simm.s32 @!p0 $0x1082;
	s9 =	sld [smem:$0x3FAB]  }
0x2f: {  	lr =	sadd.s32 s0, s3;
	s0 =	sld [smem:$0x3FA2]  }
0x30: {  	s3 =	sld [smem:$0x3FA5]  }
0x31: {  	[smem:$0x3FAE] =	sst s10  }
0x32: {  	s10 =	sld [smem:$0x3FAC];
	_ =	sdelay $0x3  }
0x33: {  	p0 =	seq.s32 s10, $0x1;
	s10 =	sld [smem:$0x3FAE];
	_ =	sdelay $0x3  }
0x34: {  	[smem:$0x3FAE] =	sst s10  }
0x35: {  	s10 =	sld [smem:$0x3FAD];
	_ =	sdelay $0x3  }
0x36: {  	p1 =	seq.s32 s10, $0x1;
	s10 =	sld [smem:$0x3FAE];
	_ =	sdelay $0x3  }
0x37: {  	[smem:$0x3FAE] =	sst s10  }
0x38: {  	s10 =	sld [smem:$0x3FAF]  }
0x39: {  	_ = 	snop;
	(pc) =	sbr.ind lr, $3  }
0x3a: {  	_ = 	snop  }
0x3b: {  	_ = 	snop  }
0x3c: {  	p2 =	seq.s32 s10, $0x1;
	s10 =	sld [smem:$0x3FAE]  }
0x3d: {  	_ =	shalt  }
0x3e: {  	_ =	shalt  }
0x3f: {  	_ =	shalt  }
0x40: {  	_ =	shalt  }
0x41: {  	_ =	shalt  }
0x42: {  	_ =	shalt  }
0x43: {  	_ =	shalt  }
0x44: {  	_ =	shalt  }
0x45: {  	_ =	shalt  }
0x46: {  	_ =	shalt  }
0x47: {  	_ =	shalt  }
0x48: {  	_ =	shalt  }
0x49: {  	_ =	shalt  }
0x4a: {  	_ =	shalt  }
0x4b: {  	_ =	shalt  }
0x4c: {  	_ =	shalt  }
0x4d: {  	_ =	shalt  }
0x4e: {  	_ =	shalt  }
0x4f: {  	_ =	shalt  }
0x50: {  	_ =	shalt  }
0x51: {  	_ =	shalt  }
0x52: {  	_ =	shalt  }
0x53: {  	_ =	shalt  }
0x54: {  	_ =	shalt  }
0x55: {  	_ =	shalt  }
0x56: {  	_ =	shalt  }
0x57: {  	_ =	shalt  }
0x58: {  	_ =	shalt  }
0x59: {  	_ =	shalt  }
0x5a: {  	_ =	shalt  }
0x5b: {  	_ =	shalt  }
0x5c: {  	_ =	shalt  }
0x5d: {  	_ =	shalt  }
0x5e: {  	_ =	shalt  }
0x5f: {  	_ =	shalt  }
0x60: {  	_ =	shalt  }
0x61: {  	_ =	shalt  }
0x62: {  	_ =	shalt  }
0x63: {  	_ =	shalt  }
0x64: {  	_ =	shalt  }
0x65: {  	_ =	shalt  }
0x66: {  	_ =	shalt  }
0x67: {  	_ =	shalt  }
0x68: {  	_ =	shalt  }
0x69: {  	_ =	shalt  }
0x6a: {  	_ =	shalt  }
0x6b: {  	_ =	shalt  }
0x6c: {  	_ =	shalt  }
0x6d: {  	_ =	shalt  }
0x6e: {  	_ =	shalt  }
0x6f: {  	_ =	shalt  }
0x70: {  	_ =	shalt  }
0x71: {  	_ =	shalt  }
0x72: {  	_ =	shalt  }
0x73: {  	_ =	shalt  }
0x74: {  	_ =	shalt  }
0x75: {  	_ =	shalt  }
0x76: {  	_ =	shalt  }
0x77: {  	_ =	shalt  }
0x78: {  	_ =	shalt  }
0x79: {  	_ =	shalt  }
0x7a: {  	_ =	shalt  }
0x7b: {  	_ =	shalt  }
0x7c: {  	_ =	shalt  }
0x7d: {  	_ =	shalt  }
0x7e: {  	_ =	shalt  }
0x7f: {  	_ =	shalt  }
0x80: {  	_ =	shalt  }
0x81: {  	_ =	shalt  }
0x82: {  	_ =	shalt  }
0x83: {  	_ =	shalt  }
0x84: {  	_ =	shalt  }
0x85: {  	_ =	shalt  }
0x86: {  	_ =	shalt  }
0x87: {  	_ =	shalt  }
.Lfunc_end0:
.L_simem_size_0:
called_computation.1_lowered:
.L_overlay_start_0:
0x88: {  	s2 =	sld [smem:$0x3FD9]  }
0x89: {  	s3 =	sld [smem:$0x3FFE];
	_ =	sdelay $0x1  }
0x8a: {  	s1 =	srdreg.scid  }
0x8b: {  	s0 =	sand.u32 $0x1, s1  }
0x8c: {  	s17 =	sshll.u32 s0, $0xA;
	s2 =	sadd.s32 s3, s2  }
0x8d: {  	s2 =	sadd.s32 s2, s17  }
0x8e: {  	[smem:$0x3FBA] =	sst s2  }
0x8f: {  	_ = 	snop  }
0x90: {  	(tm) =	ssettm $0x1  }
0x91: {  	s18 =	sld [smem:$0x3FFB];
	_ =	sdelay $0x3  }
0x92: {  	_ =	strace s18  }
0x93: {  	s2 =	sld [smem:$0x3FFC];
	_ =	sdelay $0x3  }
0x94: {  	_ =	strace s2  }
0x95: {  	s2 =	sld [smem:$0x3FFD];
	_ =	sdelay $0x3  }
0x96: {  	_ =	strace s2  }
0x97: {  	_ =	strace $0x8FFFFFFF  }
0x98: {  	s19 =	sld [smem:$0x3FDB];
	_ =	sdelay $0x1  }
0x99: {  	s20 =	simm.s32 $_scs_section_size  }
0x9a: {  	s4 =	simm.s32 $_size__tile_overlayer_lowered;
	s5 =	simm.s32 $_tile_overlayer_lowered  }
0x9b: {  	s6 =	simm.s32 $0x1BFF;
	s21 =	sshll.u32 s5, $0x1;
	s3 =	sadd.s32 s20, s19  }
0x9c: {  	s22 =	simm.s32 $0x0;
	s4 =	sshll.u32 s4, $0x1;
	s5 =	sadd.s32 s21, s3  }
0x9d: {  	[timem:s22], [sflag:s6] =	dma.local [hbm:s5], s4  }
0x9e: {  	_ =	swait.ge [sflag:s6], s4  }
0x9f: {  	s4 =	ssub.s32 $0x0, s4;
	[sflag:s6] =	ssyncset.done $0x0  }
0xa0: {  	[sflag:s6] =	ssyncadd.s32 s4;
	_ =	sdelay $0x1  }
0xa1: {  	s23 =	simm.s32 $0x1B8B  }
0xa2: {  	_ =	swait.ge [sflag:s23], $0x1  }
0xa3: {  	[sflag:s23] =	ssyncset.done $0x0  }
0xa4: {  	[sflag:s23] =	ssyncadd.s32 $0xFFFFFFFF  }
0xa5: {  	s4 =	sld [smem:$0x0]  }
0xa6: {  	s5 =	sand.u32 $0xFFFFFFFE, s1  }
0xa7: {  	p0 =	sne.s32 s1, s5  }
0xa8: {  	s5 =	sshll.u32 @p0 s5, $0xE  }
0xa9: {  	s5 =	sadd.s32 @p0 $0x11B8D, s5;
	s6 =	sshll.u32 @p0 s4, $0x11  }
0xaa: {  	s5 =	sor.u32 @p0 s6, s5  }
0xab: {  	[sflag:s5] =	ssyncadd.remote.s32 @p0 $0x1;
	_ =	sdelay $0x1  }
0xac: {  	s5 =	simm.s32 @p0 $0x1B8D  }
0xad: {  	_ =	swait.eq @p0 [sflag:s5], $0x1  }
0xae: {  	[sflag:s5] =	ssyncadd.s32 @p0 $0xFFFFFFFF  }
0xaf: {  	s6 =	sshll.u32 @!p0 s1, $0xE  }
0xb0: {  	s6 =	sor.u32 @!p0 $0x4000, s6;
	s5 =	simm.s32 @!p0 $0x1B8D  }
0xb1: {  	s4 =	sshll.u32 @!p0 s4, $0x11;
	s6 =	sadd.s32 @!p0 $0x11B8D, s6;
	_ =	swait.eq @!p0 [sflag:s5], $0x1  }
0xb2: {  	s4 =	sor.u32 @!p0 s4, s6;
	[sflag:s5] =	ssyncadd.s32 @!p0 $0xFFFFFFFF  }
0xb3: {  	s25 =	simm.s32 $0x1B8E;
	s24 =	sld [smem:$0x3FFE];
	[sflag:s4] =	ssyncadd.remote.s32 @!p0 $0x1  }
0xb4: {  	s26 =	simm.s32 $execute0_lowered;
	[smem:$0x3FD2] =	sst s25  }
0xb5: {  	s5 =	sshll.u32 s26, $0x1;
	_ =	strace $0x8000004F;
	[dreg:$0x1] =	wrdreg $0xFFFFFFFF  }
0xb6: {  	s28 =	simm.s32 $_size_execute0_lowered;
	s3 =	sadd.s32 s3, s5;
	[dreg:$0x0] =	wrdreg $0x0  }
0xb7: {  	s5 =	sshll.u32 s28, $0x1;
	[dreg:$0x2] =	wrdreg s3  }
0xb8: {  	[dreg:$0x3] =	wrdreg s5  }
0xb9: {  	[dreg:$0x4] =	wrdreg $0xC0  }
0xba: {  	_ =	task [dreg:s22], $0x5FFFF  }
0xbb: {  	[dreg:$0x1] =	wrdreg $0xFFFFFFFF  }
0xbc: {  	[dreg:$0x0] =	wrdreg $0x60  }
0xbd: {  	[dreg:$0x2] =	wrdreg s24  }
0xbe: {  	[dreg:$0x3] =	wrdreg $0x9  }
0xbf: {  	_ =	task.clear_ibuf [dreg:s22], $0x4FFFF;
	_ =	strace $0x9000004F  }
0xc0: {  	s29 =	simm.s32 $0x9;
	_ =	strace $0x80000051  }
0xc1: {  	_ =	swait.ge [sflag:s29], $0x1  }
0xc2: {  	[sflag:s29] =	ssyncadd.s32 $0xFFFFFFFF  }
0xc3: {  	_ =	strace $0x90000051  }
0xc4: {  	_ =	sfence  }
0xc5: {  	s30 =	sld [smem:$0x0];
	_ =	sdelay $0x2  }
0xc6: {  	s31 =	sshll.u32 s1, $0xD;
	s1 =	sshrl.u32 s1, $0x2  }
0xc7: {  	s4 =	sand.u32 $0x4000, s31;
	s1 =	sadd.s32 s1, s30  }
0xc8: {  	s0 =	sor.u32 s4, s0;
	s1 =	sshll.u32 s1, $0x11  }
0xc9: {  	s0 =	sor.u32 s1, s0  }
0xca: {  	s0 =	sadd.s32 $0x8F2B, s0  }
0xcb: {  	[sflag:s0] =	ssyncadd.remote.s32 $0x1  }
0xcc: {  	_ =	sfence.sel $0xFFFF  }
0xcd: {  	[dreg:$0x0] =	wrdreg $0xFFFFFFFF;
	(pc) =	sbr.abs _section_cstart, $3  }
0xce: {  	[dreg:$0x1] =	wrdreg $0xFFFFFFFF  }
0xcf: {  	_ =	task.clear_ibuf [dreg:s22], $0x2FFFF;
	_ =	strace $0x9FFFFFFF  }
0xd0: {  	(tm) =	ssettm $0x7FFFFFFF  }
0xd1: {  	_ =	shalt  }
tec
execute0_lowered:
.L_overlay_start_1:
0x0: {  	(tag) =	ssettag $0x1  }
0x1: {  	s10 =	rddreg [dreg:$0x0]  }
0x2: {  	s1 =	srdreg.scid;
	s0 =	rddreg [dreg:$0x1];
	s2 =	simm.s32 $0x0  }
0x3: {  	s12 =	simm.s32 $0x1;
	s14 =	simm.s32 $0x3100;
	s3 =	sand.u32 $0x1, s1  }
0x4: {  	s17 =	simm.s32 $0x0;
	s1 =	stileid.u32;
	s4 =	sshll.u32 s3, $0x4  }
0x5: {  	[smem:$0x7FF] =	sst s2;
	s7 =	sadd.s32 $0x95800, s10;
	s15 =	sor.u32 s1, s4  }
0x6: {  	s8 =	sadd.s32 $0xC6600, s10;
	s3 =	ssub.s32 $0x2, s3;
	s5 =	smul.u32 $0x310, s15  }
0x7: {  	_ =	strace $0x80000050;
	s31 =	sshrl.u32 s3, $0x1;
	s13 =	smul.u32 $0xC40, s15  }
0x8: {  	s4 =	sadd.s32 $0xADEA0, s10;
	s11 =	ssub.s32 s3, s31;
	s6 =	smul.u32 $0x3100, s15  }
.Ltmp0:
0x9: {  	p0 =	seq.s32 s15, $0x1F;
	s15 =	simm.s32 $0x6200;
	(pc) =	sbr.rel .LBB2_1-.Ltmp0, $4  }
0xa: {  	s16 =	sadd.s32 $0x181E0, s4;
	s11 =	smax.u32 s11, $0x1;
	s9 =	sadd.s32 $0x188, s5  }
0xb: {  	s3 =	sadd.s32 s7, s13;
	s5 =	sadd.s32 s8, s6;
	s6 =	sshll.u32 s9, $0x2  }
0xc: {  	s13 =	sadd.s32 s13, s4;
	s9 =	sshll.u32 s9, $0x4;
	s7 =	sadd.s32 s7, s6  }
0xd: {  	s8 =	sadd.s32 s8, s9;
	s9 =	sadd.s32 $0xAD9E0, s10;
	s10 =	sadd.s32 $0x126D80, s10  }
.LBB2_6:
0xe: {  	v2 =	vld [tilespmem:s21+$0x30F0]  }
0xf: {  	v3 =	vld [tilespmem:s21+$0xFFFFFFF0]  }
0x10: {  	v0 =	vadd.f32 v1, v0;
	_ =	sdelay $0x1  }
0x11: {  	v0 =	vadd.f32 $1.000000000e+00, v0;
	_ =	sdelay $0x1  }
0x12: {  	[tilespmem:s18+$0x30] =	vst v0;
	v63 =	vadd.f32 v2, v3  }
0x13: {  	[tilespmem:s18+$0x0] =	vst v0  }
0x14: {  	[tilespmem:s18+$0x10] =	vst v0;
	v1 =	vadd.f32 $1.000000000e+00, v63  }
0x15: {  	[tilespmem:s18+$0x20] =	vst v0  }
0x16: {  	[tilespmem:s18+$0xFFFFFFC0] =	vst v1  }
0x17: {  	[tilespmem:s18+$0xFFFFFFD0] =	vst v1  }
0x18: {  	[tilespmem:s18+$0xFFFFFFE0] =	vst v1  }
0x19: {  	[tilespmem:s18+$0xFFFFFFF0] =	vst v1  }
0x1a: {  	[hbm4b:s8+s2] =	stream.linear.scatter [tilespmem:s15], [sflag:$0x1], $0xC400, $0x38;
	[tilespmem:$0x12600] =	vst v63  }
0x1b: {  	_ =	swait.ge [sflag:s12], $0xC400  }
0x1c: {  	[sflag:s12] =	ssyncset.done $0x0  }
0x1d: {  	[sflag:s12] =	ssyncadd.s32 $0xFFFF3C00  }
.LBB2_10:
0x1e: {  	s17 =	sadd.s32 $0x1, s17  }
0x1f: {  	p1 =	sne.s32 s17, s11  }
.Ltmp1:
0x20: {  	_ = 	snop;
	(pc) =	sbr.rel @!p1 .LBB2_11-.Ltmp1, $1  }
0x21: {  	_ =	sdelay $0x3  }
.LBB2_1:
0x22: {  	[tilespmem:s2], [sflag:$0x1] =	stream.linear.gather [hbm4b:s3+s2], $0x3100, $0x38;
	[tilespmem:$0x12600] =	vst v63  }
0x23: {  	_ =	swait.ge [sflag:s12], $0x3100  }
0x24: {  	[sflag:s12] =	ssyncset.done $0x0  }
0x25: {  	[sflag:s12] =	ssyncadd.s32 $0xFFFFCF00  }
0x26: {  	[tilespmem:s14], [sflag:$0x1] =	stream.linear.gather [hbm4b:s13+s2], $0x3100, $0x38;
	[tilespmem:$0x12600] =	vst v63  }
0x27: {  	_ =	swait.ge [sflag:s12], $0x3100  }
0x28: {  	[sflag:s12] =	ssyncset.done $0x0  }
0x29: {  	s21 =	simm.s32 $0x10;
	[sflag:s12] =	ssyncadd.s32 $0xFFFFCF00  }
0x2a: {  	v0 =	vld [tilespmem:s21+$0x0]  }
0x2b: {  	s19 =	simm.s32 $0x6240;
	s20 =	simm.s32 $0xC0;
	s18 =	simm.s32 $0x6240;
	v1 =	vld [tilespmem:s21+$0x3100]  }
.LBB2_2:
0x2c: {  	_ = 	snop  }
0x2d: {  	p1 =	sne.s32 s20, $0xC3C0  }
0x2e: {  	v2 =	vld [tilespmem:s21+$0x30F0];
	s19 =	sadd.s32 $0x80, s19;
	s22 =	smov.u32 s20;
	s20 =	sadd.s32 $0x80, s20  }
0x2f: {  	v3 =	vld [tilespmem:s21+$0xFFFFFFF0]  }
0x30: {  	v0 =	vadd.f32 v1, v0;
	_ =	sdelay $0x1  }
0x31: {  	v0 =	vadd.f32 $1.000000000e+00, v0;
	_ =	sdelay $0x1  }
0x32: {  	v1 =	vadd.f32 v2, v3;
	[tilespmem:s18+$0x30] =	vst v0  }
0x33: {  	[tilespmem:s18+$0x0] =	vst v0  }
0x34: {  	s21 =	sshra.s32 s22, $0x2;
	v1 =	vadd.f32 $1.000000000e+00, v1;
	[tilespmem:s18+$0x10] =	vst v0  }
0x35: {  	[tilespmem:s18+$0x20] =	vst v0  }
0x36: {  	[tilespmem:s18+$0xFFFFFFC0] =	vst v1  }
.Ltmp2:
0x37: {  	[tilespmem:s18+$0xFFFFFFD0] =	vst v1;
	(pc) =	sbr.rel @p1 .LBB2_2-.Ltmp2, $4  }
0x38: {  	[tilespmem:s18+$0xFFFFFFE0] =	vst v1  }
0x39: {  	[tilespmem:s18+$0xFFFFFFF0] =	vst v1;
	s18 =	smov.u32 s19  }
0x3a: {  	v0 =	vld [tilespmem:s21+$0x0]  }
0x3b: {  	v1 =	vld [tilespmem:s21+$0x3100]  }
0x3c: {  	_ =	sdelay $0x1  }
0x3d: {  	v2 =	vld [tilespmem:s21+$0x30F0]  }
0x3e: {  	v3 =	vld [tilespmem:s21+$0xFFFFFFF0]  }
0x3f: {  	v0 =	vadd.f32 v1, v0;
	_ =	sdelay $0x1  }
0x40: {  	v0 =	vadd.f32 $1.000000000e+00, v0;
	_ =	sdelay $0x1  }
0x41: {  	v63 =	vadd.f32 v2, v3;
	[tilespmem:s18+$0x30] =	vst v0  }
0x42: {  	[tilespmem:s18+$0x0] =	vst v0  }
0x43: {  	v1 =	vadd.f32 $1.000000000e+00, v63;
	[tilespmem:s18+$0x10] =	vst v0  }
0x44: {  	[tilespmem:s18+$0x20] =	vst v0  }
0x45: {  	[tilespmem:s18+$0xFFFFFFC0] =	vst v1  }
0x46: {  	[tilespmem:s18+$0xFFFFFFD0] =	vst v1  }
0x47: {  	[tilespmem:s18+$0xFFFFFFE0] =	vst v1  }
.Ltmp3:
0x48: {  	[tilespmem:s18+$0xFFFFFFF0] =	vst v1;
	(pc) =	sbr.rel @!p0 .LBB2_4-.Ltmp3, $4  }
0x49: {  	[hbm4b:s5+s2] =	stream.linear.scatter [tilespmem:s15], [sflag:$0x1], $0xC400, $0x38;
	[tilespmem:$0x12600] =	vst v63  }
0x4a: {  	_ =	swait.ge [sflag:s12], $0xC400  }
0x4b: {  	[sflag:s12] =	ssyncset.done $0x0  }
0x4c: {  	[sflag:s12] =	ssyncadd.s32 $0xFFFF3C00  }
0x4d: {  	[tilespmem:s2], [sflag:$0x1] =	stream.linear.gather [hbm4b:s9+s2], $0x2600, $0x38;
	[tilespmem:$0x12600] =	vst v63  }
0x4e: {  	_ =	swait.ge [sflag:s12], $0x2600  }
0x4f: {  	[sflag:s12] =	ssyncset.done $0x0  }
0x50: {  	[sflag:s12] =	ssyncadd.s32 $0xFFFFDA00  }
0x51: {  	[tilespmem:s14], [sflag:$0x1] =	stream.linear.gather [hbm4b:s16+s2], $0x2600, $0x38;
	[tilespmem:$0x12600] =	vst v63  }
0x52: {  	_ =	swait.ge [sflag:s12], $0x2600  }
0x53: {  	[sflag:s12] =	ssyncset.done $0x0  }
0x54: {  	s21 =	simm.s32 $0x10;
	[sflag:s12] =	ssyncadd.s32 $0xFFFFDA00  }
0x55: {  	v0 =	vld [tilespmem:s21+$0x0]  }
0x56: {  	s19 =	simm.s32 $0x6240;
	s20 =	simm.s32 $0xC0;
	s18 =	simm.s32 $0x6240;
	v1 =	vld [tilespmem:s21+$0x3100]  }
.LBB2_8:
0x57: {  	_ = 	snop  }
0x58: {  	p1 =	sne.s32 s20, $0x97C0  }
0x59: {  	v2 =	vld [tilespmem:s21+$0x30F0];
	s19 =	sadd.s32 $0x80, s19;
	s22 =	smov.u32 s20;
	s20 =	sadd.s32 $0x80, s20  }
0x5a: {  	v3 =	vld [tilespmem:s21+$0xFFFFFFF0]  }
0x5b: {  	v0 =	vadd.f32 v1, v0;
	_ =	sdelay $0x1  }
0x5c: {  	v0 =	vadd.f32 $1.000000000e+00, v0;
	_ =	sdelay $0x1  }
0x5d: {  	v1 =	vadd.f32 v2, v3;
	[tilespmem:s18+$0x30] =	vst v0  }
0x5e: {  	[tilespmem:s18+$0x0] =	vst v0  }
0x5f: {  	s21 =	sshra.s32 s22, $0x2;
	v1 =	vadd.f32 $1.000000000e+00, v1;
	[tilespmem:s18+$0x10] =	vst v0  }
0x60: {  	[tilespmem:s18+$0x20] =	vst v0  }
0x61: {  	[tilespmem:s18+$0xFFFFFFC0] =	vst v1  }
.Ltmp4:
0x62: {  	[tilespmem:s18+$0xFFFFFFD0] =	vst v1;
	(pc) =	sbr.rel @p1 .LBB2_8-.Ltmp4, $4  }
0x63: {  	[tilespmem:s18+$0xFFFFFFE0] =	vst v1  }
0x64: {  	[tilespmem:s18+$0xFFFFFFF0] =	vst v1;
	s18 =	smov.u32 s19  }
0x65: {  	v0 =	vld [tilespmem:s21+$0x0]  }
0x66: {  	v1 =	vld [tilespmem:s21+$0x3100]  }
0x67: {  	_ =	sdelay $0x1  }
0x68: {  	v2 =	vld [tilespmem:s21+$0x30F0]  }
0x69: {  	v3 =	vld [tilespmem:s21+$0xFFFFFFF0]  }
0x6a: {  	v0 =	vadd.f32 v1, v0;
	_ =	sdelay $0x1  }
0x6b: {  	v0 =	vadd.f32 $1.000000000e+00, v0;
	_ =	sdelay $0x1  }
0x6c: {  	v63 =	vadd.f32 v2, v3;
	[tilespmem:s18+$0x30] =	vst v0  }
0x6d: {  	[tilespmem:s18+$0x0] =	vst v0  }
0x6e: {  	v1 =	vadd.f32 $1.000000000e+00, v63;
	[tilespmem:s18+$0x10] =	vst v0  }
0x6f: {  	[tilespmem:s18+$0x20] =	vst v0  }
0x70: {  	[tilespmem:s18+$0xFFFFFFC0] =	vst v1  }
0x71: {  	[tilespmem:s18+$0xFFFFFFD0] =	vst v1  }
0x72: {  	[tilespmem:s18+$0xFFFFFFE0] =	vst v1  }
.Ltmp5:
0x73: {  	[tilespmem:s18+$0xFFFFFFF0] =	vst v1;
	(pc) =	sbr.rel .LBB2_10-.Ltmp5, $4  }
0x74: {  	[hbm4b:s10+s2] =	stream.linear.scatter [tilespmem:s15], [sflag:$0x1], $0x9800, $0x38;
	[tilespmem:$0x12600] =	vst v63  }
0x75: {  	_ =	swait.ge [sflag:s12], $0x9800  }
0x76: {  	[sflag:s12] =	ssyncset.done $0x0  }
0x77: {  	[sflag:s12] =	ssyncadd.s32 $0xFFFF6800  }
.LBB2_4:
0x78: {  	[tilespmem:s2], [sflag:$0x1] =	stream.linear.gather [hbm4b:s7+s2], $0x3100, $0x38;
	[tilespmem:$0x12600] =	vst v63  }
0x79: {  	_ =	swait.ge [sflag:s12], $0x3100  }
0x7a: {  	[sflag:s12] =	ssyncset.done $0x0  }
0x7b: {  	s18 =	sadd.s32 s6, s4;
	[sflag:s12] =	ssyncadd.s32 $0xFFFFCF00  }
0x7c: {  	[tilespmem:s14], [sflag:$0x1] =	stream.linear.gather [hbm4b:s18+s2], $0x3100, $0x38;
	[tilespmem:$0x12600] =	vst v63  }
0x7d: {  	_ =	swait.ge [sflag:s12], $0x3100  }
0x7e: {  	[sflag:s12] =	ssyncset.done $0x0  }
0x7f: {  	s21 =	simm.s32 $0x10;
	[sflag:s12] =	ssyncadd.s32 $0xFFFFCF00  }
0x80: {  	v0 =	vld [tilespmem:s21+$0x0]  }
0x81: {  	v1 =	vld [tilespmem:s21+$0x3100]  }
0x82: {  	s19 =	simm.s32 $0x6240;
	s20 =	simm.s32 $0xC0;
	s18 =	simm.s32 $0x6240  }
.LBB2_5:
0x83: {  	p1 =	sne.s32 s20, $0xC3C0  }
0x84: {  	v2 =	vld [tilespmem:s21+$0x30F0];
	s19 =	sadd.s32 $0x80, s19;
	s22 =	smov.u32 s20;
	s20 =	sadd.s32 $0x80, s20  }
0x85: {  	v3 =	vld [tilespmem:s21+$0xFFFFFFF0]  }
0x86: {  	v0 =	vadd.f32 v1, v0;
	_ =	sdelay $0x1  }
0x87: {  	v0 =	vadd.f32 $1.000000000e+00, v0;
	_ =	sdelay $0x1  }
0x88: {  	v1 =	vadd.f32 v2, v3;
	[tilespmem:s18+$0x30] =	vst v0  }
0x89: {  	[tilespmem:s18+$0x0] =	vst v0  }
0x8a: {  	s21 =	sshra.s32 s22, $0x2;
	v1 =	vadd.f32 $1.000000000e+00, v1;
	[tilespmem:s18+$0x10] =	vst v0  }
0x8b: {  	[tilespmem:s18+$0x20] =	vst v0  }
0x8c: {  	[tilespmem:s18+$0xFFFFFFC0] =	vst v1  }
.Ltmp6:
0x8d: {  	[tilespmem:s18+$0xFFFFFFD0] =	vst v1;
	(pc) =	sbr.rel @p1 .LBB2_5-.Ltmp6, $4  }
0x8e: {  	[tilespmem:s18+$0xFFFFFFE0] =	vst v1  }
0x8f: {  	[tilespmem:s18+$0xFFFFFFF0] =	vst v1;
	s18 =	smov.u32 s19  }
0x90: {  	v0 =	vld [tilespmem:s21+$0x0]  }
0x91: {  	v1 =	vld [tilespmem:s21+$0x3100]  }
.Ltmp7:
0x92: {  	_ = 	snop;
	(pc) =	sbr.rel .LBB2_6-.Ltmp7, $1  }
0x93: {  	_ =	sdelay $0x3  }
.LBB2_11:
0x94: {  	_ =	sfence.sel $0x180000  }
0x95: {  	[bflag:$0x0] =	sbarrier.arrive $0xFFFF  }
0x96: {  	p0 =	sne.s32 s1, $0x0;
	_ =	strace $0x90000050  }
0x97: {  	s0 =	sadd.s32 @!p0 $0x100000, s0;
	[bflag:$0x2] =	sbarrier.arrive $0xFFFF  }
0x98: {  	[sflag:s0] =	ssyncadd.tile.s32 @!p0 $0x1;
	_ =	shalt  }
.Lfunc_end2:
_tile_overlayer_lowered:
.L_overlay_start_2:
0x99: {  	(tag) =	ssettag $0x2  }
0x9a: {  	s0 =	rddreg [dreg:$0x0];
	s2 =	stileid.u32  }
0x9b: {  	s1 =	rddreg [dreg:$0x1];
	p0 =	sne.s32 s2, $0x0  }
0x9c: {  	s3 =	rddreg [dreg:$0x2];
	[bflag:$0x3] =	sbarrier.arrive $0xFFFF;
	s2 =	simm.s32 @!p0 $0x1C01  }
0x9d: {  	[timem:s3], [sflag:s2] =	dma.local @!p0 [hbm:s0], s1  }
0x9e: {  	s0 =	simm.s32 @!p0 $0x1  }
0x9f: {  	_ =	swait.ge @!p0 [sflag:s0], s1  }
0xa0: {  	s1 =	ssub.s32 @!p0 $0x0, s1;
	[sflag:s0] =	ssyncset.done @!p0 $0x0  }
0xa1: {  	[sflag:s0] =	ssyncadd.s32 @!p0 s1  }
0xa2: {  	[bflag:$0x3] =	sbarrier.arrive $0xFFFF  }
0xa3: {  	_ =	shalt  }

// kernel: kernel.18.cloned.1.call-start
scs
__scs_entry_jumppad:
0x0: {  	(pc) =	sbr.rel $0x88, $3  }
0x1: {  	(tag) =	ssettag $0x0;
	lr =	simm.s32 $0x1  }
0x2: {  	[smem:$0x3F93] =	sst lr;
	_ =	strace $0xD0000000  }
0x3: {  	_ = 	snop  }
0x4: {  	_ = 	snop  }
0x5: {  	_ = 	snop  }
0x6: {  	_ = 	snop  }
0x7: {  	_ = 	snop  }
__scs_overlays_trampoline_lowered:
0x8: {  	[smem:$0x3FA2] =	sst s0  }
0x9: {  	[smem:$0x3FA3] =	sst s1  }
0xa: {  	[smem:$0x3FA4] =	sst s2  }
0xb: {  	[smem:$0x3FA5] =	sst s3  }
0xc: {  	[smem:$0x3FA6] =	sst s4  }
0xd: {  	[smem:$0x3FA7] =	sst s5  }
0xe: {  	[smem:$0x3FA8] =	sst s6  }
0xf: {  	[smem:$0x3FA9] =	sst s7  }
0x10: {  	[smem:$0x3FAA] =	sst s8  }
0x11: {  	[smem:$0x3FAB] =	sst s9;
	s0 =	simm.s32 @!p0 $0x0  }
0x12: {  	s1 =	sld [smem:$0x3F91];
	s0 =	simm.s32 @p0 $0x1  }
0x13: {  	[smem:$0x3FAC] =	sst s0;
	s0 =	simm.s32 @!p1 $0x0  }
0x14: {  	s2 =	sld [smem:$0x3F90];
	s0 =	simm.s32 @p1 $0x1  }
0x15: {  	[smem:$0x3FAD] =	sst s0;
	s0 =	simm.s32 @!p2 $0x0  }
0x16: {  	s3 =	sld [smem:$0x3FDB];
	s0 =	simm.s32 @p2 $0x1  }
0x17: {  	s4 =	simm.s32 $0x1BF5;
	[smem:$0x3FAF] =	sst s0  }
0x18: {  	s0 =	sld [smem:$0x3F92];
	_ =	swait.ge [sflag:s4], $0x0  }
0x19: {  	s7 =	sld [smem:$0x3F93]  }
0x1a: {  	s8 =	sadd.s32 $0xFFFFE003, lr  }
0x1b: {  	s9 =	sadd.s32 $0xFFFFFEF7, lr;
	s5 =	simm.s32 $0xFFFFFFFF;
	p2 =	slt.u32 s8, $0xFFFFF086  }
0x1c: {  	p1 =	slt.u32 s9, $0xF7A;
	s5 =	simm.s32 @!p2 $0x0  }
0x1d: {  	s5 =	simm.s32 @p1 $0x1;
	p0 =	seq.s32 s7, s2  }
0x1e: {  	s7 =	smul.u32 @!p0 $0xF7A, s2;
	p2 =	seq.s32 @!p0 s5, $0x0  }
0x1f: {  	s9 =	smul.u32 $0xF7A, s1;
	s8 =	simm.s32 @!p0 $0x1BF5;
	p2 =	por !p2, p0  }
0x20: {  	[sflag:s8] =	ssyncset.s32 @!p0 $0xFFFFF086;
	s6 =	sadd.s32 @!p0 s3, s7;
	s7 =	simm.s32 @!p0 $0x108  }
0x21: {  	s3 =	sadd.s32 s3, s9;
	s6 =	sadd.s32 @!p0 $0x88, s6;
	s7 =	simm.s32 @p2 $0x1082  }
0x22: {  	[simem:s7], [sflag:s8] =	dma.local @!p0 [hbm:s6], $0xF7A  }
0x23: {  	s9 =	sor.u32 $0xD0000000, s2;
	s6 =	simm.s32 $0x108;
	_ =	swait.ge @!p0 [sflag:s8], $0x0  }
0x24: {  	s3 =	sadd.s32 $0x88, s3;
	s6 =	simm.s32 @!p1 $0x1082;
	[sflag:s4] =	ssyncset.s32 $0xFFFFF086  }
0x25: {  	[simem:s6], [sflag:s4] =	dma.local [hbm:s3], $0xF7A  }
0x26: {  	[smem:$0x3F93] =	sst s1;
	(tag) =	ssettag s2;
	_ =	strace s9  }
0x27: {  	s1 =	sld [smem:$0x3FA3]  }
0x28: {  	s2 =	sld [smem:$0x3FA4]  }
0x29: {  	s4 =	sld [smem:$0x3FA6]  }
0x2a: {  	p0 =	seq.s32 s5, $0x0;
	s5 =	sld [smem:$0x3FA7]  }
0x2b: {  	s6 =	sld [smem:$0x3FA8]  }
0x2c: {  	s7 =	sld [smem:$0x3FA9]  }
0x2d: {  	s3 =	simm.s32 $0x108;
	s8 =	sld [smem:$0x3FAA]  }
0x2e: {  	s3 =	simm.s32 @!p0 $0x1082;
	s9 =	sld [smem:$0x3FAB]  }
0x2f: {  	lr =	sadd.s32 s0, s3;
	s0 =	sld [smem:$0x3FA2]  }
0x30: {  	s3 =	sld [smem:$0x3FA5]  }
0x31: {  	[smem:$0x3FAE] =	sst s10  }
0x32: {  	s10 =	sld [smem:$0x3FAC];
	_ =	sdelay $0x3  }
0x33: {  	p0 =	seq.s32 s10, $0x1;
	s10 =	sld [smem:$0x3FAE];
	_ =	sdelay $0x3  }
0x34: {  	[smem:$0x3FAE] =	sst s10  }
0x35: {  	s10 =	sld [smem:$0x3FAD];
	_ =	sdelay $0x3  }
0x36: {  	p1 =	seq.s32 s10, $0x1;
	s10 =	sld [smem:$0x3FAE];
	_ =	sdelay $0x3  }
0x37: {  	[smem:$0x3FAE] =	sst s10  }
0x38: {  	s10 =	sld [smem:$0x3FAF]  }
0x39: {  	_ = 	snop;
	(pc) =	sbr.ind lr, $3  }
0x3a: {  	_ = 	snop  }
0x3b: {  	_ = 	snop  }
0x3c: {  	p2 =	seq.s32 s10, $0x1;
	s10 =	sld [smem:$0x3FAE]  }
0x3d: {  	_ =	shalt  }
0x3e: {  	_ =	shalt  }
0x3f: {  	_ =	shalt  }
0x40: {  	_ =	shalt  }
0x41: {  	_ =	shalt  }
0x42: {  	_ =	shalt  }
0x43: {  	_ =	shalt  }
0x44: {  	_ =	shalt  }
0x45: {  	_ =	shalt  }
0x46: {  	_ =	shalt  }
0x47: {  	_ =	shalt  }
0x48: {  	_ =	shalt  }
0x49: {  	_ =	shalt  }
0x4a: {  	_ =	shalt  }
0x4b: {  	_ =	shalt  }
0x4c: {  	_ =	shalt  }
0x4d: {  	_ =	shalt  }
0x4e: {  	_ =	shalt  }
0x4f: {  	_ =	shalt  }
0x50: {  	_ =	shalt  }
0x51: {  	_ =	shalt  }
0x52: {  	_ =	shalt  }
0x53: {  	_ =	shalt  }
0x54: {  	_ =	shalt  }
0x55: {  	_ =	shalt  }
0x56: {  	_ =	shalt  }
0x57: {  	_ =	shalt  }
0x58: {  	_ =	shalt  }
0x59: {  	_ =	shalt  }
0x5a: {  	_ =	shalt  }
0x5b: {  	_ =	shalt  }
0x5c: {  	_ =	shalt  }
0x5d: {  	_ =	shalt  }
0x5e: {  	_ =	shalt  }
0x5f: {  	_ =	shalt  }
0x60: {  	_ =	shalt  }
0x61: {  	_ =	shalt  }
0x62: {  	_ =	shalt  }
0x63: {  	_ =	shalt  }
0x64: {  	_ =	shalt  }
0x65: {  	_ =	shalt  }
0x66: {  	_ =	shalt  }
0x67: {  	_ =	shalt  }
0x68: {  	_ =	shalt  }
0x69: {  	_ =	shalt  }
0x6a: {  	_ =	shalt  }
0x6b: {  	_ =	shalt  }
0x6c: {  	_ =	shalt  }
0x6d: {  	_ =	shalt  }
0x6e: {  	_ =	shalt  }
0x6f: {  	_ =	shalt  }
0x70: {  	_ =	shalt  }
0x71: {  	_ =	shalt  }
0x72: {  	_ =	shalt  }
0x73: {  	_ =	shalt  }
0x74: {  	_ =	shalt  }
0x75: {  	_ =	shalt  }
0x76: {  	_ =	shalt  }
0x77: {  	_ =	shalt  }
0x78: {  	_ =	shalt  }
0x79: {  	_ =	shalt  }
0x7a: {  	_ =	shalt  }
0x7b: {  	_ =	shalt  }
0x7c: {  	_ =	shalt  }
0x7d: {  	_ =	shalt  }
0x7e: {  	_ =	shalt  }
0x7f: {  	_ =	shalt  }
0x80: {  	_ =	shalt  }
0x81: {  	_ =	shalt  }
0x82: {  	_ =	shalt  }
0x83: {  	_ =	shalt  }
0x84: {  	_ =	shalt  }
0x85: {  	_ =	shalt  }
0x86: {  	_ =	shalt  }
0x87: {  	_ =	shalt  }
.Lfunc_end0:
.L_simem_size_0:
called_computation.2_lowered:
.L_overlay_start_0:
0x88: {  	s2 =	sld [smem:$0x3FD9]  }
0x89: {  	s3 =	sld [smem:$0x3FFE];
	_ =	sdelay $0x1  }
0x8a: {  	s1 =	srdreg.scid  }
0x8b: {  	s0 =	sand.u32 $0x1, s1  }
0x8c: {  	s16 =	sshll.u32 s0, $0xA;
	s2 =	sadd.s32 s3, s2  }
0x8d: {  	s2 =	sadd.s32 s2, s16  }
0x8e: {  	[smem:$0x3FBA] =	sst s2  }
0x8f: {  	_ = 	snop  }
0x90: {  	(tm) =	ssettm $0x1  }
0x91: {  	s17 =	sld [smem:$0x3FFB];
	_ =	sdelay $0x3  }
0x92: {  	_ =	strace s17  }
0x93: {  	s2 =	sld [smem:$0x3FFC];
	_ =	sdelay $0x3  }
0x94: {  	_ =	strace s2  }
0x95: {  	s2 =	sld [smem:$0x3FFD];
	_ =	sdelay $0x3  }
0x96: {  	_ =	strace s2  }
0x97: {  	_ =	strace $0x8FFFFFFF  }
0x98: {  	s18 =	sld [smem:$0x3FDB];
	_ =	sdelay $0x1  }
0x99: {  	s19 =	simm.s32 $_scs_section_size  }
0x9a: {  	s4 =	simm.s32 $_size__tile_overlayer_lowered;
	s5 =	simm.s32 $_tile_overlayer_lowered  }
0x9b: {  	s22 =	simm.s32 $0x1BFF;
	s21 =	sshll.u32 s5, $0x1;
	s2 =	sadd.s32 s19, s18  }
0x9c: {  	s6 =	simm.s32 $0x0;
	s20 =	sshll.u32 s4, $0x1;
	s4 =	sadd.s32 s21, s2  }
0x9d: {  	[timem:s6], [sflag:s22] =	dma.local [hbm:s4], s20  }
0x9e: {  	_ =	swait.ge [sflag:s22], s20  }
0x9f: {  	s3 =	ssub.s32 $0x0, s20;
	[sflag:s22] =	ssyncset.done $0x0  }
0xa0: {  	[sflag:s22] =	ssyncadd.s32 s3;
	_ =	sdelay $0x1  }
0xa1: {  	s23 =	simm.s32 $0x1B8B  }
0xa2: {  	_ =	swait.ge [sflag:s23], $0x1  }
0xa3: {  	[sflag:s23] =	ssyncset.done $0x0  }
0xa4: {  	s25 =	simm.s32 $0x1B8E;
	s24 =	sld [smem:$0x3FFE];
	[sflag:s23] =	ssyncadd.s32 $0xFFFFFFFF  }
0xa5: {  	s26 =	simm.s32 $execute0_lowered;
	[smem:$0x3FD2] =	sst s25  }
0xa6: {  	s4 =	sshll.u32 s26, $0x1;
	_ =	strace $0x80000046;
	[dreg:$0x1] =	wrdreg $0xFFFFFFFF  }
0xa7: {  	s28 =	simm.s32 $_size_execute0_lowered;
	s2 =	sadd.s32 s2, s4;
	[dreg:$0x0] =	wrdreg $0x0  }
0xa8: {  	s4 =	sshll.u32 s28, $0x1;
	[dreg:$0x2] =	wrdreg s2  }
0xa9: {  	[dreg:$0x3] =	wrdreg s4  }
0xaa: {  	[dreg:$0x4] =	wrdreg $0xC0  }
0xab: {  	_ =	task [dreg:s6], $0x5FFFF  }
0xac: {  	[dreg:$0x1] =	wrdreg $0xFFFFFFFF  }
0xad: {  	[dreg:$0x0] =	wrdreg $0x60  }
0xae: {  	[dreg:$0x2] =	wrdreg s24  }
0xaf: {  	[dreg:$0x3] =	wrdreg $0xA  }
0xb0: {  	_ =	task.clear_ibuf [dreg:s6], $0x4FFFF;
	_ =	strace $0x90000046  }
0xb1: {  	s29 =	simm.s32 $0xA;
	_ =	strace $0x80000048  }
0xb2: {  	_ =	swait.ge [sflag:s29], $0x1  }
0xb3: {  	[sflag:s29] =	ssyncadd.s32 $0xFFFFFFFF  }
0xb4: {  	_ =	strace $0x90000048  }
0xb5: {  	_ =	sfence  }
0xb6: {  	s30 =	sld [smem:$0x0];
	_ =	sdelay $0x2  }
0xb7: {  	s31 =	sshll.u32 s1, $0xD;
	s1 =	sshrl.u32 s1, $0x2  }
0xb8: {  	s3 =	sand.u32 $0x4000, s31;
	s1 =	sadd.s32 s1, s30  }
0xb9: {  	s0 =	sor.u32 s3, s0;
	s1 =	sshll.u32 s1, $0x11  }
0xba: {  	s0 =	sor.u32 s1, s0  }
0xbb: {  	s0 =	sadd.s32 $0x8F2B, s0  }
0xbc: {  	[sflag:s0] =	ssyncadd.remote.s32 $0x1  }
0xbd: {  	_ =	sfence.sel $0xFFFF  }
0xbe: {  	[dreg:$0x0] =	wrdreg $0xFFFFFFFF;
	(pc) =	sbr.abs _section_cstart, $3  }
0xbf: {  	[dreg:$0x1] =	wrdreg $0xFFFFFFFF  }
0xc0: {  	_ =	task.clear_ibuf [dreg:s6], $0x2FFFF;
	_ =	strace $0x9FFFFFFF  }
0xc1: {  	(tm) =	ssettm $0x7FFFFFFF  }
tec
execute0_lowered:
.L_overlay_start_1:
0x0: {  	(tag) =	ssettag $0x1  }
0x1: {  	s0 =	srdreg.scid  }
0x2: {  	s2 =	sand.u32 $0x1, s0  }
0x3: {  	s1 =	sshll.u32 s2, $0x4;
	s2 =	ssub.s32 $0x2, s2  }
0x4: {  	s3 =	rddreg [dreg:$0x0];
	s30 =	sshrl.u32 s2, $0x1  }
0x5: {  	s4 =	simm.s32 $0x0;
	s0 =	stileid.u32;
	s11 =	ssub.s32 s2, s30  }
0x6: {  	p1 =	por $0x0, $0x0;
	s6 =	sor.u32 s0, s1;
	s31 =	smax.u32 s11, $0x1  }
0x7: {  	[smem:$0x7FF] =	sst s4;
	s5 =	smul.u32 $0x1880, s6;
	s24 =	sadd.s32 $0xFFFFFFFF, s31  }
0x8: {  	s12 =	sadd.s32 $0x4C0A0, s3;
	s10 =	smul.u32 $0xC40, s6;
	p2 =	sne.s32 s24, $0x0  }
.Ltmp0:
0x9: {  	s9 =	sadd.s32 $0x32380, s3;
	s1 =	rddreg [dreg:$0x1];
	(pc) =	sbr.rel @!p2 .LBB2_1-.Ltmp0, $4  }
0xa: {  	_ =	strace $0x80000047;
	p0 =	seq.s32 s6, $0x1F;
	s7 =	sadd.s32 s5, s3  }
0xb: {  	s6 =	sadd.s32 @p0 $0x17BC0, s12;
	s8 =	sadd.s32 s10, s3;
	s5 =	sadd.s32 $0x2C00, s7  }
0xc: {  	s4 =	sadd.s32 $0x2C02, s7;
	s2 =	sadd.s32 $0x33A00, s8;
	s8 =	sadd.s32 $0x32382, s3  }
0xd: {  	s7 =	sadd.s32 $0x4B5C0, s3;
	s3 =	sadd.s32 @!p0 s10, s12;
	s10 =	simm.s32 @p0 $0x10  }
0xe: {  	s11 =	simm.s32 @p0 $0x20;
	s12 =	simm.s32 @p0 $0x0  }
0xf: {  	[tilespmem:s12], [sflag:$0x1] =	stream.strided.gather @p0 [hbm4b:s9+s10], $0x5700, s11, s10, $0x38;
	[tilespmem:$0xC400] =	vst v63  }
0x10: {  	s13 =	simm.s32 @p0 $0x6200;
	s14 =	simm.s32 @p0 $0x1  }
0x11: {  	[tilespmem:s13], [sflag:$0x2] =	stream.strided.gather @p0 [hbm4b:s8+s10], $0x5700, s11, s10, $0x38;
	[tilespmem:$0xC400] =	vst v63  }
0x12: {  	_ =	swait.ge @p0 [sflag:s14], $0x5700  }
0x13: {  	[sflag:s14] =	ssyncset.done @p0 $0x0  }
0x14: {  	s15 =	simm.s32 @p0 $0x3;
	[sflag:s14] =	ssyncadd.s32 @p0 $0xFFFFA900  }
0x15: {  	[hbm4b:s7+s12] =	stream.linear.scatter @p0 [tilespmem:s12], [sflag:$0x3], $0x5700, $0x38;
	[tilespmem:$0xC400] =	vst v63  }
0x16: {  	_ =	swait.ge @p0 [sflag:s15], $0x5700  }
0x17: {  	[sflag:s15] =	ssyncset.done @p0 $0x0  }
0x18: {  	s16 =	simm.s32 @p0 $0x2;
	[sflag:s15] =	ssyncadd.s32 @p0 $0xFFFFA900  }
0x19: {  	_ =	swait.ge @p0 [sflag:s16], $0x5700  }
0x1a: {  	[sflag:s16] =	ssyncset.done @p0 $0x0  }
0x1b: {  	[sflag:s16] =	ssyncadd.s32 @p0 $0xFFFFA900  }
0x1c: {  	[hbm4b:s6+s12] =	stream.linear.scatter @p0 [tilespmem:s13], [sflag:$0x3], $0x5700, $0x38;
	[tilespmem:$0xC400] =	vst v63  }
0x1d: {  	_ =	swait.ge @p0 [sflag:s15], $0x5700  }
0x1e: {  	s17 =	simm.s32 @!p0 $0x0;
	[sflag:s15] =	ssyncset.done @p0 $0x0  }
0x1f: {  	s18 =	simm.s32 @!p0 $0x10;
	s20 =	simm.s32 @!p0 $0x20;
	[sflag:s15] =	ssyncadd.s32 @p0 $0xFFFFA900  }
0x20: {  	[tilespmem:s17], [sflag:$0x1] =	stream.strided.gather @!p0 [hbm4b:s5+s18], $0x6200, s20, s18, $0x38;
	[tilespmem:$0xC400] =	vst v63  }
0x21: {  	s21 =	simm.s32 @!p0 $0x6200;
	s22 =	simm.s32 @!p0 $0x1  }
0x22: {  	[tilespmem:s21], [sflag:$0x2] =	stream.strided.gather @!p0 [hbm4b:s4+s18], $0x6200, s20, s18, $0x38;
	[tilespmem:$0xC400] =	vst v63  }
0x23: {  	_ =	swait.ge @!p0 [sflag:s22], $0x6200  }
0x24: {  	[sflag:s22] =	ssyncset.done @!p0 $0x0  }
0x25: {  	s19 =	simm.s32 @!p0 $0x3;
	[sflag:s22] =	ssyncadd.s32 @!p0 $0xFFFF9E00  }
0x26: {  	[hbm4b:s2+s17] =	stream.linear.scatter @!p0 [tilespmem:s17], [sflag:$0x3], $0x6200, $0x38;
	[tilespmem:$0xC400] =	vst v63  }
0x27: {  	_ =	swait.ge @!p0 [sflag:s19], $0x6200  }
0x28: {  	[sflag:s19] =	ssyncset.done @!p0 $0x0  }
0x29: {  	s23 =	simm.s32 @!p0 $0x2;
	s24 =	sadd.s32 $0xFFFFFFFF, s24;
	[sflag:s19] =	ssyncadd.s32 @!p0 $0xFFFF9E00  }
0x2a: {  	p2 =	sne.s32 s24, $0x0;
	_ =	swait.ge @!p0 [sflag:s23], $0x6200  }
.Ltmp1:
0x2b: {  	[sflag:s23] =	ssyncset.done @!p0 $0x0;
	(pc) =	sbr.rel @!p2 .LBB2_4-.Ltmp1, $4  }
0x2c: {  	[sflag:s23] =	ssyncadd.s32 @!p0 $0xFFFF9E00  }
0x2d: {  	[hbm4b:s3+s17] =	stream.linear.scatter @!p0 [tilespmem:s21], [sflag:$0x3], $0x6200, $0x38;
	[tilespmem:$0xC400] =	vst v63  }
0x2e: {  	_ =	swait.ge @!p0 [sflag:s19], $0x6200  }
0x2f: {  	p1 =	por $0x1, $0x1;
	[sflag:s19] =	ssyncset.done @!p0 $0x0  }
.LBB2_3:
0x30: {  	[sflag:s19] =	ssyncadd.s32 @!p0 $0xFFFF9E00  }
0x31: {  	[tilespmem:s12], [sflag:$0x1] =	stream.strided.gather @p0 [hbm4b:s9+s10], $0x5700, s11, s10, $0x38;
	[tilespmem:$0xC400] =	vst v63  }
0x32: {  	s25 =	simm.s32 @p0 $0x10  }
0x33: {  	[tilespmem:s13], [sflag:$0x2] =	stream.strided.gather @p0 [hbm4b:s8+s10], $0x5700, s11, s10, $0x38;
	[tilespmem:$0xC400] =	vst v63  }
0x34: {  	s24 =	sadd.s32 $0xFFFFFFFF, s24;
	s10 =	smov.u32 s25;
	_ =	swait.ge @p0 [sflag:s14], $0x5700  }
0x35: {  	p2 =	sne.s32 s24, $0x0;
	[sflag:s14] =	ssyncset.done @p0 $0x0  }
0x36: {  	[sflag:s14] =	ssyncadd.s32 @p0 $0xFFFFA900  }
0x37: {  	[hbm4b:s7+s12] =	stream.linear.scatter @p0 [tilespmem:s12], [sflag:$0x3], $0x5700, $0x38;
	[tilespmem:$0xC400] =	vst v63  }
0x38: {  	_ =	swait.ge @p0 [sflag:s15], $0x5700  }
0x39: {  	[sflag:s15] =	ssyncset.done @p0 $0x0  }
0x3a: {  	[sflag:s15] =	ssyncadd.s32 @p0 $0xFFFFA900  }
0x3b: {  	_ =	swait.ge @p0 [sflag:s16], $0x5700  }
0x3c: {  	[sflag:s16] =	ssyncset.done @p0 $0x0  }
0x3d: {  	[sflag:s16] =	ssyncadd.s32 @p0 $0xFFFFA900  }
0x3e: {  	[hbm4b:s6+s12] =	stream.linear.scatter @p0 [tilespmem:s13], [sflag:$0x3], $0x5700, $0x38;
	[tilespmem:$0xC400] =	vst v63  }
0x3f: {  	_ =	swait.ge @p0 [sflag:s15], $0x5700  }
0x40: {  	[sflag:s15] =	ssyncset.done @p0 $0x0  }
0x41: {  	[sflag:s15] =	ssyncadd.s32 @p0 $0xFFFFA900  }
0x42: {  	[tilespmem:s17], [sflag:$0x1] =	stream.strided.gather @!p0 [hbm4b:s5+s18], $0x6200, s20, s18, $0x38;
	[tilespmem:$0xC400] =	vst v63  }
0x43: {  	_ = 	snop  }
0x44: {  	[tilespmem:s21], [sflag:$0x2] =	stream.strided.gather @!p0 [hbm4b:s4+s18], $0x6200, s20, s18, $0x38;
	[tilespmem:$0xC400] =	vst v63  }
0x45: {  	_ =	swait.ge @!p0 [sflag:s22], $0x6200  }
0x46: {  	[sflag:s22] =	ssyncset.done @!p0 $0x0  }
0x47: {  	[sflag:s22] =	ssyncadd.s32 @!p0 $0xFFFF9E00  }
0x48: {  	[hbm4b:s2+s17] =	stream.linear.scatter @!p0 [tilespmem:s17], [sflag:$0x3], $0x6200, $0x38;
	[tilespmem:$0xC400] =	vst v63  }
0x49: {  	_ =	swait.ge @!p0 [sflag:s19], $0x6200  }
0x4a: {  	[sflag:s19] =	ssyncset.done @!p0 $0x0  }
0x4b: {  	[sflag:s19] =	ssyncadd.s32 @!p0 $0xFFFF9E00  }
0x4c: {  	_ =	swait.ge @!p0 [sflag:s23], $0x6200  }
.Ltmp2:
0x4d: {  	[sflag:s23] =	ssyncset.done @!p0 $0x0;
	(pc) =	sbr.rel @p2 .LBB2_3-.Ltmp2, $4  }
0x4e: {  	[sflag:s23] =	ssyncadd.s32 @!p0 $0xFFFF9E00  }
0x4f: {  	[hbm4b:s3+s17] =	stream.linear.scatter @!p0 [tilespmem:s21], [sflag:$0x3], $0x6200, $0x38;
	[tilespmem:$0xC400] =	vst v63  }
0x50: {  	_ =	swait.ge @!p0 [sflag:s19], $0x6200  }
0x51: {  	[sflag:s19] =	ssyncset.done @!p0 $0x0  }
.LBB2_4:
0x52: {  	p1 =	por p0, !p1  }
0x53: {  	s11 =	simm.s32 @p0 $0x20;
	s12 =	simm.s32 @p0 $0x0;
	[sflag:s19] =	ssyncadd.s32 @!p1 $0xFFFF9E00  }
0x54: {  	[tilespmem:s12], [sflag:$0x1] =	stream.strided.gather @p0 [hbm4b:s9+s10], $0x5700, s11, s10, $0x38;
	[tilespmem:$0xC400] =	vst v63  }
0x55: {  	s13 =	simm.s32 @p0 $0x1;
	s9 =	simm.s32 @p0 $0x6200  }
0x56: {  	[tilespmem:s9], [sflag:$0x2] =	stream.strided.gather @p0 [hbm4b:s8+s10], $0x5700, s11, s10, $0x38;
	[tilespmem:$0xC400] =	vst v63  }
0x57: {  	_ =	swait.ge @p0 [sflag:s13], $0x5700  }
0x58: {  	[sflag:s13] =	ssyncset.done @p0 $0x0  }
0x59: {  	s8 =	simm.s32 @p0 $0x3;
	[sflag:s13] =	ssyncadd.s32 @p0 $0xFFFFA900  }
0x5a: {  	[hbm4b:s7+s12] =	stream.linear.scatter @p0 [tilespmem:s12], [sflag:$0x3], $0x5700, $0x38;
	[tilespmem:$0xC400] =	vst v63  }
0x5b: {  	_ =	swait.ge @p0 [sflag:s8], $0x5700  }
0x5c: {  	[sflag:s8] =	ssyncset.done @p0 $0x0  }
0x5d: {  	s7 =	simm.s32 @p0 $0x2;
	[sflag:s8] =	ssyncadd.s32 @p0 $0xFFFFA900  }
0x5e: {  	_ =	swait.ge @p0 [sflag:s7], $0x5700  }
0x5f: {  	[sflag:s7] =	ssyncset.done @p0 $0x0  }
0x60: {  	[sflag:s7] =	ssyncadd.s32 @p0 $0xFFFFA900  }
0x61: {  	[hbm4b:s6+s12] =	stream.linear.scatter @p0 [tilespmem:s9], [sflag:$0x3], $0x5700, $0x38;
	[tilespmem:$0xC400] =	vst v63  }
0x62: {  	_ =	swait.ge @p0 [sflag:s8], $0x5700  }
0x63: {  	s7 =	simm.s32 @!p0 $0x10;
	[sflag:s8] =	ssyncset.done @p0 $0x0  }
0x64: {  	s6 =	simm.s32 @!p0 $0x0;
	[sflag:s8] =	ssyncadd.s32 @p0 $0xFFFFA900;
	s8 =	simm.s32 @!p0 $0x20  }
0x65: {  	[tilespmem:s6], [sflag:$0x1] =	stream.strided.gather @!p0 [hbm4b:s5+s7], $0x6200, s8, s7, $0x38;
	[tilespmem:$0xC400] =	vst v63  }
0x66: {  	s9 =	simm.s32 @!p0 $0x1;
	s5 =	simm.s32 @!p0 $0x6200  }
0x67: {  	[tilespmem:s5], [sflag:$0x2] =	stream.strided.gather @!p0 [hbm4b:s4+s7], $0x6200, s8, s7, $0x38;
	[tilespmem:$0xC400] =	vst v63  }
0x68: {  	_ =	swait.ge @!p0 [sflag:s9], $0x6200  }
0x69: {  	[sflag:s9] =	ssyncset.done @!p0 $0x0  }
0x6a: {  	s4 =	simm.s32 @!p0 $0x3;
	[sflag:s9] =	ssyncadd.s32 @!p0 $0xFFFF9E00  }
0x6b: {  	[hbm4b:s2+s6] =	stream.linear.scatter @!p0 [tilespmem:s6], [sflag:$0x3], $0x6200, $0x38;
	[tilespmem:$0xC400] =	vst v63  }
0x6c: {  	_ =	swait.ge @!p0 [sflag:s4], $0x6200  }
0x6d: {  	[sflag:s4] =	ssyncset.done @!p0 $0x0  }
0x6e: {  	s2 =	simm.s32 @!p0 $0x2;
	[sflag:s4] =	ssyncadd.s32 @!p0 $0xFFFF9E00  }
0x6f: {  	_ =	swait.ge @!p0 [sflag:s2], $0x6200  }
0x70: {  	[sflag:s2] =	ssyncset.done @!p0 $0x0  }
0x71: {  	[sflag:s2] =	ssyncadd.s32 @!p0 $0xFFFF9E00  }
0x72: {  	[hbm4b:s3+s6] =	stream.linear.scatter @!p0 [tilespmem:s5], [sflag:$0x3], $0x6200, $0x38;
	[tilespmem:$0xC400] =	vst v63  }
0x73: {  	_ =	swait.ge @!p0 [sflag:s4], $0x6200  }
0x74: {  	[sflag:s4] =	ssyncset.done @!p0 $0x0  }
0x75: {  	[sflag:s4] =	ssyncadd.s32 @!p0 $0xFFFF9E00  }
0x76: {  	_ =	sfence.sel $0x180000  }
0x77: {  	[bflag:$0x0] =	sbarrier.arrive $0xFFFF  }
0x78: {  	p0 =	sne.s32 s0, $0x0;
	_ =	strace $0x90000047  }
0x79: {  	s0 =	sadd.s32 @!p0 $0x100000, s1;
	[bflag:$0x2] =	sbarrier.arrive $0xFFFF  }
0x7a: {  	[sflag:s0] =	ssyncadd.tile.s32 @!p0 $0x1;
	_ =	shalt  }
.LBB2_1:
.Ltmp3:
0x7b: {  	(pc) =	sbr.rel .LBB2_4-.Ltmp3, $2  }
0x7c: {  	_ =	sdelay $0x2  }
0x7d: {  	_ = 	snop  }
.Lfunc_end2:
_tile_overlayer_lowered:
.L_overlay_start_2:
0x7e: {  	(tag) =	ssettag $0x2  }
0x7f: {  	s0 =	rddreg [dreg:$0x0];
	s2 =	stileid.u32  }
0x80: {  	s1 =	rddreg [dreg:$0x1];
	p0 =	sne.s32 s2, $0x0  }
0x81: {  	s3 =	rddreg [dreg:$0x2];
	[bflag:$0x3] =	sbarrier.arrive $0xFFFF;
	s2 =	simm.s32 @!p0 $0x1C03  }
0x82: {  	[timem:s3], [sflag:s2] =	dma.local @!p0 [hbm:s0], s1  }
0x83: {  	s0 =	simm.s32 @!p0 $0x3  }
0x84: {  	_ =	swait.ge @!p0 [sflag:s0], s1  }
0x85: {  	s1 =	ssub.s32 @!p0 $0x0, s1;
	[sflag:s0] =	ssyncset.done @!p0 $0x0  }
0x86: {  	[sflag:s0] =	ssyncadd.s32 @!p0 s1  }
0x87: {  	[bflag:$0x3] =	sbarrier.arrive $0xFFFF  }
0x88: {  	_ =	shalt  }

// kernel: kernel.21.cloned.1.call-start
scs
__scs_entry_jumppad:
0x0: {  	(pc) =	sbr.rel $0x88, $3  }
0x1: {  	(tag) =	ssettag $0x0;
	lr =	simm.s32 $0x1  }
0x2: {  	[smem:$0x3F93] =	sst lr;
	_ =	strace $0xD0000000  }
0x3: {  	_ = 	snop  }
0x4: {  	_ = 	snop  }
0x5: {  	_ = 	snop  }
0x6: {  	_ = 	snop  }
0x7: {  	_ = 	snop  }
__scs_overlays_trampoline_lowered:
0x8: {  	[smem:$0x3FA2] =	sst s0  }
0x9: {  	[smem:$0x3FA3] =	sst s1  }
0xa: {  	[smem:$0x3FA4] =	sst s2  }
0xb: {  	[smem:$0x3FA5] =	sst s3  }
0xc: {  	[smem:$0x3FA6] =	sst s4  }
0xd: {  	[smem:$0x3FA7] =	sst s5  }
0xe: {  	[smem:$0x3FA8] =	sst s6  }
0xf: {  	[smem:$0x3FA9] =	sst s7  }
0x10: {  	[smem:$0x3FAA] =	sst s8  }
0x11: {  	[smem:$0x3FAB] =	sst s9;
	s0 =	simm.s32 @!p0 $0x0  }
0x12: {  	s1 =	sld [smem:$0x3F91];
	s0 =	simm.s32 @p0 $0x1  }
0x13: {  	[smem:$0x3FAC] =	sst s0;
	s0 =	simm.s32 @!p1 $0x0  }
0x14: {  	s2 =	sld [smem:$0x3F90];
	s0 =	simm.s32 @p1 $0x1  }
0x15: {  	[smem:$0x3FAD] =	sst s0;
	s0 =	simm.s32 @!p2 $0x0  }
0x16: {  	s3 =	sld [smem:$0x3FDB];
	s0 =	simm.s32 @p2 $0x1  }
0x17: {  	s4 =	simm.s32 $0x1BF5;
	[smem:$0x3FAF] =	sst s0  }
0x18: {  	s0 =	sld [smem:$0x3F92];
	_ =	swait.ge [sflag:s4], $0x0  }
0x19: {  	s7 =	sld [smem:$0x3F93]  }
0x1a: {  	s8 =	sadd.s32 $0xFFFFE003, lr  }
0x1b: {  	s9 =	sadd.s32 $0xFFFFFEF7, lr;
	s5 =	simm.s32 $0xFFFFFFFF;
	p2 =	slt.u32 s8, $0xFFFFF086  }
0x1c: {  	p1 =	slt.u32 s9, $0xF7A;
	s5 =	simm.s32 @!p2 $0x0  }
0x1d: {  	s5 =	simm.s32 @p1 $0x1;
	p0 =	seq.s32 s7, s2  }
0x1e: {  	s7 =	smul.u32 @!p0 $0xF7A, s2;
	p2 =	seq.s32 @!p0 s5, $0x0  }
0x1f: {  	s9 =	smul.u32 $0xF7A, s1;
	s8 =	simm.s32 @!p0 $0x1BF5;
	p2 =	por !p2, p0  }
0x20: {  	[sflag:s8] =	ssyncset.s32 @!p0 $0xFFFFF086;
	s6 =	sadd.s32 @!p0 s3, s7;
	s7 =	simm.s32 @!p0 $0x108  }
0x21: {  	s3 =	sadd.s32 s3, s9;
	s6 =	sadd.s32 @!p0 $0x88, s6;
	s7 =	simm.s32 @p2 $0x1082  }
0x22: {  	[simem:s7], [sflag:s8] =	dma.local @!p0 [hbm:s6], $0xF7A  }
0x23: {  	s9 =	sor.u32 $0xD0000000, s2;
	s6 =	simm.s32 $0x108;
	_ =	swait.ge @!p0 [sflag:s8], $0x0  }
0x24: {  	s3 =	sadd.s32 $0x88, s3;
	s6 =	simm.s32 @!p1 $0x1082;
	[sflag:s4] =	ssyncset.s32 $0xFFFFF086  }
0x25: {  	[simem:s6], [sflag:s4] =	dma.local [hbm:s3], $0xF7A  }
0x26: {  	[smem:$0x3F93] =	sst s1;
	(tag) =	ssettag s2;
	_ =	strace s9  }
0x27: {  	s1 =	sld [smem:$0x3FA3]  }
0x28: {  	s2 =	sld [smem:$0x3FA4]  }
0x29: {  	s4 =	sld [smem:$0x3FA6]  }
0x2a: {  	p0 =	seq.s32 s5, $0x0;
	s5 =	sld [smem:$0x3FA7]  }
0x2b: {  	s6 =	sld [smem:$0x3FA8]  }
0x2c: {  	s7 =	sld [smem:$0x3FA9]  }
0x2d: {  	s3 =	simm.s32 $0x108;
	s8 =	sld [smem:$0x3FAA]  }
0x2e: {  	s3 =	simm.s32 @!p0 $0x1082;
	s9 =	sld [smem:$0x3FAB]  }
0x2f: {  	lr =	sadd.s32 s0, s3;
	s0 =	sld [smem:$0x3FA2]  }
0x30: {  	s3 =	sld [smem:$0x3FA5]  }
0x31: {  	[smem:$0x3FAE] =	sst s10  }
0x32: {  	s10 =	sld [smem:$0x3FAC];
	_ =	sdelay $0x3  }
0x33: {  	p0 =	seq.s32 s10, $0x1;
	s10 =	sld [smem:$0x3FAE];
	_ =	sdelay $0x3  }
0x34: {  	[smem:$0x3FAE] =	sst s10  }
0x35: {  	s10 =	sld [smem:$0x3FAD];
	_ =	sdelay $0x3  }
0x36: {  	p1 =	seq.s32 s10, $0x1;
	s10 =	sld [smem:$0x3FAE];
	_ =	sdelay $0x3  }
0x37: {  	[smem:$0x3FAE] =	sst s10  }
0x38: {  	s10 =	sld [smem:$0x3FAF]  }
0x39: {  	_ = 	snop;
	(pc) =	sbr.ind lr, $3  }
0x3a: {  	_ = 	snop  }
0x3b: {  	_ = 	snop  }
0x3c: {  	p2 =	seq.s32 s10, $0x1;
	s10 =	sld [smem:$0x3FAE]  }
0x3d: {  	_ =	shalt  }
0x3e: {  	_ =	shalt  }
0x3f: {  	_ =	shalt  }
0x40: {  	_ =	shalt  }
0x41: {  	_ =	shalt  }
0x42: {  	_ =	shalt  }
0x43: {  	_ =	shalt  }
0x44: {  	_ =	shalt  }
0x45: {  	_ =	shalt  }
0x46: {  	_ =	shalt  }
0x47: {  	_ =	shalt  }
0x48: {  	_ =	shalt  }
0x49: {  	_ =	shalt  }
0x4a: {  	_ =	shalt  }
0x4b: {  	_ =	shalt  }
0x4c: {  	_ =	shalt  }
0x4d: {  	_ =	shalt  }
0x4e: {  	_ =	shalt  }
0x4f: {  	_ =	shalt  }
0x50: {  	_ =	shalt  }
0x51: {  	_ =	shalt  }
0x52: {  	_ =	shalt  }
0x53: {  	_ =	shalt  }
0x54: {  	_ =	shalt  }
0x55: {  	_ =	shalt  }
0x56: {  	_ =	shalt  }
0x57: {  	_ =	shalt  }
0x58: {  	_ =	shalt  }
0x59: {  	_ =	shalt  }
0x5a: {  	_ =	shalt  }
0x5b: {  	_ =	shalt  }
0x5c: {  	_ =	shalt  }
0x5d: {  	_ =	shalt  }
0x5e: {  	_ =	shalt  }
0x5f: {  	_ =	shalt  }
0x60: {  	_ =	shalt  }
0x61: {  	_ =	shalt  }
0x62: {  	_ =	shalt  }
0x63: {  	_ =	shalt  }
0x64: {  	_ =	shalt  }
0x65: {  	_ =	shalt  }
0x66: {  	_ =	shalt  }
0x67: {  	_ =	shalt  }
0x68: {  	_ =	shalt  }
0x69: {  	_ =	shalt  }
0x6a: {  	_ =	shalt  }
0x6b: {  	_ =	shalt  }
0x6c: {  	_ =	shalt  }
0x6d: {  	_ =	shalt  }
0x6e: {  	_ =	shalt  }
0x6f: {  	_ =	shalt  }
0x70: {  	_ =	shalt  }
0x71: {  	_ =	shalt  }
0x72: {  	_ =	shalt  }
0x73: {  	_ =	shalt  }
0x74: {  	_ =	shalt  }
0x75: {  	_ =	shalt  }
0x76: {  	_ =	shalt  }
0x77: {  	_ =	shalt  }
0x78: {  	_ =	shalt  }
0x79: {  	_ =	shalt  }
0x7a: {  	_ =	shalt  }
0x7b: {  	_ =	shalt  }
0x7c: {  	_ =	shalt  }
0x7d: {  	_ =	shalt  }
0x7e: {  	_ =	shalt  }
0x7f: {  	_ =	shalt  }
0x80: {  	_ =	shalt  }
0x81: {  	_ =	shalt  }
0x82: {  	_ =	shalt  }
0x83: {  	_ =	shalt  }
0x84: {  	_ =	shalt  }
0x85: {  	_ =	shalt  }
0x86: {  	_ =	shalt  }
0x87: {  	_ =	shalt  }
.Lfunc_end0:
.L_simem_size_0:
called_computation.3_lowered:
.L_overlay_start_0:
0x88: {  	s2 =	sld [smem:$0x3FD9]  }
0x89: {  	s3 =	sld [smem:$0x3FFE];
	_ =	sdelay $0x1  }
0x8a: {  	s1 =	srdreg.scid  }
0x8b: {  	s0 =	sand.u32 $0x1, s1  }
0x8c: {  	s17 =	sshll.u32 s0, $0xA;
	s2 =	sadd.s32 s3, s2  }
0x8d: {  	s2 =	sadd.s32 s2, s17  }
0x8e: {  	[smem:$0x3FBA] =	sst s2  }
0x8f: {  	_ = 	snop  }
0x90: {  	(tm) =	ssettm $0x1  }
0x91: {  	s18 =	sld [smem:$0x3FFB];
	_ =	sdelay $0x3  }
0x92: {  	_ =	strace s18  }
0x93: {  	s2 =	sld [smem:$0x3FFC];
	_ =	sdelay $0x3  }
0x94: {  	_ =	strace s2  }
0x95: {  	s2 =	sld [smem:$0x3FFD];
	_ =	sdelay $0x3  }
0x96: {  	_ =	strace s2  }
0x97: {  	_ =	strace $0x8FFFFFFF  }
0x98: {  	s19 =	sld [smem:$0x3FDB];
	_ =	sdelay $0x1  }
0x99: {  	s20 =	simm.s32 $_scs_section_size  }
0x9a: {  	s4 =	simm.s32 $_size__tile_overlayer_lowered;
	s5 =	simm.s32 $_tile_overlayer_lowered  }
0x9b: {  	s6 =	simm.s32 $0x1BFF;
	s21 =	sshll.u32 s5, $0x1;
	s3 =	sadd.s32 s20, s19  }
0x9c: {  	s22 =	simm.s32 $0x0;
	s4 =	sshll.u32 s4, $0x1;
	s5 =	sadd.s32 s21, s3  }
0x9d: {  	[timem:s22], [sflag:s6] =	dma.local [hbm:s5], s4  }
0x9e: {  	_ =	swait.ge [sflag:s6], s4  }
0x9f: {  	s4 =	ssub.s32 $0x0, s4;
	[sflag:s6] =	ssyncset.done $0x0  }
0xa0: {  	[sflag:s6] =	ssyncadd.s32 s4;
	_ =	sdelay $0x1  }
0xa1: {  	s23 =	simm.s32 $0x1B8B  }
0xa2: {  	_ =	swait.ge [sflag:s23], $0x1  }
0xa3: {  	[sflag:s23] =	ssyncset.done $0x0  }
0xa4: {  	[sflag:s23] =	ssyncadd.s32 $0xFFFFFFFF  }
0xa5: {  	s4 =	sld [smem:$0x0]  }
0xa6: {  	s5 =	sand.u32 $0xFFFFFFFE, s1  }
0xa7: {  	p0 =	sne.s32 s1, s5  }
0xa8: {  	s5 =	sshll.u32 @p0 s5, $0xE  }
0xa9: {  	s5 =	sadd.s32 @p0 $0x11B8D, s5;
	s6 =	sshll.u32 @p0 s4, $0x11  }
0xaa: {  	s5 =	sor.u32 @p0 s6, s5  }
0xab: {  	[sflag:s5] =	ssyncadd.remote.s32 @p0 $0x1;
	_ =	sdelay $0x1  }
0xac: {  	s5 =	simm.s32 @p0 $0x1B8D  }
0xad: {  	_ =	swait.eq @p0 [sflag:s5], $0x1  }
0xae: {  	[sflag:s5] =	ssyncadd.s32 @p0 $0xFFFFFFFF  }
0xaf: {  	s6 =	sshll.u32 @!p0 s1, $0xE  }
0xb0: {  	s6 =	sor.u32 @!p0 $0x4000, s6;
	s5 =	simm.s32 @!p0 $0x1B8D  }
0xb1: {  	s4 =	sshll.u32 @!p0 s4, $0x11;
	s6 =	sadd.s32 @!p0 $0x11B8D, s6;
	_ =	swait.eq @!p0 [sflag:s5], $0x1  }
0xb2: {  	s4 =	sor.u32 @!p0 s4, s6;
	[sflag:s5] =	ssyncadd.s32 @!p0 $0xFFFFFFFF  }
0xb3: {  	s25 =	simm.s32 $0x1B8E;
	s24 =	sld [smem:$0x3FFE];
	[sflag:s4] =	ssyncadd.remote.s32 @!p0 $0x1  }
0xb4: {  	s26 =	simm.s32 $execute0_lowered;
	[smem:$0x3FD2] =	sst s25  }
0xb5: {  	s5 =	sshll.u32 s26, $0x1;
	_ =	strace $0x8000004C;
	[dreg:$0x1] =	wrdreg $0xFFFFFFFF  }
0xb6: {  	s28 =	simm.s32 $_size_execute0_lowered;
	s3 =	sadd.s32 s3, s5;
	[dreg:$0x0] =	wrdreg $0x0  }
0xb7: {  	s5 =	sshll.u32 s28, $0x1;
	[dreg:$0x2] =	wrdreg s3  }
0xb8: {  	[dreg:$0x3] =	wrdreg s5  }
0xb9: {  	[dreg:$0x4] =	wrdreg $0xC0  }
0xba: {  	_ =	task [dreg:s22], $0x5FFFF  }
0xbb: {  	[dreg:$0x1] =	wrdreg $0xFFFFFFFF  }
0xbc: {  	[dreg:$0x0] =	wrdreg $0x60  }
0xbd: {  	[dreg:$0x2] =	wrdreg s24  }
0xbe: {  	[dreg:$0x3] =	wrdreg $0x128E00  }
0xbf: {  	[dreg:$0x4] =	wrdreg $0xA  }
0xc0: {  	_ =	task.clear_ibuf [dreg:s22], $0x5FFFF;
	_ =	strace $0x9000004C  }
0xc1: {  	s29 =	simm.s32 $0xA;
	_ =	strace $0x8000004E  }
0xc2: {  	_ =	swait.ge [sflag:s29], $0x1  }
0xc3: {  	[sflag:s29] =	ssyncadd.s32 $0xFFFFFFFF  }
0xc4: {  	_ =	strace $0x9000004E  }
0xc5: {  	_ =	sfence  }
0xc6: {  	s30 =	sld [smem:$0x0];
	_ =	sdelay $0x2  }
0xc7: {  	s31 =	sshll.u32 s1, $0xD;
	s1 =	sshrl.u32 s1, $0x2  }
0xc8: {  	s4 =	sand.u32 $0x4000, s31;
	s1 =	sadd.s32 s1, s30  }
0xc9: {  	s0 =	sor.u32 s4, s0;
	s1 =	sshll.u32 s1, $0x11  }
0xca: {  	s0 =	sor.u32 s1, s0  }
0xcb: {  	s0 =	sadd.s32 $0x8F2B, s0  }
0xcc: {  	[sflag:s0] =	ssyncadd.remote.s32 $0x1  }
0xcd: {  	_ =	sfence.sel $0xFFFF  }
0xce: {  	[dreg:$0x0] =	wrdreg $0xFFFFFFFF;
	(pc) =	sbr.abs _section_cstart, $3  }
0xcf: {  	[dreg:$0x1] =	wrdreg $0xFFFFFFFF  }
0xd0: {  	_ =	task.clear_ibuf [dreg:s22], $0x2FFFF;
	_ =	strace $0x9FFFFFFF  }
0xd1: {  	(tm) =	ssettm $0x7FFFFFFF  }
tec
execute0_lowered:
.L_overlay_start_1:
0x0: {  	(tag) =	ssettag $0x1  }
0x1: {  	s0 =	rddreg [dreg:$0x0];
	s2 =	srdreg.scid  }
0x2: {  	s1 =	rddreg [dreg:$0x1];
	s3 =	simm.s32 $0x0;
	s17 =	stileid.u32  }
0x3: {  	s28 =	simm.s32 $0x2710;
	s29 =	simm.s32 $0x7;
	s30 =	simm.s32 $0x5  }
0x4: {  	s31 =	simm.s32 $0x3;
	s2 =	sand.u32 $0x1, s2;
	s6 =	smul.u32 $0x31000, s17  }
0x5: {  	[smem:$0x7FF] =	sst s3;
	s7 =	sadd.s32 $0x7D000, s0;
	s10 =	smul.u32 $0xC350, s17  }
0x6: {  	s14 =	sadd.s32 $0x64800, s0;
	s20 =	sadd.s32 $0xBF900, s1;
	s24 =	smul.u32 $0x186A, s17  }
0x7: {  	p0 =	seq.s32 s17, $0xF;
	s17 =	simm.s32 $0x2EE0;
	s4 =	smul.u32 $0x186A0, s2  }
0x8: {  	_ =	strace $0x8000004D;
	s16 =	ssub.s32 $0x2, s2;
	s11 =	sshll.u32 s2, $0x5  }
0x9: {  	[dreg:$0x4] =	wrdreg s20;
	s2 =	sshll.u32 s2, $0x1;
	s20 =	simm.s32 $0x1  }
0xa: {  	s8 =	sshrl.u32 s16, $0x1;
	s9 =	sshrl.u32 s6, $0x2;
	s19 =	sshrl.u32 s10, $0x3  }
0xb: {  	s23 =	sor.u32 s11, s6;
	s25 =	sadd.s32 s24, s14;
	s26 =	sadd.s32 s24, s7  }
0xc: {  	s24 =	simm.s32 $0x2;
	s5 =	sadd.s32 s4, s0;
	s0 =	sadd.s32 $0x2C00, s0  }
0xd: {  	s15 =	ssub.s32 s16, s8;
	s4 =	sadd.s32 s9, s1;
	s21 =	sadd.s32 s7, s19  }
0xe: {  	s12 =	sadd.s32 $0xFA, s19;
	s8 =	sadd.s32 s14, s19;
	s16 =	sadd.s32 $0x1F4, s26  }
0xf: {  	s19 =	simm.s32 $0x1770;
	s26 =	simm.s32 $0xFA0;
	[dreg:$0x5] =	wrdreg s21  }
0x10: {  	s18 =	sadd.s32 $0x7D00, s4;
	[dreg:$0x6] =	wrdreg s8;
	s9 =	sadd.s32 $0x33A00, s5  }
0x11: {  	s22 =	sadd.s32 s7, s12;
	s11 =	sadd.s32 s14, s12;
	s5 =	sshrl.u32 s23, $0x4  }
.Ltmp0:
0x12: {  	s2 =	sadd.s32 s2, s0;
	s14 =	smax.u32 s15, $0x1;
	(pc) =	sbr.rel .LBB2_1-.Ltmp0, $4  }
0x13: {  	s15 =	sadd.s32 $0x1F4, s25;
	s21 =	simm.s32 $0x7D0;
	[dreg:$0x3] =	wrdreg s18  }
0x14: {  	s23 =	simm.s32 $0x4;
	s25 =	simm.s32 $0xABE0;
	[dreg:$0x7] =	wrdreg s22  }
0x15: {  	s12 =	sadd.s32 s0, s5;
	s13 =	sadd.s32 $0x2DF00, s2;
	s18 =	simm.s32 $0x8  }
0x16: {  	v0 =	vimm.bf16 $0.0e+00;
	s22 =	simm.s32 $0x1F40;
	s0 =	simm.s32 $0x6;
	s2 =	simm.s32 $0x0  }
.LBB2_25:
0x17: {  	_ =	swait.ge [sflag:s29], $0x7D00  }
0x18: {  	[sflag:s29] =	ssyncset.done $0x0  }
0x19: {  	[sflag:s29] =	ssyncadd.s32 $0xFFFF8300  }
0x1a: {  	_ =	swait.ge [sflag:s0], $0x7D00  }
0x1b: {  	s5 =	sshrl.u32 @p0 s4, $0x3;
	s6 =	simm.s32 @p0 $0x1;
	[sflag:s0] =	ssyncset.done $0x0  }
0x1c: {  	s7 =	simm.s32 @p0 $0x4;
	s8 =	simm.s32 @p0 $0x2;
	[sflag:s0] =	ssyncadd.s32 $0xFFFF8300  }
0x1d: {  	s10 =	simm.s32 @p0 $0x1FC8;
	s2 =	sadd.s32 $0x1, s2;
	[bflag:$0x0] =	sbarrier.arrive $0xFFFF  }
0x1e: {  	[hbm:s13@s7], [sflag:s10] =	dma.strided @p0 [spmem:s5@s8], $0x1720, s6, $0x2   }
0x1f: {  	p1 =	sne.s32 s2, s14;
	s5 =	simm.s32 @p0 $0x8;
	s6 =	stileid.u32  }
0x20: {  	s7 =	simm.s32 @!p0 $0x1;
	s8 =	simm.s32 @!p0 $0x4;
	_ =	swait.ge @p0 [sflag:s5], $0x1720  }
0x21: {  	s10 =	simm.s32 @!p0 $0x2;
	s6 =	sshll.u32 @!p0 s6, $0x6;
	[sflag:s5] =	ssyncset.done @p0 $0x0  }
0x22: {  	[sflag:s5] =	ssyncadd.s32 @p0 $0xFFFFE8E0;
	s5 =	sor.u32 @!p0 $0x1C08, s6;
	s6 =	sshrl.u32 @!p0 s4, $0x3  }
0x23: {  	[hbm:s12@s8], [sflag:s5] =	dma.strided @!p0 [spmem:s6@s10], $0x1880, s7, $0x2   }
.Ltmp1:
0x24: {  	_ = 	snop;
	(pc) =	sbr.rel @!p1 .LBB2_26-.Ltmp1, $4  }
0x25: {  	s5 =	simm.s32 @!p0 $0x8  }
0x26: {  	_ =	swait.ge @!p0 [sflag:s5], $0x1880  }
0x27: {  	[sflag:s5] =	ssyncset.done @!p0 $0x0  }
0x28: {  	[sflag:s5] =	ssyncadd.s32 @!p0 $0xFFFFE780  }
.LBB2_1:
0x29: {  	s5 =	simm.s32 $0x40;
	s6 =	simm.s32 $0x0  }
.LBB2_2:
0x2a: {  	p1 =	sne.s32 s5, $0x1F3C0;
	[tilespmem:s6+$0x2EE0] =	vst v0;
	s6 =	smov.u32 s5;
	s5 =	sadd.s32 $0x40, s5  }
.Ltmp2:
0x2b: {  	(pc) =	sbr.rel @p1 .LBB2_2-.Ltmp2, $2  }
0x2c: {  	_ =	sdelay $0x2  }
0x2d: {  	s6 =	sshra.s32 s6, $0x2  }
0x2e: {  	[tilespmem:s6+$0x2EE0] =	vst v0  }
0x2f: {  	[spmem:s4] =	stream.linear.scatter [tilespmem:s17], [sflag:$0x8], $0x7D00, $0x38;
	[tilespmem:$0x1EC30] =	vst v63  }
0x30: {  	_ =	swait.ge [sflag:s18], $0x7D00  }
0x31: {  	[sflag:s18] =	ssyncset.done $0x0  }
0x32: {  	s5 =	simm.s32 @p0 $0x2EE0;
	s6 =	rddreg [dreg:$0x4];
	[sflag:s18] =	ssyncadd.s32 $0xFFFF8300  }
0x33: {  	[spmem:s6] =	stream.linear.scatter @p0 [tilespmem:s5], [sflag:$0x8], $0x3C00, $0x38;
	[tilespmem:$0x1EC30] =	vst v63  }
0x34: {  	s5 =	simm.s32 @p0 $0x8  }
0x35: {  	_ =	swait.ge @p0 [sflag:s5], $0x3C00  }
0x36: {  	[sflag:s5] =	ssyncset.done @p0 $0x0  }
0x37: {  	s6 =	rddreg [dreg:$0x3];
	[sflag:s5] =	ssyncadd.s32 @p0 $0xFFFFC400;
	s5 =	simm.s32 @!p0 $0x2EE0  }
0x38: {  	[spmem:s6] =	stream.linear.scatter @!p0 [tilespmem:s5], [sflag:$0x8], $0x4700, $0x38;
	[tilespmem:$0x1EC30] =	vst v63  }
0x39: {  	s5 =	simm.s32 @!p0 $0x8  }
0x3a: {  	_ =	swait.ge @!p0 [sflag:s5], $0x4700  }
0x3b: {  	[sflag:s5] =	ssyncset.done @!p0 $0x0  }
0x3c: {  	[sflag:s5] =	ssyncadd.s32 @!p0 $0xFFFFB900  }
0x3d: {  	[bflag:$0x0] =	sbarrier.arrive $0xFFFF  }
0x3e: {  	s5 =	simm.s32 $0x0;
	s7 =	rddreg [dreg:$0x5]  }
0x3f: {  	[tilespmem:s5], [sflag:$0x1] =	stream.linear.gather [hbm4b:s7+s5], $0x7D0, $0x38;
	[tilespmem:$0x1EC30] =	vst v63  }
0x40: {  	s8 =	rddreg [dreg:$0x6]  }
0x41: {  	[tilespmem:s19], [sflag:$0x1] =	stream.linear.gather [hbm4b:s8+s5], $0x7D0, $0x38;
	[tilespmem:$0x1EC30] =	vst v63  }
0x42: {  	_ =	swait.ge [sflag:s20], $0x7D0  }
0x43: {  	[sflag:s20] =	ssyncset.done $0x0  }
0x44: {  	[sflag:s20] =	ssyncadd.s32 $0xFFFFF830  }
0x45: {  	_ =	swait.ge [sflag:s20], $0x7D0  }
0x46: {  	[sflag:s20] =	ssyncset.done $0x0  }
0x47: {  	[sflag:s20] =	ssyncadd.s32 $0xFFFFF830  }
0x48: {  	[tilespmem:s17], [sflag:$0x4] =	stream.indirect.gather [hbm4b:s9+s21], $0x10, s5, s21, $0xb8;
	[tilespmem:$0x1EC30] =	vst v63  }
.Ltmp3:
0x49: {  	_ = 	snop;
	(pc) =	sbr.rel .LBB2_4-.Ltmp3, $4  }
0x4a: {  	s10 =	rddreg [dreg:$0x7]  }
0x4b: {  	[tilespmem:s21], [sflag:$0x2] =	stream.linear.gather [hbm4b:s10+s5], $0x7D0, $0x38;
	[tilespmem:$0x1EC30] =	vst v63  }
0x4c: {  	s6 =	simm.s32 $0x0  }
0x4d: {  	[tilespmem:s22], [sflag:$0x2] =	stream.linear.gather [hbm4b:s11+s5], $0x7D0, $0x38;
	[tilespmem:$0x1EC30] =	vst v63  }
.LBB2_15:
0x4e: {  	[tilespmem:s25], [sflag:$0x5] =	stream.indirect.gather [hbm4b:s9+s21], $0x10, s21, s21, $0xb8;
	[tilespmem:$0x1EC30] =	vst v63  }
.LBB2_17:
0x4f: {  	s7 =	sadd.s32 s5, s16  }
0x50: {  	[tilespmem:s26], [sflag:$0x3] =	stream.linear.gather [hbm4b:s7+s3], $0x7D0, $0x38;
	[tilespmem:$0x1EC30] =	vst v63  }
0x51: {  	s10 =	sadd.s32 s5, s15  }
0x52: {  	[tilespmem:s28], [sflag:$0x3] =	stream.linear.gather [hbm4b:s10+s3], $0x7D0, $0x38;
	[tilespmem:$0x1EC30] =	vst v63  }
.LBB2_24:
0x53: {  	s5 =	sadd.s32 $0xFA, s5  }
0x54: {  	p1 =	sne.s32 s5, $0x186A  }
.Ltmp4:
0x55: {  	_ = 	snop;
	(pc) =	sbr.rel @!p1 .LBB2_25-.Ltmp4, $2  }
0x56: {  	_ =	sdelay $0x2  }
0x57: {  	s6 =	sadd.s32 $0x1, s6  }
.LBB2_4:
0x58: {  	s7 =	smul.u32 $0xAB, s6;
	_ =	sdelay $0x1  }
0x59: {  	s7 =	sshrl.u32 s7, $0xA  }
0x5a: {  	s7 =	sand.u32 $0x3F, s7  }
0x5b: {  	s7 =	smul.u32 $0x6, s7;
	_ =	sdelay $0x1  }
0x5c: {  	s7 =	ssub.s32 s6, s7  }
0x5d: {  	s7 =	sand.u32 $0xFF, s7  }
0x5e: {  	p1 =	sgt.s32 s7, $0x2  }
.Ltmp5:
0x5f: {  	_ = 	snop;
	(pc) =	sbr.rel @p1 .LBB2_9-.Ltmp5, $1  }
0x60: {  	_ =	sdelay $0x3  }
0x61: {  	p1 =	seq.s32 s7, $0x0  }
.Ltmp6:
0x62: {  	_ = 	snop;
	(pc) =	sbr.rel @p1 .LBB2_13-.Ltmp6, $1  }
0x63: {  	_ =	sdelay $0x3  }
0x64: {  	p1 =	seq.s32 s7, $0x1  }
.Ltmp7:
0x65: {  	_ = 	snop;
	(pc) =	sbr.rel @!p1 .LBB2_18-.Ltmp7, $1  }
0x66: {  	_ =	sdelay $0x3  }
0x67: {  	p1 =	seq.s32 s5, $0x1770  }
.Ltmp8:
0x68: {  	_ = 	snop;
	(pc) =	sbr.rel @p1 .LBB2_25-.Ltmp8, $4  }
0x69: {  	_ =	swait.ge [sflag:s30], $0x7D00  }
0x6a: {  	[sflag:s30] =	ssyncset.done $0x0  }
0x6b: {  	[sflag:s30] =	ssyncadd.s32 $0xFFFF8300  }
0x6c: {  	[spmem:s1] =	stream.indirect.scatter.add.bf16 [tilespmem:s25], [sflag:$0x7], $0x10, s22, s21, $0xb8;
	[tilespmem:$0x1EC30] =	vst v63  }
0x6d: {  	_ =	swait.ge [sflag:s31], $0x7D0  }
0x6e: {  	[sflag:s31] =	ssyncset.done $0x0  }
0x6f: {  	[sflag:s31] =	ssyncadd.s32 $0xFFFFF830  }
0x70: {  	_ =	swait.ge [sflag:s31], $0x7D0  }
0x71: {  	[sflag:s31] =	ssyncset.done $0x0  }
0x72: {  	[sflag:s31] =	ssyncadd.s32 $0xFFFFF830  }
0x73: {  	_ =	swait.ge [sflag:s0], $0x7D00  }
0x74: {  	[sflag:s0] =	ssyncset.done $0x0  }
0x75: {  	[sflag:s0] =	ssyncadd.s32 $0xFFFF8300  }
0x76: {  	[tilespmem:s17], [sflag:$0x4] =	stream.indirect.gather [hbm4b:s9+s21], $0x10, s26, s21, $0xb8;
	[tilespmem:$0x1EC30] =	vst v63  }
.Ltmp9:
0x77: {  	p1 =	sgt.u32 s6, $0x16;
	(pc) =	sbr.rel .LBB2_24-.Ltmp9, $4  }
0x78: {  	s7 =	sadd.s32 @!p1 s5, s16;
	s8 =	simm.s32 @!p1 $0x0  }
0x79: {  	[tilespmem:s8], [sflag:$0x1] =	stream.linear.gather @!p1 [hbm4b:s7+s8], $0x7D0, $0x38;
	[tilespmem:$0x1EC30] =	vst v63  }
0x7a: {  	s10 =	simm.s32 @!p1 $0x1770;
	s7 =	sadd.s32 @!p1 s5, s15  }
0x7b: {  	[tilespmem:s10], [sflag:$0x1] =	stream.linear.gather @!p1 [hbm4b:s7+s8], $0x7D0, $0x38;
	[tilespmem:$0x1EC30] =	vst v63  }
.LBB2_9:
0x7c: {  	p2 =	seq.s32 s7, $0x3  }
.Ltmp10:
0x7d: {  	_ = 	snop;
	(pc) =	sbr.rel @p2 .LBB2_20-.Ltmp10, $2  }
0x7e: {  	_ =	sdelay $0x2  }
0x7f: {  	p1 =	seq.s32 s5, $0x1770  }
0x80: {  	p2 =	seq.s32 s7, $0x4  }
.Ltmp11:
0x81: {  	_ = 	snop;
	(pc) =	sbr.rel @!p2 .LBB2_22-.Ltmp11, $1  }
0x82: {  	_ =	sdelay $0x3  }
.Ltmp12:
0x83: {  	(pc) =	sbr.rel @p1 .LBB2_25-.Ltmp12, $4  }
0x84: {  	_ =	swait.ge [sflag:s23], $0x7D00  }
0x85: {  	[sflag:s23] =	ssyncset.done $0x0  }
0x86: {  	[sflag:s23] =	ssyncadd.s32 $0xFFFF8300  }
0x87: {  	[spmem:s1] =	stream.indirect.scatter.add.bf16 [tilespmem:s17], [sflag:$0x6], $0x10, s22, s21, $0xb8;
	[tilespmem:$0x1EC30] =	vst v63  }
0x88: {  	_ =	swait.ge [sflag:s31], $0x7D0  }
0x89: {  	[sflag:s31] =	ssyncset.done $0x0  }
0x8a: {  	[sflag:s31] =	ssyncadd.s32 $0xFFFFF830  }
0x8b: {  	_ =	swait.ge [sflag:s31], $0x7D0  }
0x8c: {  	[sflag:s31] =	ssyncset.done $0x0  }
0x8d: {  	[sflag:s31] =	ssyncadd.s32 $0xFFFFF830  }
0x8e: {  	_ =	swait.ge [sflag:s29], $0x7D00  }
0x8f: {  	[sflag:s29] =	ssyncset.done $0x0  }
0x90: {  	[sflag:s29] =	ssyncadd.s32 $0xFFFF8300  }
0x91: {  	[tilespmem:s25], [sflag:$0x5] =	stream.indirect.gather [hbm4b:s9+s21], $0x10, s26, s21, $0xb8;
	[tilespmem:$0x1EC30] =	vst v63  }
.Ltmp13:
0x92: {  	p1 =	sgt.u32 s6, $0x16;
	(pc) =	sbr.rel .LBB2_24-.Ltmp13, $4  }
0x93: {  	s7 =	sadd.s32 @!p1 s5, s16;
	s8 =	simm.s32 @!p1 $0x0  }
0x94: {  	[tilespmem:s8], [sflag:$0x1] =	stream.linear.gather @!p1 [hbm4b:s7+s8], $0x7D0, $0x38;
	[tilespmem:$0x1EC30] =	vst v63  }
0x95: {  	s10 =	simm.s32 @!p1 $0x1770;
	s7 =	sadd.s32 @!p1 s5, s15  }
0x96: {  	[tilespmem:s10], [sflag:$0x1] =	stream.linear.gather @!p1 [hbm4b:s7+s8], $0x7D0, $0x38;
	[tilespmem:$0x1EC30] =	vst v63  }
.LBB2_13:
0x97: {  	p1 =	seq.s32 s5, $0x1770  }
.Ltmp14:
0x98: {  	_ = 	snop;
	(pc) =	sbr.rel @p1 .LBB2_25-.Ltmp14, $4  }
0x99: {  	_ =	swait.ge [sflag:s23], $0x7D00  }
0x9a: {  	[sflag:s23] =	ssyncset.done $0x0  }
0x9b: {  	[sflag:s23] =	ssyncadd.s32 $0xFFFF8300  }
0x9c: {  	[spmem:s1] =	stream.indirect.scatter.add.bf16 [tilespmem:s17], [sflag:$0x6], $0x10, s19, s21, $0xb8;
	[tilespmem:$0x1EC30] =	vst v63  }
0x9d: {  	_ =	swait.ge [sflag:s24], $0x7D0;
	p1 =	sne.s32 s5, $0x0  }
.Ltmp15:
0x9e: {  	[sflag:s24] =	ssyncset.done $0x0;
	(pc) =	sbr.rel @!p1 .LBB2_15-.Ltmp15, $4  }
0x9f: {  	[sflag:s24] =	ssyncadd.s32 $0xFFFFF830  }
0xa0: {  	_ =	swait.ge [sflag:s24], $0x7D0  }
0xa1: {  	[sflag:s24] =	ssyncset.done $0x0  }
0xa2: {  	[sflag:s24] =	ssyncadd.s32 $0xFFFFF830  }
0xa3: {  	p1 =	sgt.u32 s6, $0x16  }
.Ltmp16:
0xa4: {  	_ = 	snop;
	(pc) =	sbr.rel @p1 .LBB2_24-.Ltmp16, $4  }
.Ltmp17:
0xa5: {  	_ =	swait.ge [sflag:s29], $0x7D00;
	(pc) =	sbr.rel @!p1 .LBB2_17-.Ltmp17, $4  }
0xa6: {  	[sflag:s29] =	ssyncset.done $0x0  }
0xa7: {  	[sflag:s29] =	ssyncadd.s32 $0xFFFF8300  }
0xa8: {  	[tilespmem:s25], [sflag:$0x5] =	stream.indirect.gather [hbm4b:s9+s21], $0x10, s21, s21, $0xb8;
	[tilespmem:$0x1EC30] =	vst v63  }
0xa9: {  	_ = 	snop  }
.LBB2_20:
.Ltmp18:
0xaa: {  	(pc) =	sbr.rel @p1 .LBB2_25-.Ltmp18, $4  }
0xab: {  	_ =	swait.ge [sflag:s30], $0x7D00  }
0xac: {  	[sflag:s30] =	ssyncset.done $0x0  }
0xad: {  	[sflag:s30] =	ssyncadd.s32 $0xFFFF8300  }
0xae: {  	[spmem:s1] =	stream.indirect.scatter.add.bf16 [tilespmem:s25], [sflag:$0x7], $0x10, s19, s21, $0xb8;
	[tilespmem:$0x1EC30] =	vst v63  }
0xaf: {  	_ =	swait.ge [sflag:s24], $0x7D0  }
0xb0: {  	[sflag:s24] =	ssyncset.done $0x0  }
0xb1: {  	[sflag:s24] =	ssyncadd.s32 $0xFFFFF830  }
0xb2: {  	_ =	swait.ge [sflag:s24], $0x7D0  }
0xb3: {  	[sflag:s24] =	ssyncset.done $0x0  }
0xb4: {  	[sflag:s24] =	ssyncadd.s32 $0xFFFFF830  }
0xb5: {  	_ =	swait.ge [sflag:s0], $0x7D00  }
0xb6: {  	[sflag:s0] =	ssyncset.done $0x0  }
0xb7: {  	[sflag:s0] =	ssyncadd.s32 $0xFFFF8300  }
0xb8: {  	[tilespmem:s17], [sflag:$0x4] =	stream.indirect.gather [hbm4b:s9+s21], $0x10, s21, s21, $0xb8;
	[tilespmem:$0x1EC30] =	vst v63  }
.Ltmp19:
0xb9: {  	p1 =	sgt.u32 s6, $0x16;
	(pc) =	sbr.rel .LBB2_24-.Ltmp19, $4  }
0xba: {  	s7 =	sadd.s32 @!p1 s5, s16;
	s8 =	simm.s32 @!p1 $0x0;
	s10 =	simm.s32 @!p1 $0xFA0  }
0xbb: {  	[tilespmem:s10], [sflag:$0x3] =	stream.linear.gather @!p1 [hbm4b:s7+s8], $0x7D0, $0x38;
	[tilespmem:$0x1EC30] =	vst v63  }
0xbc: {  	s7 =	sadd.s32 @!p1 s5, s15;
	s10 =	simm.s32 @!p1 $0x2710  }
0xbd: {  	[tilespmem:s10], [sflag:$0x3] =	stream.linear.gather @!p1 [hbm4b:s7+s8], $0x7D0, $0x38;
	[tilespmem:$0x1EC30] =	vst v63  }
.LBB2_18:
0xbe: {  	p1 =	seq.s32 s5, $0x1770  }
.Ltmp20:
0xbf: {  	_ = 	snop;
	(pc) =	sbr.rel @p1 .LBB2_25-.Ltmp20, $4  }
0xc0: {  	_ =	swait.ge [sflag:s23], $0x7D00  }
0xc1: {  	[sflag:s23] =	ssyncset.done $0x0  }
0xc2: {  	[sflag:s23] =	ssyncadd.s32 $0xFFFF8300  }
0xc3: {  	[spmem:s1] =	stream.indirect.scatter.add.bf16 [tilespmem:s17], [sflag:$0x6], $0x10, s28, s21, $0xb8;
	[tilespmem:$0x1EC30] =	vst v63  }
0xc4: {  	_ =	swait.ge [sflag:s20], $0x7D0  }
0xc5: {  	[sflag:s20] =	ssyncset.done $0x0  }
0xc6: {  	[sflag:s20] =	ssyncadd.s32 $0xFFFFF830  }
0xc7: {  	_ =	swait.ge [sflag:s20], $0x7D0  }
0xc8: {  	[sflag:s20] =	ssyncset.done $0x0  }
0xc9: {  	[sflag:s20] =	ssyncadd.s32 $0xFFFFF830  }
0xca: {  	_ =	swait.ge [sflag:s29], $0x7D00  }
0xcb: {  	[sflag:s29] =	ssyncset.done $0x0  }
0xcc: {  	[sflag:s29] =	ssyncadd.s32 $0xFFFF8300  }
0xcd: {  	[tilespmem:s25], [sflag:$0x5] =	stream.indirect.gather [hbm4b:s9+s21], $0x10, s3, s21, $0xb8;
	[tilespmem:$0x1EC30] =	vst v63  }
.Ltmp21:
0xce: {  	p1 =	sgt.u32 s6, $0x16;
	(pc) =	sbr.rel .LBB2_24-.Ltmp21, $4  }
0xcf: {  	s7 =	sadd.s32 @!p1 s5, s16;
	s8 =	simm.s32 @!p1 $0x0;
	s10 =	simm.s32 @!p1 $0x7D0  }
0xd0: {  	[tilespmem:s10], [sflag:$0x2] =	stream.linear.gather @!p1 [hbm4b:s7+s8], $0x7D0, $0x38;
	[tilespmem:$0x1EC30] =	vst v63  }
0xd1: {  	s7 =	sadd.s32 @!p1 s5, s15;
	s10 =	simm.s32 @!p1 $0x1F40  }
0xd2: {  	[tilespmem:s10], [sflag:$0x2] =	stream.linear.gather @!p1 [hbm4b:s7+s8], $0x7D0, $0x38;
	[tilespmem:$0x1EC30] =	vst v63  }
.LBB2_22:
.Ltmp22:
0xd3: {  	(pc) =	sbr.rel @p1 .LBB2_25-.Ltmp22, $4  }
0xd4: {  	_ =	swait.ge [sflag:s30], $0x7D00  }
0xd5: {  	[sflag:s30] =	ssyncset.done $0x0  }
0xd6: {  	[sflag:s30] =	ssyncadd.s32 $0xFFFF8300  }
0xd7: {  	[spmem:s1] =	stream.indirect.scatter.add.bf16 [tilespmem:s25], [sflag:$0x7], $0x10, s28, s21, $0xb8;
	[tilespmem:$0x1EC30] =	vst v63  }
0xd8: {  	_ =	swait.ge [sflag:s20], $0x7D0  }
0xd9: {  	[sflag:s20] =	ssyncset.done $0x0  }
0xda: {  	[sflag:s20] =	ssyncadd.s32 $0xFFFFF830  }
0xdb: {  	_ =	swait.ge [sflag:s20], $0x7D0  }
0xdc: {  	[sflag:s20] =	ssyncset.done $0x0  }
0xdd: {  	[sflag:s20] =	ssyncadd.s32 $0xFFFFF830  }
0xde: {  	_ =	swait.ge [sflag:s0], $0x7D00  }
0xdf: {  	[sflag:s0] =	ssyncset.done $0x0  }
0xe0: {  	[sflag:s0] =	ssyncadd.s32 $0xFFFF8300  }
0xe1: {  	[tilespmem:s17], [sflag:$0x4] =	stream.indirect.gather [hbm4b:s9+s21], $0x10, s3, s21, $0xb8;
	[tilespmem:$0x1EC30] =	vst v63  }
.Ltmp23:
0xe2: {  	p1 =	sgt.u32 s6, $0x16;
	(pc) =	sbr.rel .LBB2_24-.Ltmp23, $4  }
0xe3: {  	s7 =	sadd.s32 @!p1 s5, s16;
	s8 =	simm.s32 @!p1 $0x0;
	s10 =	simm.s32 @!p1 $0x7D0  }
0xe4: {  	[tilespmem:s10], [sflag:$0x2] =	stream.linear.gather @!p1 [hbm4b:s7+s8], $0x7D0, $0x38;
	[tilespmem:$0x1EC30] =	vst v63  }
0xe5: {  	s7 =	sadd.s32 @!p1 s5, s15;
	s10 =	simm.s32 @!p1 $0x1F40  }
0xe6: {  	[tilespmem:s10], [sflag:$0x2] =	stream.linear.gather @!p1 [hbm4b:s7+s8], $0x7D0, $0x38;
	[tilespmem:$0x1EC30] =	vst v63  }
.LBB2_26:
0xe7: {  	_ =	sfence.sel $0x180000  }
0xe8: {  	[bflag:$0x0] =	sbarrier.arrive $0xFFFF  }
0xe9: {  	_ =	strace $0x9000004D  }
0xea: {  	s0 =	stileid.u32;
	[bflag:$0x2] =	sbarrier.arrive $0xFFFF  }
0xeb: {  	p0 =	sne.s32 s0, $0x0;
	s0 =	rddreg [dreg:$0x2]  }
0xec: {  	s0 =	sadd.s32 @!p0 $0x100000, s0  }
0xed: {  	[sflag:s0] =	ssyncadd.tile.s32 @!p0 $0x1;
	_ =	shalt  }
.Lfunc_end2:
_tile_overlayer_lowered:
.L_overlay_start_2:
0xee: {  	(tag) =	ssettag $0x2  }
0xef: {  	s0 =	rddreg [dreg:$0x0];
	s2 =	stileid.u32  }
0xf0: {  	s1 =	rddreg [dreg:$0x1];
	p0 =	sne.s32 s2, $0x0  }
0xf1: {  	s3 =	rddreg [dreg:$0x2];
	[bflag:$0x3] =	sbarrier.arrive $0xFFFF;
	s2 =	simm.s32 @!p0 $0x1C08  }
0xf2: {  	[timem:s3], [sflag:s2] =	dma.local @!p0 [hbm:s0], s1  }
0xf3: {  	s0 =	simm.s32 @!p0 $0x8  }
0xf4: {  	_ =	swait.ge @!p0 [sflag:s0], s1  }
0xf5: {  	s1 =	ssub.s32 @!p0 $0x0, s1;
	[sflag:s0] =	ssyncset.done @!p0 $0x0  }
0xf6: {  	[sflag:s0] =	ssyncadd.s32 @!p0 s1  }
0xf7: {  	[bflag:$0x3] =	sbarrier.arrive $0xFFFF  }
0xf8: {  	_ =	shalt  }

// kernel: kernel.24.cloned.1.call-start
scs
__scs_entry_jumppad:
0x0: {  	(pc) =	sbr.rel $0x88, $3  }
0x1: {  	(tag) =	ssettag $0x0;
	lr =	simm.s32 $0x1  }
0x2: {  	[smem:$0x3F93] =	sst lr;
	_ =	strace $0xD0000000  }
0x3: {  	_ = 	snop  }
0x4: {  	_ = 	snop  }
0x5: {  	_ = 	snop  }
0x6: {  	_ = 	snop  }
0x7: {  	_ = 	snop  }
__scs_overlays_trampoline_lowered:
0x8: {  	[smem:$0x3FA2] =	sst s0  }
0x9: {  	[smem:$0x3FA3] =	sst s1  }
0xa: {  	[smem:$0x3FA4] =	sst s2  }
0xb: {  	[smem:$0x3FA5] =	sst s3  }
0xc: {  	[smem:$0x3FA6] =	sst s4  }
0xd: {  	[smem:$0x3FA7] =	sst s5  }
0xe: {  	[smem:$0x3FA8] =	sst s6  }
0xf: {  	[smem:$0x3FA9] =	sst s7  }
0x10: {  	[smem:$0x3FAA] =	sst s8  }
0x11: {  	[smem:$0x3FAB] =	sst s9;
	s0 =	simm.s32 @!p0 $0x0  }
0x12: {  	s1 =	sld [smem:$0x3F91];
	s0 =	simm.s32 @p0 $0x1  }
0x13: {  	[smem:$0x3FAC] =	sst s0;
	s0 =	simm.s32 @!p1 $0x0  }
0x14: {  	s2 =	sld [smem:$0x3F90];
	s0 =	simm.s32 @p1 $0x1  }
0x15: {  	[smem:$0x3FAD] =	sst s0;
	s0 =	simm.s32 @!p2 $0x0  }
0x16: {  	s3 =	sld [smem:$0x3FDB];
	s0 =	simm.s32 @p2 $0x1  }
0x17: {  	s4 =	simm.s32 $0x1BF5;
	[smem:$0x3FAF] =	sst s0  }
0x18: {  	s0 =	sld [smem:$0x3F92];
	_ =	swait.ge [sflag:s4], $0x0  }
0x19: {  	s7 =	sld [smem:$0x3F93]  }
0x1a: {  	s8 =	sadd.s32 $0xFFFFE003, lr  }
0x1b: {  	s9 =	sadd.s32 $0xFFFFFEF7, lr;
	s5 =	simm.s32 $0xFFFFFFFF;
	p2 =	slt.u32 s8, $0xFFFFF086  }
0x1c: {  	p1 =	slt.u32 s9, $0xF7A;
	s5 =	simm.s32 @!p2 $0x0  }
0x1d: {  	s5 =	simm.s32 @p1 $0x1;
	p0 =	seq.s32 s7, s2  }
0x1e: {  	s7 =	smul.u32 @!p0 $0xF7A, s2;
	p2 =	seq.s32 @!p0 s5, $0x0  }
0x1f: {  	s9 =	smul.u32 $0xF7A, s1;
	s8 =	simm.s32 @!p0 $0x1BF5;
	p2 =	por !p2, p0  }
0x20: {  	[sflag:s8] =	ssyncset.s32 @!p0 $0xFFFFF086;
	s6 =	sadd.s32 @!p0 s3, s7;
	s7 =	simm.s32 @!p0 $0x108  }
0x21: {  	s3 =	sadd.s32 s3, s9;
	s6 =	sadd.s32 @!p0 $0x88, s6;
	s7 =	simm.s32 @p2 $0x1082  }
0x22: {  	[simem:s7], [sflag:s8] =	dma.local @!p0 [hbm:s6], $0xF7A  }
0x23: {  	s9 =	sor.u32 $0xD0000000, s2;
	s6 =	simm.s32 $0x108;
	_ =	swait.ge @!p0 [sflag:s8], $0x0  }
0x24: {  	s3 =	sadd.s32 $0x88, s3;
	s6 =	simm.s32 @!p1 $0x1082;
	[sflag:s4] =	ssyncset.s32 $0xFFFFF086  }
0x25: {  	[simem:s6], [sflag:s4] =	dma.local [hbm:s3], $0xF7A  }
0x26: {  	[smem:$0x3F93] =	sst s1;
	(tag) =	ssettag s2;
	_ =	strace s9  }
0x27: {  	s1 =	sld [smem:$0x3FA3]  }
0x28: {  	s2 =	sld [smem:$0x3FA4]  }
0x29: {  	s4 =	sld [smem:$0x3FA6]  }
0x2a: {  	p0 =	seq.s32 s5, $0x0;
	s5 =	sld [smem:$0x3FA7]  }
0x2b: {  	s6 =	sld [smem:$0x3FA8]  }
0x2c: {  	s7 =	sld [smem:$0x3FA9]  }
0x2d: {  	s3 =	simm.s32 $0x108;
	s8 =	sld [smem:$0x3FAA]  }
0x2e: {  	s3 =	simm.s32 @!p0 $0x1082;
	s9 =	sld [smem:$0x3FAB]  }
0x2f: {  	lr =	sadd.s32 s0, s3;
	s0 =	sld [smem:$0x3FA2]  }
0x30: {  	s3 =	sld [smem:$0x3FA5]  }
0x31: {  	[smem:$0x3FAE] =	sst s10  }
0x32: {  	s10 =	sld [smem:$0x3FAC];
	_ =	sdelay $0x3  }
0x33: {  	p0 =	seq.s32 s10, $0x1;
	s10 =	sld [smem:$0x3FAE];
	_ =	sdelay $0x3  }
0x34: {  	[smem:$0x3FAE] =	sst s10  }
0x35: {  	s10 =	sld [smem:$0x3FAD];
	_ =	sdelay $0x3  }
0x36: {  	p1 =	seq.s32 s10, $0x1;
	s10 =	sld [smem:$0x3FAE];
	_ =	sdelay $0x3  }
0x37: {  	[smem:$0x3FAE] =	sst s10  }
0x38: {  	s10 =	sld [smem:$0x3FAF]  }
0x39: {  	_ = 	snop;
	(pc) =	sbr.ind lr, $3  }
0x3a: {  	_ = 	snop  }
0x3b: {  	_ = 	snop  }
0x3c: {  	p2 =	seq.s32 s10, $0x1;
	s10 =	sld [smem:$0x3FAE]  }
0x3d: {  	_ =	shalt  }
0x3e: {  	_ =	shalt  }
0x3f: {  	_ =	shalt  }
0x40: {  	_ =	shalt  }
0x41: {  	_ =	shalt  }
0x42: {  	_ =	shalt  }
0x43: {  	_ =	shalt  }
0x44: {  	_ =	shalt  }
0x45: {  	_ =	shalt  }
0x46: {  	_ =	shalt  }
0x47: {  	_ =	shalt  }
0x48: {  	_ =	shalt  }
0x49: {  	_ =	shalt  }
0x4a: {  	_ =	shalt  }
0x4b: {  	_ =	shalt  }
0x4c: {  	_ =	shalt  }
0x4d: {  	_ =	shalt  }
0x4e: {  	_ =	shalt  }
0x4f: {  	_ =	shalt  }
0x50: {  	_ =	shalt  }
0x51: {  	_ =	shalt  }
0x52: {  	_ =	shalt  }
0x53: {  	_ =	shalt  }
0x54: {  	_ =	shalt  }
0x55: {  	_ =	shalt  }
0x56: {  	_ =	shalt  }
0x57: {  	_ =	shalt  }
0x58: {  	_ =	shalt  }
0x59: {  	_ =	shalt  }
0x5a: {  	_ =	shalt  }
0x5b: {  	_ =	shalt  }
0x5c: {  	_ =	shalt  }
0x5d: {  	_ =	shalt  }
0x5e: {  	_ =	shalt  }
0x5f: {  	_ =	shalt  }
0x60: {  	_ =	shalt  }
0x61: {  	_ =	shalt  }
0x62: {  	_ =	shalt  }
0x63: {  	_ =	shalt  }
0x64: {  	_ =	shalt  }
0x65: {  	_ =	shalt  }
0x66: {  	_ =	shalt  }
0x67: {  	_ =	shalt  }
0x68: {  	_ =	shalt  }
0x69: {  	_ =	shalt  }
0x6a: {  	_ =	shalt  }
0x6b: {  	_ =	shalt  }
0x6c: {  	_ =	shalt  }
0x6d: {  	_ =	shalt  }
0x6e: {  	_ =	shalt  }
0x6f: {  	_ =	shalt  }
0x70: {  	_ =	shalt  }
0x71: {  	_ =	shalt  }
0x72: {  	_ =	shalt  }
0x73: {  	_ =	shalt  }
0x74: {  	_ =	shalt  }
0x75: {  	_ =	shalt  }
0x76: {  	_ =	shalt  }
0x77: {  	_ =	shalt  }
0x78: {  	_ =	shalt  }
0x79: {  	_ =	shalt  }
0x7a: {  	_ =	shalt  }
0x7b: {  	_ =	shalt  }
0x7c: {  	_ =	shalt  }
0x7d: {  	_ =	shalt  }
0x7e: {  	_ =	shalt  }
0x7f: {  	_ =	shalt  }
0x80: {  	_ =	shalt  }
0x81: {  	_ =	shalt  }
0x82: {  	_ =	shalt  }
0x83: {  	_ =	shalt  }
0x84: {  	_ =	shalt  }
0x85: {  	_ =	shalt  }
0x86: {  	_ =	shalt  }
0x87: {  	_ =	shalt  }
.Lfunc_end0:
.L_simem_size_0:
called_computation.4_lowered:
.L_overlay_start_0:
0x88: {  	s2 =	sld [smem:$0x3FD9]  }
0x89: {  	s3 =	sld [smem:$0x3FFE];
	_ =	sdelay $0x1  }
0x8a: {  	s1 =	srdreg.scid  }
0x8b: {  	s0 =	sand.u32 $0x1, s1  }
0x8c: {  	s16 =	sshll.u32 s0, $0xA;
	s2 =	sadd.s32 s3, s2  }
0x8d: {  	s2 =	sadd.s32 s2, s16  }
0x8e: {  	[smem:$0x3FBA] =	sst s2  }
0x8f: {  	_ = 	snop  }
0x90: {  	(tm) =	ssettm $0x1  }
0x91: {  	s17 =	sld [smem:$0x3FFB];
	_ =	sdelay $0x3  }
0x92: {  	_ =	strace s17  }
0x93: {  	s2 =	sld [smem:$0x3FFC];
	_ =	sdelay $0x3  }
0x94: {  	_ =	strace s2  }
0x95: {  	s2 =	sld [smem:$0x3FFD];
	_ =	sdelay $0x3  }
0x96: {  	_ =	strace s2  }
0x97: {  	_ =	strace $0x8FFFFFFF  }
0x98: {  	s18 =	sld [smem:$0x3FDB];
	_ =	sdelay $0x1  }
0x99: {  	s19 =	simm.s32 $_scs_section_size  }
0x9a: {  	s4 =	simm.s32 $_size__tile_overlayer_lowered;
	s5 =	simm.s32 $_tile_overlayer_lowered  }
0x9b: {  	s22 =	simm.s32 $0x1BFF;
	s21 =	sshll.u32 s5, $0x1;
	s2 =	sadd.s32 s19, s18  }
0x9c: {  	s6 =	simm.s32 $0x0;
	s20 =	sshll.u32 s4, $0x1;
	s4 =	sadd.s32 s21, s2  }
0x9d: {  	[timem:s6], [sflag:s22] =	dma.local [hbm:s4], s20  }
0x9e: {  	_ =	swait.ge [sflag:s22], s20  }
0x9f: {  	s3 =	ssub.s32 $0x0, s20;
	[sflag:s22] =	ssyncset.done $0x0  }
0xa0: {  	[sflag:s22] =	ssyncadd.s32 s3;
	_ =	sdelay $0x1  }
0xa1: {  	s23 =	simm.s32 $0x1B8B  }
0xa2: {  	_ =	swait.ge [sflag:s23], $0x1  }
0xa3: {  	[sflag:s23] =	ssyncset.done $0x0  }
0xa4: {  	s25 =	simm.s32 $0x1B8E;
	s24 =	sld [smem:$0x3FFE];
	[sflag:s23] =	ssyncadd.s32 $0xFFFFFFFF  }
0xa5: {  	s26 =	simm.s32 $execute0_lowered;
	[smem:$0x3FD2] =	sst s25  }
0xa6: {  	s4 =	sshll.u32 s26, $0x1;
	_ =	strace $0x80000052;
	[dreg:$0x1] =	wrdreg $0xFFFFFFFF  }
0xa7: {  	s28 =	simm.s32 $_size_execute0_lowered;
	s2 =	sadd.s32 s2, s4;
	[dreg:$0x0] =	wrdreg $0x0  }
0xa8: {  	s4 =	sshll.u32 s28, $0x1;
	[dreg:$0x2] =	wrdreg s2  }
0xa9: {  	[dreg:$0x3] =	wrdreg s4  }
0xaa: {  	[dreg:$0x4] =	wrdreg $0xC0  }
0xab: {  	_ =	task [dreg:s6], $0x5FFFF  }
0xac: {  	[dreg:$0x1] =	wrdreg $0xFFFFFFFF  }
0xad: {  	[dreg:$0x0] =	wrdreg $0x60  }
0xae: {  	[dreg:$0x2] =	wrdreg s24  }
0xaf: {  	[dreg:$0x3] =	wrdreg $0x9  }
0xb0: {  	_ =	task.clear_ibuf [dreg:s6], $0x4FFFF;
	_ =	strace $0x90000052  }
0xb1: {  	s29 =	simm.s32 $0x9;
	_ =	strace $0x80000054  }
0xb2: {  	_ =	swait.ge [sflag:s29], $0x1  }
0xb3: {  	[sflag:s29] =	ssyncadd.s32 $0xFFFFFFFF  }
0xb4: {  	_ =	strace $0x90000054  }
0xb5: {  	_ =	sfence  }
0xb6: {  	s30 =	sld [smem:$0x0];
	_ =	sdelay $0x2  }
0xb7: {  	s31 =	sshll.u32 s1, $0xD;
	s1 =	sshrl.u32 s1, $0x2  }
0xb8: {  	s3 =	sand.u32 $0x4000, s31;
	s1 =	sadd.s32 s1, s30  }
0xb9: {  	s0 =	sor.u32 s3, s0;
	s1 =	sshll.u32 s1, $0x11  }
0xba: {  	s0 =	sor.u32 s1, s0  }
0xbb: {  	s0 =	sadd.s32 $0x8F2B, s0  }
0xbc: {  	[sflag:s0] =	ssyncadd.remote.s32 $0x1  }
0xbd: {  	_ =	sfence.sel $0xFFFF  }
0xbe: {  	[dreg:$0x0] =	wrdreg $0xFFFFFFFF;
	(pc) =	sbr.abs _section_cstart, $3  }
0xbf: {  	[dreg:$0x1] =	wrdreg $0xFFFFFFFF  }
0xc0: {  	_ =	task.clear_ibuf [dreg:s6], $0x2FFFF;
	_ =	strace $0x9FFFFFFF  }
0xc1: {  	(tm) =	ssettm $0x7FFFFFFF  }
tec
execute0_lowered:
.L_overlay_start_1:
0x0: {  	(tag) =	ssettag $0x1  }
0x1: {  	s0 =	srdreg.scid  }
0x2: {  	s2 =	sand.u32 $0x1, s0  }
0x3: {  	s1 =	sshll.u32 s2, $0x4;
	s2 =	ssub.s32 $0x2, s2  }
0x4: {  	s3 =	rddreg [dreg:$0x0];
	s30 =	sshrl.u32 s2, $0x1  }
0x5: {  	s4 =	simm.s32 $0x0;
	s0 =	stileid.u32;
	s11 =	ssub.s32 s2, s30  }
0x6: {  	p1 =	por $0x0, $0x0;
	s6 =	sor.u32 s0, s1;
	s31 =	smax.u32 s11, $0x1  }
0x7: {  	[smem:$0x7FF] =	sst s4;
	s5 =	smul.u32 $0x1880, s6;
	s24 =	sadd.s32 $0xFFFFFFFF, s31  }
0x8: {  	s12 =	sadd.s32 $0x1B2A0, s3;
	s10 =	smul.u32 $0xC40, s6;
	p2 =	sne.s32 s24, $0x0  }
.Ltmp0:
0x9: {  	s9 =	sadd.s32 $0xC4F80, s3;
	s1 =	rddreg [dreg:$0x1];
	(pc) =	sbr.rel @!p2 .LBB2_1-.Ltmp0, $4  }
0xa: {  	_ =	strace $0x80000053;
	p0 =	seq.s32 s6, $0x1F;
	s7 =	sadd.s32 s5, s3  }
0xb: {  	s6 =	sadd.s32 @p0 $0x17BC0, s12;
	s8 =	sadd.s32 s10, s3;
	s5 =	sadd.s32 $0x95800, s7  }
0xc: {  	s4 =	sadd.s32 $0x95802, s7;
	s2 =	sadd.s32 $0x2C00, s8;
	s8 =	sadd.s32 $0xC4F82, s3  }
0xd: {  	s7 =	sadd.s32 $0x1A7C0, s3;
	s3 =	sadd.s32 @!p0 s10, s12;
	s10 =	simm.s32 @p0 $0x10  }
0xe: {  	s11 =	simm.s32 @p0 $0x20;
	s12 =	simm.s32 @p0 $0x0  }
0xf: {  	[tilespmem:s12], [sflag:$0x1] =	stream.strided.gather @p0 [hbm4b:s9+s10], $0x5700, s11, s10, $0x38;
	[tilespmem:$0xC400] =	vst v63  }
0x10: {  	s13 =	simm.s32 @p0 $0x6200;
	s14 =	simm.s32 @p0 $0x1  }
0x11: {  	[tilespmem:s13], [sflag:$0x2] =	stream.strided.gather @p0 [hbm4b:s8+s10], $0x5700, s11, s10, $0x38;
	[tilespmem:$0xC400] =	vst v63  }
0x12: {  	_ =	swait.ge @p0 [sflag:s14], $0x5700  }
0x13: {  	[sflag:s14] =	ssyncset.done @p0 $0x0  }
0x14: {  	s15 =	simm.s32 @p0 $0x3;
	[sflag:s14] =	ssyncadd.s32 @p0 $0xFFFFA900  }
0x15: {  	[hbm4b:s7+s12] =	stream.linear.scatter @p0 [tilespmem:s12], [sflag:$0x3], $0x5700, $0x38;
	[tilespmem:$0xC400] =	vst v63  }
0x16: {  	_ =	swait.ge @p0 [sflag:s15], $0x5700  }
0x17: {  	[sflag:s15] =	ssyncset.done @p0 $0x0  }
0x18: {  	s16 =	simm.s32 @p0 $0x2;
	[sflag:s15] =	ssyncadd.s32 @p0 $0xFFFFA900  }
0x19: {  	_ =	swait.ge @p0 [sflag:s16], $0x5700  }
0x1a: {  	[sflag:s16] =	ssyncset.done @p0 $0x0  }
0x1b: {  	[sflag:s16] =	ssyncadd.s32 @p0 $0xFFFFA900  }
0x1c: {  	[hbm4b:s6+s12] =	stream.linear.scatter @p0 [tilespmem:s13], [sflag:$0x3], $0x5700, $0x38;
	[tilespmem:$0xC400] =	vst v63  }
0x1d: {  	_ =	swait.ge @p0 [sflag:s15], $0x5700  }
0x1e: {  	s17 =	simm.s32 @!p0 $0x0;
	[sflag:s15] =	ssyncset.done @p0 $0x0  }
0x1f: {  	s18 =	simm.s32 @!p0 $0x10;
	s20 =	simm.s32 @!p0 $0x20;
	[sflag:s15] =	ssyncadd.s32 @p0 $0xFFFFA900  }
0x20: {  	[tilespmem:s17], [sflag:$0x1] =	stream.strided.gather @!p0 [hbm4b:s5+s18], $0x6200, s20, s18, $0x38;
	[tilespmem:$0xC400] =	vst v63  }
0x21: {  	s21 =	simm.s32 @!p0 $0x6200;
	s22 =	simm.s32 @!p0 $0x1  }
0x22: {  	[tilespmem:s21], [sflag:$0x2] =	stream.strided.gather @!p0 [hbm4b:s4+s18], $0x6200, s20, s18, $0x38;
	[tilespmem:$0xC400] =	vst v63  }
0x23: {  	_ =	swait.ge @!p0 [sflag:s22], $0x6200  }
0x24: {  	[sflag:s22] =	ssyncset.done @!p0 $0x0  }
0x25: {  	s19 =	simm.s32 @!p0 $0x3;
	[sflag:s22] =	ssyncadd.s32 @!p0 $0xFFFF9E00  }
0x26: {  	[hbm4b:s2+s17] =	stream.linear.scatter @!p0 [tilespmem:s17], [sflag:$0x3], $0x6200, $0x38;
	[tilespmem:$0xC400] =	vst v63  }
0x27: {  	_ =	swait.ge @!p0 [sflag:s19], $0x6200  }
0x28: {  	[sflag:s19] =	ssyncset.done @!p0 $0x0  }
0x29: {  	s23 =	simm.s32 @!p0 $0x2;
	s24 =	sadd.s32 $0xFFFFFFFF, s24;
	[sflag:s19] =	ssyncadd.s32 @!p0 $0xFFFF9E00  }
0x2a: {  	p2 =	sne.s32 s24, $0x0;
	_ =	swait.ge @!p0 [sflag:s23], $0x6200  }
.Ltmp1:
0x2b: {  	[sflag:s23] =	ssyncset.done @!p0 $0x0;
	(pc) =	sbr.rel @!p2 .LBB2_4-.Ltmp1, $4  }
0x2c: {  	[sflag:s23] =	ssyncadd.s32 @!p0 $0xFFFF9E00  }
0x2d: {  	[hbm4b:s3+s17] =	stream.linear.scatter @!p0 [tilespmem:s21], [sflag:$0x3], $0x6200, $0x38;
	[tilespmem:$0xC400] =	vst v63  }
0x2e: {  	_ =	swait.ge @!p0 [sflag:s19], $0x6200  }
0x2f: {  	p1 =	por $0x1, $0x1;
	[sflag:s19] =	ssyncset.done @!p0 $0x0  }
.LBB2_3:
0x30: {  	[sflag:s19] =	ssyncadd.s32 @!p0 $0xFFFF9E00  }
0x31: {  	[tilespmem:s12], [sflag:$0x1] =	stream.strided.gather @p0 [hbm4b:s9+s10], $0x5700, s11, s10, $0x38;
	[tilespmem:$0xC400] =	vst v63  }
0x32: {  	s25 =	simm.s32 @p0 $0x10  }
0x33: {  	[tilespmem:s13], [sflag:$0x2] =	stream.strided.gather @p0 [hbm4b:s8+s10], $0x5700, s11, s10, $0x38;
	[tilespmem:$0xC400] =	vst v63  }
0x34: {  	s24 =	sadd.s32 $0xFFFFFFFF, s24;
	s10 =	smov.u32 s25;
	_ =	swait.ge @p0 [sflag:s14], $0x5700  }
0x35: {  	p2 =	sne.s32 s24, $0x0;
	[sflag:s14] =	ssyncset.done @p0 $0x0  }
0x36: {  	[sflag:s14] =	ssyncadd.s32 @p0 $0xFFFFA900  }
0x37: {  	[hbm4b:s7+s12] =	stream.linear.scatter @p0 [tilespmem:s12], [sflag:$0x3], $0x5700, $0x38;
	[tilespmem:$0xC400] =	vst v63  }
0x38: {  	_ =	swait.ge @p0 [sflag:s15], $0x5700  }
0x39: {  	[sflag:s15] =	ssyncset.done @p0 $0x0  }
0x3a: {  	[sflag:s15] =	ssyncadd.s32 @p0 $0xFFFFA900  }
0x3b: {  	_ =	swait.ge @p0 [sflag:s16], $0x5700  }
0x3c: {  	[sflag:s16] =	ssyncset.done @p0 $0x0  }
0x3d: {  	[sflag:s16] =	ssyncadd.s32 @p0 $0xFFFFA900  }
0x3e: {  	[hbm4b:s6+s12] =	stream.linear.scatter @p0 [tilespmem:s13], [sflag:$0x3], $0x5700, $0x38;
	[tilespmem:$0xC400] =	vst v63  }
0x3f: {  	_ =	swait.ge @p0 [sflag:s15], $0x5700  }
0x40: {  	[sflag:s15] =	ssyncset.done @p0 $0x0  }
0x41: {  	[sflag:s15] =	ssyncadd.s32 @p0 $0xFFFFA900  }
0x42: {  	[tilespmem:s17], [sflag:$0x1] =	stream.strided.gather @!p0 [hbm4b:s5+s18], $0x6200, s20, s18, $0x38;
	[tilespmem:$0xC400] =	vst v63  }
0x43: {  	_ = 	snop  }
0x44: {  	[tilespmem:s21], [sflag:$0x2] =	stream.strided.gather @!p0 [hbm4b:s4+s18], $0x6200, s20, s18, $0x38;
	[tilespmem:$0xC400] =	vst v63  }
0x45: {  	_ =	swait.ge @!p0 [sflag:s22], $0x6200  }
0x46: {  	[sflag:s22] =	ssyncset.done @!p0 $0x0  }
0x47: {  	[sflag:s22] =	ssyncadd.s32 @!p0 $0xFFFF9E00  }
0x48: {  	[hbm4b:s2+s17] =	stream.linear.scatter @!p0 [tilespmem:s17], [sflag:$0x3], $0x6200, $0x38;
	[tilespmem:$0xC400] =	vst v63  }
0x49: {  	_ =	swait.ge @!p0 [sflag:s19], $0x6200  }
0x4a: {  	[sflag:s19] =	ssyncset.done @!p0 $0x0  }
0x4b: {  	[sflag:s19] =	ssyncadd.s32 @!p0 $0xFFFF9E00  }
0x4c: {  	_ =	swait.ge @!p0 [sflag:s23], $0x6200  }
.Ltmp2:
0x4d: {  	[sflag:s23] =	ssyncset.done @!p0 $0x0;
	(pc) =	sbr.rel @p2 .LBB2_3-.Ltmp2, $4  }
0x4e: {  	[sflag:s23] =	ssyncadd.s32 @!p0 $0xFFFF9E00  }
0x4f: {  	[hbm4b:s3+s17] =	stream.linear.scatter @!p0 [tilespmem:s21], [sflag:$0x3], $0x6200, $0x38;
	[tilespmem:$0xC400] =	vst v63  }
0x50: {  	_ =	swait.ge @!p0 [sflag:s19], $0x6200  }
0x51: {  	[sflag:s19] =	ssyncset.done @!p0 $0x0  }
.LBB2_4:
0x52: {  	p1 =	por p0, !p1  }
0x53: {  	s11 =	simm.s32 @p0 $0x20;
	s12 =	simm.s32 @p0 $0x0;
	[sflag:s19] =	ssyncadd.s32 @!p1 $0xFFFF9E00  }
0x54: {  	[tilespmem:s12], [sflag:$0x1] =	stream.strided.gather @p0 [hbm4b:s9+s10], $0x5700, s11, s10, $0x38;
	[tilespmem:$0xC400] =	vst v63  }
0x55: {  	s13 =	simm.s32 @p0 $0x1;
	s9 =	simm.s32 @p0 $0x6200  }
0x56: {  	[tilespmem:s9], [sflag:$0x2] =	stream.strided.gather @p0 [hbm4b:s8+s10], $0x5700, s11, s10, $0x38;
	[tilespmem:$0xC400] =	vst v63  }
0x57: {  	_ =	swait.ge @p0 [sflag:s13], $0x5700  }
0x58: {  	[sflag:s13] =	ssyncset.done @p0 $0x0  }
0x59: {  	s8 =	simm.s32 @p0 $0x3;
	[sflag:s13] =	ssyncadd.s32 @p0 $0xFFFFA900  }
0x5a: {  	[hbm4b:s7+s12] =	stream.linear.scatter @p0 [tilespmem:s12], [sflag:$0x3], $0x5700, $0x38;
	[tilespmem:$0xC400] =	vst v63  }
0x5b: {  	_ =	swait.ge @p0 [sflag:s8], $0x5700  }
0x5c: {  	[sflag:s8] =	ssyncset.done @p0 $0x0  }
0x5d: {  	s7 =	simm.s32 @p0 $0x2;
	[sflag:s8] =	ssyncadd.s32 @p0 $0xFFFFA900  }
0x5e: {  	_ =	swait.ge @p0 [sflag:s7], $0x5700  }
0x5f: {  	[sflag:s7] =	ssyncset.done @p0 $0x0  }
0x60: {  	[sflag:s7] =	ssyncadd.s32 @p0 $0xFFFFA900  }
0x61: {  	[hbm4b:s6+s12] =	stream.linear.scatter @p0 [tilespmem:s9], [sflag:$0x3], $0x5700, $0x38;
	[tilespmem:$0xC400] =	vst v63  }
0x62: {  	_ =	swait.ge @p0 [sflag:s8], $0x5700  }
0x63: {  	s7 =	simm.s32 @!p0 $0x10;
	[sflag:s8] =	ssyncset.done @p0 $0x0  }
0x64: {  	s6 =	simm.s32 @!p0 $0x0;
	[sflag:s8] =	ssyncadd.s32 @p0 $0xFFFFA900;
	s8 =	simm.s32 @!p0 $0x20  }
0x65: {  	[tilespmem:s6], [sflag:$0x1] =	stream.strided.gather @!p0 [hbm4b:s5+s7], $0x6200, s8, s7, $0x38;
	[tilespmem:$0xC400] =	vst v63  }
0x66: {  	s9 =	simm.s32 @!p0 $0x1;
	s5 =	simm.s32 @!p0 $0x6200  }
0x67: {  	[tilespmem:s5], [sflag:$0x2] =	stream.strided.gather @!p0 [hbm4b:s4+s7], $0x6200, s8, s7, $0x38;
	[tilespmem:$0xC400] =	vst v63  }
0x68: {  	_ =	swait.ge @!p0 [sflag:s9], $0x6200  }
0x69: {  	[sflag:s9] =	ssyncset.done @!p0 $0x0  }
0x6a: {  	s4 =	simm.s32 @!p0 $0x3;
	[sflag:s9] =	ssyncadd.s32 @!p0 $0xFFFF9E00  }
0x6b: {  	[hbm4b:s2+s6] =	stream.linear.scatter @!p0 [tilespmem:s6], [sflag:$0x3], $0x6200, $0x38;
	[tilespmem:$0xC400] =	vst v63  }
0x6c: {  	_ =	swait.ge @!p0 [sflag:s4], $0x6200  }
0x6d: {  	[sflag:s4] =	ssyncset.done @!p0 $0x0  }
0x6e: {  	s2 =	simm.s32 @!p0 $0x2;
	[sflag:s4] =	ssyncadd.s32 @!p0 $0xFFFF9E00  }
0x6f: {  	_ =	swait.ge @!p0 [sflag:s2], $0x6200  }
0x70: {  	[sflag:s2] =	ssyncset.done @!p0 $0x0  }
0x71: {  	[sflag:s2] =	ssyncadd.s32 @!p0 $0xFFFF9E00  }
0x72: {  	[hbm4b:s3+s6] =	stream.linear.scatter @!p0 [tilespmem:s5], [sflag:$0x3], $0x6200, $0x38;
	[tilespmem:$0xC400] =	vst v63  }
0x73: {  	_ =	swait.ge @!p0 [sflag:s4], $0x6200  }
0x74: {  	[sflag:s4] =	ssyncset.done @!p0 $0x0  }
0x75: {  	[sflag:s4] =	ssyncadd.s32 @!p0 $0xFFFF9E00  }
0x76: {  	_ =	sfence.sel $0x180000  }
0x77: {  	[bflag:$0x0] =	sbarrier.arrive $0xFFFF  }
0x78: {  	p0 =	sne.s32 s0, $0x0;
	_ =	strace $0x90000053  }
0x79: {  	s0 =	sadd.s32 @!p0 $0x100000, s1;
	[bflag:$0x2] =	sbarrier.arrive $0xFFFF  }
0x7a: {  	[sflag:s0] =	ssyncadd.tile.s32 @!p0 $0x1;
	_ =	shalt  }
.LBB2_1:
.Ltmp3:
0x7b: {  	(pc) =	sbr.rel .LBB2_4-.Ltmp3, $2  }
0x7c: {  	_ =	sdelay $0x2  }
0x7d: {  	_ = 	snop  }
.Lfunc_end2:
_tile_overlayer_lowered:
.L_overlay_start_2:
0x7e: {  	(tag) =	ssettag $0x2  }
0x7f: {  	s0 =	rddreg [dreg:$0x0];
	s2 =	stileid.u32  }
0x80: {  	s1 =	rddreg [dreg:$0x1];
	p0 =	sne.s32 s2, $0x0  }
0x81: {  	s3 =	rddreg [dreg:$0x2];
	[bflag:$0x3] =	sbarrier.arrive $0xFFFF;
	s2 =	simm.s32 @!p0 $0x1C03  }
0x82: {  	[timem:s3], [sflag:s2] =	dma.local @!p0 [hbm:s0], s1  }
0x83: {  	s0 =	simm.s32 @!p0 $0x3  }
0x84: {  	_ =	swait.ge @!p0 [sflag:s0], s1  }
0x85: {  	s1 =	ssub.s32 @!p0 $0x0, s1;
	[sflag:s0] =	ssyncset.done @!p0 $0x0  }
0x86: {  	[sflag:s0] =	ssyncadd.s32 @!p0 s1  }
0x87: {  	[bflag:$0x3] =	sbarrier.arrive $0xFFFF  }
0x88: {  	_ =	shalt  }

// kernel: kernel.27.cloned.1.call-start
scs
__scs_entry_jumppad:
0x0: {  	(pc) =	sbr.rel $0x88, $3  }
0x1: {  	(tag) =	ssettag $0x0;
	lr =	simm.s32 $0x1  }
0x2: {  	[smem:$0x3F93] =	sst lr;
	_ =	strace $0xD0000000  }
0x3: {  	_ = 	snop  }
0x4: {  	_ = 	snop  }
0x5: {  	_ = 	snop  }
0x6: {  	_ = 	snop  }
0x7: {  	_ = 	snop  }
__scs_overlays_trampoline_lowered:
0x8: {  	[smem:$0x3FA2] =	sst s0  }
0x9: {  	[smem:$0x3FA3] =	sst s1  }
0xa: {  	[smem:$0x3FA4] =	sst s2  }
0xb: {  	[smem:$0x3FA5] =	sst s3  }
0xc: {  	[smem:$0x3FA6] =	sst s4  }
0xd: {  	[smem:$0x3FA7] =	sst s5  }
0xe: {  	[smem:$0x3FA8] =	sst s6  }
0xf: {  	[smem:$0x3FA9] =	sst s7  }
0x10: {  	[smem:$0x3FAA] =	sst s8  }
0x11: {  	[smem:$0x3FAB] =	sst s9;
	s0 =	simm.s32 @!p0 $0x0  }
0x12: {  	s1 =	sld [smem:$0x3F91];
	s0 =	simm.s32 @p0 $0x1  }
0x13: {  	[smem:$0x3FAC] =	sst s0;
	s0 =	simm.s32 @!p1 $0x0  }
0x14: {  	s2 =	sld [smem:$0x3F90];
	s0 =	simm.s32 @p1 $0x1  }
0x15: {  	[smem:$0x3FAD] =	sst s0;
	s0 =	simm.s32 @!p2 $0x0  }
0x16: {  	s3 =	sld [smem:$0x3FDB];
	s0 =	simm.s32 @p2 $0x1  }
0x17: {  	s4 =	simm.s32 $0x1BF5;
	[smem:$0x3FAF] =	sst s0  }
0x18: {  	s0 =	sld [smem:$0x3F92];
	_ =	swait.ge [sflag:s4], $0x0  }
0x19: {  	s7 =	sld [smem:$0x3F93]  }
0x1a: {  	s8 =	sadd.s32 $0xFFFFE003, lr  }
0x1b: {  	s9 =	sadd.s32 $0xFFFFFEF7, lr;
	s5 =	simm.s32 $0xFFFFFFFF;
	p2 =	slt.u32 s8, $0xFFFFF086  }
0x1c: {  	p1 =	slt.u32 s9, $0xF7A;
	s5 =	simm.s32 @!p2 $0x0  }
0x1d: {  	s5 =	simm.s32 @p1 $0x1;
	p0 =	seq.s32 s7, s2  }
0x1e: {  	s7 =	smul.u32 @!p0 $0xF7A, s2;
	p2 =	seq.s32 @!p0 s5, $0x0  }
0x1f: {  	s9 =	smul.u32 $0xF7A, s1;
	s8 =	simm.s32 @!p0 $0x1BF5;
	p2 =	por !p2, p0  }
0x20: {  	[sflag:s8] =	ssyncset.s32 @!p0 $0xFFFFF086;
	s6 =	sadd.s32 @!p0 s3, s7;
	s7 =	simm.s32 @!p0 $0x108  }
0x21: {  	s3 =	sadd.s32 s3, s9;
	s6 =	sadd.s32 @!p0 $0x88, s6;
	s7 =	simm.s32 @p2 $0x1082  }
0x22: {  	[simem:s7], [sflag:s8] =	dma.local @!p0 [hbm:s6], $0xF7A  }
0x23: {  	s9 =	sor.u32 $0xD0000000, s2;
	s6 =	simm.s32 $0x108;
	_ =	swait.ge @!p0 [sflag:s8], $0x0  }
0x24: {  	s3 =	sadd.s32 $0x88, s3;
	s6 =	simm.s32 @!p1 $0x1082;
	[sflag:s4] =	ssyncset.s32 $0xFFFFF086  }
0x25: {  	[simem:s6], [sflag:s4] =	dma.local [hbm:s3], $0xF7A  }
0x26: {  	[smem:$0x3F93] =	sst s1;
	(tag) =	ssettag s2;
	_ =	strace s9  }
0x27: {  	s1 =	sld [smem:$0x3FA3]  }
0x28: {  	s2 =	sld [smem:$0x3FA4]  }
0x29: {  	s4 =	sld [smem:$0x3FA6]  }
0x2a: {  	p0 =	seq.s32 s5, $0x0;
	s5 =	sld [smem:$0x3FA7]  }
0x2b: {  	s6 =	sld [smem:$0x3FA8]  }
0x2c: {  	s7 =	sld [smem:$0x3FA9]  }
0x2d: {  	s3 =	simm.s32 $0x108;
	s8 =	sld [smem:$0x3FAA]  }
0x2e: {  	s3 =	simm.s32 @!p0 $0x1082;
	s9 =	sld [smem:$0x3FAB]  }
0x2f: {  	lr =	sadd.s32 s0, s3;
	s0 =	sld [smem:$0x3FA2]  }
0x30: {  	s3 =	sld [smem:$0x3FA5]  }
0x31: {  	[smem:$0x3FAE] =	sst s10  }
0x32: {  	s10 =	sld [smem:$0x3FAC];
	_ =	sdelay $0x3  }
0x33: {  	p0 =	seq.s32 s10, $0x1;
	s10 =	sld [smem:$0x3FAE];
	_ =	sdelay $0x3  }
0x34: {  	[smem:$0x3FAE] =	sst s10  }
0x35: {  	s10 =	sld [smem:$0x3FAD];
	_ =	sdelay $0x3  }
0x36: {  	p1 =	seq.s32 s10, $0x1;
	s10 =	sld [smem:$0x3FAE];
	_ =	sdelay $0x3  }
0x37: {  	[smem:$0x3FAE] =	sst s10  }
0x38: {  	s10 =	sld [smem:$0x3FAF]  }
0x39: {  	_ = 	snop;
	(pc) =	sbr.ind lr, $3  }
0x3a: {  	_ = 	snop  }
0x3b: {  	_ = 	snop  }
0x3c: {  	p2 =	seq.s32 s10, $0x1;
	s10 =	sld [smem:$0x3FAE]  }
0x3d: {  	_ =	shalt  }
0x3e: {  	_ =	shalt  }
0x3f: {  	_ =	shalt  }
0x40: {  	_ =	shalt  }
0x41: {  	_ =	shalt  }
0x42: {  	_ =	shalt  }
0x43: {  	_ =	shalt  }
0x44: {  	_ =	shalt  }
0x45: {  	_ =	shalt  }
0x46: {  	_ =	shalt  }
0x47: {  	_ =	shalt  }
0x48: {  	_ =	shalt  }
0x49: {  	_ =	shalt  }
0x4a: {  	_ =	shalt  }
0x4b: {  	_ =	shalt  }
0x4c: {  	_ =	shalt  }
0x4d: {  	_ =	shalt  }
0x4e: {  	_ =	shalt  }
0x4f: {  	_ =	shalt  }
0x50: {  	_ =	shalt  }
0x51: {  	_ =	shalt  }
0x52: {  	_ =	shalt  }
0x53: {  	_ =	shalt  }
0x54: {  	_ =	shalt  }
0x55: {  	_ =	shalt  }
0x56: {  	_ =	shalt  }
0x57: {  	_ =	shalt  }
0x58: {  	_ =	shalt  }
0x59: {  	_ =	shalt  }
0x5a: {  	_ =	shalt  }
0x5b: {  	_ =	shalt  }
0x5c: {  	_ =	shalt  }
0x5d: {  	_ =	shalt  }
0x5e: {  	_ =	shalt  }
0x5f: {  	_ =	shalt  }
0x60: {  	_ =	shalt  }
0x61: {  	_ =	shalt  }
0x62: {  	_ =	shalt  }
0x63: {  	_ =	shalt  }
0x64: {  	_ =	shalt  }
0x65: {  	_ =	shalt  }
0x66: {  	_ =	shalt  }
0x67: {  	_ =	shalt  }
0x68: {  	_ =	shalt  }
0x69: {  	_ =	shalt  }
0x6a: {  	_ =	shalt  }
0x6b: {  	_ =	shalt  }
0x6c: {  	_ =	shalt  }
0x6d: {  	_ =	shalt  }
0x6e: {  	_ =	shalt  }
0x6f: {  	_ =	shalt  }
0x70: {  	_ =	shalt  }
0x71: {  	_ =	shalt  }
0x72: {  	_ =	shalt  }
0x73: {  	_ =	shalt  }
0x74: {  	_ =	shalt  }
0x75: {  	_ =	shalt  }
0x76: {  	_ =	shalt  }
0x77: {  	_ =	shalt  }
0x78: {  	_ =	shalt  }
0x79: {  	_ =	shalt  }
0x7a: {  	_ =	shalt  }
0x7b: {  	_ =	shalt  }
0x7c: {  	_ =	shalt  }
0x7d: {  	_ =	shalt  }
0x7e: {  	_ =	shalt  }
0x7f: {  	_ =	shalt  }
0x80: {  	_ =	shalt  }
0x81: {  	_ =	shalt  }
0x82: {  	_ =	shalt  }
0x83: {  	_ =	shalt  }
0x84: {  	_ =	shalt  }
0x85: {  	_ =	shalt  }
0x86: {  	_ =	shalt  }
0x87: {  	_ =	shalt  }
.Lfunc_end0:
.L_simem_size_0:
called_computation.5_lowered:
.L_overlay_start_0:
0x88: {  	s2 =	sld [smem:$0x3FD9]  }
0x89: {  	s3 =	sld [smem:$0x3FFE];
	_ =	sdelay $0x1  }
0x8a: {  	s1 =	srdreg.scid  }
0x8b: {  	s0 =	sand.u32 $0x1, s1  }
0x8c: {  	s16 =	sshll.u32 s0, $0xA;
	s2 =	sadd.s32 s3, s2  }
0x8d: {  	s2 =	sadd.s32 s2, s16  }
0x8e: {  	[smem:$0x3FBA] =	sst s2  }
0x8f: {  	_ = 	snop  }
0x90: {  	(tm) =	ssettm $0x1  }
0x91: {  	s17 =	sld [smem:$0x3FFB];
	_ =	sdelay $0x3  }
0x92: {  	_ =	strace s17  }
0x93: {  	s2 =	sld [smem:$0x3FFC];
	_ =	sdelay $0x3  }
0x94: {  	_ =	strace s2  }
0x95: {  	s2 =	sld [smem:$0x3FFD];
	_ =	sdelay $0x3  }
0x96: {  	_ =	strace s2  }
0x97: {  	_ =	strace $0x8FFFFFFF  }
0x98: {  	s18 =	sld [smem:$0x3FDB];
	_ =	sdelay $0x1  }
0x99: {  	s19 =	simm.s32 $_scs_section_size  }
0x9a: {  	s4 =	simm.s32 $_size__tile_overlayer_lowered;
	s5 =	simm.s32 $_tile_overlayer_lowered  }
0x9b: {  	s22 =	simm.s32 $0x1BFF;
	s21 =	sshll.u32 s5, $0x1;
	s2 =	sadd.s32 s19, s18  }
0x9c: {  	s6 =	simm.s32 $0x0;
	s20 =	sshll.u32 s4, $0x1;
	s4 =	sadd.s32 s21, s2  }
0x9d: {  	[timem:s6], [sflag:s22] =	dma.local [hbm:s4], s20  }
0x9e: {  	_ =	swait.ge [sflag:s22], s20  }
0x9f: {  	s3 =	ssub.s32 $0x0, s20;
	[sflag:s22] =	ssyncset.done $0x0  }
0xa0: {  	[sflag:s22] =	ssyncadd.s32 s3;
	_ =	sdelay $0x1  }
0xa1: {  	s23 =	simm.s32 $0x1B8B  }
0xa2: {  	_ =	swait.ge [sflag:s23], $0x1  }
0xa3: {  	[sflag:s23] =	ssyncset.done $0x0  }
0xa4: {  	s25 =	simm.s32 $0x1B8E;
	s24 =	sld [smem:$0x3FFE];
	[sflag:s23] =	ssyncadd.s32 $0xFFFFFFFF  }
0xa5: {  	s26 =	simm.s32 $execute0_lowered;
	[smem:$0x3FD2] =	sst s25  }
0xa6: {  	s4 =	sshll.u32 s26, $0x1;
	_ =	strace $0x80000055;
	[dreg:$0x1] =	wrdreg $0xFFFFFFFF  }
0xa7: {  	s28 =	simm.s32 $_size_execute0_lowered;
	s2 =	sadd.s32 s2, s4;
	[dreg:$0x0] =	wrdreg $0x0  }
0xa8: {  	s4 =	sshll.u32 s28, $0x1;
	[dreg:$0x2] =	wrdreg s2  }
0xa9: {  	[dreg:$0x3] =	wrdreg s4  }
0xaa: {  	[dreg:$0x4] =	wrdreg $0xC0  }
0xab: {  	_ =	task [dreg:s6], $0x5FFFF  }
0xac: {  	[dreg:$0x1] =	wrdreg $0xFFFFFFFF  }
0xad: {  	[dreg:$0x0] =	wrdreg $0x60  }
0xae: {  	[dreg:$0x2] =	wrdreg s24  }
0xaf: {  	[dreg:$0x3] =	wrdreg $0x128E00  }
0xb0: {  	[dreg:$0x4] =	wrdreg $0x9  }
0xb1: {  	_ =	task.clear_ibuf [dreg:s6], $0x5FFFF;
	_ =	strace $0x90000055  }
0xb2: {  	s29 =	simm.s32 $0x9;
	_ =	strace $0x80000057  }
0xb3: {  	_ =	swait.ge [sflag:s29], $0x1  }
0xb4: {  	[sflag:s29] =	ssyncadd.s32 $0xFFFFFFFF  }
0xb5: {  	_ =	strace $0x90000057  }
0xb6: {  	_ =	sfence  }
0xb7: {  	s30 =	sld [smem:$0x0];
	_ =	sdelay $0x2  }
0xb8: {  	s31 =	sshll.u32 s1, $0xD;
	s1 =	sshrl.u32 s1, $0x2  }
0xb9: {  	s3 =	sand.u32 $0x4000, s31;
	s1 =	sadd.s32 s1, s30  }
0xba: {  	s0 =	sor.u32 s3, s0;
	s1 =	sshll.u32 s1, $0x11  }
0xbb: {  	s0 =	sor.u32 s1, s0  }
0xbc: {  	s0 =	sadd.s32 $0x8F2B, s0  }
0xbd: {  	[sflag:s0] =	ssyncadd.remote.s32 $0x1  }
0xbe: {  	_ =	sfence.sel $0xFFFF  }
0xbf: {  	[dreg:$0x0] =	wrdreg $0xFFFFFFFF;
	(pc) =	sbr.abs _section_cstart, $3  }
0xc0: {  	[dreg:$0x1] =	wrdreg $0xFFFFFFFF  }
0xc1: {  	_ =	task.clear_ibuf [dreg:s6], $0x2FFFF;
	_ =	strace $0x9FFFFFFF  }
0xc2: {  	(tm) =	ssettm $0x7FFFFFFF  }
0xc3: {  	_ =	shalt  }
tec
execute0_lowered:
.L_overlay_start_1:
0x0: {  	(tag) =	ssettag $0x1  }
0x1: {  	s0 =	rddreg [dreg:$0x0];
	s2 =	srdreg.scid  }
0x2: {  	s1 =	rddreg [dreg:$0x1];
	s3 =	simm.s32 $0x0;
	s17 =	stileid.u32  }
0x3: {  	s28 =	simm.s32 $0x2710;
	s29 =	simm.s32 $0x7;
	s30 =	simm.s32 $0x5  }
0x4: {  	s31 =	simm.s32 $0x3;
	s2 =	sand.u32 $0x1, s2;
	s6 =	smul.u32 $0x31000, s17  }
0x5: {  	[smem:$0x7FF] =	sst s3;
	s7 =	sadd.s32 $0x7D000, s0;
	s10 =	smul.u32 $0xC350, s17  }
0x6: {  	s14 =	sadd.s32 $0x64800, s0;
	s20 =	sadd.s32 $0xBF900, s1;
	s24 =	smul.u32 $0x186A, s17  }
0x7: {  	p0 =	seq.s32 s17, $0xF;
	s17 =	simm.s32 $0x2EE0;
	s4 =	smul.u32 $0x186A0, s2  }
0x8: {  	_ =	strace $0x80000056;
	s16 =	ssub.s32 $0x2, s2;
	s11 =	sshll.u32 s2, $0x5  }
0x9: {  	[dreg:$0x4] =	wrdreg s20;
	s2 =	sshll.u32 s2, $0x1;
	s20 =	simm.s32 $0x1  }
0xa: {  	s8 =	sshrl.u32 s16, $0x1;
	s9 =	sshrl.u32 s6, $0x2;
	s19 =	sshrl.u32 s10, $0x3  }
0xb: {  	s23 =	sor.u32 s11, s6;
	s25 =	sadd.s32 s24, s14;
	s26 =	sadd.s32 s24, s7  }
0xc: {  	s24 =	simm.s32 $0x2;
	s5 =	sadd.s32 s4, s0;
	s0 =	sadd.s32 $0x33A00, s0  }
0xd: {  	s15 =	ssub.s32 s16, s8;
	s4 =	sadd.s32 s9, s1;
	s21 =	sadd.s32 s7, s19  }
0xe: {  	s12 =	sadd.s32 $0xFA, s19;
	s8 =	sadd.s32 s14, s19;
	s16 =	sadd.s32 $0x1F4, s26  }
0xf: {  	s19 =	simm.s32 $0x1770;
	s26 =	simm.s32 $0xFA0;
	[dreg:$0x5] =	wrdreg s21  }
0x10: {  	s18 =	sadd.s32 $0x7D00, s4;
	[dreg:$0x6] =	wrdreg s8;
	s9 =	sadd.s32 $0x2C00, s5  }
0x11: {  	s22 =	sadd.s32 s7, s12;
	s11 =	sadd.s32 s14, s12;
	s5 =	sshrl.u32 s23, $0x4  }
.Ltmp0:
0x12: {  	s2 =	sadd.s32 s2, s0;
	s14 =	smax.u32 s15, $0x1;
	(pc) =	sbr.rel .LBB2_1-.Ltmp0, $4  }
0x13: {  	s15 =	sadd.s32 $0x1F4, s25;
	s21 =	simm.s32 $0x7D0;
	[dreg:$0x3] =	wrdreg s18  }
0x14: {  	s23 =	simm.s32 $0x4;
	s25 =	simm.s32 $0xABE0;
	[dreg:$0x7] =	wrdreg s22  }
0x15: {  	s12 =	sadd.s32 s0, s5;
	s13 =	sadd.s32 $0x2DF00, s2;
	s18 =	simm.s32 $0x8  }
0x16: {  	v0 =	vimm.bf16 $0.0e+00;
	s22 =	simm.s32 $0x1F40;
	s0 =	simm.s32 $0x6;
	s2 =	simm.s32 $0x0  }
.LBB2_25:
0x17: {  	_ =	swait.ge [sflag:s29], $0x7D00  }
0x18: {  	[sflag:s29] =	ssyncset.done $0x0  }
0x19: {  	[sflag:s29] =	ssyncadd.s32 $0xFFFF8300  }
0x1a: {  	_ =	swait.ge [sflag:s0], $0x7D00  }
0x1b: {  	s5 =	sshrl.u32 @p0 s4, $0x3;
	s6 =	simm.s32 @p0 $0x1;
	[sflag:s0] =	ssyncset.done $0x0  }
0x1c: {  	s7 =	simm.s32 @p0 $0x4;
	s8 =	simm.s32 @p0 $0x2;
	[sflag:s0] =	ssyncadd.s32 $0xFFFF8300  }
0x1d: {  	s10 =	simm.s32 @p0 $0x1FC8;
	s2 =	sadd.s32 $0x1, s2;
	[bflag:$0x0] =	sbarrier.arrive $0xFFFF  }
0x1e: {  	[hbm:s13@s7], [sflag:s10] =	dma.strided @p0 [spmem:s5@s8], $0x1720, s6, $0x2   }
0x1f: {  	p1 =	sne.s32 s2, s14;
	s5 =	simm.s32 @p0 $0x8;
	s6 =	stileid.u32  }
0x20: {  	s7 =	simm.s32 @!p0 $0x1;
	s8 =	simm.s32 @!p0 $0x4;
	_ =	swait.ge @p0 [sflag:s5], $0x1720  }
0x21: {  	s10 =	simm.s32 @!p0 $0x2;
	s6 =	sshll.u32 @!p0 s6, $0x6;
	[sflag:s5] =	ssyncset.done @p0 $0x0  }
0x22: {  	[sflag:s5] =	ssyncadd.s32 @p0 $0xFFFFE8E0;
	s5 =	sor.u32 @!p0 $0x1C08, s6;
	s6 =	sshrl.u32 @!p0 s4, $0x3  }
0x23: {  	[hbm:s12@s8], [sflag:s5] =	dma.strided @!p0 [spmem:s6@s10], $0x1880, s7, $0x2   }
.Ltmp1:
0x24: {  	_ = 	snop;
	(pc) =	sbr.rel @!p1 .LBB2_26-.Ltmp1, $4  }
0x25: {  	s5 =	simm.s32 @!p0 $0x8  }
0x26: {  	_ =	swait.ge @!p0 [sflag:s5], $0x1880  }
0x27: {  	[sflag:s5] =	ssyncset.done @!p0 $0x0  }
0x28: {  	[sflag:s5] =	ssyncadd.s32 @!p0 $0xFFFFE780  }
.LBB2_1:
0x29: {  	s5 =	simm.s32 $0x40;
	s6 =	simm.s32 $0x0  }
.LBB2_2:
0x2a: {  	p1 =	sne.s32 s5, $0x1F3C0;
	[tilespmem:s6+$0x2EE0] =	vst v0;
	s6 =	smov.u32 s5;
	s5 =	sadd.s32 $0x40, s5  }
.Ltmp2:
0x2b: {  	(pc) =	sbr.rel @p1 .LBB2_2-.Ltmp2, $2  }
0x2c: {  	_ =	sdelay $0x2  }
0x2d: {  	s6 =	sshra.s32 s6, $0x2  }
0x2e: {  	[tilespmem:s6+$0x2EE0] =	vst v0  }
0x2f: {  	[spmem:s4] =	stream.linear.scatter [tilespmem:s17], [sflag:$0x8], $0x7D00, $0x38;
	[tilespmem:$0x1EC30] =	vst v63  }
0x30: {  	_ =	swait.ge [sflag:s18], $0x7D00  }
0x31: {  	[sflag:s18] =	ssyncset.done $0x0  }
0x32: {  	s5 =	simm.s32 @p0 $0x2EE0;
	s6 =	rddreg [dreg:$0x4];
	[sflag:s18] =	ssyncadd.s32 $0xFFFF8300  }
0x33: {  	[spmem:s6] =	stream.linear.scatter @p0 [tilespmem:s5], [sflag:$0x8], $0x3C00, $0x38;
	[tilespmem:$0x1EC30] =	vst v63  }
0x34: {  	s5 =	simm.s32 @p0 $0x8  }
0x35: {  	_ =	swait.ge @p0 [sflag:s5], $0x3C00  }
0x36: {  	[sflag:s5] =	ssyncset.done @p0 $0x0  }
0x37: {  	s6 =	rddreg [dreg:$0x3];
	[sflag:s5] =	ssyncadd.s32 @p0 $0xFFFFC400;
	s5 =	simm.s32 @!p0 $0x2EE0  }
0x38: {  	[spmem:s6] =	stream.linear.scatter @!p0 [tilespmem:s5], [sflag:$0x8], $0x4700, $0x38;
	[tilespmem:$0x1EC30] =	vst v63  }
0x39: {  	s5 =	simm.s32 @!p0 $0x8  }
0x3a: {  	_ =	swait.ge @!p0 [sflag:s5], $0x4700  }
0x3b: {  	[sflag:s5] =	ssyncset.done @!p0 $0x0  }
0x3c: {  	[sflag:s5] =	ssyncadd.s32 @!p0 $0xFFFFB900  }
0x3d: {  	[bflag:$0x0] =	sbarrier.arrive $0xFFFF  }
0x3e: {  	s5 =	simm.s32 $0x0;
	s7 =	rddreg [dreg:$0x5]  }
0x3f: {  	[tilespmem:s5], [sflag:$0x1] =	stream.linear.gather [hbm4b:s7+s5], $0x7D0, $0x38;
	[tilespmem:$0x1EC30] =	vst v63  }
0x40: {  	s8 =	rddreg [dreg:$0x6]  }
0x41: {  	[tilespmem:s19], [sflag:$0x1] =	stream.linear.gather [hbm4b:s8+s5], $0x7D0, $0x38;
	[tilespmem:$0x1EC30] =	vst v63  }
0x42: {  	_ =	swait.ge [sflag:s20], $0x7D0  }
0x43: {  	[sflag:s20] =	ssyncset.done $0x0  }
0x44: {  	[sflag:s20] =	ssyncadd.s32 $0xFFFFF830  }
0x45: {  	_ =	swait.ge [sflag:s20], $0x7D0  }
0x46: {  	[sflag:s20] =	ssyncset.done $0x0  }
0x47: {  	[sflag:s20] =	ssyncadd.s32 $0xFFFFF830  }
0x48: {  	[tilespmem:s17], [sflag:$0x4] =	stream.indirect.gather [hbm4b:s9+s21], $0x10, s5, s21, $0xb8;
	[tilespmem:$0x1EC30] =	vst v63  }
.Ltmp3:
0x49: {  	_ = 	snop;
	(pc) =	sbr.rel .LBB2_4-.Ltmp3, $4  }
0x4a: {  	s10 =	rddreg [dreg:$0x7]  }
0x4b: {  	[tilespmem:s21], [sflag:$0x2] =	stream.linear.gather [hbm4b:s10+s5], $0x7D0, $0x38;
	[tilespmem:$0x1EC30] =	vst v63  }
0x4c: {  	s6 =	simm.s32 $0x0  }
0x4d: {  	[tilespmem:s22], [sflag:$0x2] =	stream.linear.gather [hbm4b:s11+s5], $0x7D0, $0x38;
	[tilespmem:$0x1EC30] =	vst v63  }
.LBB2_15:
0x4e: {  	[tilespmem:s25], [sflag:$0x5] =	stream.indirect.gather [hbm4b:s9+s21], $0x10, s21, s21, $0xb8;
	[tilespmem:$0x1EC30] =	vst v63  }
.LBB2_17:
0x4f: {  	s7 =	sadd.s32 s5, s16  }
0x50: {  	[tilespmem:s26], [sflag:$0x3] =	stream.linear.gather [hbm4b:s7+s3], $0x7D0, $0x38;
	[tilespmem:$0x1EC30] =	vst v63  }
0x51: {  	s10 =	sadd.s32 s5, s15  }
0x52: {  	[tilespmem:s28], [sflag:$0x3] =	stream.linear.gather [hbm4b:s10+s3], $0x7D0, $0x38;
	[tilespmem:$0x1EC30] =	vst v63  }
.LBB2_24:
0x53: {  	s5 =	sadd.s32 $0xFA, s5  }
0x54: {  	p1 =	sne.s32 s5, $0x186A  }
.Ltmp4:
0x55: {  	_ = 	snop;
	(pc) =	sbr.rel @!p1 .LBB2_25-.Ltmp4, $2  }
0x56: {  	_ =	sdelay $0x2  }
0x57: {  	s6 =	sadd.s32 $0x1, s6  }
.LBB2_4:
0x58: {  	s7 =	smul.u32 $0xAB, s6;
	_ =	sdelay $0x1  }
0x59: {  	s7 =	sshrl.u32 s7, $0xA  }
0x5a: {  	s7 =	sand.u32 $0x3F, s7  }
0x5b: {  	s7 =	smul.u32 $0x6, s7;
	_ =	sdelay $0x1  }
0x5c: {  	s7 =	ssub.s32 s6, s7  }
0x5d: {  	s7 =	sand.u32 $0xFF, s7  }
0x5e: {  	p1 =	sgt.s32 s7, $0x2  }
.Ltmp5:
0x5f: {  	_ = 	snop;
	(pc) =	sbr.rel @p1 .LBB2_9-.Ltmp5, $1  }
0x60: {  	_ =	sdelay $0x3  }
0x61: {  	p1 =	seq.s32 s7, $0x0  }
.Ltmp6:
0x62: {  	_ = 	snop;
	(pc) =	sbr.rel @p1 .LBB2_13-.Ltmp6, $1  }
0x63: {  	_ =	sdelay $0x3  }
0x64: {  	p1 =	seq.s32 s7, $0x1  }
.Ltmp7:
0x65: {  	_ = 	snop;
	(pc) =	sbr.rel @!p1 .LBB2_18-.Ltmp7, $1  }
0x66: {  	_ =	sdelay $0x3  }
0x67: {  	p1 =	seq.s32 s5, $0x1770  }
.Ltmp8:
0x68: {  	_ = 	snop;
	(pc) =	sbr.rel @p1 .LBB2_25-.Ltmp8, $4  }
0x69: {  	_ =	swait.ge [sflag:s30], $0x7D00  }
0x6a: {  	[sflag:s30] =	ssyncset.done $0x0  }
0x6b: {  	[sflag:s30] =	ssyncadd.s32 $0xFFFF8300  }
0x6c: {  	[spmem:s1] =	stream.indirect.scatter.add.bf16 [tilespmem:s25], [sflag:$0x7], $0x10, s22, s21, $0xb8;
	[tilespmem:$0x1EC30] =	vst v63  }
0x6d: {  	_ =	swait.ge [sflag:s31], $0x7D0  }
0x6e: {  	[sflag:s31] =	ssyncset.done $0x0  }
0x6f: {  	[sflag:s31] =	ssyncadd.s32 $0xFFFFF830  }
0x70: {  	_ =	swait.ge [sflag:s31], $0x7D0  }
0x71: {  	[sflag:s31] =	ssyncset.done $0x0  }
0x72: {  	[sflag:s31] =	ssyncadd.s32 $0xFFFFF830  }
0x73: {  	_ =	swait.ge [sflag:s0], $0x7D00  }
0x74: {  	[sflag:s0] =	ssyncset.done $0x0  }
0x75: {  	[sflag:s0] =	ssyncadd.s32 $0xFFFF8300  }
0x76: {  	[tilespmem:s17], [sflag:$0x4] =	stream.indirect.gather [hbm4b:s9+s21], $0x10, s26, s21, $0xb8;
	[tilespmem:$0x1EC30] =	vst v63  }
.Ltmp9:
0x77: {  	p1 =	sgt.u32 s6, $0x16;
	(pc) =	sbr.rel .LBB2_24-.Ltmp9, $4  }
0x78: {  	s7 =	sadd.s32 @!p1 s5, s16;
	s8 =	simm.s32 @!p1 $0x0  }
0x79: {  	[tilespmem:s8], [sflag:$0x1] =	stream.linear.gather @!p1 [hbm4b:s7+s8], $0x7D0, $0x38;
	[tilespmem:$0x1EC30] =	vst v63  }
0x7a: {  	s10 =	simm.s32 @!p1 $0x1770;
	s7 =	sadd.s32 @!p1 s5, s15  }
0x7b: {  	[tilespmem:s10], [sflag:$0x1] =	stream.linear.gather @!p1 [hbm4b:s7+s8], $0x7D0, $0x38;
	[tilespmem:$0x1EC30] =	vst v63  }
.LBB2_9:
0x7c: {  	p2 =	seq.s32 s7, $0x3  }
.Ltmp10:
0x7d: {  	_ = 	snop;
	(pc) =	sbr.rel @p2 .LBB2_20-.Ltmp10, $2  }
0x7e: {  	_ =	sdelay $0x2  }
0x7f: {  	p1 =	seq.s32 s5, $0x1770  }
0x80: {  	p2 =	seq.s32 s7, $0x4  }
.Ltmp11:
0x81: {  	_ = 	snop;
	(pc) =	sbr.rel @!p2 .LBB2_22-.Ltmp11, $1  }
0x82: {  	_ =	sdelay $0x3  }
.Ltmp12:
0x83: {  	(pc) =	sbr.rel @p1 .LBB2_25-.Ltmp12, $4  }
0x84: {  	_ =	swait.ge [sflag:s23], $0x7D00  }
0x85: {  	[sflag:s23] =	ssyncset.done $0x0  }
0x86: {  	[sflag:s23] =	ssyncadd.s32 $0xFFFF8300  }
0x87: {  	[spmem:s1] =	stream.indirect.scatter.add.bf16 [tilespmem:s17], [sflag:$0x6], $0x10, s22, s21, $0xb8;
	[tilespmem:$0x1EC30] =	vst v63  }
0x88: {  	_ =	swait.ge [sflag:s31], $0x7D0  }
0x89: {  	[sflag:s31] =	ssyncset.done $0x0  }
0x8a: {  	[sflag:s31] =	ssyncadd.s32 $0xFFFFF830  }
0x8b: {  	_ =	swait.ge [sflag:s31], $0x7D0  }
0x8c: {  	[sflag:s31] =	ssyncset.done $0x0  }
0x8d: {  	[sflag:s31] =	ssyncadd.s32 $0xFFFFF830  }
0x8e: {  	_ =	swait.ge [sflag:s29], $0x7D00  }
0x8f: {  	[sflag:s29] =	ssyncset.done $0x0  }
0x90: {  	[sflag:s29] =	ssyncadd.s32 $0xFFFF8300  }
0x91: {  	[tilespmem:s25], [sflag:$0x5] =	stream.indirect.gather [hbm4b:s9+s21], $0x10, s26, s21, $0xb8;
	[tilespmem:$0x1EC30] =	vst v63  }
.Ltmp13:
0x92: {  	p1 =	sgt.u32 s6, $0x16;
	(pc) =	sbr.rel .LBB2_24-.Ltmp13, $4  }
0x93: {  	s7 =	sadd.s32 @!p1 s5, s16;
	s8 =	simm.s32 @!p1 $0x0  }
0x94: {  	[tilespmem:s8], [sflag:$0x1] =	stream.linear.gather @!p1 [hbm4b:s7+s8], $0x7D0, $0x38;
	[tilespmem:$0x1EC30] =	vst v63  }
0x95: {  	s10 =	simm.s32 @!p1 $0x1770;
	s7 =	sadd.s32 @!p1 s5, s15  }
0x96: {  	[tilespmem:s10], [sflag:$0x1] =	stream.linear.gather @!p1 [hbm4b:s7+s8], $0x7D0, $0x38;
	[tilespmem:$0x1EC30] =	vst v63  }
.LBB2_13:
0x97: {  	p1 =	seq.s32 s5, $0x1770  }
.Ltmp14:
0x98: {  	_ = 	snop;
	(pc) =	sbr.rel @p1 .LBB2_25-.Ltmp14, $4  }
0x99: {  	_ =	swait.ge [sflag:s23], $0x7D00  }
0x9a: {  	[sflag:s23] =	ssyncset.done $0x0  }
0x9b: {  	[sflag:s23] =	ssyncadd.s32 $0xFFFF8300  }
0x9c: {  	[spmem:s1] =	stream.indirect.scatter.add.bf16 [tilespmem:s17], [sflag:$0x6], $0x10, s19, s21, $0xb8;
	[tilespmem:$0x1EC30] =	vst v63  }
0x9d: {  	_ =	swait.ge [sflag:s24], $0x7D0;
	p1 =	sne.s32 s5, $0x0  }
.Ltmp15:
0x9e: {  	[sflag:s24] =	ssyncset.done $0x0;
	(pc) =	sbr.rel @!p1 .LBB2_15-.Ltmp15, $4  }
0x9f: {  	[sflag:s24] =	ssyncadd.s32 $0xFFFFF830  }
0xa0: {  	_ =	swait.ge [sflag:s24], $0x7D0  }
0xa1: {  	[sflag:s24] =	ssyncset.done $0x0  }
0xa2: {  	[sflag:s24] =	ssyncadd.s32 $0xFFFFF830  }
0xa3: {  	p1 =	sgt.u32 s6, $0x16  }
.Ltmp16:
0xa4: {  	_ = 	snop;
	(pc) =	sbr.rel @p1 .LBB2_24-.Ltmp16, $4  }
.Ltmp17:
0xa5: {  	_ =	swait.ge [sflag:s29], $0x7D00;
	(pc) =	sbr.rel @!p1 .LBB2_17-.Ltmp17, $4  }
0xa6: {  	[sflag:s29] =	ssyncset.done $0x0  }
0xa7: {  	[sflag:s29] =	ssyncadd.s32 $0xFFFF8300  }
0xa8: {  	[tilespmem:s25], [sflag:$0x5] =	stream.indirect.gather [hbm4b:s9+s21], $0x10, s21, s21, $0xb8;
	[tilespmem:$0x1EC30] =	vst v63  }
0xa9: {  	_ = 	snop  }
.LBB2_20:
.Ltmp18:
0xaa: {  	(pc) =	sbr.rel @p1 .LBB2_25-.Ltmp18, $4  }
0xab: {  	_ =	swait.ge [sflag:s30], $0x7D00  }
0xac: {  	[sflag:s30] =	ssyncset.done $0x0  }
0xad: {  	[sflag:s30] =	ssyncadd.s32 $0xFFFF8300  }
0xae: {  	[spmem:s1] =	stream.indirect.scatter.add.bf16 [tilespmem:s25], [sflag:$0x7], $0x10, s19, s21, $0xb8;
	[tilespmem:$0x1EC30] =	vst v63  }
0xaf: {  	_ =	swait.ge [sflag:s24], $0x7D0  }
0xb0: {  	[sflag:s24] =	ssyncset.done $0x0  }
0xb1: {  	[sflag:s24] =	ssyncadd.s32 $0xFFFFF830  }
0xb2: {  	_ =	swait.ge [sflag:s24], $0x7D0  }
0xb3: {  	[sflag:s24] =	ssyncset.done $0x0  }
0xb4: {  	[sflag:s24] =	ssyncadd.s32 $0xFFFFF830  }
0xb5: {  	_ =	swait.ge [sflag:s0], $0x7D00  }
0xb6: {  	[sflag:s0] =	ssyncset.done $0x0  }
0xb7: {  	[sflag:s0] =	ssyncadd.s32 $0xFFFF8300  }
0xb8: {  	[tilespmem:s17], [sflag:$0x4] =	stream.indirect.gather [hbm4b:s9+s21], $0x10, s21, s21, $0xb8;
	[tilespmem:$0x1EC30] =	vst v63  }
.Ltmp19:
0xb9: {  	p1 =	sgt.u32 s6, $0x16;
	(pc) =	sbr.rel .LBB2_24-.Ltmp19, $4  }
0xba: {  	s7 =	sadd.s32 @!p1 s5, s16;
	s8 =	simm.s32 @!p1 $0x0;
	s10 =	simm.s32 @!p1 $0xFA0  }
0xbb: {  	[tilespmem:s10], [sflag:$0x3] =	stream.linear.gather @!p1 [hbm4b:s7+s8], $0x7D0, $0x38;
	[tilespmem:$0x1EC30] =	vst v63  }
0xbc: {  	s7 =	sadd.s32 @!p1 s5, s15;
	s10 =	simm.s32 @!p1 $0x2710  }
0xbd: {  	[tilespmem:s10], [sflag:$0x3] =	stream.linear.gather @!p1 [hbm4b:s7+s8], $0x7D0, $0x38;
	[tilespmem:$0x1EC30] =	vst v63  }
.LBB2_18:
0xbe: {  	p1 =	seq.s32 s5, $0x1770  }
.Ltmp20:
0xbf: {  	_ = 	snop;
	(pc) =	sbr.rel @p1 .LBB2_25-.Ltmp20, $4  }
0xc0: {  	_ =	swait.ge [sflag:s23], $0x7D00  }
0xc1: {  	[sflag:s23] =	ssyncset.done $0x0  }
0xc2: {  	[sflag:s23] =	ssyncadd.s32 $0xFFFF8300  }
0xc3: {  	[spmem:s1] =	stream.indirect.scatter.add.bf16 [tilespmem:s17], [sflag:$0x6], $0x10, s28, s21, $0xb8;
	[tilespmem:$0x1EC30] =	vst v63  }
0xc4: {  	_ =	swait.ge [sflag:s20], $0x7D0  }
0xc5: {  	[sflag:s20] =	ssyncset.done $0x0  }
0xc6: {  	[sflag:s20] =	ssyncadd.s32 $0xFFFFF830  }
0xc7: {  	_ =	swait.ge [sflag:s20], $0x7D0  }
0xc8: {  	[sflag:s20] =	ssyncset.done $0x0  }
0xc9: {  	[sflag:s20] =	ssyncadd.s32 $0xFFFFF830  }
0xca: {  	_ =	swait.ge [sflag:s29], $0x7D00  }
0xcb: {  	[sflag:s29] =	ssyncset.done $0x0  }
0xcc: {  	[sflag:s29] =	ssyncadd.s32 $0xFFFF8300  }
0xcd: {  	[tilespmem:s25], [sflag:$0x5] =	stream.indirect.gather [hbm4b:s9+s21], $0x10, s3, s21, $0xb8;
	[tilespmem:$0x1EC30] =	vst v63  }
.Ltmp21:
0xce: {  	p1 =	sgt.u32 s6, $0x16;
	(pc) =	sbr.rel .LBB2_24-.Ltmp21, $4  }
0xcf: {  	s7 =	sadd.s32 @!p1 s5, s16;
	s8 =	simm.s32 @!p1 $0x0;
	s10 =	simm.s32 @!p1 $0x7D0  }
0xd0: {  	[tilespmem:s10], [sflag:$0x2] =	stream.linear.gather @!p1 [hbm4b:s7+s8], $0x7D0, $0x38;
	[tilespmem:$0x1EC30] =	vst v63  }
0xd1: {  	s7 =	sadd.s32 @!p1 s5, s15;
	s10 =	simm.s32 @!p1 $0x1F40  }
0xd2: {  	[tilespmem:s10], [sflag:$0x2] =	stream.linear.gather @!p1 [hbm4b:s7+s8], $0x7D0, $0x38;
	[tilespmem:$0x1EC30] =	vst v63  }
.LBB2_22:
.Ltmp22:
0xd3: {  	(pc) =	sbr.rel @p1 .LBB2_25-.Ltmp22, $4  }
0xd4: {  	_ =	swait.ge [sflag:s30], $0x7D00  }
0xd5: {  	[sflag:s30] =	ssyncset.done $0x0  }
0xd6: {  	[sflag:s30] =	ssyncadd.s32 $0xFFFF8300  }
0xd7: {  	[spmem:s1] =	stream.indirect.scatter.add.bf16 [tilespmem:s25], [sflag:$0x7], $0x10, s28, s21, $0xb8;
	[tilespmem:$0x1EC30] =	vst v63  }
0xd8: {  	_ =	swait.ge [sflag:s20], $0x7D0  }
0xd9: {  	[sflag:s20] =	ssyncset.done $0x0  }
0xda: {  	[sflag:s20] =	ssyncadd.s32 $0xFFFFF830  }
0xdb: {  	_ =	swait.ge [sflag:s20], $0x7D0  }
0xdc: {  	[sflag:s20] =	ssyncset.done $0x0  }
0xdd: {  	[sflag:s20] =	ssyncadd.s32 $0xFFFFF830  }
0xde: {  	_ =	swait.ge [sflag:s0], $0x7D00  }
0xdf: {  	[sflag:s0] =	ssyncset.done $0x0  }
0xe0: {  	[sflag:s0] =	ssyncadd.s32 $0xFFFF8300  }
0xe1: {  	[tilespmem:s17], [sflag:$0x4] =	stream.indirect.gather [hbm4b:s9+s21], $0x10, s3, s21, $0xb8;
	[tilespmem:$0x1EC30] =	vst v63  }
.Ltmp23:
0xe2: {  	p1 =	sgt.u32 s6, $0x16;
	(pc) =	sbr.rel .LBB2_24-.Ltmp23, $4  }
0xe3: {  	s7 =	sadd.s32 @!p1 s5, s16;
	s8 =	simm.s32 @!p1 $0x0;
	s10 =	simm.s32 @!p1 $0x7D0  }
0xe4: {  	[tilespmem:s10], [sflag:$0x2] =	stream.linear.gather @!p1 [hbm4b:s7+s8], $0x7D0, $0x38;
	[tilespmem:$0x1EC30] =	vst v63  }
0xe5: {  	s7 =	sadd.s32 @!p1 s5, s15;
	s10 =	simm.s32 @!p1 $0x1F40  }
0xe6: {  	[tilespmem:s10], [sflag:$0x2] =	stream.linear.gather @!p1 [hbm4b:s7+s8], $0x7D0, $0x38;
	[tilespmem:$0x1EC30] =	vst v63  }
.LBB2_26:
0xe7: {  	_ =	sfence.sel $0x180000  }
0xe8: {  	[bflag:$0x0] =	sbarrier.arrive $0xFFFF  }
0xe9: {  	_ =	strace $0x90000056  }
0xea: {  	s0 =	stileid.u32;
	[bflag:$0x2] =	sbarrier.arrive $0xFFFF  }
0xeb: {  	p0 =	sne.s32 s0, $0x0;
	s0 =	rddreg [dreg:$0x2]  }
0xec: {  	s0 =	sadd.s32 @!p0 $0x100000, s0  }
0xed: {  	[sflag:s0] =	ssyncadd.tile.s32 @!p0 $0x1;
	_ =	shalt  }
.Lfunc_end2:
_tile_overlayer_lowered:
.L_overlay_start_2:
0xee: {  	(tag) =	ssettag $0x2  }
0xef: {  	s0 =	rddreg [dreg:$0x0];
	s2 =	stileid.u32  }
0xf0: {  	s1 =	rddreg [dreg:$0x1];
	p0 =	sne.s32 s2, $0x0  }
0xf1: {  	s3 =	rddreg [dreg:$0x2];
	[bflag:$0x3] =	sbarrier.arrive $0xFFFF;
	s2 =	simm.s32 @!p0 $0x1C08  }
0xf2: {  	[timem:s3], [sflag:s2] =	dma.local @!p0 [hbm:s0], s1  }
0xf3: {  	s0 =	simm.s32 @!p0 $0x8  }
0xf4: {  	_ =	swait.ge @!p0 [sflag:s0], s1  }
0xf5: {  	s1 =	ssub.s32 @!p0 $0x0, s1;
	[sflag:s0] =	ssyncset.done @!p0 $0x0  }
0xf6: {  	[sflag:s0] =	ssyncadd.s32 @!p0 s1  }
0xf7: {  	[bflag:$0x3] =	sbarrier.arrive $0xFFFF  }
0xf8: {  	_ =	shalt  }

</sc_bundles>
